<compile_context>
chip_gen: v7x
topology: tpu7x:2x2x1
jax: 0.10.2.dev20260603
libtpu: 0.0.44.dev20260713+nightly
codegen_flags: <defaults>
</compile_context>

<pallas_src>
import functools

import jax
import jax.numpy as jnp
from jax import lax
from jax.experimental import pallas as pl
from jax.experimental.pallas import tpu as pltpu
from jax.experimental.pallas import tpu_sc as plsc

L, B, V, E, T = 200, 4096, 1000000, 32, 16
N = L * B
NW = 32
ROWS_PER_W = N // NW
CHUNK = 512
G = 128
NGATHER = CHUNK // G
NCHUNK = ROWS_PER_W // CHUNK
GROUPS = CHUNK // 16
C48 = T + E
CHI = C48 // 8
BT = B // 128


def _body(t_hbm, m_hbm, len_hbm, table_hbm, w_hbm, b_hbm, out_hbm,
          idx_v, t_v, m_buf, out48, w_v, b_v, len_v,
          isem, gsem, tsem, osem):
    wid = lax.axis_index("s") * 2 + lax.axis_index("c")
    wbase = wid * ROWS_PER_W

    pltpu.sync_copy(w_hbm, w_v)
    pltpu.sync_copy(b_hbm, b_v)
    pltpu.sync_copy(len_hbm, len_v)
    wy = w_v[pl.ds(0, 16)]
    wm = w_v[pl.ds(16, 16)]
    wd = w_v[pl.ds(32, 16)]
    bv = b_v[...]

    def fire_in(c, b):
        base = wbase + c * CHUNK
        for j in range(NGATHER):
            pltpu.async_copy(
                table_hbm.at[idx_v[b].at[pl.ds(j * G, G)]],
                m_buf[b].at[pl.ds(j * G, G)], gsem)
        pltpu.async_copy(t_hbm.at[pl.ds(base, CHUNK)], t_v[b], tsem)

    def wait_in(c, b):
        base = wbase + c * CHUNK
        for j in range(NGATHER):
            pltpu.make_async_copy(
                table_hbm.at[idx_v[b].at[pl.ds(j * G, G)]],
                m_buf[b].at[pl.ds(j * G, G)], gsem).wait()
        pltpu.make_async_copy(t_hbm.at[pl.ds(base, CHUNK)], t_v[b], tsem).wait()

    def fire_idx(c, b):
        pltpu.async_copy(
            m_hbm.at[pl.ds(wbase + c * CHUNK, CHUNK)], idx_v[b], isem)

    def wait_idx(c, b):
        pltpu.make_async_copy(
            m_hbm.at[pl.ds(wbase + c * CHUNK, CHUNK)], idx_v[b], isem).wait()

    def out_dmas(c, b):
        base = wbase + c * CHUNK
        l = base // B
        off = (base % B) // 128 * 1024
        return [pltpu.make_async_copy(
                    out48[b].at[pl.ds(ch * 4096, 4096)],
                    out_hbm.at[l, ch, pl.ds(off, 4096)], osem)
                for ch in range(CHI)]

    iota16 = lax.iota(jnp.int32, 16)
    idx_t = (iota16 // 8) * 4096 + (iota16 % 8) * 128
    idx_m0 = idx_t + 2 * 4096
    idx_m1 = idx_t + 4 * 4096

    def compute(c, b):
        li = (wbase + c * CHUNK) // B
        b0 = (wbase + c * CHUNK) % B

        def group_body(g, carry):
            r0 = g * 16
            days = t_v[b][pl.ds(r0, 16)]
            idxv = idx_v[b][pl.ds(r0, 16)]
            lenb = len_v[pl.ds(b0 + r0, 16)]
            padv = jnp.where(li < lenb, 1.0, 0.0)
            years = (days / 365.0).astype(jnp.int32).astype(jnp.float32)
            rem = days - years * 365.0
            months = (rem / 30.0).astype(jnp.int32).astype(jnp.float32)
            dd = rem - months * 30.0
            years = years * padv
            months = months * padv
            dd = dd * padv
            keep = jnp.where((idxv != 0) & (li < lenb), 1.0, 0.0)
            offg = (g // 8) * 1024 + (g % 8) * 16
            for i in range(16):
                r = r0 + i
                trow = years[i] * wy + months[i] * wm + dd[i] * wd + padv[i] * bv
                kb = keep[i]
                ofr = offg + i
                plsc.store_scatter(out48[b], [idx_t + ofr], trow)
                plsc.store_scatter(out48[b], [idx_m0 + ofr],
                                   m_buf[b][r, pl.ds(0, 16)] * kb)
                plsc.store_scatter(out48[b], [idx_m1 + ofr],
                                   m_buf[b][r, pl.ds(16, 16)] * kb)
            return carry

        lax.fori_loop(0, GROUPS, group_body, 0, unroll=False)

    fire_idx(0, 0)
    wait_idx(0, 0)
    fire_in(0, 0)
    fire_idx(1, 1)

    def pair_body(p, carry):
        for b in range(2):
            c = p * 2 + b
            @pl.when(c >= 2)
            def _():
                for cp in out_dmas(c - 2, b):
                    cp.wait()

            wait_in(c, b)

            @pl.when(c + 1 < NCHUNK)
            def _():
                wait_idx(c + 1, 1 - b)
                fire_in(c + 1, 1 - b)

            @pl.when(c + 2 < NCHUNK)
            def _():
                fire_idx(c + 2, b)

            compute(c, b)
            for cp in out_dmas(c, b):
                cp.start()
        return carry

    lax.fori_loop(0, NCHUNK // 2, pair_body, 0, unroll=False)

    for cp in out_dmas(NCHUNK - 2, 0):
        cp.wait()
    for cp in out_dmas(NCHUNK - 1, 1):
        cp.wait()


@jax.jit
def _run(days, m1f, lenf, emb_table, W_t, b_t):
    mesh = plsc.VectorSubcoreMesh(core_axis_name="c", subcore_axis_name="s")
    kfn = functools.partial(
        pl.kernel,
        mesh=mesh,
        compiler_params=pltpu.CompilerParams(
            needs_layout_passes=False, use_tc_tiling_on_sc=False),
        out_type=jax.ShapeDtypeStruct((L, CHI, BT * 8 * 128), jnp.float32),
        scratch_types=[
            [pltpu.VMEM((CHUNK,), jnp.int32) for _ in range(2)],
            [pltpu.VMEM((CHUNK,), jnp.float32) for _ in range(2)],
            [pltpu.VMEM((CHUNK, E), jnp.float32) for _ in range(2)],
            [pltpu.VMEM((CHI * (CHUNK // 128) * 8 * 128,), jnp.float32)
             for _ in range(2)],
            pltpu.VMEM((3 * T,), jnp.float32),
            pltpu.VMEM((T,), jnp.float32),
            pltpu.VMEM((B,), jnp.int32),
            pltpu.SemaphoreType.DMA,
            pltpu.SemaphoreType.DMA,
            pltpu.SemaphoreType.DMA,
            pltpu.SemaphoreType.DMA,
        ],
    )(_body)
    return kfn(days, m1f, lenf, emb_table, W_t, b_t)


def kernel(t1, m1, len1, pad_mask, emb_table, W_t, b_t):
    days = t1.reshape(N) / 86400.0
    m1f = m1.reshape(N).astype(jnp.int32)
    lenf = len1.reshape(B).astype(jnp.int32)
    out3 = _run(days, m1f, lenf, emb_table, W_t.T.reshape(3 * T), b_t)
    out5 = out3.reshape(L, CHI, BT, 8, 128)
    return out5.transpose(0, 1, 3, 2, 4).reshape(L, C48, B).transpose(0, 2, 1)

# --- scband reference (transcript-rebuilt; emitter-appended) ---
"""Pipeline reference for scband-event-seq-emb-rnn-ymd-74053826117675 (READ-ONLY COPY).

The authoritative reference and input builder live on the scoring server;
editing this copy changes nothing except your own understanding.
"""

import jax, jax.numpy as jnp
import numpy as np

L, B, V, E, T = 200, 4096, 1000000, 32, 16


def epoch2ymd(t, pad_mask):
    # Convert epoch-second durations to (years, months, days) triples.
    days = t / 86400.0
    years = jnp.floor(days / 365.0)
    rem = days - years * 365.0
    months = jnp.floor(rem / 30.0)
    d = rem - months * 30.0
    ymd = jnp.concatenate([years, months, d], axis=-1)  # (L, B, 3)
    return ymd * pad_mask


def setup_inputs(seed: int = 0) -> dict:
    key = jax.random.key(seed)
    ks = jax.random.split(key, 6)
    t1 = jax.random.uniform(ks[0], (L, B, 1), dtype=jnp.float32) * 1e8
    m1 = jax.random.randint(ks[1], (L, B, 1), 0, V)
    len1 = jax.random.randint(ks[2], (1, B), 1, L + 1)
    pad_mask = (jnp.arange(L)[:, None] < len1[0][None, :]).astype(jnp.float32)[:, :, None]
    emb_table = jax.random.normal(ks[3], (V, E), dtype=jnp.float32) * 0.02
    W_t = jax.random.normal(ks[4], (T, 3), dtype=jnp.float32) * 0.1
    b_t = jnp.zeros((T,), dtype=jnp.float32)
    return {"t1": t1, "m1": m1, "len1": len1, "pad_mask": pad_mask,
            "emb_table": emb_table, "W_t": W_t, "b_t": b_t}


def reference(t1, m1, len1, pad_mask, emb_table, W_t, b_t):
    # t-path: epoch -> (y, m, d) -> Linear(3, t_emb_size)
    ymd = epoch2ymd(t1, pad_mask)                      # (L, B, 3)
    t_emb = ymd @ W_t.T + b_t                          # (L, B, T)
    # m-path: embedding lookup with padding_idx=0 (row 0 forced to zeros)
    row_mask = (jnp.arange(emb_table.shape[0]) != 0).astype(emb_table.dtype)[:, None]
    table_eff = emb_table * row_mask
    m_emb = jnp.take(table_eff, m1[..., 0], axis=0)    # (L, B, E)
    inputs = jnp.concatenate([t_emb, m_emb], axis=-1)  # (L, B, T+E)
    # pack_padded_sequence is a layout transform; emulate by zeroing padded steps.
    return inputs * pad_mask

if __name__ == "__main__":
    import jax
    _d = setup_inputs()
    print(jax.jit(kernel)(*tuple(_d.values())))

</pallas_src>

<mosaic_0001>
#map = affine_map<(d0, d1) -> (0)>
#map1 = affine_map<(d0, d1) -> (0, 0)>
#map2 = affine_map<(d0, d1) -> (0, 0, 0)>
module attributes {stable_mosaic.version = 14 : i64} {
  func.func @_body(%arg0: i32, %arg1: i32, %arg2: memref<819200xf32, #tpu.memory_space<hbm>>, %arg3: memref<819200xi32, #tpu.memory_space<hbm>>, %arg4: memref<4096xi32, #tpu.memory_space<hbm>>, %arg5: memref<1000000x32xf32, #tpu.memory_space<hbm>>, %arg6: memref<48xf32, #tpu.memory_space<hbm>>, %arg7: memref<16xf32, #tpu.memory_space<hbm>>, %arg8: memref<200x6x32768xf32, #tpu.memory_space<hbm>>, %arg9: memref<512xi32, #tpu.memory_space<vmem>>, %arg10: memref<512xi32, #tpu.memory_space<vmem>>, %arg11: memref<512xf32, #tpu.memory_space<vmem>>, %arg12: memref<512xf32, #tpu.memory_space<vmem>>, %arg13: memref<512x32xf32, #tpu.memory_space<vmem>>, %arg14: memref<512x32xf32, #tpu.memory_space<vmem>>, %arg15: memref<24576xf32, #tpu.memory_space<vmem>>, %arg16: memref<24576xf32, #tpu.memory_space<vmem>>, %arg17: memref<48xf32, #tpu.memory_space<vmem>>, %arg18: memref<16xf32, #tpu.memory_space<vmem>>, %arg19: memref<4096xi32, #tpu.memory_space<vmem>>, %arg20: memref<!tpu.dma_semaphore, #tpu.memory_space<semaphore_mem>>, %arg21: memref<!tpu.dma_semaphore, #tpu.memory_space<semaphore_mem>>, %arg22: memref<!tpu.dma_semaphore, #tpu.memory_space<semaphore_mem>>, %arg23: memref<!tpu.dma_semaphore, #tpu.memory_space<semaphore_mem>>) attributes {dimension_semantics = [#tpu.dimension_semantics<core_parallel>, #tpu.dimension_semantics<subcore_parallel>], iteration_bounds = array<i64: 2, 16>, scalar_prefetch = 0 : i64, scratch_operands = 15 : i64, tpu.core_type = #tpu.core_type<sc_vector_subcore>, window_params = [{transform_indices = #map}, {transform_indices = #map}, {transform_indices = #map}, {transform_indices = #map1}, {transform_indices = #map}, {transform_indices = #map}, {transform_indices = #map2}]} {
    %mul3A = arith.constant 2 : i32
    %mul3A_0 = arith.muli %arg1, %mul3A : i32
    %add3A = arith.addi %mul3A_0, %arg0 : i32
    %mul3A_1 = arith.constant 25600 : i32
    %mul3A_2 = arith.muli %add3A, %mul3A_1 : i32
    "tpu.region"() ({
      %run_scoped3A = tpu.sem_alloc : memref<!tpu.dma_semaphore, #tpu.memory_space<semaphore_mem>>
      tpu.enqueue_dma source(%arg6 : memref<48xf32, #tpu.memory_space<hbm>>) target(%arg17 : memref<48xf32, #tpu.memory_space<vmem>>) target_semaphore(%run_scoped3A : memref<!tpu.dma_semaphore, #tpu.memory_space<semaphore_mem>>)
      tpu.wait_dma2 semaphore(%run_scoped3A : memref<!tpu.dma_semaphore, #tpu.memory_space<semaphore_mem>>) src(%arg6 : memref<48xf32, #tpu.memory_space<hbm>>) dst(%arg17 : memref<48xf32, #tpu.memory_space<vmem>>)
      tpu.yield
    }) : () -> ()
    "tpu.region"() ({
      %run_scoped3A = tpu.sem_alloc : memref<!tpu.dma_semaphore, #tpu.memory_space<semaphore_mem>>
      tpu.enqueue_dma source(%arg7 : memref<16xf32, #tpu.memory_space<hbm>>) target(%arg18 : memref<16xf32, #tpu.memory_space<vmem>>) target_semaphore(%run_scoped3A : memref<!tpu.dma_semaphore, #tpu.memory_space<semaphore_mem>>)
      tpu.wait_dma2 semaphore(%run_scoped3A : memref<!tpu.dma_semaphore, #tpu.memory_space<semaphore_mem>>) src(%arg7 : memref<16xf32, #tpu.memory_space<hbm>>) dst(%arg18 : memref<16xf32, #tpu.memory_space<vmem>>)
      tpu.yield
    }) : () -> ()
    "tpu.region"() ({
      %run_scoped3A = tpu.sem_alloc : memref<!tpu.dma_semaphore, #tpu.memory_space<semaphore_mem>>
      tpu.enqueue_dma source(%arg4 : memref<4096xi32, #tpu.memory_space<hbm>>) target(%arg19 : memref<4096xi32, #tpu.memory_space<vmem>>) target_semaphore(%run_scoped3A : memref<!tpu.dma_semaphore, #tpu.memory_space<semaphore_mem>>)
      tpu.wait_dma2 semaphore(%run_scoped3A : memref<!tpu.dma_semaphore, #tpu.memory_space<semaphore_mem>>) src(%arg4 : memref<4096xi32, #tpu.memory_space<hbm>>) dst(%arg19 : memref<4096xi32, #tpu.memory_space<vmem>>)
      tpu.yield
    }) : () -> ()
    %get3A = arith.constant 0 : index
    %get3A_3 = tpu.vector_load %arg17[%get3A] {strides = array<i32>} : memref<48xf32, #tpu.memory_space<vmem>>, vector<16xf32>,
    %get3A_4 = arith.constant 16 : index
    %get3A_5 = tpu.vector_load %arg17[%get3A_4] {strides = array<i32>} : memref<48xf32, #tpu.memory_space<vmem>>, vector<16xf32>,
    %get3A_6 = arith.constant 32 : index
    %get3A_7 = tpu.vector_load %arg17[%get3A_6] {strides = array<i32>} : memref<48xf32, #tpu.memory_space<vmem>>, vector<16xf32>,
    %get3A_8 = arith.constant 0 : index
    %get3A_9 = tpu.vector_load %arg18[%get3A_8] {strides = array<i32>} : memref<16xf32, #tpu.memory_space<vmem>>, vector<16xf32>,
    %iota3A = tpu.iota {dimensions = array<i32: 0>} : vector<16xi32>
    %jit3A = arith.constant 8 : i32
    %div3A = vector.broadcast %jit3A : i32 to vector<16xi32>
    %div3A_10 = arith.divsi %iota3A, %div3A : vector<16xi32>
    %sign3A = arith.constant 0 : i32
    %sign3A_11 = vector.broadcast %sign3A : i32 to vector<16xi32>
    %sign3A_12 = arith.cmpi sgt, %iota3A, %sign3A_11 : vector<16xi32>
    %sign3A_13 = arith.extui %sign3A_12 : vector<16xi1> to vector<16xi32>
    %sign3A_14 = arith.constant 0 : i32
    %sign3A_15 = vector.broadcast %sign3A_14 : i32 to vector<16xi32>
    %sign3A_16 = arith.cmpi slt, %iota3A, %sign3A_15 : vector<16xi32>
    %sign3A_17 = arith.extui %sign3A_16 : vector<16xi1> to vector<16xi32>
    %sign3A_18 = arith.subi %sign3A_13, %sign3A_17 : vector<16xi32>
    %sign3A_19 = arith.constant 0 : i32
    %sign3A_20 = arith.cmpi sgt, %jit3A, %sign3A_19 : i32
    %sign3A_21 = arith.extui %sign3A_20 : i1 to i32
    %sign3A_22 = arith.constant 0 : i32
    %sign3A_23 = arith.cmpi slt, %jit3A, %sign3A_22 : i32
    %sign3A_24 = arith.extui %sign3A_23 : i1 to i32
    %sign3A_25 = arith.subi %sign3A_21, %sign3A_24 : i32
    %ne3A = vector.broadcast %sign3A_25 : i32 to vector<16xi32>
    %ne3A_26 = arith.cmpi ne, %sign3A_18, %ne3A : vector<16xi32>
    %rem3A = vector.broadcast %jit3A : i32 to vector<16xi32>
    %rem3A_27 = arith.remsi %iota3A, %rem3A : vector<16xi32>
    %ne3A_28 = arith.constant 0 : i32
    %ne3A_29 = vector.broadcast %ne3A_28 : i32 to vector<16xi32>
    %ne3A_30 = arith.cmpi ne, %rem3A_27, %ne3A_29 : vector<16xi32>
    %and3A = arith.andi %ne3A_26, %ne3A_30 : vector<16xi1>
    %sub3A = arith.constant 1 : i32
    %sub3A_31 = vector.broadcast %sub3A : i32 to vector<16xi32>
    %sub3A_32 = arith.subi %div3A_10, %sub3A_31 : vector<16xi32>
    %select_n3A = arith.select %and3A, %sub3A_32, %div3A_10 : vector<16xi1>, vector<16xi32>
    %mul3A_33 = arith.constant 4096 : i32
    %mul3A_34 = vector.broadcast %mul3A_33 : i32 to vector<16xi32>
    %mul3A_35 = arith.muli %select_n3A, %mul3A_34 : vector<16xi32>
    %jit3A_36 = arith.constant 8 : i32
    %eq3A = arith.constant 0 : i32
    %eq3A_37 = arith.cmpi eq, %jit3A_36, %eq3A : i32
    %jit3A_38 = arith.constant 1 : i32
    %select_n3A_39 = arith.select %eq3A_37, %jit3A_38, %jit3A_36 : i32
    %rem3A_40 = vector.broadcast %select_n3A_39 : i32 to vector<16xi32>
    %rem3A_41 = arith.remsi %iota3A, %rem3A_40 : vector<16xi32>
    %ne3A_42 = arith.constant 0 : i32
    %ne3A_43 = vector.broadcast %ne3A_42 : i32 to vector<16xi32>
    %ne3A_44 = arith.cmpi ne, %rem3A_41, %ne3A_43 : vector<16xi32>
    %lt3A = arith.constant 0 : i32
    %lt3A_45 = vector.broadcast %lt3A : i32 to vector<16xi32>
    %lt3A_46 = arith.cmpi slt, %rem3A_41, %lt3A_45 : vector<16xi32>
    %lt3A_47 = arith.constant 0 : i32
    %lt3A_48 = arith.cmpi slt, %select_n3A_39, %lt3A_47 : i32
    %ne3A_49 = vector.broadcast %lt3A_48 : i1 to vector<16xi1>
    %ne3A_50 = vector.broadcast %ne3A_49 : vector<16xi1> to vector<16xi1>
    %ne3A_51 = arith.xori %lt3A_46, %ne3A_50 : vector<16xi1>
    %and3A_52 = arith.andi %ne3A_51, %ne3A_44 : vector<16xi1>
    %add3A_53 = vector.broadcast %select_n3A_39 : i32 to vector<16xi32>
    %add3A_54 = arith.addi %rem3A_41, %add3A_53 : vector<16xi32>
    %select_n3A_55 = arith.select %and3A_52, %add3A_54, %rem3A_41 : vector<16xi1>, vector<16xi32>
    %mul3A_56 = arith.constant 128 : i32
    %mul3A_57 = vector.broadcast %mul3A_56 : i32 to vector<16xi32>
    %mul3A_58 = arith.muli %select_n3A_55, %mul3A_57 : vector<16xi32>
    %add3A_59 = arith.addi %mul3A_35, %mul3A_58 : vector<16xi32>
    %add3A_60 = arith.constant 8192 : i32
    %add3A_61 = vector.broadcast %add3A_60 : i32 to vector<16xi32>
    %add3A_62 = arith.addi %add3A_59, %add3A_61 : vector<16xi32>
    %add3A_63 = arith.constant 16384 : i32
    %add3A_64 = vector.broadcast %add3A_63 : i32 to vector<16xi32>
    %add3A_65 = arith.addi %add3A_59, %add3A_64 : vector<16xi32>
    %add3A_66 = arith.constant 0 : i32
    %add3A_67 = arith.addi %mul3A_2, %add3A_66 : i32
    %dma_start3A = tpu.memref_slice %arg3[%add3A_67] : memref<819200xi32, #tpu.memory_space<hbm>> -> memref<512xi32, #tpu.memory_space<hbm>>
    %dma_start3A_68 = tpu.memref_slice %arg3[%add3A_67] : memref<819200xi32, #tpu.memory_space<hbm>> -> memref<512xi32, #tpu.memory_space<hbm>>
    tpu.enqueue_dma source(%dma_start3A_68 : memref<512xi32, #tpu.memory_space<hbm>>) target(%arg9 : memref<512xi32, #tpu.memory_space<vmem>>) target_semaphore(%arg20 : memref<!tpu.dma_semaphore, #tpu.memory_space<semaphore_mem>>)
    %add3A_69 = arith.constant 0 : i32
    %add3A_70 = arith.addi %mul3A_2, %add3A_69 : i32
    %dma_wait3A = tpu.memref_slice %arg3[%add3A_70] : memref<819200xi32, #tpu.memory_space<hbm>> -> memref<512xi32, #tpu.memory_space<hbm>>
    %dma_wait3A_71 = tpu.memref_slice %arg3[%add3A_70] : memref<819200xi32, #tpu.memory_space<hbm>> -> memref<512xi32, #tpu.memory_space<hbm>>
    tpu.wait_dma2 semaphore(%arg20 : memref<!tpu.dma_semaphore, #tpu.memory_space<semaphore_mem>>) src(%dma_wait3A_71 : memref<512xi32, #tpu.memory_space<hbm>>) dst(%arg9 : memref<512xi32, #tpu.memory_space<vmem>>)
    %add3A_72 = arith.constant 0 : i32
    %add3A_73 = arith.addi %mul3A_2, %add3A_72 : i32
    %dma_start3A_74 = arith.constant 0 : i32
    %dma_start3A_75 = arith.constant 0 : i32
    %dma_start3A_76 = tpu.memref_slice %arg13[%dma_start3A_74, %dma_start3A_75] : memref<512x32xf32, #tpu.memory_space<vmem>> -> memref<128x32xf32, #tpu.memory_space<vmem>>
    %dma_start3A_77 = arith.constant 0 : i32
    %dma_start3A_78 = tpu.memref_slice %arg9[%dma_start3A_77] : memref<512xi32, #tpu.memory_space<vmem>> -> memref<128xi32, #tpu.memory_space<vmem>>
    %dma_start3A_79 = arith.constant 0 : i32
    %dma_start3A_80 = arith.constant 0 : i32
    %dma_start3A_81 = tpu.memref_slice %arg5[%dma_start3A_79, %dma_start3A_80] : memref<1000000x32xf32, #tpu.memory_space<hbm>> -> memref<1000000x32xf32, #tpu.memory_space<hbm>>
    tpu.enqueue_indirect_dma source(%dma_start3A_81 : memref<1000000x32xf32, #tpu.memory_space<hbm>>) target(%dma_start3A_76 : memref<128x32xf32, #tpu.memory_space<vmem>>) offsets(%dma_start3A_78 : memref<128xi32, #tpu.memory_space<vmem>>) semaphore(%arg21 : memref<!tpu.dma_semaphore, #tpu.memory_space<semaphore_mem>>)
    %dma_start3A_82 = arith.constant 128 : i32
    %dma_start3A_83 = arith.constant 0 : i32
    %dma_start3A_84 = tpu.memref_slice %arg13[%dma_start3A_82, %dma_start3A_83] : memref<512x32xf32, #tpu.memory_space<vmem>> -> memref<128x32xf32, #tpu.memory_space<vmem>>
    %dma_start3A_85 = arith.constant 128 : i32
    %dma_start3A_86 = tpu.memref_slice %arg9[%dma_start3A_85] : memref<512xi32, #tpu.memory_space<vmem>> -> memref<128xi32, #tpu.memory_space<vmem>>
    %dma_start3A_87 = arith.constant 0 : i32
    %dma_start3A_88 = arith.constant 0 : i32
    %dma_start3A_89 = tpu.memref_slice %arg5[%dma_start3A_87, %dma_start3A_88] : memref<1000000x32xf32, #tpu.memory_space<hbm>> -> memref<1000000x32xf32, #tpu.memory_space<hbm>>
    tpu.enqueue_indirect_dma source(%dma_start3A_89 : memref<1000000x32xf32, #tpu.memory_space<hbm>>) target(%dma_start3A_84 : memref<128x32xf32, #tpu.memory_space<vmem>>) offsets(%dma_start3A_86 : memref<128xi32, #tpu.memory_space<vmem>>) semaphore(%arg21 : memref<!tpu.dma_semaphore, #tpu.memory_space<semaphore_mem>>)
    %dma_start3A_90 = arith.constant 256 : i32
    %dma_start3A_91 = arith.constant 0 : i32
    %dma_start3A_92 = tpu.memref_slice %arg13[%dma_start3A_90, %dma_start3A_91] : memref<512x32xf32, #tpu.memory_space<vmem>> -> memref<128x32xf32, #tpu.memory_space<vmem>>
    %dma_start3A_93 = arith.constant 256 : i32
    %dma_start3A_94 = tpu.memref_slice %arg9[%dma_start3A_93] : memref<512xi32, #tpu.memory_space<vmem>> -> memref<128xi32, #tpu.memory_space<vmem>>
    %dma_start3A_95 = arith.constant 0 : i32
    %dma_start3A_96 = arith.constant 0 : i32
    %dma_start3A_97 = tpu.memref_slice %arg5[%dma_start3A_95, %dma_start3A_96] : memref<1000000x32xf32, #tpu.memory_space<hbm>> -> memref<1000000x32xf32, #tpu.memory_space<hbm>>
    tpu.enqueue_indirect_dma source(%dma_start3A_97 : memref<1000000x32xf32, #tpu.memory_space<hbm>>) target(%dma_start3A_92 : memref<128x32xf32, #tpu.memory_space<vmem>>) offsets(%dma_start3A_94 : memref<128xi32, #tpu.memory_space<vmem>>) semaphore(%arg21 : memref<!tpu.dma_semaphore, #tpu.memory_space<semaphore_mem>>)
    %dma_start3A_98 = arith.constant 384 : i32
    %dma_start3A_99 = arith.constant 0 : i32
    %dma_start3A_100 = tpu.memref_slice %arg13[%dma_start3A_98, %dma_start3A_99] : memref<512x32xf32, #tpu.memory_space<vmem>> -> memref<128x32xf32, #tpu.memory_space<vmem>>
    %dma_start3A_101 = arith.constant 384 : i32
    %dma_start3A_102 = tpu.memref_slice %arg9[%dma_start3A_101] : memref<512xi32, #tpu.memory_space<vmem>> -> memref<128xi32, #tpu.memory_space<vmem>>
    %dma_start3A_103 = arith.constant 0 : i32
    %dma_start3A_104 = arith.constant 0 : i32
    %dma_start3A_105 = tpu.memref_slice %arg5[%dma_start3A_103, %dma_start3A_104] : memref<1000000x32xf32, #tpu.memory_space<hbm>> -> memref<1000000x32xf32, #tpu.memory_space<hbm>>
    tpu.enqueue_indirect_dma source(%dma_start3A_105 : memref<1000000x32xf32, #tpu.memory_space<hbm>>) target(%dma_start3A_100 : memref<128x32xf32, #tpu.memory_space<vmem>>) offsets(%dma_start3A_102 : memref<128xi32, #tpu.memory_space<vmem>>) semaphore(%arg21 : memref<!tpu.dma_semaphore, #tpu.memory_space<semaphore_mem>>)
    %dma_start3A_106 = tpu.memref_slice %arg2[%add3A_73] : memref<819200xf32, #tpu.memory_space<hbm>> -> memref<512xf32, #tpu.memory_space<hbm>>
    %dma_start3A_107 = tpu.memref_slice %arg2[%add3A_73] : memref<819200xf32, #tpu.memory_space<hbm>> -> memref<512xf32, #tpu.memory_space<hbm>>
    tpu.enqueue_dma source(%dma_start3A_107 : memref<512xf32, #tpu.memory_space<hbm>>) target(%arg11 : memref<512xf32, #tpu.memory_space<vmem>>) target_semaphore(%arg22 : memref<!tpu.dma_semaphore, #tpu.memory_space<semaphore_mem>>)
    %add3A_108 = arith.constant 512 : i32
    %add3A_109 = arith.addi %mul3A_2, %add3A_108 : i32
    %dma_start3A_110 = tpu.memref_slice %arg3[%add3A_109] : memref<819200xi32, #tpu.memory_space<hbm>> -> memref<512xi32, #tpu.memory_space<hbm>>
    %dma_start3A_111 = tpu.memref_slice %arg3[%add3A_109] : memref<819200xi32, #tpu.memory_space<hbm>> -> memref<512xi32, #tpu.memory_space<hbm>>
    tpu.enqueue_dma source(%dma_start3A_111 : memref<512xi32, #tpu.memory_space<hbm>>) target(%arg10 : memref<512xi32, #tpu.memory_space<vmem>>) target_semaphore(%arg20 : memref<!tpu.dma_semaphore, #tpu.memory_space<semaphore_mem>>)
    %scan3A = arith.constant 0 : i32
    %scan3A_112 = arith.constant 0 : i32
    %scan3A_113 = arith.constant 25 : i32
    %scan3A_114 = arith.addi %scan3A_112, %scan3A_113 : i32
    %scan3A_115 = arith.constant 1 : i32
    scf.for %scan3A_361 = %scan3A_112 to %scan3A_114 step %scan3A_115  : i32 {
      %mul3A_362 = arith.constant 2 : i32
      %mul3A_363 = arith.muli %scan3A_361, %mul3A_362 : i32
      %add3A_364 = arith.constant 0 : i32
      %add3A_365 = arith.addi %mul3A_363, %add3A_364 : i32
      %ge3A = arith.constant 2 : i32
      %ge3A_366 = arith.cmpi sge, %add3A_365, %ge3A : i32
      %convert_element_type3A = arith.extui %ge3A_366 : i1 to i32
      %cond3A = arith.constant 0 : i32
      %cond3A_367 = arith.cmpi ne, %convert_element_type3A, %cond3A : i32
      scf.if %cond3A_367 {
        %sub3A_829 = arith.constant 2 : i32
        %sub3A_830 = arith.subi %add3A_365, %sub3A_829 : i32
        %mul3A_831 = arith.constant 512 : i32
        %mul3A_832 = arith.muli %sub3A_830, %mul3A_831 : i32
        %add3A_833 = arith.addi %mul3A_2, %mul3A_832 : i32
        %jit3A_834 = arith.constant 4096 : i32
        %div3A_835 = arith.divsi %add3A_833, %jit3A_834 : i32
        %sign3A_836 = arith.constant 0 : i32
        %sign3A_837 = arith.cmpi sgt, %add3A_833, %sign3A_836 : i32
        %sign3A_838 = arith.extui %sign3A_837 : i1 to i32
        %sign3A_839 = arith.constant 0 : i32
        %sign3A_840 = arith.cmpi slt, %add3A_833, %sign3A_839 : i32
        %sign3A_841 = arith.extui %sign3A_840 : i1 to i32
        %sign3A_842 = arith.subi %sign3A_838, %sign3A_841 : i32
        %sign3A_843 = arith.constant 0 : i32
        %sign3A_844 = arith.cmpi sgt, %jit3A_834, %sign3A_843 : i32
        %sign3A_845 = arith.extui %sign3A_844 : i1 to i32
        %sign3A_846 = arith.constant 0 : i32
        %sign3A_847 = arith.cmpi slt, %jit3A_834, %sign3A_846 : i32
        %sign3A_848 = arith.extui %sign3A_847 : i1 to i32
        %sign3A_849 = arith.subi %sign3A_845, %sign3A_848 : i32
        %ne3A_850 = arith.cmpi ne, %sign3A_842, %sign3A_849 : i32
        %rem3A_851 = arith.remsi %add3A_833, %jit3A_834 : i32
        %ne3A_852 = arith.constant 0 : i32
        %ne3A_853 = arith.cmpi ne, %rem3A_851, %ne3A_852 : i32
        %and3A_854 = arith.andi %ne3A_850, %ne3A_853 : i1
        %sub3A_855 = arith.constant 1 : i32
        %sub3A_856 = arith.subi %div3A_835, %sub3A_855 : i32
        %select_n3A_857 = arith.select %and3A_854, %sub3A_856, %div3A_835 : i32
        %jit3A_858 = arith.constant 4096 : i32
        %eq3A_859 = arith.constant 0 : i32
        %eq3A_860 = arith.cmpi eq, %jit3A_858, %eq3A_859 : i32
        %jit3A_861 = arith.constant 1 : i32
        %select_n3A_862 = arith.select %eq3A_860, %jit3A_861, %jit3A_858 : i32
        %rem3A_863 = arith.remsi %add3A_833, %select_n3A_862 : i32
        %ne3A_864 = arith.constant 0 : i32
        %ne3A_865 = arith.cmpi ne, %rem3A_863, %ne3A_864 : i32
        %lt3A_866 = arith.constant 0 : i32
        %lt3A_867 = arith.cmpi slt, %rem3A_863, %lt3A_866 : i32
        %lt3A_868 = arith.constant 0 : i32
        %lt3A_869 = arith.cmpi slt, %select_n3A_862, %lt3A_868 : i32
        %ne3A_870 = arith.xori %lt3A_867, %lt3A_869 : i1
        %and3A_871 = arith.andi %ne3A_870, %ne3A_865 : i1
        %add3A_872 = arith.addi %rem3A_863, %select_n3A_862 : i32
        %select_n3A_873 = arith.select %and3A_871, %add3A_872, %rem3A_863 : i32
        %jit3A_874 = arith.constant 128 : i32
        %div3A_875 = arith.divsi %select_n3A_873, %jit3A_874 : i32
        %sign3A_876 = arith.constant 0 : i32
        %sign3A_877 = arith.cmpi sgt, %select_n3A_873, %sign3A_876 : i32
        %sign3A_878 = arith.extui %sign3A_877 : i1 to i32
        %sign3A_879 = arith.constant 0 : i32
        %sign3A_880 = arith.cmpi slt, %select_n3A_873, %sign3A_879 : i32
        %sign3A_881 = arith.extui %sign3A_880 : i1 to i32
        %sign3A_882 = arith.subi %sign3A_878, %sign3A_881 : i32
        %sign3A_883 = arith.constant 0 : i32
        %sign3A_884 = arith.cmpi sgt, %jit3A_874, %sign3A_883 : i32
        %sign3A_885 = arith.extui %sign3A_884 : i1 to i32
        %sign3A_886 = arith.constant 0 : i32
        %sign3A_887 = arith.cmpi slt, %jit3A_874, %sign3A_886 : i32
        %sign3A_888 = arith.extui %sign3A_887 : i1 to i32
        %sign3A_889 = arith.subi %sign3A_885, %sign3A_888 : i32
        %ne3A_890 = arith.cmpi ne, %sign3A_882, %sign3A_889 : i32
        %rem3A_891 = arith.remsi %select_n3A_873, %jit3A_874 : i32
        %ne3A_892 = arith.constant 0 : i32
        %ne3A_893 = arith.cmpi ne, %rem3A_891, %ne3A_892 : i32
        %and3A_894 = arith.andi %ne3A_890, %ne3A_893 : i1
        %sub3A_895 = arith.constant 1 : i32
        %sub3A_896 = arith.subi %div3A_875, %sub3A_895 : i32
        %select_n3A_897 = arith.select %and3A_894, %sub3A_896, %div3A_875 : i32
        %mul3A_898 = arith.constant 1024 : i32
        %mul3A_899 = arith.muli %select_n3A_897, %mul3A_898 : i32
        %dma_wait3A_900 = arith.constant 0 : i32
        %dma_wait3A_901 = arith.constant 0 : i32
        %dma_wait3A_902 = tpu.memref_slice %arg15[%dma_wait3A_901] : memref<24576xf32, #tpu.memory_space<vmem>> -> memref<4096xf32, #tpu.memory_space<vmem>>
        %dma_wait3A_903 = tpu.memref_slice %arg8[%select_n3A_857, %dma_wait3A_900, %mul3A_899] : memref<200x6x32768xf32, #tpu.memory_space<hbm>> -> memref<1x1x4096xf32, #tpu.memory_space<hbm>>
        %dma_wait3A_904 = tpu.memref_squeeze %dma_wait3A_903 : memref<1x1x4096xf32, #tpu.memory_space<hbm>> -> memref<4096xf32, #tpu.memory_space<hbm>>
        %dma_wait3A_905 = tpu.memref_slice %arg8[%select_n3A_857, %dma_wait3A_900, %mul3A_899] : memref<200x6x32768xf32, #tpu.memory_space<hbm>> -> memref<1x1x4096xf32, #tpu.memory_space<hbm>>
        %dma_wait3A_906 = tpu.memref_squeeze %dma_wait3A_905 : memref<1x1x4096xf32, #tpu.memory_space<hbm>> -> memref<4096xf32, #tpu.memory_space<hbm>>
        %dma_wait3A_907 = arith.constant 0 : i32
        %dma_wait3A_908 = tpu.memref_slice %arg15[%dma_wait3A_907] : memref<24576xf32, #tpu.memory_space<vmem>> -> memref<4096xf32, #tpu.memory_space<vmem>>
        tpu.wait_dma2 semaphore(%arg23 : memref<!tpu.dma_semaphore, #tpu.memory_space<semaphore_mem>>) src(%dma_wait3A_908 : memref<4096xf32, #tpu.memory_space<vmem>>) dst(%dma_wait3A_906 : memref<4096xf32, #tpu.memory_space<hbm>>)
        %dma_wait3A_909 = arith.constant 1 : i32
        %dma_wait3A_910 = arith.constant 4096 : i32
        %dma_wait3A_911 = tpu.memref_slice %arg15[%dma_wait3A_910] : memref<24576xf32, #tpu.memory_space<vmem>> -> memref<4096xf32, #tpu.memory_space<vmem>>
        %dma_wait3A_912 = tpu.memref_slice %arg8[%select_n3A_857, %dma_wait3A_909, %mul3A_899] : memref<200x6x32768xf32, #tpu.memory_space<hbm>> -> memref<1x1x4096xf32, #tpu.memory_space<hbm>>
        %dma_wait3A_913 = tpu.memref_squeeze %dma_wait3A_912 : memref<1x1x4096xf32, #tpu.memory_space<hbm>> -> memref<4096xf32, #tpu.memory_space<hbm>>
        %dma_wait3A_914 = tpu.memref_slice %arg8[%select_n3A_857, %dma_wait3A_909, %mul3A_899] : memref<200x6x32768xf32, #tpu.memory_space<hbm>> -> memref<1x1x4096xf32, #tpu.memory_space<hbm>>
        %dma_wait3A_915 = tpu.memref_squeeze %dma_wait3A_914 : memref<1x1x4096xf32, #tpu.memory_space<hbm>> -> memref<4096xf32, #tpu.memory_space<hbm>>
        %dma_wait3A_916 = arith.constant 4096 : i32
        %dma_wait3A_917 = tpu.memref_slice %arg15[%dma_wait3A_916] : memref<24576xf32, #tpu.memory_space<vmem>> -> memref<4096xf32, #tpu.memory_space<vmem>>
        tpu.wait_dma2 semaphore(%arg23 : memref<!tpu.dma_semaphore, #tpu.memory_space<semaphore_mem>>) src(%dma_wait3A_917 : memref<4096xf32, #tpu.memory_space<vmem>>) dst(%dma_wait3A_915 : memref<4096xf32, #tpu.memory_space<hbm>>)
        %dma_wait3A_918 = arith.constant 2 : i32
        %dma_wait3A_919 = arith.constant 8192 : i32
        %dma_wait3A_920 = tpu.memref_slice %arg15[%dma_wait3A_919] : memref<24576xf32, #tpu.memory_space<vmem>> -> memref<4096xf32, #tpu.memory_space<vmem>>
        %dma_wait3A_921 = tpu.memref_slice %arg8[%select_n3A_857, %dma_wait3A_918, %mul3A_899] : memref<200x6x32768xf32, #tpu.memory_space<hbm>> -> memref<1x1x4096xf32, #tpu.memory_space<hbm>>
        %dma_wait3A_922 = tpu.memref_squeeze %dma_wait3A_921 : memref<1x1x4096xf32, #tpu.memory_space<hbm>> -> memref<4096xf32, #tpu.memory_space<hbm>>
        %dma_wait3A_923 = tpu.memref_slice %arg8[%select_n3A_857, %dma_wait3A_918, %mul3A_899] : memref<200x6x32768xf32, #tpu.memory_space<hbm>> -> memref<1x1x4096xf32, #tpu.memory_space<hbm>>
        %dma_wait3A_924 = tpu.memref_squeeze %dma_wait3A_923 : memref<1x1x4096xf32, #tpu.memory_space<hbm>> -> memref<4096xf32, #tpu.memory_space<hbm>>
        %dma_wait3A_925 = arith.constant 8192 : i32
        %dma_wait3A_926 = tpu.memref_slice %arg15[%dma_wait3A_925] : memref<24576xf32, #tpu.memory_space<vmem>> -> memref<4096xf32, #tpu.memory_space<vmem>>
        tpu.wait_dma2 semaphore(%arg23 : memref<!tpu.dma_semaphore, #tpu.memory_space<semaphore_mem>>) src(%dma_wait3A_926 : memref<4096xf32, #tpu.memory_space<vmem>>) dst(%dma_wait3A_924 : memref<4096xf32, #tpu.memory_space<hbm>>)
        %dma_wait3A_927 = arith.constant 3 : i32
        %dma_wait3A_928 = arith.constant 12288 : i32
        %dma_wait3A_929 = tpu.memref_slice %arg15[%dma_wait3A_928] : memref<24576xf32, #tpu.memory_space<vmem>> -> memref<4096xf32, #tpu.memory_space<vmem>>
        %dma_wait3A_930 = tpu.memref_slice %arg8[%select_n3A_857, %dma_wait3A_927, %mul3A_899] : memref<200x6x32768xf32, #tpu.memory_space<hbm>> -> memref<1x1x4096xf32, #tpu.memory_space<hbm>>
        %dma_wait3A_931 = tpu.memref_squeeze %dma_wait3A_930 : memref<1x1x4096xf32, #tpu.memory_space<hbm>> -> memref<4096xf32, #tpu.memory_space<hbm>>
        %dma_wait3A_932 = tpu.memref_slice %arg8[%select_n3A_857, %dma_wait3A_927, %mul3A_899] : memref<200x6x32768xf32, #tpu.memory_space<hbm>> -> memref<1x1x4096xf32, #tpu.memory_space<hbm>>
        %dma_wait3A_933 = tpu.memref_squeeze %dma_wait3A_932 : memref<1x1x4096xf32, #tpu.memory_space<hbm>> -> memref<4096xf32, #tpu.memory_space<hbm>>
        %dma_wait3A_934 = arith.constant 12288 : i32
        %dma_wait3A_935 = tpu.memref_slice %arg15[%dma_wait3A_934] : memref<24576xf32, #tpu.memory_space<vmem>> -> memref<4096xf32, #tpu.memory_space<vmem>>
        tpu.wait_dma2 semaphore(%arg23 : memref<!tpu.dma_semaphore, #tpu.memory_space<semaphore_mem>>) src(%dma_wait3A_935 : memref<4096xf32, #tpu.memory_space<vmem>>) dst(%dma_wait3A_933 : memref<4096xf32, #tpu.memory_space<hbm>>)
        %dma_wait3A_936 = arith.constant 4 : i32
        %dma_wait3A_937 = arith.constant 16384 : i32
        %dma_wait3A_938 = tpu.memref_slice %arg15[%dma_wait3A_937] : memref<24576xf32, #tpu.memory_space<vmem>> -> memref<4096xf32, #tpu.memory_space<vmem>>
        %dma_wait3A_939 = tpu.memref_slice %arg8[%select_n3A_857, %dma_wait3A_936, %mul3A_899] : memref<200x6x32768xf32, #tpu.memory_space<hbm>> -> memref<1x1x4096xf32, #tpu.memory_space<hbm>>
        %dma_wait3A_940 = tpu.memref_squeeze %dma_wait3A_939 : memref<1x1x4096xf32, #tpu.memory_space<hbm>> -> memref<4096xf32, #tpu.memory_space<hbm>>
        %dma_wait3A_941 = tpu.memref_slice %arg8[%select_n3A_857, %dma_wait3A_936, %mul3A_899] : memref<200x6x32768xf32, #tpu.memory_space<hbm>> -> memref<1x1x4096xf32, #tpu.memory_space<hbm>>
        %dma_wait3A_942 = tpu.memref_squeeze %dma_wait3A_941 : memref<1x1x4096xf32, #tpu.memory_space<hbm>> -> memref<4096xf32, #tpu.memory_space<hbm>>
        %dma_wait3A_943 = arith.constant 16384 : i32
        %dma_wait3A_944 = tpu.memref_slice %arg15[%dma_wait3A_943] : memref<24576xf32, #tpu.memory_space<vmem>> -> memref<4096xf32, #tpu.memory_space<vmem>>
        tpu.wait_dma2 semaphore(%arg23 : memref<!tpu.dma_semaphore, #tpu.memory_space<semaphore_mem>>) src(%dma_wait3A_944 : memref<4096xf32, #tpu.memory_space<vmem>>) dst(%dma_wait3A_942 : memref<4096xf32, #tpu.memory_space<hbm>>)
        %dma_wait3A_945 = arith.constant 5 : i32
        %dma_wait3A_946 = arith.constant 20480 : i32
        %dma_wait3A_947 = tpu.memref_slice %arg15[%dma_wait3A_946] : memref<24576xf32, #tpu.memory_space<vmem>> -> memref<4096xf32, #tpu.memory_space<vmem>>
        %dma_wait3A_948 = tpu.memref_slice %arg8[%select_n3A_857, %dma_wait3A_945, %mul3A_899] : memref<200x6x32768xf32, #tpu.memory_space<hbm>> -> memref<1x1x4096xf32, #tpu.memory_space<hbm>>
        %dma_wait3A_949 = tpu.memref_squeeze %dma_wait3A_948 : memref<1x1x4096xf32, #tpu.memory_space<hbm>> -> memref<4096xf32, #tpu.memory_space<hbm>>
        %dma_wait3A_950 = tpu.memref_slice %arg8[%select_n3A_857, %dma_wait3A_945, %mul3A_899] : memref<200x6x32768xf32, #tpu.memory_space<hbm>> -> memref<1x1x4096xf32, #tpu.memory_space<hbm>>
        %dma_wait3A_951 = tpu.memref_squeeze %dma_wait3A_950 : memref<1x1x4096xf32, #tpu.memory_space<hbm>> -> memref<4096xf32, #tpu.memory_space<hbm>>
        %dma_wait3A_952 = arith.constant 20480 : i32
        %dma_wait3A_953 = tpu.memref_slice %arg15[%dma_wait3A_952] : memref<24576xf32, #tpu.memory_space<vmem>> -> memref<4096xf32, #tpu.memory_space<vmem>>
        tpu.wait_dma2 semaphore(%arg23 : memref<!tpu.dma_semaphore, #tpu.memory_space<semaphore_mem>>) src(%dma_wait3A_953 : memref<4096xf32, #tpu.memory_space<vmem>>) dst(%dma_wait3A_951 : memref<4096xf32, #tpu.memory_space<hbm>>)
      } else {
      }
      %mul3A_368 = arith.constant 512 : i32
      %mul3A_369 = arith.muli %add3A_365, %mul3A_368 : i32
      %add3A_370 = arith.addi %mul3A_2, %mul3A_369 : i32
      %dma_wait3A_371 = arith.constant 0 : i32
      %dma_wait3A_372 = arith.constant 0 : i32
      %dma_wait3A_373 = tpu.memref_slice %arg13[%dma_wait3A_371, %dma_wait3A_372] : memref<512x32xf32, #tpu.memory_space<vmem>> -> memref<128x32xf32, #tpu.memory_space<vmem>>
      %dma_wait3A_374 = arith.constant 0 : i32
      %dma_wait3A_375 = tpu.memref_slice %arg9[%dma_wait3A_374] : memref<512xi32, #tpu.memory_space<vmem>> -> memref<128xi32, #tpu.memory_space<vmem>>
      %dma_wait3A_376 = arith.constant 0 : i32
      %dma_wait3A_377 = arith.constant 0 : i32
      %dma_wait3A_378 = tpu.memref_slice %arg5[%dma_wait3A_376, %dma_wait3A_377] : memref<1000000x32xf32, #tpu.memory_space<hbm>> -> memref<1000000x32xf32, #tpu.memory_space<hbm>>
      tpu.wait_indirect_dma semaphore(%arg21 : memref<!tpu.dma_semaphore, #tpu.memory_space<semaphore_mem>>) src(%dma_wait3A_378 : memref<1000000x32xf32, #tpu.memory_space<hbm>>) dst(%dma_wait3A_373 : memref<128x32xf32, #tpu.memory_space<vmem>>)
      %dma_wait3A_379 = arith.constant 128 : i32
      %dma_wait3A_380 = arith.constant 0 : i32
      %dma_wait3A_381 = tpu.memref_slice %arg13[%dma_wait3A_379, %dma_wait3A_380] : memref<512x32xf32, #tpu.memory_space<vmem>> -> memref<128x32xf32, #tpu.memory_space<vmem>>
      %dma_wait3A_382 = arith.constant 128 : i32
      %dma_wait3A_383 = tpu.memref_slice %arg9[%dma_wait3A_382] : memref<512xi32, #tpu.memory_space<vmem>> -> memref<128xi32, #tpu.memory_space<vmem>>
      %dma_wait3A_384 = arith.constant 0 : i32
      %dma_wait3A_385 = arith.constant 0 : i32
      %dma_wait3A_386 = tpu.memref_slice %arg5[%dma_wait3A_384, %dma_wait3A_385] : memref<1000000x32xf32, #tpu.memory_space<hbm>> -> memref<1000000x32xf32, #tpu.memory_space<hbm>>
      tpu.wait_indirect_dma semaphore(%arg21 : memref<!tpu.dma_semaphore, #tpu.memory_space<semaphore_mem>>) src(%dma_wait3A_386 : memref<1000000x32xf32, #tpu.memory_space<hbm>>) dst(%dma_wait3A_381 : memref<128x32xf32, #tpu.memory_space<vmem>>)
      %dma_wait3A_387 = arith.constant 256 : i32
      %dma_wait3A_388 = arith.constant 0 : i32
      %dma_wait3A_389 = tpu.memref_slice %arg13[%dma_wait3A_387, %dma_wait3A_388] : memref<512x32xf32, #tpu.memory_space<vmem>> -> memref<128x32xf32, #tpu.memory_space<vmem>>
      %dma_wait3A_390 = arith.constant 256 : i32
      %dma_wait3A_391 = tpu.memref_slice %arg9[%dma_wait3A_390] : memref<512xi32, #tpu.memory_space<vmem>> -> memref<128xi32, #tpu.memory_space<vmem>>
      %dma_wait3A_392 = arith.constant 0 : i32
      %dma_wait3A_393 = arith.constant 0 : i32
      %dma_wait3A_394 = tpu.memref_slice %arg5[%dma_wait3A_392, %dma_wait3A_393] : memref<1000000x32xf32, #tpu.memory_space<hbm>> -> memref<1000000x32xf32, #tpu.memory_space<hbm>>
      tpu.wait_indirect_dma semaphore(%arg21 : memref<!tpu.dma_semaphore, #tpu.memory_space<semaphore_mem>>) src(%dma_wait3A_394 : memref<1000000x32xf32, #tpu.memory_space<hbm>>) dst(%dma_wait3A_389 : memref<128x32xf32, #tpu.memory_space<vmem>>)
      %dma_wait3A_395 = arith.constant 384 : i32
      %dma_wait3A_396 = arith.constant 0 : i32
      %dma_wait3A_397 = tpu.memref_slice %arg13[%dma_wait3A_395, %dma_wait3A_396] : memref<512x32xf32, #tpu.memory_space<vmem>> -> memref<128x32xf32, #tpu.memory_space<vmem>>
      %dma_wait3A_398 = arith.constant 384 : i32
      %dma_wait3A_399 = tpu.memref_slice %arg9[%dma_wait3A_398] : memref<512xi32, #tpu.memory_space<vmem>> -> memref<128xi32, #tpu.memory_space<vmem>>
      %dma_wait3A_400 = arith.constant 0 : i32
      %dma_wait3A_401 = arith.constant 0 : i32
      %dma_wait3A_402 = tpu.memref_slice %arg5[%dma_wait3A_400, %dma_wait3A_401] : memref<1000000x32xf32, #tpu.memory_space<hbm>> -> memref<1000000x32xf32, #tpu.memory_space<hbm>>
      tpu.wait_indirect_dma semaphore(%arg21 : memref<!tpu.dma_semaphore, #tpu.memory_space<semaphore_mem>>) src(%dma_wait3A_402 : memref<1000000x32xf32, #tpu.memory_space<hbm>>) dst(%dma_wait3A_397 : memref<128x32xf32, #tpu.memory_space<vmem>>)
      %dma_wait3A_403 = tpu.memref_slice %arg2[%add3A_370] : memref<819200xf32, #tpu.memory_space<hbm>> -> memref<512xf32, #tpu.memory_space<hbm>>
      %dma_wait3A_404 = tpu.memref_slice %arg2[%add3A_370] : memref<819200xf32, #tpu.memory_space<hbm>> -> memref<512xf32, #tpu.memory_space<hbm>>
      tpu.wait_dma2 semaphore(%arg22 : memref<!tpu.dma_semaphore, #tpu.memory_space<semaphore_mem>>) src(%dma_wait3A_404 : memref<512xf32, #tpu.memory_space<hbm>>) dst(%arg11 : memref<512xf32, #tpu.memory_space<vmem>>)
      %add3A_405 = arith.constant 1 : i32
      %add3A_406 = arith.addi %add3A_365, %add3A_405 : i32
      %lt3A_407 = arith.constant 50 : i32
      %lt3A_408 = arith.cmpi slt, %add3A_406, %lt3A_407 : i32
      %convert_element_type3A_409 = arith.extui %lt3A_408 : i1 to i32
      %cond3A_410 = arith.constant 0 : i32
      %cond3A_411 = arith.cmpi ne, %convert_element_type3A_409, %cond3A_410 : i32
      scf.if %cond3A_411 {
        %add3A_829 = arith.constant 1 : i32
        %add3A_830 = arith.addi %add3A_365, %add3A_829 : i32
        %mul3A_831 = arith.constant 512 : i32
        %mul3A_832 = arith.muli %add3A_830, %mul3A_831 : i32
        %add3A_833 = arith.addi %mul3A_2, %mul3A_832 : i32
        %dma_wait3A_834 = tpu.memref_slice %arg3[%add3A_833] : memref<819200xi32, #tpu.memory_space<hbm>> -> memref<512xi32, #tpu.memory_space<hbm>>
        %dma_wait3A_835 = tpu.memref_slice %arg3[%add3A_833] : memref<819200xi32, #tpu.memory_space<hbm>> -> memref<512xi32, #tpu.memory_space<hbm>>
        tpu.wait_dma2 semaphore(%arg20 : memref<!tpu.dma_semaphore, #tpu.memory_space<semaphore_mem>>) src(%dma_wait3A_835 : memref<512xi32, #tpu.memory_space<hbm>>) dst(%arg10 : memref<512xi32, #tpu.memory_space<vmem>>)
        %add3A_836 = arith.constant 1 : i32
        %add3A_837 = arith.addi %add3A_365, %add3A_836 : i32
        %mul3A_838 = arith.constant 512 : i32
        %mul3A_839 = arith.muli %add3A_837, %mul3A_838 : i32
        %add3A_840 = arith.addi %mul3A_2, %mul3A_839 : i32
        %dma_start3A_841 = arith.constant 0 : i32
        %dma_start3A_842 = arith.constant 0 : i32
        %dma_start3A_843 = tpu.memref_slice %arg14[%dma_start3A_841, %dma_start3A_842] : memref<512x32xf32, #tpu.memory_space<vmem>> -> memref<128x32xf32, #tpu.memory_space<vmem>>
        %dma_start3A_844 = arith.constant 0 : i32
        %dma_start3A_845 = tpu.memref_slice %arg10[%dma_start3A_844] : memref<512xi32, #tpu.memory_space<vmem>> -> memref<128xi32, #tpu.memory_space<vmem>>
        %dma_start3A_846 = arith.constant 0 : i32
        %dma_start3A_847 = arith.constant 0 : i32
        %dma_start3A_848 = tpu.memref_slice %arg5[%dma_start3A_846, %dma_start3A_847] : memref<1000000x32xf32, #tpu.memory_space<hbm>> -> memref<1000000x32xf32, #tpu.memory_space<hbm>>
        tpu.enqueue_indirect_dma source(%dma_start3A_848 : memref<1000000x32xf32, #tpu.memory_space<hbm>>) target(%dma_start3A_843 : memref<128x32xf32, #tpu.memory_space<vmem>>) offsets(%dma_start3A_845 : memref<128xi32, #tpu.memory_space<vmem>>) semaphore(%arg21 : memref<!tpu.dma_semaphore, #tpu.memory_space<semaphore_mem>>)
        %dma_start3A_849 = arith.constant 128 : i32
        %dma_start3A_850 = arith.constant 0 : i32
        %dma_start3A_851 = tpu.memref_slice %arg14[%dma_start3A_849, %dma_start3A_850] : memref<512x32xf32, #tpu.memory_space<vmem>> -> memref<128x32xf32, #tpu.memory_space<vmem>>
        %dma_start3A_852 = arith.constant 128 : i32
        %dma_start3A_853 = tpu.memref_slice %arg10[%dma_start3A_852] : memref<512xi32, #tpu.memory_space<vmem>> -> memref<128xi32, #tpu.memory_space<vmem>>
        %dma_start3A_854 = arith.constant 0 : i32
        %dma_start3A_855 = arith.constant 0 : i32
        %dma_start3A_856 = tpu.memref_slice %arg5[%dma_start3A_854, %dma_start3A_855] : memref<1000000x32xf32, #tpu.memory_space<hbm>> -> memref<1000000x32xf32, #tpu.memory_space<hbm>>
        tpu.enqueue_indirect_dma source(%dma_start3A_856 : memref<1000000x32xf32, #tpu.memory_space<hbm>>) target(%dma_start3A_851 : memref<128x32xf32, #tpu.memory_space<vmem>>) offsets(%dma_start3A_853 : memref<128xi32, #tpu.memory_space<vmem>>) semaphore(%arg21 : memref<!tpu.dma_semaphore, #tpu.memory_space<semaphore_mem>>)
        %dma_start3A_857 = arith.constant 256 : i32
        %dma_start3A_858 = arith.constant 0 : i32
        %dma_start3A_859 = tpu.memref_slice %arg14[%dma_start3A_857, %dma_start3A_858] : memref<512x32xf32, #tpu.memory_space<vmem>> -> memref<128x32xf32, #tpu.memory_space<vmem>>
        %dma_start3A_860 = arith.constant 256 : i32
        %dma_start3A_861 = tpu.memref_slice %arg10[%dma_start3A_860] : memref<512xi32, #tpu.memory_space<vmem>> -> memref<128xi32, #tpu.memory_space<vmem>>
        %dma_start3A_862 = arith.constant 0 : i32
        %dma_start3A_863 = arith.constant 0 : i32
        %dma_start3A_864 = tpu.memref_slice %arg5[%dma_start3A_862, %dma_start3A_863] : memref<1000000x32xf32, #tpu.memory_space<hbm>> -> memref<1000000x32xf32, #tpu.memory_space<hbm>>
        tpu.enqueue_indirect_dma source(%dma_start3A_864 : memref<1000000x32xf32, #tpu.memory_space<hbm>>) target(%dma_start3A_859 : memref<128x32xf32, #tpu.memory_space<vmem>>) offsets(%dma_start3A_861 : memref<128xi32, #tpu.memory_space<vmem>>) semaphore(%arg21 : memref<!tpu.dma_semaphore, #tpu.memory_space<semaphore_mem>>)
        %dma_start3A_865 = arith.constant 384 : i32
        %dma_start3A_866 = arith.constant 0 : i32
        %dma_start3A_867 = tpu.memref_slice %arg14[%dma_start3A_865, %dma_start3A_866] : memref<512x32xf32, #tpu.memory_space<vmem>> -> memref<128x32xf32, #tpu.memory_space<vmem>>
        %dma_start3A_868 = arith.constant 384 : i32
        %dma_start3A_869 = tpu.memref_slice %arg10[%dma_start3A_868] : memref<512xi32, #tpu.memory_space<vmem>> -> memref<128xi32, #tpu.memory_space<vmem>>
        %dma_start3A_870 = arith.constant 0 : i32
        %dma_start3A_871 = arith.constant 0 : i32
        %dma_start3A_872 = tpu.memref_slice %arg5[%dma_start3A_870, %dma_start3A_871] : memref<1000000x32xf32, #tpu.memory_space<hbm>> -> memref<1000000x32xf32, #tpu.memory_space<hbm>>
        tpu.enqueue_indirect_dma source(%dma_start3A_872 : memref<1000000x32xf32, #tpu.memory_space<hbm>>) target(%dma_start3A_867 : memref<128x32xf32, #tpu.memory_space<vmem>>) offsets(%dma_start3A_869 : memref<128xi32, #tpu.memory_space<vmem>>) semaphore(%arg21 : memref<!tpu.dma_semaphore, #tpu.memory_space<semaphore_mem>>)
        %dma_start3A_873 = tpu.memref_slice %arg2[%add3A_840] : memref<819200xf32, #tpu.memory_space<hbm>> -> memref<512xf32, #tpu.memory_space<hbm>>
        %dma_start3A_874 = tpu.memref_slice %arg2[%add3A_840] : memref<819200xf32, #tpu.memory_space<hbm>> -> memref<512xf32, #tpu.memory_space<hbm>>
        tpu.enqueue_dma source(%dma_start3A_874 : memref<512xf32, #tpu.memory_space<hbm>>) target(%arg12 : memref<512xf32, #tpu.memory_space<vmem>>) target_semaphore(%arg22 : memref<!tpu.dma_semaphore, #tpu.memory_space<semaphore_mem>>)
      } else {
      }
      %add3A_412 = arith.constant 2 : i32
      %add3A_413 = arith.addi %add3A_365, %add3A_412 : i32
      %lt3A_414 = arith.constant 50 : i32
      %lt3A_415 = arith.cmpi slt, %add3A_413, %lt3A_414 : i32
      %convert_element_type3A_416 = arith.extui %lt3A_415 : i1 to i32
      %cond3A_417 = arith.constant 0 : i32
      %cond3A_418 = arith.cmpi ne, %convert_element_type3A_416, %cond3A_417 : i32
      scf.if %cond3A_418 {
        %add3A_829 = arith.constant 2 : i32
        %add3A_830 = arith.addi %add3A_365, %add3A_829 : i32
        %mul3A_831 = arith.constant 512 : i32
        %mul3A_832 = arith.muli %add3A_830, %mul3A_831 : i32
        %add3A_833 = arith.addi %mul3A_2, %mul3A_832 : i32
        %dma_start3A_834 = tpu.memref_slice %arg3[%add3A_833] : memref<819200xi32, #tpu.memory_space<hbm>> -> memref<512xi32, #tpu.memory_space<hbm>>
        %dma_start3A_835 = tpu.memref_slice %arg3[%add3A_833] : memref<819200xi32, #tpu.memory_space<hbm>> -> memref<512xi32, #tpu.memory_space<hbm>>
        tpu.enqueue_dma source(%dma_start3A_835 : memref<512xi32, #tpu.memory_space<hbm>>) target(%arg9 : memref<512xi32, #tpu.memory_space<vmem>>) target_semaphore(%arg20 : memref<!tpu.dma_semaphore, #tpu.memory_space<semaphore_mem>>)
      } else {
      }
      %mul3A_419 = arith.constant 512 : i32
      %mul3A_420 = arith.muli %add3A_365, %mul3A_419 : i32
      %add3A_421 = arith.addi %mul3A_2, %mul3A_420 : i32
      %jit3A_422 = arith.constant 4096 : i32
      %div3A_423 = arith.divsi %add3A_421, %jit3A_422 : i32
      %sign3A_424 = arith.constant 0 : i32
      %sign3A_425 = arith.cmpi sgt, %add3A_421, %sign3A_424 : i32
      %sign3A_426 = arith.extui %sign3A_425 : i1 to i32
      %sign3A_427 = arith.constant 0 : i32
      %sign3A_428 = arith.cmpi slt, %add3A_421, %sign3A_427 : i32
      %sign3A_429 = arith.extui %sign3A_428 : i1 to i32
      %sign3A_430 = arith.subi %sign3A_426, %sign3A_429 : i32
      %sign3A_431 = arith.constant 0 : i32
      %sign3A_432 = arith.cmpi sgt, %jit3A_422, %sign3A_431 : i32
      %sign3A_433 = arith.extui %sign3A_432 : i1 to i32
      %sign3A_434 = arith.constant 0 : i32
      %sign3A_435 = arith.cmpi slt, %jit3A_422, %sign3A_434 : i32
      %sign3A_436 = arith.extui %sign3A_435 : i1 to i32
      %sign3A_437 = arith.subi %sign3A_433, %sign3A_436 : i32
      %ne3A_438 = arith.cmpi ne, %sign3A_430, %sign3A_437 : i32
      %rem3A_439 = arith.remsi %add3A_421, %jit3A_422 : i32
      %ne3A_440 = arith.constant 0 : i32
      %ne3A_441 = arith.cmpi ne, %rem3A_439, %ne3A_440 : i32
      %and3A_442 = arith.andi %ne3A_438, %ne3A_441 : i1
      %sub3A_443 = arith.constant 1 : i32
      %sub3A_444 = arith.subi %div3A_423, %sub3A_443 : i32
      %select_n3A_445 = arith.select %and3A_442, %sub3A_444, %div3A_423 : i32
      %mul3A_446 = arith.constant 512 : i32
      %mul3A_447 = arith.muli %add3A_365, %mul3A_446 : i32
      %add3A_448 = arith.addi %mul3A_2, %mul3A_447 : i32
      %jit3A_449 = arith.constant 4096 : i32
      %eq3A_450 = arith.constant 0 : i32
      %eq3A_451 = arith.cmpi eq, %jit3A_449, %eq3A_450 : i32
      %jit3A_452 = arith.constant 1 : i32
      %select_n3A_453 = arith.select %eq3A_451, %jit3A_452, %jit3A_449 : i32
      %rem3A_454 = arith.remsi %add3A_448, %select_n3A_453 : i32
      %ne3A_455 = arith.constant 0 : i32
      %ne3A_456 = arith.cmpi ne, %rem3A_454, %ne3A_455 : i32
      %lt3A_457 = arith.constant 0 : i32
      %lt3A_458 = arith.cmpi slt, %rem3A_454, %lt3A_457 : i32
      %lt3A_459 = arith.constant 0 : i32
      %lt3A_460 = arith.cmpi slt, %select_n3A_453, %lt3A_459 : i32
      %ne3A_461 = arith.xori %lt3A_458, %lt3A_460 : i1
      %and3A_462 = arith.andi %ne3A_461, %ne3A_456 : i1
      %add3A_463 = arith.addi %rem3A_454, %select_n3A_453 : i32
      %select_n3A_464 = arith.select %and3A_462, %add3A_463, %rem3A_454 : i32
      %scan3A_465 = arith.constant 0 : i32
      %scan3A_466 = arith.constant 0 : i32
      %scan3A_467 = arith.constant 32 : i32
      %scan3A_468 = arith.addi %scan3A_466, %scan3A_467 : i32
      %scan3A_469 = arith.constant 1 : i32
      scf.for %scan3A_829 = %scan3A_466 to %scan3A_468 step %scan3A_469  : i32 {
        %mul3A_830 = arith.constant 16 : i32
        %mul3A_831 = arith.muli %scan3A_829, %mul3A_830 : i32
        %get3A_832 = arith.index_cast %mul3A_831 : i32 to index
        %get3A_833 = tpu.vector_load %arg11[%get3A_832] {strides = array<i32>} : memref<512xf32, #tpu.memory_space<vmem>>, vector<16xf32>,
        %get3A_834 = arith.index_cast %mul3A_831 : i32 to index
        %get3A_835 = tpu.vector_load %arg9[%get3A_834] {strides = array<i32>} : memref<512xi32, #tpu.memory_space<vmem>>, vector<16xi32>,
        %add3A_836 = arith.addi %select_n3A_464, %mul3A_831 : i32
        %get3A_837 = arith.index_cast %add3A_836 : i32 to index
        %get3A_838 = tpu.vector_load %arg19[%get3A_837] {strides = array<i32>} : memref<4096xi32, #tpu.memory_space<vmem>>, vector<16xi32>,
        %lt3A_839 = vector.broadcast %select_n3A_445 : i32 to vector<16xi32>
        %lt3A_840 = arith.cmpi slt, %lt3A_839, %get3A_838 : vector<16xi32>
        %jit3A_841 = arith.constant 1.000000e+00 : f32
        %jit3A_842 = arith.constant 0.000000e+00 : f32
        %broadcast_in_dim3A = vector.broadcast %jit3A_841 : f32 to vector<16xf32>
        %broadcast_in_dim3A_843 = vector.broadcast %jit3A_842 : f32 to vector<16xf32>
        %select_n3A_844 = arith.select %lt3A_840, %broadcast_in_dim3A, %broadcast_in_dim3A_843 : vector<16xi1>, vector<16xf32>
        %div3A_845 = arith.constant 3.650000e+02 : f32
        %div3A_846 = vector.broadcast %div3A_845 : f32 to vector<16xf32>
        %div3A_847 = arith.divf %get3A_833, %div3A_846 : vector<16xf32>
        %convert_element_type3A_848 = arith.fptosi %div3A_847 : vector<16xf32> to vector<16xi32>
        %convert_element_type3A_849 = arith.sitofp %convert_element_type3A_848 : vector<16xi32> to vector<16xf32>
        %mul3A_850 = arith.constant 3.650000e+02 : f32
        %mul3A_851 = vector.broadcast %mul3A_850 : f32 to vector<16xf32>
        %mul3A_852 = arith.mulf %convert_element_type3A_849, %mul3A_851 : vector<16xf32>
        %sub3A_853 = arith.subf %get3A_833, %mul3A_852 : vector<16xf32>
        %div3A_854 = arith.constant 3.000000e+01 : f32
        %div3A_855 = vector.broadcast %div3A_854 : f32 to vector<16xf32>
        %div3A_856 = arith.divf %sub3A_853, %div3A_855 : vector<16xf32>
        %convert_element_type3A_857 = arith.fptosi %div3A_856 : vector<16xf32> to vector<16xi32>
        %convert_element_type3A_858 = arith.sitofp %convert_element_type3A_857 : vector<16xi32> to vector<16xf32>
        %mul3A_859 = arith.constant 3.000000e+01 : f32
        %mul3A_860 = vector.broadcast %mul3A_859 : f32 to vector<16xf32>
        %mul3A_861 = arith.mulf %convert_element_type3A_858, %mul3A_860 : vector<16xf32>
        %sub3A_862 = arith.subf %sub3A_853, %mul3A_861 : vector<16xf32>
        %mul3A_863 = arith.mulf %convert_element_type3A_849, %select_n3A_844 : vector<16xf32>
        %mul3A_864 = arith.mulf %convert_element_type3A_858, %select_n3A_844 : vector<16xf32>
        %mul3A_865 = arith.mulf %sub3A_862, %select_n3A_844 : vector<16xf32>
        %ne3A_866 = arith.constant 0 : i32
        %ne3A_867 = vector.broadcast %ne3A_866 : i32 to vector<16xi32>
        %ne3A_868 = arith.cmpi ne, %get3A_835, %ne3A_867 : vector<16xi32>
        %lt3A_869 = vector.broadcast %select_n3A_445 : i32 to vector<16xi32>
        %lt3A_870 = arith.cmpi slt, %lt3A_869, %get3A_838 : vector<16xi32>
        %and3A_871 = arith.andi %ne3A_868, %lt3A_870 : vector<16xi1>
        %jit3A_872 = arith.constant 1.000000e+00 : f32
        %jit3A_873 = arith.constant 0.000000e+00 : f32
        %broadcast_in_dim3A_874 = vector.broadcast %jit3A_872 : f32 to vector<16xf32>
        %broadcast_in_dim3A_875 = vector.broadcast %jit3A_873 : f32 to vector<16xf32>
        %select_n3A_876 = arith.select %and3A_871, %broadcast_in_dim3A_874, %broadcast_in_dim3A_875 : vector<16xi1>, vector<16xf32>
        %jit3A_877 = arith.constant 8 : i32
        %div3A_878 = arith.divsi %scan3A_829, %jit3A_877 : i32
        %sign3A_879 = arith.constant 0 : i32
        %sign3A_880 = arith.cmpi sgt, %scan3A_829, %sign3A_879 : i32
        %sign3A_881 = arith.extui %sign3A_880 : i1 to i32
        %sign3A_882 = arith.constant 0 : i32
        %sign3A_883 = arith.cmpi slt, %scan3A_829, %sign3A_882 : i32
        %sign3A_884 = arith.extui %sign3A_883 : i1 to i32
        %sign3A_885 = arith.subi %sign3A_881, %sign3A_884 : i32
        %sign3A_886 = arith.constant 0 : i32
        %sign3A_887 = arith.cmpi sgt, %jit3A_877, %sign3A_886 : i32
        %sign3A_888 = arith.extui %sign3A_887 : i1 to i32
        %sign3A_889 = arith.constant 0 : i32
        %sign3A_890 = arith.cmpi slt, %jit3A_877, %sign3A_889 : i32
        %sign3A_891 = arith.extui %sign3A_890 : i1 to i32
        %sign3A_892 = arith.subi %sign3A_888, %sign3A_891 : i32
        %ne3A_893 = arith.cmpi ne, %sign3A_885, %sign3A_892 : i32
        %rem3A_894 = arith.remsi %scan3A_829, %jit3A_877 : i32
        %ne3A_895 = arith.constant 0 : i32
        %ne3A_896 = arith.cmpi ne, %rem3A_894, %ne3A_895 : i32
        %and3A_897 = arith.andi %ne3A_893, %ne3A_896 : i1
        %sub3A_898 = arith.constant 1 : i32
        %sub3A_899 = arith.subi %div3A_878, %sub3A_898 : i32
        %select_n3A_900 = arith.select %and3A_897, %sub3A_899, %div3A_878 : i32
        %mul3A_901 = arith.constant 1024 : i32
        %mul3A_902 = arith.muli %select_n3A_900, %mul3A_901 : i32
        %jit3A_903 = arith.constant 8 : i32
        %eq3A_904 = arith.constant 0 : i32
        %eq3A_905 = arith.cmpi eq, %jit3A_903, %eq3A_904 : i32
        %jit3A_906 = arith.constant 1 : i32
        %select_n3A_907 = arith.select %eq3A_905, %jit3A_906, %jit3A_903 : i32
        %rem3A_908 = arith.remsi %scan3A_829, %select_n3A_907 : i32
        %ne3A_909 = arith.constant 0 : i32
        %ne3A_910 = arith.cmpi ne, %rem3A_908, %ne3A_909 : i32
        %lt3A_911 = arith.constant 0 : i32
        %lt3A_912 = arith.cmpi slt, %rem3A_908, %lt3A_911 : i32
        %lt3A_913 = arith.constant 0 : i32
        %lt3A_914 = arith.cmpi slt, %select_n3A_907, %lt3A_913 : i32
        %ne3A_915 = arith.xori %lt3A_912, %lt3A_914 : i1
        %and3A_916 = arith.andi %ne3A_915, %ne3A_910 : i1
        %add3A_917 = arith.addi %rem3A_908, %select_n3A_907 : i32
        %select_n3A_918 = arith.select %and3A_916, %add3A_917, %rem3A_908 : i32
        %mul3A_919 = arith.constant 16 : i32
        %mul3A_920 = arith.muli %select_n3A_918, %mul3A_919 : i32
        %add3A_921 = arith.addi %mul3A_902, %mul3A_920 : i32
        %add3A_922 = arith.constant 0 : i32
        %add3A_923 = arith.addi %mul3A_831, %add3A_922 : i32
        %slice3A = vector.extract_strided_slice %mul3A_863 {offsets = [0], sizes = [1], strides = [1]} : vector<16xf32> to vector<1xf32>
        %squeeze3A = vector.extract %slice3A[0] : f32 from vector<1xf32>
        %mul3A_924 = vector.broadcast %squeeze3A : f32 to vector<16xf32>
        %mul3A_925 = arith.mulf %mul3A_924, %get3A_3 : vector<16xf32>
        %slice3A_926 = vector.extract_strided_slice %mul3A_864 {offsets = [0], sizes = [1], strides = [1]} : vector<16xf32> to vector<1xf32>
        %squeeze3A_927 = vector.extract %slice3A_926[0] : f32 from vector<1xf32>
        %mul3A_928 = vector.broadcast %squeeze3A_927 : f32 to vector<16xf32>
        %mul3A_929 = arith.mulf %mul3A_928, %get3A_5 : vector<16xf32>
        %add3A_930 = arith.addf %mul3A_925, %mul3A_929 : vector<16xf32>
        %slice3A_931 = vector.extract_strided_slice %mul3A_865 {offsets = [0], sizes = [1], strides = [1]} : vector<16xf32> to vector<1xf32>
        %squeeze3A_932 = vector.extract %slice3A_931[0] : f32 from vector<1xf32>
        %mul3A_933 = vector.broadcast %squeeze3A_932 : f32 to vector<16xf32>
        %mul3A_934 = arith.mulf %mul3A_933, %get3A_7 : vector<16xf32>
        %add3A_935 = arith.addf %add3A_930, %mul3A_934 : vector<16xf32>
        %slice3A_936 = vector.extract_strided_slice %select_n3A_844 {offsets = [0], sizes = [1], strides = [1]} : vector<16xf32> to vector<1xf32>
        %squeeze3A_937 = vector.extract %slice3A_936[0] : f32 from vector<1xf32>
        %mul3A_938 = vector.broadcast %squeeze3A_937 : f32 to vector<16xf32>
        %mul3A_939 = arith.mulf %mul3A_938, %get3A_9 : vector<16xf32>
        %add3A_940 = arith.addf %add3A_935, %mul3A_939 : vector<16xf32>
        %slice3A_941 = vector.extract_strided_slice %select_n3A_876 {offsets = [0], sizes = [1], strides = [1]} : vector<16xf32> to vector<1xf32>
        %squeeze3A_942 = vector.extract %slice3A_941[0] : f32 from vector<1xf32>
        %add3A_943 = arith.constant 0 : i32
        %add3A_944 = arith.addi %add3A_921, %add3A_943 : i32
        %add3A_945 = vector.broadcast %add3A_944 : i32 to vector<16xi32>
        %add3A_946 = arith.addi %add3A_59, %add3A_945 : vector<16xi32>
        tpu.vector_store_idx %arg15[%add3A_946], %add3A_940 : memref<24576xf32, #tpu.memory_space<vmem>>[vector<16xi32>], vector<16xf32>,
        %add3A_947 = vector.broadcast %add3A_944 : i32 to vector<16xi32>
        %add3A_948 = arith.addi %add3A_62, %add3A_947 : vector<16xi32>
        %get3A_949 = arith.index_cast %add3A_923 : i32 to index
        %get3A_950 = arith.constant 0 : index
        %get3A_951 = tpu.vector_load %arg13[%get3A_949, %get3A_950] {strides = array<i32>} : memref<512x32xf32, #tpu.memory_space<vmem>>, vector<16xf32>,
        %mul3A_952 = vector.broadcast %squeeze3A_942 : f32 to vector<16xf32>
        %mul3A_953 = arith.mulf %get3A_951, %mul3A_952 : vector<16xf32>
        tpu.vector_store_idx %arg15[%add3A_948], %mul3A_953 : memref<24576xf32, #tpu.memory_space<vmem>>[vector<16xi32>], vector<16xf32>,
        %add3A_954 = vector.broadcast %add3A_944 : i32 to vector<16xi32>
        %add3A_955 = arith.addi %add3A_65, %add3A_954 : vector<16xi32>
        %get3A_956 = arith.index_cast %add3A_923 : i32 to index
        %get3A_957 = arith.constant 16 : index
        %get3A_958 = tpu.vector_load %arg13[%get3A_956, %get3A_957] {strides = array<i32>} : memref<512x32xf32, #tpu.memory_space<vmem>>, vector<16xf32>,
        %mul3A_959 = vector.broadcast %squeeze3A_942 : f32 to vector<16xf32>
        %mul3A_960 = arith.mulf %get3A_958, %mul3A_959 : vector<16xf32>
        tpu.vector_store_idx %arg15[%add3A_955], %mul3A_960 : memref<24576xf32, #tpu.memory_space<vmem>>[vector<16xi32>], vector<16xf32>,
        %add3A_961 = arith.constant 1 : i32
        %add3A_962 = arith.addi %mul3A_831, %add3A_961 : i32
        %slice3A_963 = vector.extract_strided_slice %mul3A_863 {offsets = [1], sizes = [1], strides = [1]} : vector<16xf32> to vector<1xf32>
        %squeeze3A_964 = vector.extract %slice3A_963[0] : f32 from vector<1xf32>
        %mul3A_965 = vector.broadcast %squeeze3A_964 : f32 to vector<16xf32>
        %mul3A_966 = arith.mulf %mul3A_965, %get3A_3 : vector<16xf32>
        %slice3A_967 = vector.extract_strided_slice %mul3A_864 {offsets = [1], sizes = [1], strides = [1]} : vector<16xf32> to vector<1xf32>
        %squeeze3A_968 = vector.extract %slice3A_967[0] : f32 from vector<1xf32>
        %mul3A_969 = vector.broadcast %squeeze3A_968 : f32 to vector<16xf32>
        %mul3A_970 = arith.mulf %mul3A_969, %get3A_5 : vector<16xf32>
        %add3A_971 = arith.addf %mul3A_966, %mul3A_970 : vector<16xf32>
        %slice3A_972 = vector.extract_strided_slice %mul3A_865 {offsets = [1], sizes = [1], strides = [1]} : vector<16xf32> to vector<1xf32>
        %squeeze3A_973 = vector.extract %slice3A_972[0] : f32 from vector<1xf32>
        %mul3A_974 = vector.broadcast %squeeze3A_973 : f32 to vector<16xf32>
        %mul3A_975 = arith.mulf %mul3A_974, %get3A_7 : vector<16xf32>
        %add3A_976 = arith.addf %add3A_971, %mul3A_975 : vector<16xf32>
        %slice3A_977 = vector.extract_strided_slice %select_n3A_844 {offsets = [1], sizes = [1], strides = [1]} : vector<16xf32> to vector<1xf32>
        %squeeze3A_978 = vector.extract %slice3A_977[0] : f32 from vector<1xf32>
        %mul3A_979 = vector.broadcast %squeeze3A_978 : f32 to vector<16xf32>
        %mul3A_980 = arith.mulf %mul3A_979, %get3A_9 : vector<16xf32>
        %add3A_981 = arith.addf %add3A_976, %mul3A_980 : vector<16xf32>
        %slice3A_982 = vector.extract_strided_slice %select_n3A_876 {offsets = [1], sizes = [1], strides = [1]} : vector<16xf32> to vector<1xf32>
        %squeeze3A_983 = vector.extract %slice3A_982[0] : f32 from vector<1xf32>
        %add3A_984 = arith.constant 1 : i32
        %add3A_985 = arith.addi %add3A_921, %add3A_984 : i32
        %add3A_986 = vector.broadcast %add3A_985 : i32 to vector<16xi32>
        %add3A_987 = arith.addi %add3A_59, %add3A_986 : vector<16xi32>
        tpu.vector_store_idx %arg15[%add3A_987], %add3A_981 : memref<24576xf32, #tpu.memory_space<vmem>>[vector<16xi32>], vector<16xf32>,
        %add3A_988 = vector.broadcast %add3A_985 : i32 to vector<16xi32>
        %add3A_989 = arith.addi %add3A_62, %add3A_988 : vector<16xi32>
        %get3A_990 = arith.index_cast %add3A_962 : i32 to index
        %get3A_991 = arith.constant 0 : index
        %get3A_992 = tpu.vector_load %arg13[%get3A_990, %get3A_991] {strides = array<i32>} : memref<512x32xf32, #tpu.memory_space<vmem>>, vector<16xf32>,
        %mul3A_993 = vector.broadcast %squeeze3A_983 : f32 to vector<16xf32>
        %mul3A_994 = arith.mulf %get3A_992, %mul3A_993 : vector<16xf32>
        tpu.vector_store_idx %arg15[%add3A_989], %mul3A_994 : memref<24576xf32, #tpu.memory_space<vmem>>[vector<16xi32>], vector<16xf32>,
        %add3A_995 = vector.broadcast %add3A_985 : i32 to vector<16xi32>
        %add3A_996 = arith.addi %add3A_65, %add3A_995 : vector<16xi32>
        %get3A_997 = arith.index_cast %add3A_962 : i32 to index
        %get3A_998 = arith.constant 16 : index
        %get3A_999 = tpu.vector_load %arg13[%get3A_997, %get3A_998] {strides = array<i32>} : memref<512x32xf32, #tpu.memory_space<vmem>>, vector<16xf32>,
        %mul3A_1000 = vector.broadcast %squeeze3A_983 : f32 to vector<16xf32>
        %mul3A_1001 = arith.mulf %get3A_999, %mul3A_1000 : vector<16xf32>
        tpu.vector_store_idx %arg15[%add3A_996], %mul3A_1001 : memref<24576xf32, #tpu.memory_space<vmem>>[vector<16xi32>], vector<16xf32>,
        %add3A_1002 = arith.constant 2 : i32
        %add3A_1003 = arith.addi %mul3A_831, %add3A_1002 : i32
        %slice3A_1004 = vector.extract_strided_slice %mul3A_863 {offsets = [2], sizes = [1], strides = [1]} : vector<16xf32> to vector<1xf32>
        %squeeze3A_1005 = vector.extract %slice3A_1004[0] : f32 from vector<1xf32>
        %mul3A_1006 = vector.broadcast %squeeze3A_1005 : f32 to vector<16xf32>
        %mul3A_1007 = arith.mulf %mul3A_1006, %get3A_3 : vector<16xf32>
        %slice3A_1008 = vector.extract_strided_slice %mul3A_864 {offsets = [2], sizes = [1], strides = [1]} : vector<16xf32> to vector<1xf32>
        %squeeze3A_1009 = vector.extract %slice3A_1008[0] : f32 from vector<1xf32>
        %mul3A_1010 = vector.broadcast %squeeze3A_1009 : f32 to vector<16xf32>
        %mul3A_1011 = arith.mulf %mul3A_1010, %get3A_5 : vector<16xf32>
        %add3A_1012 = arith.addf %mul3A_1007, %mul3A_1011 : vector<16xf32>
        %slice3A_1013 = vector.extract_strided_slice %mul3A_865 {offsets = [2], sizes = [1], strides = [1]} : vector<16xf32> to vector<1xf32>
        %squeeze3A_1014 = vector.extract %slice3A_1013[0] : f32 from vector<1xf32>
        %mul3A_1015 = vector.broadcast %squeeze3A_1014 : f32 to vector<16xf32>
        %mul3A_1016 = arith.mulf %mul3A_1015, %get3A_7 : vector<16xf32>
        %add3A_1017 = arith.addf %add3A_1012, %mul3A_1016 : vector<16xf32>
        %slice3A_1018 = vector.extract_strided_slice %select_n3A_844 {offsets = [2], sizes = [1], strides = [1]} : vector<16xf32> to vector<1xf32>
        %squeeze3A_1019 = vector.extract %slice3A_1018[0] : f32 from vector<1xf32>
        %mul3A_1020 = vector.broadcast %squeeze3A_1019 : f32 to vector<16xf32>
        %mul3A_1021 = arith.mulf %mul3A_1020, %get3A_9 : vector<16xf32>
        %add3A_1022 = arith.addf %add3A_1017, %mul3A_1021 : vector<16xf32>
        %slice3A_1023 = vector.extract_strided_slice %select_n3A_876 {offsets = [2], sizes = [1], strides = [1]} : vector<16xf32> to vector<1xf32>
        %squeeze3A_1024 = vector.extract %slice3A_1023[0] : f32 from vector<1xf32>
        %add3A_1025 = arith.constant 2 : i32
        %add3A_1026 = arith.addi %add3A_921, %add3A_1025 : i32
        %add3A_1027 = vector.broadcast %add3A_1026 : i32 to vector<16xi32>
        %add3A_1028 = arith.addi %add3A_59, %add3A_1027 : vector<16xi32>
        tpu.vector_store_idx %arg15[%add3A_1028], %add3A_1022 : memref<24576xf32, #tpu.memory_space<vmem>>[vector<16xi32>], vector<16xf32>,
        %add3A_1029 = vector.broadcast %add3A_1026 : i32 to vector<16xi32>
        %add3A_1030 = arith.addi %add3A_62, %add3A_1029 : vector<16xi32>
        %get3A_1031 = arith.index_cast %add3A_1003 : i32 to index
        %get3A_1032 = arith.constant 0 : index
        %get3A_1033 = tpu.vector_load %arg13[%get3A_1031, %get3A_1032] {strides = array<i32>} : memref<512x32xf32, #tpu.memory_space<vmem>>, vector<16xf32>,
        %mul3A_1034 = vector.broadcast %squeeze3A_1024 : f32 to vector<16xf32>
        %mul3A_1035 = arith.mulf %get3A_1033, %mul3A_1034 : vector<16xf32>
        tpu.vector_store_idx %arg15[%add3A_1030], %mul3A_1035 : memref<24576xf32, #tpu.memory_space<vmem>>[vector<16xi32>], vector<16xf32>,
        %add3A_1036 = vector.broadcast %add3A_1026 : i32 to vector<16xi32>
        %add3A_1037 = arith.addi %add3A_65, %add3A_1036 : vector<16xi32>
        %get3A_1038 = arith.index_cast %add3A_1003 : i32 to index
        %get3A_1039 = arith.constant 16 : index
        %get3A_1040 = tpu.vector_load %arg13[%get3A_1038, %get3A_1039] {strides = array<i32>} : memref<512x32xf32, #tpu.memory_space<vmem>>, vector<16xf32>,
        %mul3A_1041 = vector.broadcast %squeeze3A_1024 : f32 to vector<16xf32>
        %mul3A_1042 = arith.mulf %get3A_1040, %mul3A_1041 : vector<16xf32>
        tpu.vector_store_idx %arg15[%add3A_1037], %mul3A_1042 : memref<24576xf32, #tpu.memory_space<vmem>>[vector<16xi32>], vector<16xf32>,
        %add3A_1043 = arith.constant 3 : i32
        %add3A_1044 = arith.addi %mul3A_831, %add3A_1043 : i32
        %slice3A_1045 = vector.extract_strided_slice %mul3A_863 {offsets = [3], sizes = [1], strides = [1]} : vector<16xf32> to vector<1xf32>
        %squeeze3A_1046 = vector.extract %slice3A_1045[0] : f32 from vector<1xf32>
        %mul3A_1047 = vector.broadcast %squeeze3A_1046 : f32 to vector<16xf32>
        %mul3A_1048 = arith.mulf %mul3A_1047, %get3A_3 : vector<16xf32>
        %slice3A_1049 = vector.extract_strided_slice %mul3A_864 {offsets = [3], sizes = [1], strides = [1]} : vector<16xf32> to vector<1xf32>
        %squeeze3A_1050 = vector.extract %slice3A_1049[0] : f32 from vector<1xf32>
        %mul3A_1051 = vector.broadcast %squeeze3A_1050 : f32 to vector<16xf32>
        %mul3A_1052 = arith.mulf %mul3A_1051, %get3A_5 : vector<16xf32>
        %add3A_1053 = arith.addf %mul3A_1048, %mul3A_1052 : vector<16xf32>
        %slice3A_1054 = vector.extract_strided_slice %mul3A_865 {offsets = [3], sizes = [1], strides = [1]} : vector<16xf32> to vector<1xf32>
        %squeeze3A_1055 = vector.extract %slice3A_1054[0] : f32 from vector<1xf32>
        %mul3A_1056 = vector.broadcast %squeeze3A_1055 : f32 to vector<16xf32>
        %mul3A_1057 = arith.mulf %mul3A_1056, %get3A_7 : vector<16xf32>
        %add3A_1058 = arith.addf %add3A_1053, %mul3A_1057 : vector<16xf32>
        %slice3A_1059 = vector.extract_strided_slice %select_n3A_844 {offsets = [3], sizes = [1], strides = [1]} : vector<16xf32> to vector<1xf32>
        %squeeze3A_1060 = vector.extract %slice3A_1059[0] : f32 from vector<1xf32>
        %mul3A_1061 = vector.broadcast %squeeze3A_1060 : f32 to vector<16xf32>
        %mul3A_1062 = arith.mulf %mul3A_1061, %get3A_9 : vector<16xf32>
        %add3A_1063 = arith.addf %add3A_1058, %mul3A_1062 : vector<16xf32>
        %slice3A_1064 = vector.extract_strided_slice %select_n3A_876 {offsets = [3], sizes = [1], strides = [1]} : vector<16xf32> to vector<1xf32>
        %squeeze3A_1065 = vector.extract %slice3A_1064[0] : f32 from vector<1xf32>
        %add3A_1066 = arith.constant 3 : i32
        %add3A_1067 = arith.addi %add3A_921, %add3A_1066 : i32
        %add3A_1068 = vector.broadcast %add3A_1067 : i32 to vector<16xi32>
        %add3A_1069 = arith.addi %add3A_59, %add3A_1068 : vector<16xi32>
        tpu.vector_store_idx %arg15[%add3A_1069], %add3A_1063 : memref<24576xf32, #tpu.memory_space<vmem>>[vector<16xi32>], vector<16xf32>,
        %add3A_1070 = vector.broadcast %add3A_1067 : i32 to vector<16xi32>
        %add3A_1071 = arith.addi %add3A_62, %add3A_1070 : vector<16xi32>
        %get3A_1072 = arith.index_cast %add3A_1044 : i32 to index
        %get3A_1073 = arith.constant 0 : index
        %get3A_1074 = tpu.vector_load %arg13[%get3A_1072, %get3A_1073] {strides = array<i32>} : memref<512x32xf32, #tpu.memory_space<vmem>>, vector<16xf32>,
        %mul3A_1075 = vector.broadcast %squeeze3A_1065 : f32 to vector<16xf32>
        %mul3A_1076 = arith.mulf %get3A_1074, %mul3A_1075 : vector<16xf32>
        tpu.vector_store_idx %arg15[%add3A_1071], %mul3A_1076 : memref<24576xf32, #tpu.memory_space<vmem>>[vector<16xi32>], vector<16xf32>,
        %add3A_1077 = vector.broadcast %add3A_1067 : i32 to vector<16xi32>
        %add3A_1078 = arith.addi %add3A_65, %add3A_1077 : vector<16xi32>
        %get3A_1079 = arith.index_cast %add3A_1044 : i32 to index
        %get3A_1080 = arith.constant 16 : index
        %get3A_1081 = tpu.vector_load %arg13[%get3A_1079, %get3A_1080] {strides = array<i32>} : memref<512x32xf32, #tpu.memory_space<vmem>>, vector<16xf32>,
        %mul3A_1082 = vector.broadcast %squeeze3A_1065 : f32 to vector<16xf32>
        %mul3A_1083 = arith.mulf %get3A_1081, %mul3A_1082 : vector<16xf32>
        tpu.vector_store_idx %arg15[%add3A_1078], %mul3A_1083 : memref<24576xf32, #tpu.memory_space<vmem>>[vector<16xi32>], vector<16xf32>,
        %add3A_1084 = arith.constant 4 : i32
        %add3A_1085 = arith.addi %mul3A_831, %add3A_1084 : i32
        %slice3A_1086 = vector.extract_strided_slice %mul3A_863 {offsets = [4], sizes = [1], strides = [1]} : vector<16xf32> to vector<1xf32>
        %squeeze3A_1087 = vector.extract %slice3A_1086[0] : f32 from vector<1xf32>
        %mul3A_1088 = vector.broadcast %squeeze3A_1087 : f32 to vector<16xf32>
        %mul3A_1089 = arith.mulf %mul3A_1088, %get3A_3 : vector<16xf32>
        %slice3A_1090 = vector.extract_strided_slice %mul3A_864 {offsets = [4], sizes = [1], strides = [1]} : vector<16xf32> to vector<1xf32>
        %squeeze3A_1091 = vector.extract %slice3A_1090[0] : f32 from vector<1xf32>
        %mul3A_1092 = vector.broadcast %squeeze3A_1091 : f32 to vector<16xf32>
        %mul3A_1093 = arith.mulf %mul3A_1092, %get3A_5 : vector<16xf32>
        %add3A_1094 = arith.addf %mul3A_1089, %mul3A_1093 : vector<16xf32>
        %slice3A_1095 = vector.extract_strided_slice %mul3A_865 {offsets = [4], sizes = [1], strides = [1]} : vector<16xf32> to vector<1xf32>
        %squeeze3A_1096 = vector.extract %slice3A_1095[0] : f32 from vector<1xf32>
        %mul3A_1097 = vector.broadcast %squeeze3A_1096 : f32 to vector<16xf32>
        %mul3A_1098 = arith.mulf %mul3A_1097, %get3A_7 : vector<16xf32>
        %add3A_1099 = arith.addf %add3A_1094, %mul3A_1098 : vector<16xf32>
        %slice3A_1100 = vector.extract_strided_slice %select_n3A_844 {offsets = [4], sizes = [1], strides = [1]} : vector<16xf32> to vector<1xf32>
        %squeeze3A_1101 = vector.extract %slice3A_1100[0] : f32 from vector<1xf32>
        %mul3A_1102 = vector.broadcast %squeeze3A_1101 : f32 to vector<16xf32>
        %mul3A_1103 = arith.mulf %mul3A_1102, %get3A_9 : vector<16xf32>
        %add3A_1104 = arith.addf %add3A_1099, %mul3A_1103 : vector<16xf32>
        %slice3A_1105 = vector.extract_strided_slice %select_n3A_876 {offsets = [4], sizes = [1], strides = [1]} : vector<16xf32> to vector<1xf32>
        %squeeze3A_1106 = vector.extract %slice3A_1105[0] : f32 from vector<1xf32>
        %add3A_1107 = arith.constant 4 : i32
        %add3A_1108 = arith.addi %add3A_921, %add3A_1107 : i32
        %add3A_1109 = vector.broadcast %add3A_1108 : i32 to vector<16xi32>
        %add3A_1110 = arith.addi %add3A_59, %add3A_1109 : vector<16xi32>
        tpu.vector_store_idx %arg15[%add3A_1110], %add3A_1104 : memref<24576xf32, #tpu.memory_space<vmem>>[vector<16xi32>], vector<16xf32>,
        %add3A_1111 = vector.broadcast %add3A_1108 : i32 to vector<16xi32>
        %add3A_1112 = arith.addi %add3A_62, %add3A_1111 : vector<16xi32>
        %get3A_1113 = arith.index_cast %add3A_1085 : i32 to index
        %get3A_1114 = arith.constant 0 : index
        %get3A_1115 = tpu.vector_load %arg13[%get3A_1113, %get3A_1114] {strides = array<i32>} : memref<512x32xf32, #tpu.memory_space<vmem>>, vector<16xf32>,
        %mul3A_1116 = vector.broadcast %squeeze3A_1106 : f32 to vector<16xf32>
        %mul3A_1117 = arith.mulf %get3A_1115, %mul3A_1116 : vector<16xf32>
        tpu.vector_store_idx %arg15[%add3A_1112], %mul3A_1117 : memref<24576xf32, #tpu.memory_space<vmem>>[vector<16xi32>], vector<16xf32>,
        %add3A_1118 = vector.broadcast %add3A_1108 : i32 to vector<16xi32>
        %add3A_1119 = arith.addi %add3A_65, %add3A_1118 : vector<16xi32>
        %get3A_1120 = arith.index_cast %add3A_1085 : i32 to index
        %get3A_1121 = arith.constant 16 : index
        %get3A_1122 = tpu.vector_load %arg13[%get3A_1120, %get3A_1121] {strides = array<i32>} : memref<512x32xf32, #tpu.memory_space<vmem>>, vector<16xf32>,
        %mul3A_1123 = vector.broadcast %squeeze3A_1106 : f32 to vector<16xf32>
        %mul3A_1124 = arith.mulf %get3A_1122, %mul3A_1123 : vector<16xf32>
        tpu.vector_store_idx %arg15[%add3A_1119], %mul3A_1124 : memref<24576xf32, #tpu.memory_space<vmem>>[vector<16xi32>], vector<16xf32>,
        %add3A_1125 = arith.constant 5 : i32
        %add3A_1126 = arith.addi %mul3A_831, %add3A_1125 : i32
        %slice3A_1127 = vector.extract_strided_slice %mul3A_863 {offsets = [5], sizes = [1], strides = [1]} : vector<16xf32> to vector<1xf32>
        %squeeze3A_1128 = vector.extract %slice3A_1127[0] : f32 from vector<1xf32>
        %mul3A_1129 = vector.broadcast %squeeze3A_1128 : f32 to vector<16xf32>
        %mul3A_1130 = arith.mulf %mul3A_1129, %get3A_3 : vector<16xf32>
        %slice3A_1131 = vector.extract_strided_slice %mul3A_864 {offsets = [5], sizes = [1], strides = [1]} : vector<16xf32> to vector<1xf32>
        %squeeze3A_1132 = vector.extract %slice3A_1131[0] : f32 from vector<1xf32>
        %mul3A_1133 = vector.broadcast %squeeze3A_1132 : f32 to vector<16xf32>
        %mul3A_1134 = arith.mulf %mul3A_1133, %get3A_5 : vector<16xf32>
        %add3A_1135 = arith.addf %mul3A_1130, %mul3A_1134 : vector<16xf32>
        %slice3A_1136 = vector.extract_strided_slice %mul3A_865 {offsets = [5], sizes = [1], strides = [1]} : vector<16xf32> to vector<1xf32>
        %squeeze3A_1137 = vector.extract %slice3A_1136[0] : f32 from vector<1xf32>
        %mul3A_1138 = vector.broadcast %squeeze3A_1137 : f32 to vector<16xf32>
        %mul3A_1139 = arith.mulf %mul3A_1138, %get3A_7 : vector<16xf32>
        %add3A_1140 = arith.addf %add3A_1135, %mul3A_1139 : vector<16xf32>
        %slice3A_1141 = vector.extract_strided_slice %select_n3A_844 {offsets = [5], sizes = [1], strides = [1]} : vector<16xf32> to vector<1xf32>
        %squeeze3A_1142 = vector.extract %slice3A_1141[0] : f32 from vector<1xf32>
        %mul3A_1143 = vector.broadcast %squeeze3A_1142 : f32 to vector<16xf32>
        %mul3A_1144 = arith.mulf %mul3A_1143, %get3A_9 : vector<16xf32>
        %add3A_1145 = arith.addf %add3A_1140, %mul3A_1144 : vector<16xf32>
        %slice3A_1146 = vector.extract_strided_slice %select_n3A_876 {offsets = [5], sizes = [1], strides = [1]} : vector<16xf32> to vector<1xf32>
        %squeeze3A_1147 = vector.extract %slice3A_1146[0] : f32 from vector<1xf32>
        %add3A_1148 = arith.constant 5 : i32
        %add3A_1149 = arith.addi %add3A_921, %add3A_1148 : i32
        %add3A_1150 = vector.broadcast %add3A_1149 : i32 to vector<16xi32>
        %add3A_1151 = arith.addi %add3A_59, %add3A_1150 : vector<16xi32>
        tpu.vector_store_idx %arg15[%add3A_1151], %add3A_1145 : memref<24576xf32, #tpu.memory_space<vmem>>[vector<16xi32>], vector<16xf32>,
        %add3A_1152 = vector.broadcast %add3A_1149 : i32 to vector<16xi32>
        %add3A_1153 = arith.addi %add3A_62, %add3A_1152 : vector<16xi32>
        %get3A_1154 = arith.index_cast %add3A_1126 : i32 to index
        %get3A_1155 = arith.constant 0 : index
        %get3A_1156 = tpu.vector_load %arg13[%get3A_1154, %get3A_1155] {strides = array<i32>} : memref<512x32xf32, #tpu.memory_space<vmem>>, vector<16xf32>,
        %mul3A_1157 = vector.broadcast %squeeze3A_1147 : f32 to vector<16xf32>
        %mul3A_1158 = arith.mulf %get3A_1156, %mul3A_1157 : vector<16xf32>
        tpu.vector_store_idx %arg15[%add3A_1153], %mul3A_1158 : memref<24576xf32, #tpu.memory_space<vmem>>[vector<16xi32>], vector<16xf32>,
        %add3A_1159 = vector.broadcast %add3A_1149 : i32 to vector<16xi32>
        %add3A_1160 = arith.addi %add3A_65, %add3A_1159 : vector<16xi32>
        %get3A_1161 = arith.index_cast %add3A_1126 : i32 to index
        %get3A_1162 = arith.constant 16 : index
        %get3A_1163 = tpu.vector_load %arg13[%get3A_1161, %get3A_1162] {strides = array<i32>} : memref<512x32xf32, #tpu.memory_space<vmem>>, vector<16xf32>,
        %mul3A_1164 = vector.broadcast %squeeze3A_1147 : f32 to vector<16xf32>
        %mul3A_1165 = arith.mulf %get3A_1163, %mul3A_1164 : vector<16xf32>
        tpu.vector_store_idx %arg15[%add3A_1160], %mul3A_1165 : memref<24576xf32, #tpu.memory_space<vmem>>[vector<16xi32>], vector<16xf32>,
        %add3A_1166 = arith.constant 6 : i32
        %add3A_1167 = arith.addi %mul3A_831, %add3A_1166 : i32
        %slice3A_1168 = vector.extract_strided_slice %mul3A_863 {offsets = [6], sizes = [1], strides = [1]} : vector<16xf32> to vector<1xf32>
        %squeeze3A_1169 = vector.extract %slice3A_1168[0] : f32 from vector<1xf32>
        %mul3A_1170 = vector.broadcast %squeeze3A_1169 : f32 to vector<16xf32>
        %mul3A_1171 = arith.mulf %mul3A_1170, %get3A_3 : vector<16xf32>
        %slice3A_1172 = vector.extract_strided_slice %mul3A_864 {offsets = [6], sizes = [1], strides = [1]} : vector<16xf32> to vector<1xf32>
        %squeeze3A_1173 = vector.extract %slice3A_1172[0] : f32 from vector<1xf32>
        %mul3A_1174 = vector.broadcast %squeeze3A_1173 : f32 to vector<16xf32>
        %mul3A_1175 = arith.mulf %mul3A_1174, %get3A_5 : vector<16xf32>
        %add3A_1176 = arith.addf %mul3A_1171, %mul3A_1175 : vector<16xf32>
        %slice3A_1177 = vector.extract_strided_slice %mul3A_865 {offsets = [6], sizes = [1], strides = [1]} : vector<16xf32> to vector<1xf32>
        %squeeze3A_1178 = vector.extract %slice3A_1177[0] : f32 from vector<1xf32>
        %mul3A_1179 = vector.broadcast %squeeze3A_1178 : f32 to vector<16xf32>
        %mul3A_1180 = arith.mulf %mul3A_1179, %get3A_7 : vector<16xf32>
        %add3A_1181 = arith.addf %add3A_1176, %mul3A_1180 : vector<16xf32>
        %slice3A_1182 = vector.extract_strided_slice %select_n3A_844 {offsets = [6], sizes = [1], strides = [1]} : vector<16xf32> to vector<1xf32>
        %squeeze3A_1183 = vector.extract %slice3A_1182[0] : f32 from vector<1xf32>
        %mul3A_1184 = vector.broadcast %squeeze3A_1183 : f32 to vector<16xf32>
        %mul3A_1185 = arith.mulf %mul3A_1184, %get3A_9 : vector<16xf32>
        %add3A_1186 = arith.addf %add3A_1181, %mul3A_1185 : vector<16xf32>
        %slice3A_1187 = vector.extract_strided_slice %select_n3A_876 {offsets = [6], sizes = [1], strides = [1]} : vector<16xf32> to vector<1xf32>
        %squeeze3A_1188 = vector.extract %slice3A_1187[0] : f32 from vector<1xf32>
        %add3A_1189 = arith.constant 6 : i32
        %add3A_1190 = arith.addi %add3A_921, %add3A_1189 : i32
        %add3A_1191 = vector.broadcast %add3A_1190 : i32 to vector<16xi32>
        %add3A_1192 = arith.addi %add3A_59, %add3A_1191 : vector<16xi32>
        tpu.vector_store_idx %arg15[%add3A_1192], %add3A_1186 : memref<24576xf32, #tpu.memory_space<vmem>>[vector<16xi32>], vector<16xf32>,
        %add3A_1193 = vector.broadcast %add3A_1190 : i32 to vector<16xi32>
        %add3A_1194 = arith.addi %add3A_62, %add3A_1193 : vector<16xi32>
        %get3A_1195 = arith.index_cast %add3A_1167 : i32 to index
        %get3A_1196 = arith.constant 0 : index
        %get3A_1197 = tpu.vector_load %arg13[%get3A_1195, %get3A_1196] {strides = array<i32>} : memref<512x32xf32, #tpu.memory_space<vmem>>, vector<16xf32>,
        %mul3A_1198 = vector.broadcast %squeeze3A_1188 : f32 to vector<16xf32>
        %mul3A_1199 = arith.mulf %get3A_1197, %mul3A_1198 : vector<16xf32>
        tpu.vector_store_idx %arg15[%add3A_1194], %mul3A_1199 : memref<24576xf32, #tpu.memory_space<vmem>>[vector<16xi32>], vector<16xf32>,
        %add3A_1200 = vector.broadcast %add3A_1190 : i32 to vector<16xi32>
        %add3A_1201 = arith.addi %add3A_65, %add3A_1200 : vector<16xi32>
        %get3A_1202 = arith.index_cast %add3A_1167 : i32 to index
        %get3A_1203 = arith.constant 16 : index
        %get3A_1204 = tpu.vector_load %arg13[%get3A_1202, %get3A_1203] {strides = array<i32>} : memref<512x32xf32, #tpu.memory_space<vmem>>, vector<16xf32>,
        %mul3A_1205 = vector.broadcast %squeeze3A_1188 : f32 to vector<16xf32>
        %mul3A_1206 = arith.mulf %get3A_1204, %mul3A_1205 : vector<16xf32>
        tpu.vector_store_idx %arg15[%add3A_1201], %mul3A_1206 : memref<24576xf32, #tpu.memory_space<vmem>>[vector<16xi32>], vector<16xf32>,
        %add3A_1207 = arith.constant 7 : i32
        %add3A_1208 = arith.addi %mul3A_831, %add3A_1207 : i32
        %slice3A_1209 = vector.extract_strided_slice %mul3A_863 {offsets = [7], sizes = [1], strides = [1]} : vector<16xf32> to vector<1xf32>
        %squeeze3A_1210 = vector.extract %slice3A_1209[0] : f32 from vector<1xf32>
        %mul3A_1211 = vector.broadcast %squeeze3A_1210 : f32 to vector<16xf32>
        %mul3A_1212 = arith.mulf %mul3A_1211, %get3A_3 : vector<16xf32>
        %slice3A_1213 = vector.extract_strided_slice %mul3A_864 {offsets = [7], sizes = [1], strides = [1]} : vector<16xf32> to vector<1xf32>
        %squeeze3A_1214 = vector.extract %slice3A_1213[0] : f32 from vector<1xf32>
        %mul3A_1215 = vector.broadcast %squeeze3A_1214 : f32 to vector<16xf32>
        %mul3A_1216 = arith.mulf %mul3A_1215, %get3A_5 : vector<16xf32>
        %add3A_1217 = arith.addf %mul3A_1212, %mul3A_1216 : vector<16xf32>
        %slice3A_1218 = vector.extract_strided_slice %mul3A_865 {offsets = [7], sizes = [1], strides = [1]} : vector<16xf32> to vector<1xf32>
        %squeeze3A_1219 = vector.extract %slice3A_1218[0] : f32 from vector<1xf32>
        %mul3A_1220 = vector.broadcast %squeeze3A_1219 : f32 to vector<16xf32>
        %mul3A_1221 = arith.mulf %mul3A_1220, %get3A_7 : vector<16xf32>
        %add3A_1222 = arith.addf %add3A_1217, %mul3A_1221 : vector<16xf32>
        %slice3A_1223 = vector.extract_strided_slice %select_n3A_844 {offsets = [7], sizes = [1], strides = [1]} : vector<16xf32> to vector<1xf32>
        %squeeze3A_1224 = vector.extract %slice3A_1223[0] : f32 from vector<1xf32>
        %mul3A_1225 = vector.broadcast %squeeze3A_1224 : f32 to vector<16xf32>
        %mul3A_1226 = arith.mulf %mul3A_1225, %get3A_9 : vector<16xf32>
        %add3A_1227 = arith.addf %add3A_1222, %mul3A_1226 : vector<16xf32>
        %slice3A_1228 = vector.extract_strided_slice %select_n3A_876 {offsets = [7], sizes = [1], strides = [1]} : vector<16xf32> to vector<1xf32>
        %squeeze3A_1229 = vector.extract %slice3A_1228[0] : f32 from vector<1xf32>
        %add3A_1230 = arith.constant 7 : i32
        %add3A_1231 = arith.addi %add3A_921, %add3A_1230 : i32
        %add3A_1232 = vector.broadcast %add3A_1231 : i32 to vector<16xi32>
        %add3A_1233 = arith.addi %add3A_59, %add3A_1232 : vector<16xi32>
        tpu.vector_store_idx %arg15[%add3A_1233], %add3A_1227 : memref<24576xf32, #tpu.memory_space<vmem>>[vector<16xi32>], vector<16xf32>,
        %add3A_1234 = vector.broadcast %add3A_1231 : i32 to vector<16xi32>
        %add3A_1235 = arith.addi %add3A_62, %add3A_1234 : vector<16xi32>
        %get3A_1236 = arith.index_cast %add3A_1208 : i32 to index
        %get3A_1237 = arith.constant 0 : index
        %get3A_1238 = tpu.vector_load %arg13[%get3A_1236, %get3A_1237] {strides = array<i32>} : memref<512x32xf32, #tpu.memory_space<vmem>>, vector<16xf32>,
        %mul3A_1239 = vector.broadcast %squeeze3A_1229 : f32 to vector<16xf32>
        %mul3A_1240 = arith.mulf %get3A_1238, %mul3A_1239 : vector<16xf32>
        tpu.vector_store_idx %arg15[%add3A_1235], %mul3A_1240 : memref<24576xf32, #tpu.memory_space<vmem>>[vector<16xi32>], vector<16xf32>,
        %add3A_1241 = vector.broadcast %add3A_1231 : i32 to vector<16xi32>
        %add3A_1242 = arith.addi %add3A_65, %add3A_1241 : vector<16xi32>
        %get3A_1243 = arith.index_cast %add3A_1208 : i32 to index
        %get3A_1244 = arith.constant 16 : index
        %get3A_1245 = tpu.vector_load %arg13[%get3A_1243, %get3A_1244] {strides = array<i32>} : memref<512x32xf32, #tpu.memory_space<vmem>>, vector<16xf32>,
        %mul3A_1246 = vector.broadcast %squeeze3A_1229 : f32 to vector<16xf32>
        %mul3A_1247 = arith.mulf %get3A_1245, %mul3A_1246 : vector<16xf32>
        tpu.vector_store_idx %arg15[%add3A_1242], %mul3A_1247 : memref<24576xf32, #tpu.memory_space<vmem>>[vector<16xi32>], vector<16xf32>,
        %add3A_1248 = arith.constant 8 : i32
        %add3A_1249 = arith.addi %mul3A_831, %add3A_1248 : i32
        %slice3A_1250 = vector.extract_strided_slice %mul3A_863 {offsets = [8], sizes = [1], strides = [1]} : vector<16xf32> to vector<1xf32>
        %squeeze3A_1251 = vector.extract %slice3A_1250[0] : f32 from vector<1xf32>
        %mul3A_1252 = vector.broadcast %squeeze3A_1251 : f32 to vector<16xf32>
        %mul3A_1253 = arith.mulf %mul3A_1252, %get3A_3 : vector<16xf32>
        %slice3A_1254 = vector.extract_strided_slice %mul3A_864 {offsets = [8], sizes = [1], strides = [1]} : vector<16xf32> to vector<1xf32>
        %squeeze3A_1255 = vector.extract %slice3A_1254[0] : f32 from vector<1xf32>
        %mul3A_1256 = vector.broadcast %squeeze3A_1255 : f32 to vector<16xf32>
        %mul3A_1257 = arith.mulf %mul3A_1256, %get3A_5 : vector<16xf32>
        %add3A_1258 = arith.addf %mul3A_1253, %mul3A_1257 : vector<16xf32>
        %slice3A_1259 = vector.extract_strided_slice %mul3A_865 {offsets = [8], sizes = [1], strides = [1]} : vector<16xf32> to vector<1xf32>
        %squeeze3A_1260 = vector.extract %slice3A_1259[0] : f32 from vector<1xf32>
        %mul3A_1261 = vector.broadcast %squeeze3A_1260 : f32 to vector<16xf32>
        %mul3A_1262 = arith.mulf %mul3A_1261, %get3A_7 : vector<16xf32>
        %add3A_1263 = arith.addf %add3A_1258, %mul3A_1262 : vector<16xf32>
        %slice3A_1264 = vector.extract_strided_slice %select_n3A_844 {offsets = [8], sizes = [1], strides = [1]} : vector<16xf32> to vector<1xf32>
        %squeeze3A_1265 = vector.extract %slice3A_1264[0] : f32 from vector<1xf32>
        %mul3A_1266 = vector.broadcast %squeeze3A_1265 : f32 to vector<16xf32>
        %mul3A_1267 = arith.mulf %mul3A_1266, %get3A_9 : vector<16xf32>
        %add3A_1268 = arith.addf %add3A_1263, %mul3A_1267 : vector<16xf32>
        %slice3A_1269 = vector.extract_strided_slice %select_n3A_876 {offsets = [8], sizes = [1], strides = [1]} : vector<16xf32> to vector<1xf32>
        %squeeze3A_1270 = vector.extract %slice3A_1269[0] : f32 from vector<1xf32>
        %add3A_1271 = arith.constant 8 : i32
        %add3A_1272 = arith.addi %add3A_921, %add3A_1271 : i32
        %add3A_1273 = vector.broadcast %add3A_1272 : i32 to vector<16xi32>
        %add3A_1274 = arith.addi %add3A_59, %add3A_1273 : vector<16xi32>
        tpu.vector_store_idx %arg15[%add3A_1274], %add3A_1268 : memref<24576xf32, #tpu.memory_space<vmem>>[vector<16xi32>], vector<16xf32>,
        %add3A_1275 = vector.broadcast %add3A_1272 : i32 to vector<16xi32>
        %add3A_1276 = arith.addi %add3A_62, %add3A_1275 : vector<16xi32>
        %get3A_1277 = arith.index_cast %add3A_1249 : i32 to index
        %get3A_1278 = arith.constant 0 : index
        %get3A_1279 = tpu.vector_load %arg13[%get3A_1277, %get3A_1278] {strides = array<i32>} : memref<512x32xf32, #tpu.memory_space<vmem>>, vector<16xf32>,
        %mul3A_1280 = vector.broadcast %squeeze3A_1270 : f32 to vector<16xf32>
        %mul3A_1281 = arith.mulf %get3A_1279, %mul3A_1280 : vector<16xf32>
        tpu.vector_store_idx %arg15[%add3A_1276], %mul3A_1281 : memref<24576xf32, #tpu.memory_space<vmem>>[vector<16xi32>], vector<16xf32>,
        %add3A_1282 = vector.broadcast %add3A_1272 : i32 to vector<16xi32>
        %add3A_1283 = arith.addi %add3A_65, %add3A_1282 : vector<16xi32>
        %get3A_1284 = arith.index_cast %add3A_1249 : i32 to index
        %get3A_1285 = arith.constant 16 : index
        %get3A_1286 = tpu.vector_load %arg13[%get3A_1284, %get3A_1285] {strides = array<i32>} : memref<512x32xf32, #tpu.memory_space<vmem>>, vector<16xf32>,
        %mul3A_1287 = vector.broadcast %squeeze3A_1270 : f32 to vector<16xf32>
        %mul3A_1288 = arith.mulf %get3A_1286, %mul3A_1287 : vector<16xf32>
        tpu.vector_store_idx %arg15[%add3A_1283], %mul3A_1288 : memref<24576xf32, #tpu.memory_space<vmem>>[vector<16xi32>], vector<16xf32>,
        %add3A_1289 = arith.constant 9 : i32
        %add3A_1290 = arith.addi %mul3A_831, %add3A_1289 : i32
        %slice3A_1291 = vector.extract_strided_slice %mul3A_863 {offsets = [9], sizes = [1], strides = [1]} : vector<16xf32> to vector<1xf32>
        %squeeze3A_1292 = vector.extract %slice3A_1291[0] : f32 from vector<1xf32>
        %mul3A_1293 = vector.broadcast %squeeze3A_1292 : f32 to vector<16xf32>
        %mul3A_1294 = arith.mulf %mul3A_1293, %get3A_3 : vector<16xf32>
        %slice3A_1295 = vector.extract_strided_slice %mul3A_864 {offsets = [9], sizes = [1], strides = [1]} : vector<16xf32> to vector<1xf32>
        %squeeze3A_1296 = vector.extract %slice3A_1295[0] : f32 from vector<1xf32>
        %mul3A_1297 = vector.broadcast %squeeze3A_1296 : f32 to vector<16xf32>
        %mul3A_1298 = arith.mulf %mul3A_1297, %get3A_5 : vector<16xf32>
        %add3A_1299 = arith.addf %mul3A_1294, %mul3A_1298 : vector<16xf32>
        %slice3A_1300 = vector.extract_strided_slice %mul3A_865 {offsets = [9], sizes = [1], strides = [1]} : vector<16xf32> to vector<1xf32>
        %squeeze3A_1301 = vector.extract %slice3A_1300[0] : f32 from vector<1xf32>
        %mul3A_1302 = vector.broadcast %squeeze3A_1301 : f32 to vector<16xf32>
        %mul3A_1303 = arith.mulf %mul3A_1302, %get3A_7 : vector<16xf32>
        %add3A_1304 = arith.addf %add3A_1299, %mul3A_1303 : vector<16xf32>
        %slice3A_1305 = vector.extract_strided_slice %select_n3A_844 {offsets = [9], sizes = [1], strides = [1]} : vector<16xf32> to vector<1xf32>
        %squeeze3A_1306 = vector.extract %slice3A_1305[0] : f32 from vector<1xf32>
        %mul3A_1307 = vector.broadcast %squeeze3A_1306 : f32 to vector<16xf32>
        %mul3A_1308 = arith.mulf %mul3A_1307, %get3A_9 : vector<16xf32>
        %add3A_1309 = arith.addf %add3A_1304, %mul3A_1308 : vector<16xf32>
        %slice3A_1310 = vector.extract_strided_slice %select_n3A_876 {offsets = [9], sizes = [1], strides = [1]} : vector<16xf32> to vector<1xf32>
        %squeeze3A_1311 = vector.extract %slice3A_1310[0] : f32 from vector<1xf32>
        %add3A_1312 = arith.constant 9 : i32
        %add3A_1313 = arith.addi %add3A_921, %add3A_1312 : i32
        %add3A_1314 = vector.broadcast %add3A_1313 : i32 to vector<16xi32>
        %add3A_1315 = arith.addi %add3A_59, %add3A_1314 : vector<16xi32>
        tpu.vector_store_idx %arg15[%add3A_1315], %add3A_1309 : memref<24576xf32, #tpu.memory_space<vmem>>[vector<16xi32>], vector<16xf32>,
        %add3A_1316 = vector.broadcast %add3A_1313 : i32 to vector<16xi32>
        %add3A_1317 = arith.addi %add3A_62, %add3A_1316 : vector<16xi32>
        %get3A_1318 = arith.index_cast %add3A_1290 : i32 to index
        %get3A_1319 = arith.constant 0 : index
        %get3A_1320 = tpu.vector_load %arg13[%get3A_1318, %get3A_1319] {strides = array<i32>} : memref<512x32xf32, #tpu.memory_space<vmem>>, vector<16xf32>,
        %mul3A_1321 = vector.broadcast %squeeze3A_1311 : f32 to vector<16xf32>
        %mul3A_1322 = arith.mulf %get3A_1320, %mul3A_1321 : vector<16xf32>
        tpu.vector_store_idx %arg15[%add3A_1317], %mul3A_1322 : memref<24576xf32, #tpu.memory_space<vmem>>[vector<16xi32>], vector<16xf32>,
        %add3A_1323 = vector.broadcast %add3A_1313 : i32 to vector<16xi32>
        %add3A_1324 = arith.addi %add3A_65, %add3A_1323 : vector<16xi32>
        %get3A_1325 = arith.index_cast %add3A_1290 : i32 to index
        %get3A_1326 = arith.constant 16 : index
        %get3A_1327 = tpu.vector_load %arg13[%get3A_1325, %get3A_1326] {strides = array<i32>} : memref<512x32xf32, #tpu.memory_space<vmem>>, vector<16xf32>,
        %mul3A_1328 = vector.broadcast %squeeze3A_1311 : f32 to vector<16xf32>
        %mul3A_1329 = arith.mulf %get3A_1327, %mul3A_1328 : vector<16xf32>
        tpu.vector_store_idx %arg15[%add3A_1324], %mul3A_1329 : memref<24576xf32, #tpu.memory_space<vmem>>[vector<16xi32>], vector<16xf32>,
        %add3A_1330 = arith.constant 10 : i32
        %add3A_1331 = arith.addi %mul3A_831, %add3A_1330 : i32
        %slice3A_1332 = vector.extract_strided_slice %mul3A_863 {offsets = [10], sizes = [1], strides = [1]} : vector<16xf32> to vector<1xf32>
        %squeeze3A_1333 = vector.extract %slice3A_1332[0] : f32 from vector<1xf32>
        %mul3A_1334 = vector.broadcast %squeeze3A_1333 : f32 to vector<16xf32>
        %mul3A_1335 = arith.mulf %mul3A_1334, %get3A_3 : vector<16xf32>
        %slice3A_1336 = vector.extract_strided_slice %mul3A_864 {offsets = [10], sizes = [1], strides = [1]} : vector<16xf32> to vector<1xf32>
        %squeeze3A_1337 = vector.extract %slice3A_1336[0] : f32 from vector<1xf32>
        %mul3A_1338 = vector.broadcast %squeeze3A_1337 : f32 to vector<16xf32>
        %mul3A_1339 = arith.mulf %mul3A_1338, %get3A_5 : vector<16xf32>
        %add3A_1340 = arith.addf %mul3A_1335, %mul3A_1339 : vector<16xf32>
        %slice3A_1341 = vector.extract_strided_slice %mul3A_865 {offsets = [10], sizes = [1], strides = [1]} : vector<16xf32> to vector<1xf32>
        %squeeze3A_1342 = vector.extract %slice3A_1341[0] : f32 from vector<1xf32>
        %mul3A_1343 = vector.broadcast %squeeze3A_1342 : f32 to vector<16xf32>
        %mul3A_1344 = arith.mulf %mul3A_1343, %get3A_7 : vector<16xf32>
        %add3A_1345 = arith.addf %add3A_1340, %mul3A_1344 : vector<16xf32>
        %slice3A_1346 = vector.extract_strided_slice %select_n3A_844 {offsets = [10], sizes = [1], strides = [1]} : vector<16xf32> to vector<1xf32>
        %squeeze3A_1347 = vector.extract %slice3A_1346[0] : f32 from vector<1xf32>
        %mul3A_1348 = vector.broadcast %squeeze3A_1347 : f32 to vector<16xf32>
        %mul3A_1349 = arith.mulf %mul3A_1348, %get3A_9 : vector<16xf32>
        %add3A_1350 = arith.addf %add3A_1345, %mul3A_1349 : vector<16xf32>
        %slice3A_1351 = vector.extract_strided_slice %select_n3A_876 {offsets = [10], sizes = [1], strides = [1]} : vector<16xf32> to vector<1xf32>
        %squeeze3A_1352 = vector.extract %slice3A_1351[0] : f32 from vector<1xf32>
        %add3A_1353 = arith.constant 10 : i32
        %add3A_1354 = arith.addi %add3A_921, %add3A_1353 : i32
        %add3A_1355 = vector.broadcast %add3A_1354 : i32 to vector<16xi32>
        %add3A_1356 = arith.addi %add3A_59, %add3A_1355 : vector<16xi32>
        tpu.vector_store_idx %arg15[%add3A_1356], %add3A_1350 : memref<24576xf32, #tpu.memory_space<vmem>>[vector<16xi32>], vector<16xf32>,
        %add3A_1357 = vector.broadcast %add3A_1354 : i32 to vector<16xi32>
        %add3A_1358 = arith.addi %add3A_62, %add3A_1357 : vector<16xi32>
        %get3A_1359 = arith.index_cast %add3A_1331 : i32 to index
        %get3A_1360 = arith.constant 0 : index
        %get3A_1361 = tpu.vector_load %arg13[%get3A_1359, %get3A_1360] {strides = array<i32>} : memref<512x32xf32, #tpu.memory_space<vmem>>, vector<16xf32>,
        %mul3A_1362 = vector.broadcast %squeeze3A_1352 : f32 to vector<16xf32>
        %mul3A_1363 = arith.mulf %get3A_1361, %mul3A_1362 : vector<16xf32>
        tpu.vector_store_idx %arg15[%add3A_1358], %mul3A_1363 : memref<24576xf32, #tpu.memory_space<vmem>>[vector<16xi32>], vector<16xf32>,
        %add3A_1364 = vector.broadcast %add3A_1354 : i32 to vector<16xi32>
        %add3A_1365 = arith.addi %add3A_65, %add3A_1364 : vector<16xi32>
        %get3A_1366 = arith.index_cast %add3A_1331 : i32 to index
        %get3A_1367 = arith.constant 16 : index
        %get3A_1368 = tpu.vector_load %arg13[%get3A_1366, %get3A_1367] {strides = array<i32>} : memref<512x32xf32, #tpu.memory_space<vmem>>, vector<16xf32>,
        %mul3A_1369 = vector.broadcast %squeeze3A_1352 : f32 to vector<16xf32>
        %mul3A_1370 = arith.mulf %get3A_1368, %mul3A_1369 : vector<16xf32>
        tpu.vector_store_idx %arg15[%add3A_1365], %mul3A_1370 : memref<24576xf32, #tpu.memory_space<vmem>>[vector<16xi32>], vector<16xf32>,
        %add3A_1371 = arith.constant 11 : i32
        %add3A_1372 = arith.addi %mul3A_831, %add3A_1371 : i32
        %slice3A_1373 = vector.extract_strided_slice %mul3A_863 {offsets = [11], sizes = [1], strides = [1]} : vector<16xf32> to vector<1xf32>
        %squeeze3A_1374 = vector.extract %slice3A_1373[0] : f32 from vector<1xf32>
        %mul3A_1375 = vector.broadcast %squeeze3A_1374 : f32 to vector<16xf32>
        %mul3A_1376 = arith.mulf %mul3A_1375, %get3A_3 : vector<16xf32>
        %slice3A_1377 = vector.extract_strided_slice %mul3A_864 {offsets = [11], sizes = [1], strides = [1]} : vector<16xf32> to vector<1xf32>
        %squeeze3A_1378 = vector.extract %slice3A_1377[0] : f32 from vector<1xf32>
        %mul3A_1379 = vector.broadcast %squeeze3A_1378 : f32 to vector<16xf32>
        %mul3A_1380 = arith.mulf %mul3A_1379, %get3A_5 : vector<16xf32>
        %add3A_1381 = arith.addf %mul3A_1376, %mul3A_1380 : vector<16xf32>
        %slice3A_1382 = vector.extract_strided_slice %mul3A_865 {offsets = [11], sizes = [1], strides = [1]} : vector<16xf32> to vector<1xf32>
        %squeeze3A_1383 = vector.extract %slice3A_1382[0] : f32 from vector<1xf32>
        %mul3A_1384 = vector.broadcast %squeeze3A_1383 : f32 to vector<16xf32>
        %mul3A_1385 = arith.mulf %mul3A_1384, %get3A_7 : vector<16xf32>
        %add3A_1386 = arith.addf %add3A_1381, %mul3A_1385 : vector<16xf32>
        %slice3A_1387 = vector.extract_strided_slice %select_n3A_844 {offsets = [11], sizes = [1], strides = [1]} : vector<16xf32> to vector<1xf32>
        %squeeze3A_1388 = vector.extract %slice3A_1387[0] : f32 from vector<1xf32>
        %mul3A_1389 = vector.broadcast %squeeze3A_1388 : f32 to vector<16xf32>
        %mul3A_1390 = arith.mulf %mul3A_1389, %get3A_9 : vector<16xf32>
        %add3A_1391 = arith.addf %add3A_1386, %mul3A_1390 : vector<16xf32>
        %slice3A_1392 = vector.extract_strided_slice %select_n3A_876 {offsets = [11], sizes = [1], strides = [1]} : vector<16xf32> to vector<1xf32>
        %squeeze3A_1393 = vector.extract %slice3A_1392[0] : f32 from vector<1xf32>
        %add3A_1394 = arith.constant 11 : i32
        %add3A_1395 = arith.addi %add3A_921, %add3A_1394 : i32
        %add3A_1396 = vector.broadcast %add3A_1395 : i32 to vector<16xi32>
        %add3A_1397 = arith.addi %add3A_59, %add3A_1396 : vector<16xi32>
        tpu.vector_store_idx %arg15[%add3A_1397], %add3A_1391 : memref<24576xf32, #tpu.memory_space<vmem>>[vector<16xi32>], vector<16xf32>,
        %add3A_1398 = vector.broadcast %add3A_1395 : i32 to vector<16xi32>
        %add3A_1399 = arith.addi %add3A_62, %add3A_1398 : vector<16xi32>
        %get3A_1400 = arith.index_cast %add3A_1372 : i32 to index
        %get3A_1401 = arith.constant 0 : index
        %get3A_1402 = tpu.vector_load %arg13[%get3A_1400, %get3A_1401] {strides = array<i32>} : memref<512x32xf32, #tpu.memory_space<vmem>>, vector<16xf32>,
        %mul3A_1403 = vector.broadcast %squeeze3A_1393 : f32 to vector<16xf32>
        %mul3A_1404 = arith.mulf %get3A_1402, %mul3A_1403 : vector<16xf32>
        tpu.vector_store_idx %arg15[%add3A_1399], %mul3A_1404 : memref<24576xf32, #tpu.memory_space<vmem>>[vector<16xi32>], vector<16xf32>,
        %add3A_1405 = vector.broadcast %add3A_1395 : i32 to vector<16xi32>
        %add3A_1406 = arith.addi %add3A_65, %add3A_1405 : vector<16xi32>
        %get3A_1407 = arith.index_cast %add3A_1372 : i32 to index
        %get3A_1408 = arith.constant 16 : index
        %get3A_1409 = tpu.vector_load %arg13[%get3A_1407, %get3A_1408] {strides = array<i32>} : memref<512x32xf32, #tpu.memory_space<vmem>>, vector<16xf32>,
        %mul3A_1410 = vector.broadcast %squeeze3A_1393 : f32 to vector<16xf32>
        %mul3A_1411 = arith.mulf %get3A_1409, %mul3A_1410 : vector<16xf32>
        tpu.vector_store_idx %arg15[%add3A_1406], %mul3A_1411 : memref<24576xf32, #tpu.memory_space<vmem>>[vector<16xi32>], vector<16xf32>,
        %add3A_1412 = arith.constant 12 : i32
        %add3A_1413 = arith.addi %mul3A_831, %add3A_1412 : i32
        %slice3A_1414 = vector.extract_strided_slice %mul3A_863 {offsets = [12], sizes = [1], strides = [1]} : vector<16xf32> to vector<1xf32>
        %squeeze3A_1415 = vector.extract %slice3A_1414[0] : f32 from vector<1xf32>
        %mul3A_1416 = vector.broadcast %squeeze3A_1415 : f32 to vector<16xf32>
        %mul3A_1417 = arith.mulf %mul3A_1416, %get3A_3 : vector<16xf32>
        %slice3A_1418 = vector.extract_strided_slice %mul3A_864 {offsets = [12], sizes = [1], strides = [1]} : vector<16xf32> to vector<1xf32>
        %squeeze3A_1419 = vector.extract %slice3A_1418[0] : f32 from vector<1xf32>
        %mul3A_1420 = vector.broadcast %squeeze3A_1419 : f32 to vector<16xf32>
        %mul3A_1421 = arith.mulf %mul3A_1420, %get3A_5 : vector<16xf32>
        %add3A_1422 = arith.addf %mul3A_1417, %mul3A_1421 : vector<16xf32>
        %slice3A_1423 = vector.extract_strided_slice %mul3A_865 {offsets = [12], sizes = [1], strides = [1]} : vector<16xf32> to vector<1xf32>
        %squeeze3A_1424 = vector.extract %slice3A_1423[0] : f32 from vector<1xf32>
        %mul3A_1425 = vector.broadcast %squeeze3A_1424 : f32 to vector<16xf32>
        %mul3A_1426 = arith.mulf %mul3A_1425, %get3A_7 : vector<16xf32>
        %add3A_1427 = arith.addf %add3A_1422, %mul3A_1426 : vector<16xf32>
        %slice3A_1428 = vector.extract_strided_slice %select_n3A_844 {offsets = [12], sizes = [1], strides = [1]} : vector<16xf32> to vector<1xf32>
        %squeeze3A_1429 = vector.extract %slice3A_1428[0] : f32 from vector<1xf32>
        %mul3A_1430 = vector.broadcast %squeeze3A_1429 : f32 to vector<16xf32>
        %mul3A_1431 = arith.mulf %mul3A_1430, %get3A_9 : vector<16xf32>
        %add3A_1432 = arith.addf %add3A_1427, %mul3A_1431 : vector<16xf32>
        %slice3A_1433 = vector.extract_strided_slice %select_n3A_876 {offsets = [12], sizes = [1], strides = [1]} : vector<16xf32> to vector<1xf32>
        %squeeze3A_1434 = vector.extract %slice3A_1433[0] : f32 from vector<1xf32>
        %add3A_1435 = arith.constant 12 : i32
        %add3A_1436 = arith.addi %add3A_921, %add3A_1435 : i32
        %add3A_1437 = vector.broadcast %add3A_1436 : i32 to vector<16xi32>
        %add3A_1438 = arith.addi %add3A_59, %add3A_1437 : vector<16xi32>
        tpu.vector_store_idx %arg15[%add3A_1438], %add3A_1432 : memref<24576xf32, #tpu.memory_space<vmem>>[vector<16xi32>], vector<16xf32>,
        %add3A_1439 = vector.broadcast %add3A_1436 : i32 to vector<16xi32>
        %add3A_1440 = arith.addi %add3A_62, %add3A_1439 : vector<16xi32>
        %get3A_1441 = arith.index_cast %add3A_1413 : i32 to index
        %get3A_1442 = arith.constant 0 : index
        %get3A_1443 = tpu.vector_load %arg13[%get3A_1441, %get3A_1442] {strides = array<i32>} : memref<512x32xf32, #tpu.memory_space<vmem>>, vector<16xf32>,
        %mul3A_1444 = vector.broadcast %squeeze3A_1434 : f32 to vector<16xf32>
        %mul3A_1445 = arith.mulf %get3A_1443, %mul3A_1444 : vector<16xf32>
        tpu.vector_store_idx %arg15[%add3A_1440], %mul3A_1445 : memref<24576xf32, #tpu.memory_space<vmem>>[vector<16xi32>], vector<16xf32>,
        %add3A_1446 = vector.broadcast %add3A_1436 : i32 to vector<16xi32>
        %add3A_1447 = arith.addi %add3A_65, %add3A_1446 : vector<16xi32>
        %get3A_1448 = arith.index_cast %add3A_1413 : i32 to index
        %get3A_1449 = arith.constant 16 : index
        %get3A_1450 = tpu.vector_load %arg13[%get3A_1448, %get3A_1449] {strides = array<i32>} : memref<512x32xf32, #tpu.memory_space<vmem>>, vector<16xf32>,
        %mul3A_1451 = vector.broadcast %squeeze3A_1434 : f32 to vector<16xf32>
        %mul3A_1452 = arith.mulf %get3A_1450, %mul3A_1451 : vector<16xf32>
        tpu.vector_store_idx %arg15[%add3A_1447], %mul3A_1452 : memref<24576xf32, #tpu.memory_space<vmem>>[vector<16xi32>], vector<16xf32>,
        %add3A_1453 = arith.constant 13 : i32
        %add3A_1454 = arith.addi %mul3A_831, %add3A_1453 : i32
        %slice3A_1455 = vector.extract_strided_slice %mul3A_863 {offsets = [13], sizes = [1], strides = [1]} : vector<16xf32> to vector<1xf32>
        %squeeze3A_1456 = vector.extract %slice3A_1455[0] : f32 from vector<1xf32>
        %mul3A_1457 = vector.broadcast %squeeze3A_1456 : f32 to vector<16xf32>
        %mul3A_1458 = arith.mulf %mul3A_1457, %get3A_3 : vector<16xf32>
        %slice3A_1459 = vector.extract_strided_slice %mul3A_864 {offsets = [13], sizes = [1], strides = [1]} : vector<16xf32> to vector<1xf32>
        %squeeze3A_1460 = vector.extract %slice3A_1459[0] : f32 from vector<1xf32>
        %mul3A_1461 = vector.broadcast %squeeze3A_1460 : f32 to vector<16xf32>
        %mul3A_1462 = arith.mulf %mul3A_1461, %get3A_5 : vector<16xf32>
        %add3A_1463 = arith.addf %mul3A_1458, %mul3A_1462 : vector<16xf32>
        %slice3A_1464 = vector.extract_strided_slice %mul3A_865 {offsets = [13], sizes = [1], strides = [1]} : vector<16xf32> to vector<1xf32>
        %squeeze3A_1465 = vector.extract %slice3A_1464[0] : f32 from vector<1xf32>
        %mul3A_1466 = vector.broadcast %squeeze3A_1465 : f32 to vector<16xf32>
        %mul3A_1467 = arith.mulf %mul3A_1466, %get3A_7 : vector<16xf32>
        %add3A_1468 = arith.addf %add3A_1463, %mul3A_1467 : vector<16xf32>
        %slice3A_1469 = vector.extract_strided_slice %select_n3A_844 {offsets = [13], sizes = [1], strides = [1]} : vector<16xf32> to vector<1xf32>
        %squeeze3A_1470 = vector.extract %slice3A_1469[0] : f32 from vector<1xf32>
        %mul3A_1471 = vector.broadcast %squeeze3A_1470 : f32 to vector<16xf32>
        %mul3A_1472 = arith.mulf %mul3A_1471, %get3A_9 : vector<16xf32>
        %add3A_1473 = arith.addf %add3A_1468, %mul3A_1472 : vector<16xf32>
        %slice3A_1474 = vector.extract_strided_slice %select_n3A_876 {offsets = [13], sizes = [1], strides = [1]} : vector<16xf32> to vector<1xf32>
        %squeeze3A_1475 = vector.extract %slice3A_1474[0] : f32 from vector<1xf32>
        %add3A_1476 = arith.constant 13 : i32
        %add3A_1477 = arith.addi %add3A_921, %add3A_1476 : i32
        %add3A_1478 = vector.broadcast %add3A_1477 : i32 to vector<16xi32>
        %add3A_1479 = arith.addi %add3A_59, %add3A_1478 : vector<16xi32>
        tpu.vector_store_idx %arg15[%add3A_1479], %add3A_1473 : memref<24576xf32, #tpu.memory_space<vmem>>[vector<16xi32>], vector<16xf32>,
        %add3A_1480 = vector.broadcast %add3A_1477 : i32 to vector<16xi32>
        %add3A_1481 = arith.addi %add3A_62, %add3A_1480 : vector<16xi32>
        %get3A_1482 = arith.index_cast %add3A_1454 : i32 to index
        %get3A_1483 = arith.constant 0 : index
        %get3A_1484 = tpu.vector_load %arg13[%get3A_1482, %get3A_1483] {strides = array<i32>} : memref<512x32xf32, #tpu.memory_space<vmem>>, vector<16xf32>,
        %mul3A_1485 = vector.broadcast %squeeze3A_1475 : f32 to vector<16xf32>
        %mul3A_1486 = arith.mulf %get3A_1484, %mul3A_1485 : vector<16xf32>
        tpu.vector_store_idx %arg15[%add3A_1481], %mul3A_1486 : memref<24576xf32, #tpu.memory_space<vmem>>[vector<16xi32>], vector<16xf32>,
        %add3A_1487 = vector.broadcast %add3A_1477 : i32 to vector<16xi32>
        %add3A_1488 = arith.addi %add3A_65, %add3A_1487 : vector<16xi32>
        %get3A_1489 = arith.index_cast %add3A_1454 : i32 to index
        %get3A_1490 = arith.constant 16 : index
        %get3A_1491 = tpu.vector_load %arg13[%get3A_1489, %get3A_1490] {strides = array<i32>} : memref<512x32xf32, #tpu.memory_space<vmem>>, vector<16xf32>,
        %mul3A_1492 = vector.broadcast %squeeze3A_1475 : f32 to vector<16xf32>
        %mul3A_1493 = arith.mulf %get3A_1491, %mul3A_1492 : vector<16xf32>
        tpu.vector_store_idx %arg15[%add3A_1488], %mul3A_1493 : memref<24576xf32, #tpu.memory_space<vmem>>[vector<16xi32>], vector<16xf32>,
        %add3A_1494 = arith.constant 14 : i32
        %add3A_1495 = arith.addi %mul3A_831, %add3A_1494 : i32
        %slice3A_1496 = vector.extract_strided_slice %mul3A_863 {offsets = [14], sizes = [1], strides = [1]} : vector<16xf32> to vector<1xf32>
        %squeeze3A_1497 = vector.extract %slice3A_1496[0] : f32 from vector<1xf32>
        %mul3A_1498 = vector.broadcast %squeeze3A_1497 : f32 to vector<16xf32>
        %mul3A_1499 = arith.mulf %mul3A_1498, %get3A_3 : vector<16xf32>
        %slice3A_1500 = vector.extract_strided_slice %mul3A_864 {offsets = [14], sizes = [1], strides = [1]} : vector<16xf32> to vector<1xf32>
        %squeeze3A_1501 = vector.extract %slice3A_1500[0] : f32 from vector<1xf32>
        %mul3A_1502 = vector.broadcast %squeeze3A_1501 : f32 to vector<16xf32>
        %mul3A_1503 = arith.mulf %mul3A_1502, %get3A_5 : vector<16xf32>
        %add3A_1504 = arith.addf %mul3A_1499, %mul3A_1503 : vector<16xf32>
        %slice3A_1505 = vector.extract_strided_slice %mul3A_865 {offsets = [14], sizes = [1], strides = [1]} : vector<16xf32> to vector<1xf32>
        %squeeze3A_1506 = vector.extract %slice3A_1505[0] : f32 from vector<1xf32>
        %mul3A_1507 = vector.broadcast %squeeze3A_1506 : f32 to vector<16xf32>
        %mul3A_1508 = arith.mulf %mul3A_1507, %get3A_7 : vector<16xf32>
        %add3A_1509 = arith.addf %add3A_1504, %mul3A_1508 : vector<16xf32>
        %slice3A_1510 = vector.extract_strided_slice %select_n3A_844 {offsets = [14], sizes = [1], strides = [1]} : vector<16xf32> to vector<1xf32>
        %squeeze3A_1511 = vector.extract %slice3A_1510[0] : f32 from vector<1xf32>
        %mul3A_1512 = vector.broadcast %squeeze3A_1511 : f32 to vector<16xf32>
        %mul3A_1513 = arith.mulf %mul3A_1512, %get3A_9 : vector<16xf32>
        %add3A_1514 = arith.addf %add3A_1509, %mul3A_1513 : vector<16xf32>
        %slice3A_1515 = vector.extract_strided_slice %select_n3A_876 {offsets = [14], sizes = [1], strides = [1]} : vector<16xf32> to vector<1xf32>
        %squeeze3A_1516 = vector.extract %slice3A_1515[0] : f32 from vector<1xf32>
        %add3A_1517 = arith.constant 14 : i32
        %add3A_1518 = arith.addi %add3A_921, %add3A_1517 : i32
        %add3A_1519 = vector.broadcast %add3A_1518 : i32 to vector<16xi32>
        %add3A_1520 = arith.addi %add3A_59, %add3A_1519 : vector<16xi32>
        tpu.vector_store_idx %arg15[%add3A_1520], %add3A_1514 : memref<24576xf32, #tpu.memory_space<vmem>>[vector<16xi32>], vector<16xf32>,
        %add3A_1521 = vector.broadcast %add3A_1518 : i32 to vector<16xi32>
        %add3A_1522 = arith.addi %add3A_62, %add3A_1521 : vector<16xi32>
        %get3A_1523 = arith.index_cast %add3A_1495 : i32 to index
        %get3A_1524 = arith.constant 0 : index
        %get3A_1525 = tpu.vector_load %arg13[%get3A_1523, %get3A_1524] {strides = array<i32>} : memref<512x32xf32, #tpu.memory_space<vmem>>, vector<16xf32>,
        %mul3A_1526 = vector.broadcast %squeeze3A_1516 : f32 to vector<16xf32>
        %mul3A_1527 = arith.mulf %get3A_1525, %mul3A_1526 : vector<16xf32>
        tpu.vector_store_idx %arg15[%add3A_1522], %mul3A_1527 : memref<24576xf32, #tpu.memory_space<vmem>>[vector<16xi32>], vector<16xf32>,
        %add3A_1528 = vector.broadcast %add3A_1518 : i32 to vector<16xi32>
        %add3A_1529 = arith.addi %add3A_65, %add3A_1528 : vector<16xi32>
        %get3A_1530 = arith.index_cast %add3A_1495 : i32 to index
        %get3A_1531 = arith.constant 16 : index
        %get3A_1532 = tpu.vector_load %arg13[%get3A_1530, %get3A_1531] {strides = array<i32>} : memref<512x32xf32, #tpu.memory_space<vmem>>, vector<16xf32>,
        %mul3A_1533 = vector.broadcast %squeeze3A_1516 : f32 to vector<16xf32>
        %mul3A_1534 = arith.mulf %get3A_1532, %mul3A_1533 : vector<16xf32>
        tpu.vector_store_idx %arg15[%add3A_1529], %mul3A_1534 : memref<24576xf32, #tpu.memory_space<vmem>>[vector<16xi32>], vector<16xf32>,
        %add3A_1535 = arith.constant 15 : i32
        %add3A_1536 = arith.addi %mul3A_831, %add3A_1535 : i32
        %slice3A_1537 = vector.extract_strided_slice %mul3A_863 {offsets = [15], sizes = [1], strides = [1]} : vector<16xf32> to vector<1xf32>
        %squeeze3A_1538 = vector.extract %slice3A_1537[0] : f32 from vector<1xf32>
        %mul3A_1539 = vector.broadcast %squeeze3A_1538 : f32 to vector<16xf32>
        %mul3A_1540 = arith.mulf %mul3A_1539, %get3A_3 : vector<16xf32>
        %slice3A_1541 = vector.extract_strided_slice %mul3A_864 {offsets = [15], sizes = [1], strides = [1]} : vector<16xf32> to vector<1xf32>
        %squeeze3A_1542 = vector.extract %slice3A_1541[0] : f32 from vector<1xf32>
        %mul3A_1543 = vector.broadcast %squeeze3A_1542 : f32 to vector<16xf32>
        %mul3A_1544 = arith.mulf %mul3A_1543, %get3A_5 : vector<16xf32>
        %add3A_1545 = arith.addf %mul3A_1540, %mul3A_1544 : vector<16xf32>
        %slice3A_1546 = vector.extract_strided_slice %mul3A_865 {offsets = [15], sizes = [1], strides = [1]} : vector<16xf32> to vector<1xf32>
        %squeeze3A_1547 = vector.extract %slice3A_1546[0] : f32 from vector<1xf32>
        %mul3A_1548 = vector.broadcast %squeeze3A_1547 : f32 to vector<16xf32>
        %mul3A_1549 = arith.mulf %mul3A_1548, %get3A_7 : vector<16xf32>
        %add3A_1550 = arith.addf %add3A_1545, %mul3A_1549 : vector<16xf32>
        %slice3A_1551 = vector.extract_strided_slice %select_n3A_844 {offsets = [15], sizes = [1], strides = [1]} : vector<16xf32> to vector<1xf32>
        %squeeze3A_1552 = vector.extract %slice3A_1551[0] : f32 from vector<1xf32>
        %mul3A_1553 = vector.broadcast %squeeze3A_1552 : f32 to vector<16xf32>
        %mul3A_1554 = arith.mulf %mul3A_1553, %get3A_9 : vector<16xf32>
        %add3A_1555 = arith.addf %add3A_1550, %mul3A_1554 : vector<16xf32>
        %slice3A_1556 = vector.extract_strided_slice %select_n3A_876 {offsets = [15], sizes = [1], strides = [1]} : vector<16xf32> to vector<1xf32>
        %squeeze3A_1557 = vector.extract %slice3A_1556[0] : f32 from vector<1xf32>
        %add3A_1558 = arith.constant 15 : i32
        %add3A_1559 = arith.addi %add3A_921, %add3A_1558 : i32
        %add3A_1560 = vector.broadcast %add3A_1559 : i32 to vector<16xi32>
        %add3A_1561 = arith.addi %add3A_59, %add3A_1560 : vector<16xi32>
        tpu.vector_store_idx %arg15[%add3A_1561], %add3A_1555 : memref<24576xf32, #tpu.memory_space<vmem>>[vector<16xi32>], vector<16xf32>,
        %add3A_1562 = vector.broadcast %add3A_1559 : i32 to vector<16xi32>
        %add3A_1563 = arith.addi %add3A_62, %add3A_1562 : vector<16xi32>
        %get3A_1564 = arith.index_cast %add3A_1536 : i32 to index
        %get3A_1565 = arith.constant 0 : index
        %get3A_1566 = tpu.vector_load %arg13[%get3A_1564, %get3A_1565] {strides = array<i32>} : memref<512x32xf32, #tpu.memory_space<vmem>>, vector<16xf32>,
        %mul3A_1567 = vector.broadcast %squeeze3A_1557 : f32 to vector<16xf32>
        %mul3A_1568 = arith.mulf %get3A_1566, %mul3A_1567 : vector<16xf32>
        tpu.vector_store_idx %arg15[%add3A_1563], %mul3A_1568 : memref<24576xf32, #tpu.memory_space<vmem>>[vector<16xi32>], vector<16xf32>,
        %add3A_1569 = vector.broadcast %add3A_1559 : i32 to vector<16xi32>
        %add3A_1570 = arith.addi %add3A_65, %add3A_1569 : vector<16xi32>
        %get3A_1571 = arith.index_cast %add3A_1536 : i32 to index
        %get3A_1572 = arith.constant 16 : index
        %get3A_1573 = tpu.vector_load %arg13[%get3A_1571, %get3A_1572] {strides = array<i32>} : memref<512x32xf32, #tpu.memory_space<vmem>>, vector<16xf32>,
        %mul3A_1574 = vector.broadcast %squeeze3A_1557 : f32 to vector<16xf32>
        %mul3A_1575 = arith.mulf %get3A_1573, %mul3A_1574 : vector<16xf32>
        tpu.vector_store_idx %arg15[%add3A_1570], %mul3A_1575 : memref<24576xf32, #tpu.memory_space<vmem>>[vector<16xi32>], vector<16xf32>,
      }
      %scan3A_470 = arith.constant 32 : i32
      %mul3A_471 = arith.constant 512 : i32
      %mul3A_472 = arith.muli %add3A_365, %mul3A_471 : i32
      %add3A_473 = arith.addi %mul3A_2, %mul3A_472 : i32
      %jit3A_474 = arith.constant 4096 : i32
      %div3A_475 = arith.divsi %add3A_473, %jit3A_474 : i32
      %sign3A_476 = arith.constant 0 : i32
      %sign3A_477 = arith.cmpi sgt, %add3A_473, %sign3A_476 : i32
      %sign3A_478 = arith.extui %sign3A_477 : i1 to i32
      %sign3A_479 = arith.constant 0 : i32
      %sign3A_480 = arith.cmpi slt, %add3A_473, %sign3A_479 : i32
      %sign3A_481 = arith.extui %sign3A_480 : i1 to i32
      %sign3A_482 = arith.subi %sign3A_478, %sign3A_481 : i32
      %sign3A_483 = arith.constant 0 : i32
      %sign3A_484 = arith.cmpi sgt, %jit3A_474, %sign3A_483 : i32
      %sign3A_485 = arith.extui %sign3A_484 : i1 to i32
      %sign3A_486 = arith.constant 0 : i32
      %sign3A_487 = arith.cmpi slt, %jit3A_474, %sign3A_486 : i32
      %sign3A_488 = arith.extui %sign3A_487 : i1 to i32
      %sign3A_489 = arith.subi %sign3A_485, %sign3A_488 : i32
      %ne3A_490 = arith.cmpi ne, %sign3A_482, %sign3A_489 : i32
      %rem3A_491 = arith.remsi %add3A_473, %jit3A_474 : i32
      %ne3A_492 = arith.constant 0 : i32
      %ne3A_493 = arith.cmpi ne, %rem3A_491, %ne3A_492 : i32
      %and3A_494 = arith.andi %ne3A_490, %ne3A_493 : i1
      %sub3A_495 = arith.constant 1 : i32
      %sub3A_496 = arith.subi %div3A_475, %sub3A_495 : i32
      %select_n3A_497 = arith.select %and3A_494, %sub3A_496, %div3A_475 : i32
      %jit3A_498 = arith.constant 4096 : i32
      %eq3A_499 = arith.constant 0 : i32
      %eq3A_500 = arith.cmpi eq, %jit3A_498, %eq3A_499 : i32
      %jit3A_501 = arith.constant 1 : i32
      %select_n3A_502 = arith.select %eq3A_500, %jit3A_501, %jit3A_498 : i32
      %rem3A_503 = arith.remsi %add3A_473, %select_n3A_502 : i32
      %ne3A_504 = arith.constant 0 : i32
      %ne3A_505 = arith.cmpi ne, %rem3A_503, %ne3A_504 : i32
      %lt3A_506 = arith.constant 0 : i32
      %lt3A_507 = arith.cmpi slt, %rem3A_503, %lt3A_506 : i32
      %lt3A_508 = arith.constant 0 : i32
      %lt3A_509 = arith.cmpi slt, %select_n3A_502, %lt3A_508 : i32
      %ne3A_510 = arith.xori %lt3A_507, %lt3A_509 : i1
      %and3A_511 = arith.andi %ne3A_510, %ne3A_505 : i1
      %add3A_512 = arith.addi %rem3A_503, %select_n3A_502 : i32
      %select_n3A_513 = arith.select %and3A_511, %add3A_512, %rem3A_503 : i32
      %jit3A_514 = arith.constant 128 : i32
      %div3A_515 = arith.divsi %select_n3A_513, %jit3A_514 : i32
      %sign3A_516 = arith.constant 0 : i32
      %sign3A_517 = arith.cmpi sgt, %select_n3A_513, %sign3A_516 : i32
      %sign3A_518 = arith.extui %sign3A_517 : i1 to i32
      %sign3A_519 = arith.constant 0 : i32
      %sign3A_520 = arith.cmpi slt, %select_n3A_513, %sign3A_519 : i32
      %sign3A_521 = arith.extui %sign3A_520 : i1 to i32
      %sign3A_522 = arith.subi %sign3A_518, %sign3A_521 : i32
      %sign3A_523 = arith.constant 0 : i32
      %sign3A_524 = arith.cmpi sgt, %jit3A_514, %sign3A_523 : i32
      %sign3A_525 = arith.extui %sign3A_524 : i1 to i32
      %sign3A_526 = arith.constant 0 : i32
      %sign3A_527 = arith.cmpi slt, %jit3A_514, %sign3A_526 : i32
      %sign3A_528 = arith.extui %sign3A_527 : i1 to i32
      %sign3A_529 = arith.subi %sign3A_525, %sign3A_528 : i32
      %ne3A_530 = arith.cmpi ne, %sign3A_522, %sign3A_529 : i32
      %rem3A_531 = arith.remsi %select_n3A_513, %jit3A_514 : i32
      %ne3A_532 = arith.constant 0 : i32
      %ne3A_533 = arith.cmpi ne, %rem3A_531, %ne3A_532 : i32
      %and3A_534 = arith.andi %ne3A_530, %ne3A_533 : i1
      %sub3A_535 = arith.constant 1 : i32
      %sub3A_536 = arith.subi %div3A_515, %sub3A_535 : i32
      %select_n3A_537 = arith.select %and3A_534, %sub3A_536, %div3A_515 : i32
      %mul3A_538 = arith.constant 1024 : i32
      %mul3A_539 = arith.muli %select_n3A_537, %mul3A_538 : i32
      %dma_start3A_540 = arith.constant 0 : i32
      %dma_start3A_541 = arith.constant 0 : i32
      %dma_start3A_542 = tpu.memref_slice %arg15[%dma_start3A_541] : memref<24576xf32, #tpu.memory_space<vmem>> -> memref<4096xf32, #tpu.memory_space<vmem>>
      %dma_start3A_543 = tpu.memref_slice %arg8[%select_n3A_497, %dma_start3A_540, %mul3A_539] : memref<200x6x32768xf32, #tpu.memory_space<hbm>> -> memref<1x1x4096xf32, #tpu.memory_space<hbm>>
      %dma_start3A_544 = tpu.memref_squeeze %dma_start3A_543 : memref<1x1x4096xf32, #tpu.memory_space<hbm>> -> memref<4096xf32, #tpu.memory_space<hbm>>
      %dma_start3A_545 = tpu.memref_slice %arg8[%select_n3A_497, %dma_start3A_540, %mul3A_539] : memref<200x6x32768xf32, #tpu.memory_space<hbm>> -> memref<1x1x4096xf32, #tpu.memory_space<hbm>>
      %dma_start3A_546 = tpu.memref_squeeze %dma_start3A_545 : memref<1x1x4096xf32, #tpu.memory_space<hbm>> -> memref<4096xf32, #tpu.memory_space<hbm>>
      %dma_start3A_547 = arith.constant 0 : i32
      %dma_start3A_548 = tpu.memref_slice %arg15[%dma_start3A_547] : memref<24576xf32, #tpu.memory_space<vmem>> -> memref<4096xf32, #tpu.memory_space<vmem>>
      tpu.enqueue_dma source(%dma_start3A_548 : memref<4096xf32, #tpu.memory_space<vmem>>) target(%dma_start3A_546 : memref<4096xf32, #tpu.memory_space<hbm>>) target_semaphore(%arg23 : memref<!tpu.dma_semaphore, #tpu.memory_space<semaphore_mem>>)
      %dma_start3A_549 = arith.constant 1 : i32
      %dma_start3A_550 = arith.constant 4096 : i32
      %dma_start3A_551 = tpu.memref_slice %arg15[%dma_start3A_550] : memref<24576xf32, #tpu.memory_space<vmem>> -> memref<4096xf32, #tpu.memory_space<vmem>>
      %dma_start3A_552 = tpu.memref_slice %arg8[%select_n3A_497, %dma_start3A_549, %mul3A_539] : memref<200x6x32768xf32, #tpu.memory_space<hbm>> -> memref<1x1x4096xf32, #tpu.memory_space<hbm>>
      %dma_start3A_553 = tpu.memref_squeeze %dma_start3A_552 : memref<1x1x4096xf32, #tpu.memory_space<hbm>> -> memref<4096xf32, #tpu.memory_space<hbm>>
      %dma_start3A_554 = tpu.memref_slice %arg8[%select_n3A_497, %dma_start3A_549, %mul3A_539] : memref<200x6x32768xf32, #tpu.memory_space<hbm>> -> memref<1x1x4096xf32, #tpu.memory_space<hbm>>
      %dma_start3A_555 = tpu.memref_squeeze %dma_start3A_554 : memref<1x1x4096xf32, #tpu.memory_space<hbm>> -> memref<4096xf32, #tpu.memory_space<hbm>>
      %dma_start3A_556 = arith.constant 4096 : i32
      %dma_start3A_557 = tpu.memref_slice %arg15[%dma_start3A_556] : memref<24576xf32, #tpu.memory_space<vmem>> -> memref<4096xf32, #tpu.memory_space<vmem>>
      tpu.enqueue_dma source(%dma_start3A_557 : memref<4096xf32, #tpu.memory_space<vmem>>) target(%dma_start3A_555 : memref<4096xf32, #tpu.memory_space<hbm>>) target_semaphore(%arg23 : memref<!tpu.dma_semaphore, #tpu.memory_space<semaphore_mem>>)
      %dma_start3A_558 = arith.constant 2 : i32
      %dma_start3A_559 = arith.constant 8192 : i32
      %dma_start3A_560 = tpu.memref_slice %arg15[%dma_start3A_559] : memref<24576xf32, #tpu.memory_space<vmem>> -> memref<4096xf32, #tpu.memory_space<vmem>>
      %dma_start3A_561 = tpu.memref_slice %arg8[%select_n3A_497, %dma_start3A_558, %mul3A_539] : memref<200x6x32768xf32, #tpu.memory_space<hbm>> -> memref<1x1x4096xf32, #tpu.memory_space<hbm>>
      %dma_start3A_562 = tpu.memref_squeeze %dma_start3A_561 : memref<1x1x4096xf32, #tpu.memory_space<hbm>> -> memref<4096xf32, #tpu.memory_space<hbm>>
      %dma_start3A_563 = tpu.memref_slice %arg8[%select_n3A_497, %dma_start3A_558, %mul3A_539] : memref<200x6x32768xf32, #tpu.memory_space<hbm>> -> memref<1x1x4096xf32, #tpu.memory_space<hbm>>
      %dma_start3A_564 = tpu.memref_squeeze %dma_start3A_563 : memref<1x1x4096xf32, #tpu.memory_space<hbm>> -> memref<4096xf32, #tpu.memory_space<hbm>>
      %dma_start3A_565 = arith.constant 8192 : i32
      %dma_start3A_566 = tpu.memref_slice %arg15[%dma_start3A_565] : memref<24576xf32, #tpu.memory_space<vmem>> -> memref<4096xf32, #tpu.memory_space<vmem>>
      tpu.enqueue_dma source(%dma_start3A_566 : memref<4096xf32, #tpu.memory_space<vmem>>) target(%dma_start3A_564 : memref<4096xf32, #tpu.memory_space<hbm>>) target_semaphore(%arg23 : memref<!tpu.dma_semaphore, #tpu.memory_space<semaphore_mem>>)
      %dma_start3A_567 = arith.constant 3 : i32
      %dma_start3A_568 = arith.constant 12288 : i32
      %dma_start3A_569 = tpu.memref_slice %arg15[%dma_start3A_568] : memref<24576xf32, #tpu.memory_space<vmem>> -> memref<4096xf32, #tpu.memory_space<vmem>>
      %dma_start3A_570 = tpu.memref_slice %arg8[%select_n3A_497, %dma_start3A_567, %mul3A_539] : memref<200x6x32768xf32, #tpu.memory_space<hbm>> -> memref<1x1x4096xf32, #tpu.memory_space<hbm>>
      %dma_start3A_571 = tpu.memref_squeeze %dma_start3A_570 : memref<1x1x4096xf32, #tpu.memory_space<hbm>> -> memref<4096xf32, #tpu.memory_space<hbm>>
      %dma_start3A_572 = tpu.memref_slice %arg8[%select_n3A_497, %dma_start3A_567, %mul3A_539] : memref<200x6x32768xf32, #tpu.memory_space<hbm>> -> memref<1x1x4096xf32, #tpu.memory_space<hbm>>
      %dma_start3A_573 = tpu.memref_squeeze %dma_start3A_572 : memref<1x1x4096xf32, #tpu.memory_space<hbm>> -> memref<4096xf32, #tpu.memory_space<hbm>>
      %dma_start3A_574 = arith.constant 12288 : i32
      %dma_start3A_575 = tpu.memref_slice %arg15[%dma_start3A_574] : memref<24576xf32, #tpu.memory_space<vmem>> -> memref<4096xf32, #tpu.memory_space<vmem>>
      tpu.enqueue_dma source(%dma_start3A_575 : memref<4096xf32, #tpu.memory_space<vmem>>) target(%dma_start3A_573 : memref<4096xf32, #tpu.memory_space<hbm>>) target_semaphore(%arg23 : memref<!tpu.dma_semaphore, #tpu.memory_space<semaphore_mem>>)
      %dma_start3A_576 = arith.constant 4 : i32
      %dma_start3A_577 = arith.constant 16384 : i32
      %dma_start3A_578 = tpu.memref_slice %arg15[%dma_start3A_577] : memref<24576xf32, #tpu.memory_space<vmem>> -> memref<4096xf32, #tpu.memory_space<vmem>>
      %dma_start3A_579 = tpu.memref_slice %arg8[%select_n3A_497, %dma_start3A_576, %mul3A_539] : memref<200x6x32768xf32, #tpu.memory_space<hbm>> -> memref<1x1x4096xf32, #tpu.memory_space<hbm>>
      %dma_start3A_580 = tpu.memref_squeeze %dma_start3A_579 : memref<1x1x4096xf32, #tpu.memory_space<hbm>> -> memref<4096xf32, #tpu.memory_space<hbm>>
      %dma_start3A_581 = tpu.memref_slice %arg8[%select_n3A_497, %dma_start3A_576, %mul3A_539] : memref<200x6x32768xf32, #tpu.memory_space<hbm>> -> memref<1x1x4096xf32, #tpu.memory_space<hbm>>
      %dma_start3A_582 = tpu.memref_squeeze %dma_start3A_581 : memref<1x1x4096xf32, #tpu.memory_space<hbm>> -> memref<4096xf32, #tpu.memory_space<hbm>>
      %dma_start3A_583 = arith.constant 16384 : i32
      %dma_start3A_584 = tpu.memref_slice %arg15[%dma_start3A_583] : memref<24576xf32, #tpu.memory_space<vmem>> -> memref<4096xf32, #tpu.memory_space<vmem>>
      tpu.enqueue_dma source(%dma_start3A_584 : memref<4096xf32, #tpu.memory_space<vmem>>) target(%dma_start3A_582 : memref<4096xf32, #tpu.memory_space<hbm>>) target_semaphore(%arg23 : memref<!tpu.dma_semaphore, #tpu.memory_space<semaphore_mem>>)
      %dma_start3A_585 = arith.constant 5 : i32
      %dma_start3A_586 = arith.constant 20480 : i32
      %dma_start3A_587 = tpu.memref_slice %arg15[%dma_start3A_586] : memref<24576xf32, #tpu.memory_space<vmem>> -> memref<4096xf32, #tpu.memory_space<vmem>>
      %dma_start3A_588 = tpu.memref_slice %arg8[%select_n3A_497, %dma_start3A_585, %mul3A_539] : memref<200x6x32768xf32, #tpu.memory_space<hbm>> -> memref<1x1x4096xf32, #tpu.memory_space<hbm>>
      %dma_start3A_589 = tpu.memref_squeeze %dma_start3A_588 : memref<1x1x4096xf32, #tpu.memory_space<hbm>> -> memref<4096xf32, #tpu.memory_space<hbm>>
      %dma_start3A_590 = tpu.memref_slice %arg8[%select_n3A_497, %dma_start3A_585, %mul3A_539] : memref<200x6x32768xf32, #tpu.memory_space<hbm>> -> memref<1x1x4096xf32, #tpu.memory_space<hbm>>
      %dma_start3A_591 = tpu.memref_squeeze %dma_start3A_590 : memref<1x1x4096xf32, #tpu.memory_space<hbm>> -> memref<4096xf32, #tpu.memory_space<hbm>>
      %dma_start3A_592 = arith.constant 20480 : i32
      %dma_start3A_593 = tpu.memref_slice %arg15[%dma_start3A_592] : memref<24576xf32, #tpu.memory_space<vmem>> -> memref<4096xf32, #tpu.memory_space<vmem>>
      tpu.enqueue_dma source(%dma_start3A_593 : memref<4096xf32, #tpu.memory_space<vmem>>) target(%dma_start3A_591 : memref<4096xf32, #tpu.memory_space<hbm>>) target_semaphore(%arg23 : memref<!tpu.dma_semaphore, #tpu.memory_space<semaphore_mem>>)
      %mul3A_594 = arith.constant 2 : i32
      %mul3A_595 = arith.muli %scan3A_361, %mul3A_594 : i32
      %add3A_596 = arith.constant 1 : i32
      %add3A_597 = arith.addi %mul3A_595, %add3A_596 : i32
      %ge3A_598 = arith.constant 2 : i32
      %ge3A_599 = arith.cmpi sge, %add3A_597, %ge3A_598 : i32
      %convert_element_type3A_600 = arith.extui %ge3A_599 : i1 to i32
      %cond3A_601 = arith.constant 0 : i32
      %cond3A_602 = arith.cmpi ne, %convert_element_type3A_600, %cond3A_601 : i32
      scf.if %cond3A_602 {
        %sub3A_829 = arith.constant 2 : i32
        %sub3A_830 = arith.subi %add3A_597, %sub3A_829 : i32
        %mul3A_831 = arith.constant 512 : i32
        %mul3A_832 = arith.muli %sub3A_830, %mul3A_831 : i32
        %add3A_833 = arith.addi %mul3A_2, %mul3A_832 : i32
        %jit3A_834 = arith.constant 4096 : i32
        %div3A_835 = arith.divsi %add3A_833, %jit3A_834 : i32
        %sign3A_836 = arith.constant 0 : i32
        %sign3A_837 = arith.cmpi sgt, %add3A_833, %sign3A_836 : i32
        %sign3A_838 = arith.extui %sign3A_837 : i1 to i32
        %sign3A_839 = arith.constant 0 : i32
        %sign3A_840 = arith.cmpi slt, %add3A_833, %sign3A_839 : i32
        %sign3A_841 = arith.extui %sign3A_840 : i1 to i32
        %sign3A_842 = arith.subi %sign3A_838, %sign3A_841 : i32
        %sign3A_843 = arith.constant 0 : i32
        %sign3A_844 = arith.cmpi sgt, %jit3A_834, %sign3A_843 : i32
        %sign3A_845 = arith.extui %sign3A_844 : i1 to i32
        %sign3A_846 = arith.constant 0 : i32
        %sign3A_847 = arith.cmpi slt, %jit3A_834, %sign3A_846 : i32
        %sign3A_848 = arith.extui %sign3A_847 : i1 to i32
        %sign3A_849 = arith.subi %sign3A_845, %sign3A_848 : i32
        %ne3A_850 = arith.cmpi ne, %sign3A_842, %sign3A_849 : i32
        %rem3A_851 = arith.remsi %add3A_833, %jit3A_834 : i32
        %ne3A_852 = arith.constant 0 : i32
        %ne3A_853 = arith.cmpi ne, %rem3A_851, %ne3A_852 : i32
        %and3A_854 = arith.andi %ne3A_850, %ne3A_853 : i1
        %sub3A_855 = arith.constant 1 : i32
        %sub3A_856 = arith.subi %div3A_835, %sub3A_855 : i32
        %select_n3A_857 = arith.select %and3A_854, %sub3A_856, %div3A_835 : i32
        %jit3A_858 = arith.constant 4096 : i32
        %eq3A_859 = arith.constant 0 : i32
        %eq3A_860 = arith.cmpi eq, %jit3A_858, %eq3A_859 : i32
        %jit3A_861 = arith.constant 1 : i32
        %select_n3A_862 = arith.select %eq3A_860, %jit3A_861, %jit3A_858 : i32
        %rem3A_863 = arith.remsi %add3A_833, %select_n3A_862 : i32
        %ne3A_864 = arith.constant 0 : i32
        %ne3A_865 = arith.cmpi ne, %rem3A_863, %ne3A_864 : i32
        %lt3A_866 = arith.constant 0 : i32
        %lt3A_867 = arith.cmpi slt, %rem3A_863, %lt3A_866 : i32
        %lt3A_868 = arith.constant 0 : i32
        %lt3A_869 = arith.cmpi slt, %select_n3A_862, %lt3A_868 : i32
        %ne3A_870 = arith.xori %lt3A_867, %lt3A_869 : i1
        %and3A_871 = arith.andi %ne3A_870, %ne3A_865 : i1
        %add3A_872 = arith.addi %rem3A_863, %select_n3A_862 : i32
        %select_n3A_873 = arith.select %and3A_871, %add3A_872, %rem3A_863 : i32
        %jit3A_874 = arith.constant 128 : i32
        %div3A_875 = arith.divsi %select_n3A_873, %jit3A_874 : i32
        %sign3A_876 = arith.constant 0 : i32
        %sign3A_877 = arith.cmpi sgt, %select_n3A_873, %sign3A_876 : i32
        %sign3A_878 = arith.extui %sign3A_877 : i1 to i32
        %sign3A_879 = arith.constant 0 : i32
        %sign3A_880 = arith.cmpi slt, %select_n3A_873, %sign3A_879 : i32
        %sign3A_881 = arith.extui %sign3A_880 : i1 to i32
        %sign3A_882 = arith.subi %sign3A_878, %sign3A_881 : i32
        %sign3A_883 = arith.constant 0 : i32
        %sign3A_884 = arith.cmpi sgt, %jit3A_874, %sign3A_883 : i32
        %sign3A_885 = arith.extui %sign3A_884 : i1 to i32
        %sign3A_886 = arith.constant 0 : i32
        %sign3A_887 = arith.cmpi slt, %jit3A_874, %sign3A_886 : i32
        %sign3A_888 = arith.extui %sign3A_887 : i1 to i32
        %sign3A_889 = arith.subi %sign3A_885, %sign3A_888 : i32
        %ne3A_890 = arith.cmpi ne, %sign3A_882, %sign3A_889 : i32
        %rem3A_891 = arith.remsi %select_n3A_873, %jit3A_874 : i32
        %ne3A_892 = arith.constant 0 : i32
        %ne3A_893 = arith.cmpi ne, %rem3A_891, %ne3A_892 : i32
        %and3A_894 = arith.andi %ne3A_890, %ne3A_893 : i1
        %sub3A_895 = arith.constant 1 : i32
        %sub3A_896 = arith.subi %div3A_875, %sub3A_895 : i32
        %select_n3A_897 = arith.select %and3A_894, %sub3A_896, %div3A_875 : i32
        %mul3A_898 = arith.constant 1024 : i32
        %mul3A_899 = arith.muli %select_n3A_897, %mul3A_898 : i32
        %dma_wait3A_900 = arith.constant 0 : i32
        %dma_wait3A_901 = arith.constant 0 : i32
        %dma_wait3A_902 = tpu.memref_slice %arg16[%dma_wait3A_901] : memref<24576xf32, #tpu.memory_space<vmem>> -> memref<4096xf32, #tpu.memory_space<vmem>>
        %dma_wait3A_903 = tpu.memref_slice %arg8[%select_n3A_857, %dma_wait3A_900, %mul3A_899] : memref<200x6x32768xf32, #tpu.memory_space<hbm>> -> memref<1x1x4096xf32, #tpu.memory_space<hbm>>
        %dma_wait3A_904 = tpu.memref_squeeze %dma_wait3A_903 : memref<1x1x4096xf32, #tpu.memory_space<hbm>> -> memref<4096xf32, #tpu.memory_space<hbm>>
        %dma_wait3A_905 = tpu.memref_slice %arg8[%select_n3A_857, %dma_wait3A_900, %mul3A_899] : memref<200x6x32768xf32, #tpu.memory_space<hbm>> -> memref<1x1x4096xf32, #tpu.memory_space<hbm>>
        %dma_wait3A_906 = tpu.memref_squeeze %dma_wait3A_905 : memref<1x1x4096xf32, #tpu.memory_space<hbm>> -> memref<4096xf32, #tpu.memory_space<hbm>>
        %dma_wait3A_907 = arith.constant 0 : i32
        %dma_wait3A_908 = tpu.memref_slice %arg16[%dma_wait3A_907] : memref<24576xf32, #tpu.memory_space<vmem>> -> memref<4096xf32, #tpu.memory_space<vmem>>
        tpu.wait_dma2 semaphore(%arg23 : memref<!tpu.dma_semaphore, #tpu.memory_space<semaphore_mem>>) src(%dma_wait3A_908 : memref<4096xf32, #tpu.memory_space<vmem>>) dst(%dma_wait3A_906 : memref<4096xf32, #tpu.memory_space<hbm>>)
        %dma_wait3A_909 = arith.constant 1 : i32
        %dma_wait3A_910 = arith.constant 4096 : i32
        %dma_wait3A_911 = tpu.memref_slice %arg16[%dma_wait3A_910] : memref<24576xf32, #tpu.memory_space<vmem>> -> memref<4096xf32, #tpu.memory_space<vmem>>
        %dma_wait3A_912 = tpu.memref_slice %arg8[%select_n3A_857, %dma_wait3A_909, %mul3A_899] : memref<200x6x32768xf32, #tpu.memory_space<hbm>> -> memref<1x1x4096xf32, #tpu.memory_space<hbm>>
        %dma_wait3A_913 = tpu.memref_squeeze %dma_wait3A_912 : memref<1x1x4096xf32, #tpu.memory_space<hbm>> -> memref<4096xf32, #tpu.memory_space<hbm>>
        %dma_wait3A_914 = tpu.memref_slice %arg8[%select_n3A_857, %dma_wait3A_909, %mul3A_899] : memref<200x6x32768xf32, #tpu.memory_space<hbm>> -> memref<1x1x4096xf32, #tpu.memory_space<hbm>>
        %dma_wait3A_915 = tpu.memref_squeeze %dma_wait3A_914 : memref<1x1x4096xf32, #tpu.memory_space<hbm>> -> memref<4096xf32, #tpu.memory_space<hbm>>
        %dma_wait3A_916 = arith.constant 4096 : i32
        %dma_wait3A_917 = tpu.memref_slice %arg16[%dma_wait3A_916] : memref<24576xf32, #tpu.memory_space<vmem>> -> memref<4096xf32, #tpu.memory_space<vmem>>
        tpu.wait_dma2 semaphore(%arg23 : memref<!tpu.dma_semaphore, #tpu.memory_space<semaphore_mem>>) src(%dma_wait3A_917 : memref<4096xf32, #tpu.memory_space<vmem>>) dst(%dma_wait3A_915 : memref<4096xf32, #tpu.memory_space<hbm>>)
        %dma_wait3A_918 = arith.constant 2 : i32
        %dma_wait3A_919 = arith.constant 8192 : i32
        %dma_wait3A_920 = tpu.memref_slice %arg16[%dma_wait3A_919] : memref<24576xf32, #tpu.memory_space<vmem>> -> memref<4096xf32, #tpu.memory_space<vmem>>
        %dma_wait3A_921 = tpu.memref_slice %arg8[%select_n3A_857, %dma_wait3A_918, %mul3A_899] : memref<200x6x32768xf32, #tpu.memory_space<hbm>> -> memref<1x1x4096xf32, #tpu.memory_space<hbm>>
        %dma_wait3A_922 = tpu.memref_squeeze %dma_wait3A_921 : memref<1x1x4096xf32, #tpu.memory_space<hbm>> -> memref<4096xf32, #tpu.memory_space<hbm>>
        %dma_wait3A_923 = tpu.memref_slice %arg8[%select_n3A_857, %dma_wait3A_918, %mul3A_899] : memref<200x6x32768xf32, #tpu.memory_space<hbm>> -> memref<1x1x4096xf32, #tpu.memory_space<hbm>>
        %dma_wait3A_924 = tpu.memref_squeeze %dma_wait3A_923 : memref<1x1x4096xf32, #tpu.memory_space<hbm>> -> memref<4096xf32, #tpu.memory_space<hbm>>
        %dma_wait3A_925 = arith.constant 8192 : i32
        %dma_wait3A_926 = tpu.memref_slice %arg16[%dma_wait3A_925] : memref<24576xf32, #tpu.memory_space<vmem>> -> memref<4096xf32, #tpu.memory_space<vmem>>
        tpu.wait_dma2 semaphore(%arg23 : memref<!tpu.dma_semaphore, #tpu.memory_space<semaphore_mem>>) src(%dma_wait3A_926 : memref<4096xf32, #tpu.memory_space<vmem>>) dst(%dma_wait3A_924 : memref<4096xf32, #tpu.memory_space<hbm>>)
        %dma_wait3A_927 = arith.constant 3 : i32
        %dma_wait3A_928 = arith.constant 12288 : i32
        %dma_wait3A_929 = tpu.memref_slice %arg16[%dma_wait3A_928] : memref<24576xf32, #tpu.memory_space<vmem>> -> memref<4096xf32, #tpu.memory_space<vmem>>
        %dma_wait3A_930 = tpu.memref_slice %arg8[%select_n3A_857, %dma_wait3A_927, %mul3A_899] : memref<200x6x32768xf32, #tpu.memory_space<hbm>> -> memref<1x1x4096xf32, #tpu.memory_space<hbm>>
        %dma_wait3A_931 = tpu.memref_squeeze %dma_wait3A_930 : memref<1x1x4096xf32, #tpu.memory_space<hbm>> -> memref<4096xf32, #tpu.memory_space<hbm>>
        %dma_wait3A_932 = tpu.memref_slice %arg8[%select_n3A_857, %dma_wait3A_927, %mul3A_899] : memref<200x6x32768xf32, #tpu.memory_space<hbm>> -> memref<1x1x4096xf32, #tpu.memory_space<hbm>>
        %dma_wait3A_933 = tpu.memref_squeeze %dma_wait3A_932 : memref<1x1x4096xf32, #tpu.memory_space<hbm>> -> memref<4096xf32, #tpu.memory_space<hbm>>
        %dma_wait3A_934 = arith.constant 12288 : i32
        %dma_wait3A_935 = tpu.memref_slice %arg16[%dma_wait3A_934] : memref<24576xf32, #tpu.memory_space<vmem>> -> memref<4096xf32, #tpu.memory_space<vmem>>
        tpu.wait_dma2 semaphore(%arg23 : memref<!tpu.dma_semaphore, #tpu.memory_space<semaphore_mem>>) src(%dma_wait3A_935 : memref<4096xf32, #tpu.memory_space<vmem>>) dst(%dma_wait3A_933 : memref<4096xf32, #tpu.memory_space<hbm>>)
        %dma_wait3A_936 = arith.constant 4 : i32
        %dma_wait3A_937 = arith.constant 16384 : i32
        %dma_wait3A_938 = tpu.memref_slice %arg16[%dma_wait3A_937] : memref<24576xf32, #tpu.memory_space<vmem>> -> memref<4096xf32, #tpu.memory_space<vmem>>
        %dma_wait3A_939 = tpu.memref_slice %arg8[%select_n3A_857, %dma_wait3A_936, %mul3A_899] : memref<200x6x32768xf32, #tpu.memory_space<hbm>> -> memref<1x1x4096xf32, #tpu.memory_space<hbm>>
        %dma_wait3A_940 = tpu.memref_squeeze %dma_wait3A_939 : memref<1x1x4096xf32, #tpu.memory_space<hbm>> -> memref<4096xf32, #tpu.memory_space<hbm>>
        %dma_wait3A_941 = tpu.memref_slice %arg8[%select_n3A_857, %dma_wait3A_936, %mul3A_899] : memref<200x6x32768xf32, #tpu.memory_space<hbm>> -> memref<1x1x4096xf32, #tpu.memory_space<hbm>>
        %dma_wait3A_942 = tpu.memref_squeeze %dma_wait3A_941 : memref<1x1x4096xf32, #tpu.memory_space<hbm>> -> memref<4096xf32, #tpu.memory_space<hbm>>
        %dma_wait3A_943 = arith.constant 16384 : i32
        %dma_wait3A_944 = tpu.memref_slice %arg16[%dma_wait3A_943] : memref<24576xf32, #tpu.memory_space<vmem>> -> memref<4096xf32, #tpu.memory_space<vmem>>
        tpu.wait_dma2 semaphore(%arg23 : memref<!tpu.dma_semaphore, #tpu.memory_space<semaphore_mem>>) src(%dma_wait3A_944 : memref<4096xf32, #tpu.memory_space<vmem>>) dst(%dma_wait3A_942 : memref<4096xf32, #tpu.memory_space<hbm>>)
        %dma_wait3A_945 = arith.constant 5 : i32
        %dma_wait3A_946 = arith.constant 20480 : i32
        %dma_wait3A_947 = tpu.memref_slice %arg16[%dma_wait3A_946] : memref<24576xf32, #tpu.memory_space<vmem>> -> memref<4096xf32, #tpu.memory_space<vmem>>
        %dma_wait3A_948 = tpu.memref_slice %arg8[%select_n3A_857, %dma_wait3A_945, %mul3A_899] : memref<200x6x32768xf32, #tpu.memory_space<hbm>> -> memref<1x1x4096xf32, #tpu.memory_space<hbm>>
        %dma_wait3A_949 = tpu.memref_squeeze %dma_wait3A_948 : memref<1x1x4096xf32, #tpu.memory_space<hbm>> -> memref<4096xf32, #tpu.memory_space<hbm>>
        %dma_wait3A_950 = tpu.memref_slice %arg8[%select_n3A_857, %dma_wait3A_945, %mul3A_899] : memref<200x6x32768xf32, #tpu.memory_space<hbm>> -> memref<1x1x4096xf32, #tpu.memory_space<hbm>>
        %dma_wait3A_951 = tpu.memref_squeeze %dma_wait3A_950 : memref<1x1x4096xf32, #tpu.memory_space<hbm>> -> memref<4096xf32, #tpu.memory_space<hbm>>
        %dma_wait3A_952 = arith.constant 20480 : i32
        %dma_wait3A_953 = tpu.memref_slice %arg16[%dma_wait3A_952] : memref<24576xf32, #tpu.memory_space<vmem>> -> memref<4096xf32, #tpu.memory_space<vmem>>
        tpu.wait_dma2 semaphore(%arg23 : memref<!tpu.dma_semaphore, #tpu.memory_space<semaphore_mem>>) src(%dma_wait3A_953 : memref<4096xf32, #tpu.memory_space<vmem>>) dst(%dma_wait3A_951 : memref<4096xf32, #tpu.memory_space<hbm>>)
      } else {
      }
      %mul3A_603 = arith.constant 512 : i32
      %mul3A_604 = arith.muli %add3A_597, %mul3A_603 : i32
      %add3A_605 = arith.addi %mul3A_2, %mul3A_604 : i32
      %dma_wait3A_606 = arith.constant 0 : i32
      %dma_wait3A_607 = arith.constant 0 : i32
      %dma_wait3A_608 = tpu.memref_slice %arg14[%dma_wait3A_606, %dma_wait3A_607] : memref<512x32xf32, #tpu.memory_space<vmem>> -> memref<128x32xf32, #tpu.memory_space<vmem>>
      %dma_wait3A_609 = arith.constant 0 : i32
      %dma_wait3A_610 = tpu.memref_slice %arg10[%dma_wait3A_609] : memref<512xi32, #tpu.memory_space<vmem>> -> memref<128xi32, #tpu.memory_space<vmem>>
      %dma_wait3A_611 = arith.constant 0 : i32
      %dma_wait3A_612 = arith.constant 0 : i32
      %dma_wait3A_613 = tpu.memref_slice %arg5[%dma_wait3A_611, %dma_wait3A_612] : memref<1000000x32xf32, #tpu.memory_space<hbm>> -> memref<1000000x32xf32, #tpu.memory_space<hbm>>
      tpu.wait_indirect_dma semaphore(%arg21 : memref<!tpu.dma_semaphore, #tpu.memory_space<semaphore_mem>>) src(%dma_wait3A_613 : memref<1000000x32xf32, #tpu.memory_space<hbm>>) dst(%dma_wait3A_608 : memref<128x32xf32, #tpu.memory_space<vmem>>)
      %dma_wait3A_614 = arith.constant 128 : i32
      %dma_wait3A_615 = arith.constant 0 : i32
      %dma_wait3A_616 = tpu.memref_slice %arg14[%dma_wait3A_614, %dma_wait3A_615] : memref<512x32xf32, #tpu.memory_space<vmem>> -> memref<128x32xf32, #tpu.memory_space<vmem>>
      %dma_wait3A_617 = arith.constant 128 : i32
      %dma_wait3A_618 = tpu.memref_slice %arg10[%dma_wait3A_617] : memref<512xi32, #tpu.memory_space<vmem>> -> memref<128xi32, #tpu.memory_space<vmem>>
      %dma_wait3A_619 = arith.constant 0 : i32
      %dma_wait3A_620 = arith.constant 0 : i32
      %dma_wait3A_621 = tpu.memref_slice %arg5[%dma_wait3A_619, %dma_wait3A_620] : memref<1000000x32xf32, #tpu.memory_space<hbm>> -> memref<1000000x32xf32, #tpu.memory_space<hbm>>
      tpu.wait_indirect_dma semaphore(%arg21 : memref<!tpu.dma_semaphore, #tpu.memory_space<semaphore_mem>>) src(%dma_wait3A_621 : memref<1000000x32xf32, #tpu.memory_space<hbm>>) dst(%dma_wait3A_616 : memref<128x32xf32, #tpu.memory_space<vmem>>)
      %dma_wait3A_622 = arith.constant 256 : i32
      %dma_wait3A_623 = arith.constant 0 : i32
      %dma_wait3A_624 = tpu.memref_slice %arg14[%dma_wait3A_622, %dma_wait3A_623] : memref<512x32xf32, #tpu.memory_space<vmem>> -> memref<128x32xf32, #tpu.memory_space<vmem>>
      %dma_wait3A_625 = arith.constant 256 : i32
      %dma_wait3A_626 = tpu.memref_slice %arg10[%dma_wait3A_625] : memref<512xi32, #tpu.memory_space<vmem>> -> memref<128xi32, #tpu.memory_space<vmem>>
      %dma_wait3A_627 = arith.constant 0 : i32
      %dma_wait3A_628 = arith.constant 0 : i32
      %dma_wait3A_629 = tpu.memref_slice %arg5[%dma_wait3A_627, %dma_wait3A_628] : memref<1000000x32xf32, #tpu.memory_space<hbm>> -> memref<1000000x32xf32, #tpu.memory_space<hbm>>
      tpu.wait_indirect_dma semaphore(%arg21 : memref<!tpu.dma_semaphore, #tpu.memory_space<semaphore_mem>>) src(%dma_wait3A_629 : memref<1000000x32xf32, #tpu.memory_space<hbm>>) dst(%dma_wait3A_624 : memref<128x32xf32, #tpu.memory_space<vmem>>)
      %dma_wait3A_630 = arith.constant 384 : i32
      %dma_wait3A_631 = arith.constant 0 : i32
      %dma_wait3A_632 = tpu.memref_slice %arg14[%dma_wait3A_630, %dma_wait3A_631] : memref<512x32xf32, #tpu.memory_space<vmem>> -> memref<128x32xf32, #tpu.memory_space<vmem>>
      %dma_wait3A_633 = arith.constant 384 : i32
      %dma_wait3A_634 = tpu.memref_slice %arg10[%dma_wait3A_633] : memref<512xi32, #tpu.memory_space<vmem>> -> memref<128xi32, #tpu.memory_space<vmem>>
      %dma_wait3A_635 = arith.constant 0 : i32
      %dma_wait3A_636 = arith.constant 0 : i32
      %dma_wait3A_637 = tpu.memref_slice %arg5[%dma_wait3A_635, %dma_wait3A_636] : memref<1000000x32xf32, #tpu.memory_space<hbm>> -> memref<1000000x32xf32, #tpu.memory_space<hbm>>
      tpu.wait_indirect_dma semaphore(%arg21 : memref<!tpu.dma_semaphore, #tpu.memory_space<semaphore_mem>>) src(%dma_wait3A_637 : memref<1000000x32xf32, #tpu.memory_space<hbm>>) dst(%dma_wait3A_632 : memref<128x32xf32, #tpu.memory_space<vmem>>)
      %dma_wait3A_638 = tpu.memref_slice %arg2[%add3A_605] : memref<819200xf32, #tpu.memory_space<hbm>> -> memref<512xf32, #tpu.memory_space<hbm>>
      %dma_wait3A_639 = tpu.memref_slice %arg2[%add3A_605] : memref<819200xf32, #tpu.memory_space<hbm>> -> memref<512xf32, #tpu.memory_space<hbm>>
      tpu.wait_dma2 semaphore(%arg22 : memref<!tpu.dma_semaphore, #tpu.memory_space<semaphore_mem>>) src(%dma_wait3A_639 : memref<512xf32, #tpu.memory_space<hbm>>) dst(%arg12 : memref<512xf32, #tpu.memory_space<vmem>>)
      %add3A_640 = arith.constant 1 : i32
      %add3A_641 = arith.addi %add3A_597, %add3A_640 : i32
      %lt3A_642 = arith.constant 50 : i32
      %lt3A_643 = arith.cmpi slt, %add3A_641, %lt3A_642 : i32
      %convert_element_type3A_644 = arith.extui %lt3A_643 : i1 to i32
      %cond3A_645 = arith.constant 0 : i32
      %cond3A_646 = arith.cmpi ne, %convert_element_type3A_644, %cond3A_645 : i32
      scf.if %cond3A_646 {
        %add3A_829 = arith.constant 1 : i32
        %add3A_830 = arith.addi %add3A_597, %add3A_829 : i32
        %mul3A_831 = arith.constant 512 : i32
        %mul3A_832 = arith.muli %add3A_830, %mul3A_831 : i32
        %add3A_833 = arith.addi %mul3A_2, %mul3A_832 : i32
        %dma_wait3A_834 = tpu.memref_slice %arg3[%add3A_833] : memref<819200xi32, #tpu.memory_space<hbm>> -> memref<512xi32, #tpu.memory_space<hbm>>
        %dma_wait3A_835 = tpu.memref_slice %arg3[%add3A_833] : memref<819200xi32, #tpu.memory_space<hbm>> -> memref<512xi32, #tpu.memory_space<hbm>>
        tpu.wait_dma2 semaphore(%arg20 : memref<!tpu.dma_semaphore, #tpu.memory_space<semaphore_mem>>) src(%dma_wait3A_835 : memref<512xi32, #tpu.memory_space<hbm>>) dst(%arg9 : memref<512xi32, #tpu.memory_space<vmem>>)
        %add3A_836 = arith.constant 1 : i32
        %add3A_837 = arith.addi %add3A_597, %add3A_836 : i32
        %mul3A_838 = arith.constant 512 : i32
        %mul3A_839 = arith.muli %add3A_837, %mul3A_838 : i32
        %add3A_840 = arith.addi %mul3A_2, %mul3A_839 : i32
        %dma_start3A_841 = arith.constant 0 : i32
        %dma_start3A_842 = arith.constant 0 : i32
        %dma_start3A_843 = tpu.memref_slice %arg13[%dma_start3A_841, %dma_start3A_842] : memref<512x32xf32, #tpu.memory_space<vmem>> -> memref<128x32xf32, #tpu.memory_space<vmem>>
        %dma_start3A_844 = arith.constant 0 : i32
        %dma_start3A_845 = tpu.memref_slice %arg9[%dma_start3A_844] : memref<512xi32, #tpu.memory_space<vmem>> -> memref<128xi32, #tpu.memory_space<vmem>>
        %dma_start3A_846 = arith.constant 0 : i32
        %dma_start3A_847 = arith.constant 0 : i32
        %dma_start3A_848 = tpu.memref_slice %arg5[%dma_start3A_846, %dma_start3A_847] : memref<1000000x32xf32, #tpu.memory_space<hbm>> -> memref<1000000x32xf32, #tpu.memory_space<hbm>>
        tpu.enqueue_indirect_dma source(%dma_start3A_848 : memref<1000000x32xf32, #tpu.memory_space<hbm>>) target(%dma_start3A_843 : memref<128x32xf32, #tpu.memory_space<vmem>>) offsets(%dma_start3A_845 : memref<128xi32, #tpu.memory_space<vmem>>) semaphore(%arg21 : memref<!tpu.dma_semaphore, #tpu.memory_space<semaphore_mem>>)
        %dma_start3A_849 = arith.constant 128 : i32
        %dma_start3A_850 = arith.constant 0 : i32
        %dma_start3A_851 = tpu.memref_slice %arg13[%dma_start3A_849, %dma_start3A_850] : memref<512x32xf32, #tpu.memory_space<vmem>> -> memref<128x32xf32, #tpu.memory_space<vmem>>
        %dma_start3A_852 = arith.constant 128 : i32
        %dma_start3A_853 = tpu.memref_slice %arg9[%dma_start3A_852] : memref<512xi32, #tpu.memory_space<vmem>> -> memref<128xi32, #tpu.memory_space<vmem>>
        %dma_start3A_854 = arith.constant 0 : i32
        %dma_start3A_855 = arith.constant 0 : i32
        %dma_start3A_856 = tpu.memref_slice %arg5[%dma_start3A_854, %dma_start3A_855] : memref<1000000x32xf32, #tpu.memory_space<hbm>> -> memref<1000000x32xf32, #tpu.memory_space<hbm>>
        tpu.enqueue_indirect_dma source(%dma_start3A_856 : memref<1000000x32xf32, #tpu.memory_space<hbm>>) target(%dma_start3A_851 : memref<128x32xf32, #tpu.memory_space<vmem>>) offsets(%dma_start3A_853 : memref<128xi32, #tpu.memory_space<vmem>>) semaphore(%arg21 : memref<!tpu.dma_semaphore, #tpu.memory_space<semaphore_mem>>)
        %dma_start3A_857 = arith.constant 256 : i32
        %dma_start3A_858 = arith.constant 0 : i32
        %dma_start3A_859 = tpu.memref_slice %arg13[%dma_start3A_857, %dma_start3A_858] : memref<512x32xf32, #tpu.memory_space<vmem>> -> memref<128x32xf32, #tpu.memory_space<vmem>>
        %dma_start3A_860 = arith.constant 256 : i32
        %dma_start3A_861 = tpu.memref_slice %arg9[%dma_start3A_860] : memref<512xi32, #tpu.memory_space<vmem>> -> memref<128xi32, #tpu.memory_space<vmem>>
        %dma_start3A_862 = arith.constant 0 : i32
        %dma_start3A_863 = arith.constant 0 : i32
        %dma_start3A_864 = tpu.memref_slice %arg5[%dma_start3A_862, %dma_start3A_863] : memref<1000000x32xf32, #tpu.memory_space<hbm>> -> memref<1000000x32xf32, #tpu.memory_space<hbm>>
        tpu.enqueue_indirect_dma source(%dma_start3A_864 : memref<1000000x32xf32, #tpu.memory_space<hbm>>) target(%dma_start3A_859 : memref<128x32xf32, #tpu.memory_space<vmem>>) offsets(%dma_start3A_861 : memref<128xi32, #tpu.memory_space<vmem>>) semaphore(%arg21 : memref<!tpu.dma_semaphore, #tpu.memory_space<semaphore_mem>>)
        %dma_start3A_865 = arith.constant 384 : i32
        %dma_start3A_866 = arith.constant 0 : i32
        %dma_start3A_867 = tpu.memref_slice %arg13[%dma_start3A_865, %dma_start3A_866] : memref<512x32xf32, #tpu.memory_space<vmem>> -> memref<128x32xf32, #tpu.memory_space<vmem>>
        %dma_start3A_868 = arith.constant 384 : i32
        %dma_start3A_869 = tpu.memref_slice %arg9[%dma_start3A_868] : memref<512xi32, #tpu.memory_space<vmem>> -> memref<128xi32, #tpu.memory_space<vmem>>
        %dma_start3A_870 = arith.constant 0 : i32
        %dma_start3A_871 = arith.constant 0 : i32
        %dma_start3A_872 = tpu.memref_slice %arg5[%dma_start3A_870, %dma_start3A_871] : memref<1000000x32xf32, #tpu.memory_space<hbm>> -> memref<1000000x32xf32, #tpu.memory_space<hbm>>
        tpu.enqueue_indirect_dma source(%dma_start3A_872 : memref<1000000x32xf32, #tpu.memory_space<hbm>>) target(%dma_start3A_867 : memref<128x32xf32, #tpu.memory_space<vmem>>) offsets(%dma_start3A_869 : memref<128xi32, #tpu.memory_space<vmem>>) semaphore(%arg21 : memref<!tpu.dma_semaphore, #tpu.memory_space<semaphore_mem>>)
        %dma_start3A_873 = tpu.memref_slice %arg2[%add3A_840] : memref<819200xf32, #tpu.memory_space<hbm>> -> memref<512xf32, #tpu.memory_space<hbm>>
        %dma_start3A_874 = tpu.memref_slice %arg2[%add3A_840] : memref<819200xf32, #tpu.memory_space<hbm>> -> memref<512xf32, #tpu.memory_space<hbm>>
        tpu.enqueue_dma source(%dma_start3A_874 : memref<512xf32, #tpu.memory_space<hbm>>) target(%arg11 : memref<512xf32, #tpu.memory_space<vmem>>) target_semaphore(%arg22 : memref<!tpu.dma_semaphore, #tpu.memory_space<semaphore_mem>>)
      } else {
      }
      %add3A_647 = arith.constant 2 : i32
      %add3A_648 = arith.addi %add3A_597, %add3A_647 : i32
      %lt3A_649 = arith.constant 50 : i32
      %lt3A_650 = arith.cmpi slt, %add3A_648, %lt3A_649 : i32
      %convert_element_type3A_651 = arith.extui %lt3A_650 : i1 to i32
      %cond3A_652 = arith.constant 0 : i32
      %cond3A_653 = arith.cmpi ne, %convert_element_type3A_651, %cond3A_652 : i32
      scf.if %cond3A_653 {
        %add3A_829 = arith.constant 2 : i32
        %add3A_830 = arith.addi %add3A_597, %add3A_829 : i32
        %mul3A_831 = arith.constant 512 : i32
        %mul3A_832 = arith.muli %add3A_830, %mul3A_831 : i32
        %add3A_833 = arith.addi %mul3A_2, %mul3A_832 : i32
        %dma_start3A_834 = tpu.memref_slice %arg3[%add3A_833] : memref<819200xi32, #tpu.memory_space<hbm>> -> memref<512xi32, #tpu.memory_space<hbm>>
        %dma_start3A_835 = tpu.memref_slice %arg3[%add3A_833] : memref<819200xi32, #tpu.memory_space<hbm>> -> memref<512xi32, #tpu.memory_space<hbm>>
        tpu.enqueue_dma source(%dma_start3A_835 : memref<512xi32, #tpu.memory_space<hbm>>) target(%arg10 : memref<512xi32, #tpu.memory_space<vmem>>) target_semaphore(%arg20 : memref<!tpu.dma_semaphore, #tpu.memory_space<semaphore_mem>>)
      } else {
      }
      %mul3A_654 = arith.constant 512 : i32
      %mul3A_655 = arith.muli %add3A_597, %mul3A_654 : i32
      %add3A_656 = arith.addi %mul3A_2, %mul3A_655 : i32
      %jit3A_657 = arith.constant 4096 : i32
      %div3A_658 = arith.divsi %add3A_656, %jit3A_657 : i32
      %sign3A_659 = arith.constant 0 : i32
      %sign3A_660 = arith.cmpi sgt, %add3A_656, %sign3A_659 : i32
      %sign3A_661 = arith.extui %sign3A_660 : i1 to i32
      %sign3A_662 = arith.constant 0 : i32
      %sign3A_663 = arith.cmpi slt, %add3A_656, %sign3A_662 : i32
      %sign3A_664 = arith.extui %sign3A_663 : i1 to i32
      %sign3A_665 = arith.subi %sign3A_661, %sign3A_664 : i32
      %sign3A_666 = arith.constant 0 : i32
      %sign3A_667 = arith.cmpi sgt, %jit3A_657, %sign3A_666 : i32
      %sign3A_668 = arith.extui %sign3A_667 : i1 to i32
      %sign3A_669 = arith.constant 0 : i32
      %sign3A_670 = arith.cmpi slt, %jit3A_657, %sign3A_669 : i32
      %sign3A_671 = arith.extui %sign3A_670 : i1 to i32
      %sign3A_672 = arith.subi %sign3A_668, %sign3A_671 : i32
      %ne3A_673 = arith.cmpi ne, %sign3A_665, %sign3A_672 : i32
      %rem3A_674 = arith.remsi %add3A_656, %jit3A_657 : i32
      %ne3A_675 = arith.constant 0 : i32
      %ne3A_676 = arith.cmpi ne, %rem3A_674, %ne3A_675 : i32
      %and3A_677 = arith.andi %ne3A_673, %ne3A_676 : i1
      %sub3A_678 = arith.constant 1 : i32
      %sub3A_679 = arith.subi %div3A_658, %sub3A_678 : i32
      %select_n3A_680 = arith.select %and3A_677, %sub3A_679, %div3A_658 : i32
      %mul3A_681 = arith.constant 512 : i32
      %mul3A_682 = arith.muli %add3A_597, %mul3A_681 : i32
      %add3A_683 = arith.addi %mul3A_2, %mul3A_682 : i32
      %jit3A_684 = arith.constant 4096 : i32
      %eq3A_685 = arith.constant 0 : i32
      %eq3A_686 = arith.cmpi eq, %jit3A_684, %eq3A_685 : i32
      %jit3A_687 = arith.constant 1 : i32
      %select_n3A_688 = arith.select %eq3A_686, %jit3A_687, %jit3A_684 : i32
      %rem3A_689 = arith.remsi %add3A_683, %select_n3A_688 : i32
      %ne3A_690 = arith.constant 0 : i32
      %ne3A_691 = arith.cmpi ne, %rem3A_689, %ne3A_690 : i32
      %lt3A_692 = arith.constant 0 : i32
      %lt3A_693 = arith.cmpi slt, %rem3A_689, %lt3A_692 : i32
      %lt3A_694 = arith.constant 0 : i32
      %lt3A_695 = arith.cmpi slt, %select_n3A_688, %lt3A_694 : i32
      %ne3A_696 = arith.xori %lt3A_693, %lt3A_695 : i1
      %and3A_697 = arith.andi %ne3A_696, %ne3A_691 : i1
      %add3A_698 = arith.addi %rem3A_689, %select_n3A_688 : i32
      %select_n3A_699 = arith.select %and3A_697, %add3A_698, %rem3A_689 : i32
      %scan3A_700 = arith.constant 0 : i32
      %scan3A_701 = arith.constant 0 : i32
      %scan3A_702 = arith.constant 32 : i32
      %scan3A_703 = arith.addi %scan3A_701, %scan3A_702 : i32
      %scan3A_704 = arith.constant 1 : i32
      scf.for %scan3A_829 = %scan3A_701 to %scan3A_703 step %scan3A_704  : i32 {
        %mul3A_830 = arith.constant 16 : i32
        %mul3A_831 = arith.muli %scan3A_829, %mul3A_830 : i32
        %get3A_832 = arith.index_cast %mul3A_831 : i32 to index
        %get3A_833 = tpu.vector_load %arg12[%get3A_832] {strides = array<i32>} : memref<512xf32, #tpu.memory_space<vmem>>, vector<16xf32>,
        %get3A_834 = arith.index_cast %mul3A_831 : i32 to index
        %get3A_835 = tpu.vector_load %arg10[%get3A_834] {strides = array<i32>} : memref<512xi32, #tpu.memory_space<vmem>>, vector<16xi32>,
        %add3A_836 = arith.addi %select_n3A_699, %mul3A_831 : i32
        %get3A_837 = arith.index_cast %add3A_836 : i32 to index
        %get3A_838 = tpu.vector_load %arg19[%get3A_837] {strides = array<i32>} : memref<4096xi32, #tpu.memory_space<vmem>>, vector<16xi32>,
        %lt3A_839 = vector.broadcast %select_n3A_680 : i32 to vector<16xi32>
        %lt3A_840 = arith.cmpi slt, %lt3A_839, %get3A_838 : vector<16xi32>
        %jit3A_841 = arith.constant 1.000000e+00 : f32
        %jit3A_842 = arith.constant 0.000000e+00 : f32
        %broadcast_in_dim3A = vector.broadcast %jit3A_841 : f32 to vector<16xf32>
        %broadcast_in_dim3A_843 = vector.broadcast %jit3A_842 : f32 to vector<16xf32>
        %select_n3A_844 = arith.select %lt3A_840, %broadcast_in_dim3A, %broadcast_in_dim3A_843 : vector<16xi1>, vector<16xf32>
        %div3A_845 = arith.constant 3.650000e+02 : f32
        %div3A_846 = vector.broadcast %div3A_845 : f32 to vector<16xf32>
        %div3A_847 = arith.divf %get3A_833, %div3A_846 : vector<16xf32>
        %convert_element_type3A_848 = arith.fptosi %div3A_847 : vector<16xf32> to vector<16xi32>
        %convert_element_type3A_849 = arith.sitofp %convert_element_type3A_848 : vector<16xi32> to vector<16xf32>
        %mul3A_850 = arith.constant 3.650000e+02 : f32
        %mul3A_851 = vector.broadcast %mul3A_850 : f32 to vector<16xf32>
        %mul3A_852 = arith.mulf %convert_element_type3A_849, %mul3A_851 : vector<16xf32>
        %sub3A_853 = arith.subf %get3A_833, %mul3A_852 : vector<16xf32>
        %div3A_854 = arith.constant 3.000000e+01 : f32
        %div3A_855 = vector.broadcast %div3A_854 : f32 to vector<16xf32>
        %div3A_856 = arith.divf %sub3A_853, %div3A_855 : vector<16xf32>
        %convert_element_type3A_857 = arith.fptosi %div3A_856 : vector<16xf32> to vector<16xi32>
        %convert_element_type3A_858 = arith.sitofp %convert_element_type3A_857 : vector<16xi32> to vector<16xf32>
        %mul3A_859 = arith.constant 3.000000e+01 : f32
        %mul3A_860 = vector.broadcast %mul3A_859 : f32 to vector<16xf32>
        %mul3A_861 = arith.mulf %convert_element_type3A_858, %mul3A_860 : vector<16xf32>
        %sub3A_862 = arith.subf %sub3A_853, %mul3A_861 : vector<16xf32>
        %mul3A_863 = arith.mulf %convert_element_type3A_849, %select_n3A_844 : vector<16xf32>
        %mul3A_864 = arith.mulf %convert_element_type3A_858, %select_n3A_844 : vector<16xf32>
        %mul3A_865 = arith.mulf %sub3A_862, %select_n3A_844 : vector<16xf32>
        %ne3A_866 = arith.constant 0 : i32
        %ne3A_867 = vector.broadcast %ne3A_866 : i32 to vector<16xi32>
        %ne3A_868 = arith.cmpi ne, %get3A_835, %ne3A_867 : vector<16xi32>
        %lt3A_869 = vector.broadcast %select_n3A_680 : i32 to vector<16xi32>
        %lt3A_870 = arith.cmpi slt, %lt3A_869, %get3A_838 : vector<16xi32>
        %and3A_871 = arith.andi %ne3A_868, %lt3A_870 : vector<16xi1>
        %jit3A_872 = arith.constant 1.000000e+00 : f32
        %jit3A_873 = arith.constant 0.000000e+00 : f32
        %broadcast_in_dim3A_874 = vector.broadcast %jit3A_872 : f32 to vector<16xf32>
        %broadcast_in_dim3A_875 = vector.broadcast %jit3A_873 : f32 to vector<16xf32>
        %select_n3A_876 = arith.select %and3A_871, %broadcast_in_dim3A_874, %broadcast_in_dim3A_875 : vector<16xi1>, vector<16xf32>
        %jit3A_877 = arith.constant 8 : i32
        %div3A_878 = arith.divsi %scan3A_829, %jit3A_877 : i32
        %sign3A_879 = arith.constant 0 : i32
        %sign3A_880 = arith.cmpi sgt, %scan3A_829, %sign3A_879 : i32
        %sign3A_881 = arith.extui %sign3A_880 : i1 to i32
        %sign3A_882 = arith.constant 0 : i32
        %sign3A_883 = arith.cmpi slt, %scan3A_829, %sign3A_882 : i32
        %sign3A_884 = arith.extui %sign3A_883 : i1 to i32
        %sign3A_885 = arith.subi %sign3A_881, %sign3A_884 : i32
        %sign3A_886 = arith.constant 0 : i32
        %sign3A_887 = arith.cmpi sgt, %jit3A_877, %sign3A_886 : i32
        %sign3A_888 = arith.extui %sign3A_887 : i1 to i32
        %sign3A_889 = arith.constant 0 : i32
        %sign3A_890 = arith.cmpi slt, %jit3A_877, %sign3A_889 : i32
        %sign3A_891 = arith.extui %sign3A_890 : i1 to i32
        %sign3A_892 = arith.subi %sign3A_888, %sign3A_891 : i32
        %ne3A_893 = arith.cmpi ne, %sign3A_885, %sign3A_892 : i32
        %rem3A_894 = arith.remsi %scan3A_829, %jit3A_877 : i32
        %ne3A_895 = arith.constant 0 : i32
        %ne3A_896 = arith.cmpi ne, %rem3A_894, %ne3A_895 : i32
        %and3A_897 = arith.andi %ne3A_893, %ne3A_896 : i1
        %sub3A_898 = arith.constant 1 : i32
        %sub3A_899 = arith.subi %div3A_878, %sub3A_898 : i32
        %select_n3A_900 = arith.select %and3A_897, %sub3A_899, %div3A_878 : i32
        %mul3A_901 = arith.constant 1024 : i32
        %mul3A_902 = arith.muli %select_n3A_900, %mul3A_901 : i32
        %jit3A_903 = arith.constant 8 : i32
        %eq3A_904 = arith.constant 0 : i32
        %eq3A_905 = arith.cmpi eq, %jit3A_903, %eq3A_904 : i32
        %jit3A_906 = arith.constant 1 : i32
        %select_n3A_907 = arith.select %eq3A_905, %jit3A_906, %jit3A_903 : i32
        %rem3A_908 = arith.remsi %scan3A_829, %select_n3A_907 : i32
        %ne3A_909 = arith.constant 0 : i32
        %ne3A_910 = arith.cmpi ne, %rem3A_908, %ne3A_909 : i32
        %lt3A_911 = arith.constant 0 : i32
        %lt3A_912 = arith.cmpi slt, %rem3A_908, %lt3A_911 : i32
        %lt3A_913 = arith.constant 0 : i32
        %lt3A_914 = arith.cmpi slt, %select_n3A_907, %lt3A_913 : i32
        %ne3A_915 = arith.xori %lt3A_912, %lt3A_914 : i1
        %and3A_916 = arith.andi %ne3A_915, %ne3A_910 : i1
        %add3A_917 = arith.addi %rem3A_908, %select_n3A_907 : i32
        %select_n3A_918 = arith.select %and3A_916, %add3A_917, %rem3A_908 : i32
        %mul3A_919 = arith.constant 16 : i32
        %mul3A_920 = arith.muli %select_n3A_918, %mul3A_919 : i32
        %add3A_921 = arith.addi %mul3A_902, %mul3A_920 : i32
        %add3A_922 = arith.constant 0 : i32
        %add3A_923 = arith.addi %mul3A_831, %add3A_922 : i32
        %slice3A = vector.extract_strided_slice %mul3A_863 {offsets = [0], sizes = [1], strides = [1]} : vector<16xf32> to vector<1xf32>
        %squeeze3A = vector.extract %slice3A[0] : f32 from vector<1xf32>
        %mul3A_924 = vector.broadcast %squeeze3A : f32 to vector<16xf32>
        %mul3A_925 = arith.mulf %mul3A_924, %get3A_3 : vector<16xf32>
        %slice3A_926 = vector.extract_strided_slice %mul3A_864 {offsets = [0], sizes = [1], strides = [1]} : vector<16xf32> to vector<1xf32>
        %squeeze3A_927 = vector.extract %slice3A_926[0] : f32 from vector<1xf32>
        %mul3A_928 = vector.broadcast %squeeze3A_927 : f32 to vector<16xf32>
        %mul3A_929 = arith.mulf %mul3A_928, %get3A_5 : vector<16xf32>
        %add3A_930 = arith.addf %mul3A_925, %mul3A_929 : vector<16xf32>
        %slice3A_931 = vector.extract_strided_slice %mul3A_865 {offsets = [0], sizes = [1], strides = [1]} : vector<16xf32> to vector<1xf32>
        %squeeze3A_932 = vector.extract %slice3A_931[0] : f32 from vector<1xf32>
        %mul3A_933 = vector.broadcast %squeeze3A_932 : f32 to vector<16xf32>
        %mul3A_934 = arith.mulf %mul3A_933, %get3A_7 : vector<16xf32>
        %add3A_935 = arith.addf %add3A_930, %mul3A_934 : vector<16xf32>
        %slice3A_936 = vector.extract_strided_slice %select_n3A_844 {offsets = [0], sizes = [1], strides = [1]} : vector<16xf32> to vector<1xf32>
        %squeeze3A_937 = vector.extract %slice3A_936[0] : f32 from vector<1xf32>
        %mul3A_938 = vector.broadcast %squeeze3A_937 : f32 to vector<16xf32>
        %mul3A_939 = arith.mulf %mul3A_938, %get3A_9 : vector<16xf32>
        %add3A_940 = arith.addf %add3A_935, %mul3A_939 : vector<16xf32>
        %slice3A_941 = vector.extract_strided_slice %select_n3A_876 {offsets = [0], sizes = [1], strides = [1]} : vector<16xf32> to vector<1xf32>
        %squeeze3A_942 = vector.extract %slice3A_941[0] : f32 from vector<1xf32>
        %add3A_943 = arith.constant 0 : i32
        %add3A_944 = arith.addi %add3A_921, %add3A_943 : i32
        %add3A_945 = vector.broadcast %add3A_944 : i32 to vector<16xi32>
        %add3A_946 = arith.addi %add3A_59, %add3A_945 : vector<16xi32>
        tpu.vector_store_idx %arg16[%add3A_946], %add3A_940 : memref<24576xf32, #tpu.memory_space<vmem>>[vector<16xi32>], vector<16xf32>,
        %add3A_947 = vector.broadcast %add3A_944 : i32 to vector<16xi32>
        %add3A_948 = arith.addi %add3A_62, %add3A_947 : vector<16xi32>
        %get3A_949 = arith.index_cast %add3A_923 : i32 to index
        %get3A_950 = arith.constant 0 : index
        %get3A_951 = tpu.vector_load %arg14[%get3A_949, %get3A_950] {strides = array<i32>} : memref<512x32xf32, #tpu.memory_space<vmem>>, vector<16xf32>,
        %mul3A_952 = vector.broadcast %squeeze3A_942 : f32 to vector<16xf32>
        %mul3A_953 = arith.mulf %get3A_951, %mul3A_952 : vector<16xf32>
        tpu.vector_store_idx %arg16[%add3A_948], %mul3A_953 : memref<24576xf32, #tpu.memory_space<vmem>>[vector<16xi32>], vector<16xf32>,
        %add3A_954 = vector.broadcast %add3A_944 : i32 to vector<16xi32>
        %add3A_955 = arith.addi %add3A_65, %add3A_954 : vector<16xi32>
        %get3A_956 = arith.index_cast %add3A_923 : i32 to index
        %get3A_957 = arith.constant 16 : index
        %get3A_958 = tpu.vector_load %arg14[%get3A_956, %get3A_957] {strides = array<i32>} : memref<512x32xf32, #tpu.memory_space<vmem>>, vector<16xf32>,
        %mul3A_959 = vector.broadcast %squeeze3A_942 : f32 to vector<16xf32>
        %mul3A_960 = arith.mulf %get3A_958, %mul3A_959 : vector<16xf32>
        tpu.vector_store_idx %arg16[%add3A_955], %mul3A_960 : memref<24576xf32, #tpu.memory_space<vmem>>[vector<16xi32>], vector<16xf32>,
        %add3A_961 = arith.constant 1 : i32
        %add3A_962 = arith.addi %mul3A_831, %add3A_961 : i32
        %slice3A_963 = vector.extract_strided_slice %mul3A_863 {offsets = [1], sizes = [1], strides = [1]} : vector<16xf32> to vector<1xf32>
        %squeeze3A_964 = vector.extract %slice3A_963[0] : f32 from vector<1xf32>
        %mul3A_965 = vector.broadcast %squeeze3A_964 : f32 to vector<16xf32>
        %mul3A_966 = arith.mulf %mul3A_965, %get3A_3 : vector<16xf32>
        %slice3A_967 = vector.extract_strided_slice %mul3A_864 {offsets = [1], sizes = [1], strides = [1]} : vector<16xf32> to vector<1xf32>
        %squeeze3A_968 = vector.extract %slice3A_967[0] : f32 from vector<1xf32>
        %mul3A_969 = vector.broadcast %squeeze3A_968 : f32 to vector<16xf32>
        %mul3A_970 = arith.mulf %mul3A_969, %get3A_5 : vector<16xf32>
        %add3A_971 = arith.addf %mul3A_966, %mul3A_970 : vector<16xf32>
        %slice3A_972 = vector.extract_strided_slice %mul3A_865 {offsets = [1], sizes = [1], strides = [1]} : vector<16xf32> to vector<1xf32>
        %squeeze3A_973 = vector.extract %slice3A_972[0] : f32 from vector<1xf32>
        %mul3A_974 = vector.broadcast %squeeze3A_973 : f32 to vector<16xf32>
        %mul3A_975 = arith.mulf %mul3A_974, %get3A_7 : vector<16xf32>
        %add3A_976 = arith.addf %add3A_971, %mul3A_975 : vector<16xf32>
        %slice3A_977 = vector.extract_strided_slice %select_n3A_844 {offsets = [1], sizes = [1], strides = [1]} : vector<16xf32> to vector<1xf32>
        %squeeze3A_978 = vector.extract %slice3A_977[0] : f32 from vector<1xf32>
        %mul3A_979 = vector.broadcast %squeeze3A_978 : f32 to vector<16xf32>
        %mul3A_980 = arith.mulf %mul3A_979, %get3A_9 : vector<16xf32>
        %add3A_981 = arith.addf %add3A_976, %mul3A_980 : vector<16xf32>
        %slice3A_982 = vector.extract_strided_slice %select_n3A_876 {offsets = [1], sizes = [1], strides = [1]} : vector<16xf32> to vector<1xf32>
        %squeeze3A_983 = vector.extract %slice3A_982[0] : f32 from vector<1xf32>
        %add3A_984 = arith.constant 1 : i32
        %add3A_985 = arith.addi %add3A_921, %add3A_984 : i32
        %add3A_986 = vector.broadcast %add3A_985 : i32 to vector<16xi32>
        %add3A_987 = arith.addi %add3A_59, %add3A_986 : vector<16xi32>
        tpu.vector_store_idx %arg16[%add3A_987], %add3A_981 : memref<24576xf32, #tpu.memory_space<vmem>>[vector<16xi32>], vector<16xf32>,
        %add3A_988 = vector.broadcast %add3A_985 : i32 to vector<16xi32>
        %add3A_989 = arith.addi %add3A_62, %add3A_988 : vector<16xi32>
        %get3A_990 = arith.index_cast %add3A_962 : i32 to index
        %get3A_991 = arith.constant 0 : index
        %get3A_992 = tpu.vector_load %arg14[%get3A_990, %get3A_991] {strides = array<i32>} : memref<512x32xf32, #tpu.memory_space<vmem>>, vector<16xf32>,
        %mul3A_993 = vector.broadcast %squeeze3A_983 : f32 to vector<16xf32>
        %mul3A_994 = arith.mulf %get3A_992, %mul3A_993 : vector<16xf32>
        tpu.vector_store_idx %arg16[%add3A_989], %mul3A_994 : memref<24576xf32, #tpu.memory_space<vmem>>[vector<16xi32>], vector<16xf32>,
        %add3A_995 = vector.broadcast %add3A_985 : i32 to vector<16xi32>
        %add3A_996 = arith.addi %add3A_65, %add3A_995 : vector<16xi32>
        %get3A_997 = arith.index_cast %add3A_962 : i32 to index
        %get3A_998 = arith.constant 16 : index
        %get3A_999 = tpu.vector_load %arg14[%get3A_997, %get3A_998] {strides = array<i32>} : memref<512x32xf32, #tpu.memory_space<vmem>>, vector<16xf32>,
        %mul3A_1000 = vector.broadcast %squeeze3A_983 : f32 to vector<16xf32>
        %mul3A_1001 = arith.mulf %get3A_999, %mul3A_1000 : vector<16xf32>
        tpu.vector_store_idx %arg16[%add3A_996], %mul3A_1001 : memref<24576xf32, #tpu.memory_space<vmem>>[vector<16xi32>], vector<16xf32>,
        %add3A_1002 = arith.constant 2 : i32
        %add3A_1003 = arith.addi %mul3A_831, %add3A_1002 : i32
        %slice3A_1004 = vector.extract_strided_slice %mul3A_863 {offsets = [2], sizes = [1], strides = [1]} : vector<16xf32> to vector<1xf32>
        %squeeze3A_1005 = vector.extract %slice3A_1004[0] : f32 from vector<1xf32>
        %mul3A_1006 = vector.broadcast %squeeze3A_1005 : f32 to vector<16xf32>
        %mul3A_1007 = arith.mulf %mul3A_1006, %get3A_3 : vector<16xf32>
        %slice3A_1008 = vector.extract_strided_slice %mul3A_864 {offsets = [2], sizes = [1], strides = [1]} : vector<16xf32> to vector<1xf32>
        %squeeze3A_1009 = vector.extract %slice3A_1008[0] : f32 from vector<1xf32>
        %mul3A_1010 = vector.broadcast %squeeze3A_1009 : f32 to vector<16xf32>
        %mul3A_1011 = arith.mulf %mul3A_1010, %get3A_5 : vector<16xf32>
        %add3A_1012 = arith.addf %mul3A_1007, %mul3A_1011 : vector<16xf32>
        %slice3A_1013 = vector.extract_strided_slice %mul3A_865 {offsets = [2], sizes = [1], strides = [1]} : vector<16xf32> to vector<1xf32>
        %squeeze3A_1014 = vector.extract %slice3A_1013[0] : f32 from vector<1xf32>
        %mul3A_1015 = vector.broadcast %squeeze3A_1014 : f32 to vector<16xf32>
        %mul3A_1016 = arith.mulf %mul3A_1015, %get3A_7 : vector<16xf32>
        %add3A_1017 = arith.addf %add3A_1012, %mul3A_1016 : vector<16xf32>
        %slice3A_1018 = vector.extract_strided_slice %select_n3A_844 {offsets = [2], sizes = [1], strides = [1]} : vector<16xf32> to vector<1xf32>
        %squeeze3A_1019 = vector.extract %slice3A_1018[0] : f32 from vector<1xf32>
        %mul3A_1020 = vector.broadcast %squeeze3A_1019 : f32 to vector<16xf32>
        %mul3A_1021 = arith.mulf %mul3A_1020, %get3A_9 : vector<16xf32>
        %add3A_1022 = arith.addf %add3A_1017, %mul3A_1021 : vector<16xf32>
        %slice3A_1023 = vector.extract_strided_slice %select_n3A_876 {offsets = [2], sizes = [1], strides = [1]} : vector<16xf32> to vector<1xf32>
        %squeeze3A_1024 = vector.extract %slice3A_1023[0] : f32 from vector<1xf32>
        %add3A_1025 = arith.constant 2 : i32
        %add3A_1026 = arith.addi %add3A_921, %add3A_1025 : i32
        %add3A_1027 = vector.broadcast %add3A_1026 : i32 to vector<16xi32>
        %add3A_1028 = arith.addi %add3A_59, %add3A_1027 : vector<16xi32>
        tpu.vector_store_idx %arg16[%add3A_1028], %add3A_1022 : memref<24576xf32, #tpu.memory_space<vmem>>[vector<16xi32>], vector<16xf32>,
        %add3A_1029 = vector.broadcast %add3A_1026 : i32 to vector<16xi32>
        %add3A_1030 = arith.addi %add3A_62, %add3A_1029 : vector<16xi32>
        %get3A_1031 = arith.index_cast %add3A_1003 : i32 to index
        %get3A_1032 = arith.constant 0 : index
        %get3A_1033 = tpu.vector_load %arg14[%get3A_1031, %get3A_1032] {strides = array<i32>} : memref<512x32xf32, #tpu.memory_space<vmem>>, vector<16xf32>,
        %mul3A_1034 = vector.broadcast %squeeze3A_1024 : f32 to vector<16xf32>
        %mul3A_1035 = arith.mulf %get3A_1033, %mul3A_1034 : vector<16xf32>
        tpu.vector_store_idx %arg16[%add3A_1030], %mul3A_1035 : memref<24576xf32, #tpu.memory_space<vmem>>[vector<16xi32>], vector<16xf32>,
        %add3A_1036 = vector.broadcast %add3A_1026 : i32 to vector<16xi32>
        %add3A_1037 = arith.addi %add3A_65, %add3A_1036 : vector<16xi32>
        %get3A_1038 = arith.index_cast %add3A_1003 : i32 to index
        %get3A_1039 = arith.constant 16 : index
        %get3A_1040 = tpu.vector_load %arg14[%get3A_1038, %get3A_1039] {strides = array<i32>} : memref<512x32xf32, #tpu.memory_space<vmem>>, vector<16xf32>,
        %mul3A_1041 = vector.broadcast %squeeze3A_1024 : f32 to vector<16xf32>
        %mul3A_1042 = arith.mulf %get3A_1040, %mul3A_1041 : vector<16xf32>
        tpu.vector_store_idx %arg16[%add3A_1037], %mul3A_1042 : memref<24576xf32, #tpu.memory_space<vmem>>[vector<16xi32>], vector<16xf32>,
        %add3A_1043 = arith.constant 3 : i32
        %add3A_1044 = arith.addi %mul3A_831, %add3A_1043 : i32
        %slice3A_1045 = vector.extract_strided_slice %mul3A_863 {offsets = [3], sizes = [1], strides = [1]} : vector<16xf32> to vector<1xf32>
        %squeeze3A_1046 = vector.extract %slice3A_1045[0] : f32 from vector<1xf32>
        %mul3A_1047 = vector.broadcast %squeeze3A_1046 : f32 to vector<16xf32>
        %mul3A_1048 = arith.mulf %mul3A_1047, %get3A_3 : vector<16xf32>
        %slice3A_1049 = vector.extract_strided_slice %mul3A_864 {offsets = [3], sizes = [1], strides = [1]} : vector<16xf32> to vector<1xf32>
        %squeeze3A_1050 = vector.extract %slice3A_1049[0] : f32 from vector<1xf32>
        %mul3A_1051 = vector.broadcast %squeeze3A_1050 : f32 to vector<16xf32>
        %mul3A_1052 = arith.mulf %mul3A_1051, %get3A_5 : vector<16xf32>
        %add3A_1053 = arith.addf %mul3A_1048, %mul3A_1052 : vector<16xf32>
        %slice3A_1054 = vector.extract_strided_slice %mul3A_865 {offsets = [3], sizes = [1], strides = [1]} : vector<16xf32> to vector<1xf32>
        %squeeze3A_1055 = vector.extract %slice3A_1054[0] : f32 from vector<1xf32>
        %mul3A_1056 = vector.broadcast %squeeze3A_1055 : f32 to vector<16xf32>
        %mul3A_1057 = arith.mulf %mul3A_1056, %get3A_7 : vector<16xf32>
        %add3A_1058 = arith.addf %add3A_1053, %mul3A_1057 : vector<16xf32>
        %slice3A_1059 = vector.extract_strided_slice %select_n3A_844 {offsets = [3], sizes = [1], strides = [1]} : vector<16xf32> to vector<1xf32>
        %squeeze3A_1060 = vector.extract %slice3A_1059[0] : f32 from vector<1xf32>
        %mul3A_1061 = vector.broadcast %squeeze3A_1060 : f32 to vector<16xf32>
        %mul3A_1062 = arith.mulf %mul3A_1061, %get3A_9 : vector<16xf32>
        %add3A_1063 = arith.addf %add3A_1058, %mul3A_1062 : vector<16xf32>
        %slice3A_1064 = vector.extract_strided_slice %select_n3A_876 {offsets = [3], sizes = [1], strides = [1]} : vector<16xf32> to vector<1xf32>
        %squeeze3A_1065 = vector.extract %slice3A_1064[0] : f32 from vector<1xf32>
        %add3A_1066 = arith.constant 3 : i32
        %add3A_1067 = arith.addi %add3A_921, %add3A_1066 : i32
        %add3A_1068 = vector.broadcast %add3A_1067 : i32 to vector<16xi32>
        %add3A_1069 = arith.addi %add3A_59, %add3A_1068 : vector<16xi32>
        tpu.vector_store_idx %arg16[%add3A_1069], %add3A_1063 : memref<24576xf32, #tpu.memory_space<vmem>>[vector<16xi32>], vector<16xf32>,
        %add3A_1070 = vector.broadcast %add3A_1067 : i32 to vector<16xi32>
        %add3A_1071 = arith.addi %add3A_62, %add3A_1070 : vector<16xi32>
        %get3A_1072 = arith.index_cast %add3A_1044 : i32 to index
        %get3A_1073 = arith.constant 0 : index
        %get3A_1074 = tpu.vector_load %arg14[%get3A_1072, %get3A_1073] {strides = array<i32>} : memref<512x32xf32, #tpu.memory_space<vmem>>, vector<16xf32>,
        %mul3A_1075 = vector.broadcast %squeeze3A_1065 : f32 to vector<16xf32>
        %mul3A_1076 = arith.mulf %get3A_1074, %mul3A_1075 : vector<16xf32>
        tpu.vector_store_idx %arg16[%add3A_1071], %mul3A_1076 : memref<24576xf32, #tpu.memory_space<vmem>>[vector<16xi32>], vector<16xf32>,
        %add3A_1077 = vector.broadcast %add3A_1067 : i32 to vector<16xi32>
        %add3A_1078 = arith.addi %add3A_65, %add3A_1077 : vector<16xi32>
        %get3A_1079 = arith.index_cast %add3A_1044 : i32 to index
        %get3A_1080 = arith.constant 16 : index
        %get3A_1081 = tpu.vector_load %arg14[%get3A_1079, %get3A_1080] {strides = array<i32>} : memref<512x32xf32, #tpu.memory_space<vmem>>, vector<16xf32>,
        %mul3A_1082 = vector.broadcast %squeeze3A_1065 : f32 to vector<16xf32>
        %mul3A_1083 = arith.mulf %get3A_1081, %mul3A_1082 : vector<16xf32>
        tpu.vector_store_idx %arg16[%add3A_1078], %mul3A_1083 : memref<24576xf32, #tpu.memory_space<vmem>>[vector<16xi32>], vector<16xf32>,
        %add3A_1084 = arith.constant 4 : i32
        %add3A_1085 = arith.addi %mul3A_831, %add3A_1084 : i32
        %slice3A_1086 = vector.extract_strided_slice %mul3A_863 {offsets = [4], sizes = [1], strides = [1]} : vector<16xf32> to vector<1xf32>
        %squeeze3A_1087 = vector.extract %slice3A_1086[0] : f32 from vector<1xf32>
        %mul3A_1088 = vector.broadcast %squeeze3A_1087 : f32 to vector<16xf32>
        %mul3A_1089 = arith.mulf %mul3A_1088, %get3A_3 : vector<16xf32>
        %slice3A_1090 = vector.extract_strided_slice %mul3A_864 {offsets = [4], sizes = [1], strides = [1]} : vector<16xf32> to vector<1xf32>
        %squeeze3A_1091 = vector.extract %slice3A_1090[0] : f32 from vector<1xf32>
        %mul3A_1092 = vector.broadcast %squeeze3A_1091 : f32 to vector<16xf32>
        %mul3A_1093 = arith.mulf %mul3A_1092, %get3A_5 : vector<16xf32>
        %add3A_1094 = arith.addf %mul3A_1089, %mul3A_1093 : vector<16xf32>
        %slice3A_1095 = vector.extract_strided_slice %mul3A_865 {offsets = [4], sizes = [1], strides = [1]} : vector<16xf32> to vector<1xf32>
        %squeeze3A_1096 = vector.extract %slice3A_1095[0] : f32 from vector<1xf32>
        %mul3A_1097 = vector.broadcast %squeeze3A_1096 : f32 to vector<16xf32>
        %mul3A_1098 = arith.mulf %mul3A_1097, %get3A_7 : vector<16xf32>
        %add3A_1099 = arith.addf %add3A_1094, %mul3A_1098 : vector<16xf32>
        %slice3A_1100 = vector.extract_strided_slice %select_n3A_844 {offsets = [4], sizes = [1], strides = [1]} : vector<16xf32> to vector<1xf32>
        %squeeze3A_1101 = vector.extract %slice3A_1100[0] : f32 from vector<1xf32>
        %mul3A_1102 = vector.broadcast %squeeze3A_1101 : f32 to vector<16xf32>
        %mul3A_1103 = arith.mulf %mul3A_1102, %get3A_9 : vector<16xf32>
        %add3A_1104 = arith.addf %add3A_1099, %mul3A_1103 : vector<16xf32>
        %slice3A_1105 = vector.extract_strided_slice %select_n3A_876 {offsets = [4], sizes = [1], strides = [1]} : vector<16xf32> to vector<1xf32>
        %squeeze3A_1106 = vector.extract %slice3A_1105[0] : f32 from vector<1xf32>
        %add3A_1107 = arith.constant 4 : i32
        %add3A_1108 = arith.addi %add3A_921, %add3A_1107 : i32
        %add3A_1109 = vector.broadcast %add3A_1108 : i32 to vector<16xi32>
        %add3A_1110 = arith.addi %add3A_59, %add3A_1109 : vector<16xi32>
        tpu.vector_store_idx %arg16[%add3A_1110], %add3A_1104 : memref<24576xf32, #tpu.memory_space<vmem>>[vector<16xi32>], vector<16xf32>,
        %add3A_1111 = vector.broadcast %add3A_1108 : i32 to vector<16xi32>
        %add3A_1112 = arith.addi %add3A_62, %add3A_1111 : vector<16xi32>
        %get3A_1113 = arith.index_cast %add3A_1085 : i32 to index
        %get3A_1114 = arith.constant 0 : index
        %get3A_1115 = tpu.vector_load %arg14[%get3A_1113, %get3A_1114] {strides = array<i32>} : memref<512x32xf32, #tpu.memory_space<vmem>>, vector<16xf32>,
        %mul3A_1116 = vector.broadcast %squeeze3A_1106 : f32 to vector<16xf32>
        %mul3A_1117 = arith.mulf %get3A_1115, %mul3A_1116 : vector<16xf32>
        tpu.vector_store_idx %arg16[%add3A_1112], %mul3A_1117 : memref<24576xf32, #tpu.memory_space<vmem>>[vector<16xi32>], vector<16xf32>,
        %add3A_1118 = vector.broadcast %add3A_1108 : i32 to vector<16xi32>
        %add3A_1119 = arith.addi %add3A_65, %add3A_1118 : vector<16xi32>
        %get3A_1120 = arith.index_cast %add3A_1085 : i32 to index
        %get3A_1121 = arith.constant 16 : index
        %get3A_1122 = tpu.vector_load %arg14[%get3A_1120, %get3A_1121] {strides = array<i32>} : memref<512x32xf32, #tpu.memory_space<vmem>>, vector<16xf32>,
        %mul3A_1123 = vector.broadcast %squeeze3A_1106 : f32 to vector<16xf32>
        %mul3A_1124 = arith.mulf %get3A_1122, %mul3A_1123 : vector<16xf32>
        tpu.vector_store_idx %arg16[%add3A_1119], %mul3A_1124 : memref<24576xf32, #tpu.memory_space<vmem>>[vector<16xi32>], vector<16xf32>,
        %add3A_1125 = arith.constant 5 : i32
        %add3A_1126 = arith.addi %mul3A_831, %add3A_1125 : i32
        %slice3A_1127 = vector.extract_strided_slice %mul3A_863 {offsets = [5], sizes = [1], strides = [1]} : vector<16xf32> to vector<1xf32>
        %squeeze3A_1128 = vector.extract %slice3A_1127[0] : f32 from vector<1xf32>
        %mul3A_1129 = vector.broadcast %squeeze3A_1128 : f32 to vector<16xf32>
        %mul3A_1130 = arith.mulf %mul3A_1129, %get3A_3 : vector<16xf32>
        %slice3A_1131 = vector.extract_strided_slice %mul3A_864 {offsets = [5], sizes = [1], strides = [1]} : vector<16xf32> to vector<1xf32>
        %squeeze3A_1132 = vector.extract %slice3A_1131[0] : f32 from vector<1xf32>
        %mul3A_1133 = vector.broadcast %squeeze3A_1132 : f32 to vector<16xf32>
        %mul3A_1134 = arith.mulf %mul3A_1133, %get3A_5 : vector<16xf32>
        %add3A_1135 = arith.addf %mul3A_1130, %mul3A_1134 : vector<16xf32>
        %slice3A_1136 = vector.extract_strided_slice %mul3A_865 {offsets = [5], sizes = [1], strides = [1]} : vector<16xf32> to vector<1xf32>
        %squeeze3A_1137 = vector.extract %slice3A_1136[0] : f32 from vector<1xf32>
        %mul3A_1138 = vector.broadcast %squeeze3A_1137 : f32 to vector<16xf32>
        %mul3A_1139 = arith.mulf %mul3A_1138, %get3A_7 : vector<16xf32>
        %add3A_1140 = arith.addf %add3A_1135, %mul3A_1139 : vector<16xf32>
        %slice3A_1141 = vector.extract_strided_slice %select_n3A_844 {offsets = [5], sizes = [1], strides = [1]} : vector<16xf32> to vector<1xf32>
        %squeeze3A_1142 = vector.extract %slice3A_1141[0] : f32 from vector<1xf32>
        %mul3A_1143 = vector.broadcast %squeeze3A_1142 : f32 to vector<16xf32>
        %mul3A_1144 = arith.mulf %mul3A_1143, %get3A_9 : vector<16xf32>
        %add3A_1145 = arith.addf %add3A_1140, %mul3A_1144 : vector<16xf32>
        %slice3A_1146 = vector.extract_strided_slice %select_n3A_876 {offsets = [5], sizes = [1], strides = [1]} : vector<16xf32> to vector<1xf32>
        %squeeze3A_1147 = vector.extract %slice3A_1146[0] : f32 from vector<1xf32>
        %add3A_1148 = arith.constant 5 : i32
        %add3A_1149 = arith.addi %add3A_921, %add3A_1148 : i32
        %add3A_1150 = vector.broadcast %add3A_1149 : i32 to vector<16xi32>
        %add3A_1151 = arith.addi %add3A_59, %add3A_1150 : vector<16xi32>
        tpu.vector_store_idx %arg16[%add3A_1151], %add3A_1145 : memref<24576xf32, #tpu.memory_space<vmem>>[vector<16xi32>], vector<16xf32>,
        %add3A_1152 = vector.broadcast %add3A_1149 : i32 to vector<16xi32>
        %add3A_1153 = arith.addi %add3A_62, %add3A_1152 : vector<16xi32>
        %get3A_1154 = arith.index_cast %add3A_1126 : i32 to index
        %get3A_1155 = arith.constant 0 : index
        %get3A_1156 = tpu.vector_load %arg14[%get3A_1154, %get3A_1155] {strides = array<i32>} : memref<512x32xf32, #tpu.memory_space<vmem>>, vector<16xf32>,
        %mul3A_1157 = vector.broadcast %squeeze3A_1147 : f32 to vector<16xf32>
        %mul3A_1158 = arith.mulf %get3A_1156, %mul3A_1157 : vector<16xf32>
        tpu.vector_store_idx %arg16[%add3A_1153], %mul3A_1158 : memref<24576xf32, #tpu.memory_space<vmem>>[vector<16xi32>], vector<16xf32>,
        %add3A_1159 = vector.broadcast %add3A_1149 : i32 to vector<16xi32>
        %add3A_1160 = arith.addi %add3A_65, %add3A_1159 : vector<16xi32>
        %get3A_1161 = arith.index_cast %add3A_1126 : i32 to index
        %get3A_1162 = arith.constant 16 : index
        %get3A_1163 = tpu.vector_load %arg14[%get3A_1161, %get3A_1162] {strides = array<i32>} : memref<512x32xf32, #tpu.memory_space<vmem>>, vector<16xf32>,
        %mul3A_1164 = vector.broadcast %squeeze3A_1147 : f32 to vector<16xf32>
        %mul3A_1165 = arith.mulf %get3A_1163, %mul3A_1164 : vector<16xf32>
        tpu.vector_store_idx %arg16[%add3A_1160], %mul3A_1165 : memref<24576xf32, #tpu.memory_space<vmem>>[vector<16xi32>], vector<16xf32>,
        %add3A_1166 = arith.constant 6 : i32
        %add3A_1167 = arith.addi %mul3A_831, %add3A_1166 : i32
        %slice3A_1168 = vector.extract_strided_slice %mul3A_863 {offsets = [6], sizes = [1], strides = [1]} : vector<16xf32> to vector<1xf32>
        %squeeze3A_1169 = vector.extract %slice3A_1168[0] : f32 from vector<1xf32>
        %mul3A_1170 = vector.broadcast %squeeze3A_1169 : f32 to vector<16xf32>
        %mul3A_1171 = arith.mulf %mul3A_1170, %get3A_3 : vector<16xf32>
        %slice3A_1172 = vector.extract_strided_slice %mul3A_864 {offsets = [6], sizes = [1], strides = [1]} : vector<16xf32> to vector<1xf32>
        %squeeze3A_1173 = vector.extract %slice3A_1172[0] : f32 from vector<1xf32>
        %mul3A_1174 = vector.broadcast %squeeze3A_1173 : f32 to vector<16xf32>
        %mul3A_1175 = arith.mulf %mul3A_1174, %get3A_5 : vector<16xf32>
        %add3A_1176 = arith.addf %mul3A_1171, %mul3A_1175 : vector<16xf32>
        %slice3A_1177 = vector.extract_strided_slice %mul3A_865 {offsets = [6], sizes = [1], strides = [1]} : vector<16xf32> to vector<1xf32>
        %squeeze3A_1178 = vector.extract %slice3A_1177[0] : f32 from vector<1xf32>
        %mul3A_1179 = vector.broadcast %squeeze3A_1178 : f32 to vector<16xf32>
        %mul3A_1180 = arith.mulf %mul3A_1179, %get3A_7 : vector<16xf32>
        %add3A_1181 = arith.addf %add3A_1176, %mul3A_1180 : vector<16xf32>
        %slice3A_1182 = vector.extract_strided_slice %select_n3A_844 {offsets = [6], sizes = [1], strides = [1]} : vector<16xf32> to vector<1xf32>
        %squeeze3A_1183 = vector.extract %slice3A_1182[0] : f32 from vector<1xf32>
        %mul3A_1184 = vector.broadcast %squeeze3A_1183 : f32 to vector<16xf32>
        %mul3A_1185 = arith.mulf %mul3A_1184, %get3A_9 : vector<16xf32>
        %add3A_1186 = arith.addf %add3A_1181, %mul3A_1185 : vector<16xf32>
        %slice3A_1187 = vector.extract_strided_slice %select_n3A_876 {offsets = [6], sizes = [1], strides = [1]} : vector<16xf32> to vector<1xf32>
        %squeeze3A_1188 = vector.extract %slice3A_1187[0] : f32 from vector<1xf32>
        %add3A_1189 = arith.constant 6 : i32
        %add3A_1190 = arith.addi %add3A_921, %add3A_1189 : i32
        %add3A_1191 = vector.broadcast %add3A_1190 : i32 to vector<16xi32>
        %add3A_1192 = arith.addi %add3A_59, %add3A_1191 : vector<16xi32>
        tpu.vector_store_idx %arg16[%add3A_1192], %add3A_1186 : memref<24576xf32, #tpu.memory_space<vmem>>[vector<16xi32>], vector<16xf32>,
        %add3A_1193 = vector.broadcast %add3A_1190 : i32 to vector<16xi32>
        %add3A_1194 = arith.addi %add3A_62, %add3A_1193 : vector<16xi32>
        %get3A_1195 = arith.index_cast %add3A_1167 : i32 to index
        %get3A_1196 = arith.constant 0 : index
        %get3A_1197 = tpu.vector_load %arg14[%get3A_1195, %get3A_1196] {strides = array<i32>} : memref<512x32xf32, #tpu.memory_space<vmem>>, vector<16xf32>,
        %mul3A_1198 = vector.broadcast %squeeze3A_1188 : f32 to vector<16xf32>
        %mul3A_1199 = arith.mulf %get3A_1197, %mul3A_1198 : vector<16xf32>
        tpu.vector_store_idx %arg16[%add3A_1194], %mul3A_1199 : memref<24576xf32, #tpu.memory_space<vmem>>[vector<16xi32>], vector<16xf32>,
        %add3A_1200 = vector.broadcast %add3A_1190 : i32 to vector<16xi32>
        %add3A_1201 = arith.addi %add3A_65, %add3A_1200 : vector<16xi32>
        %get3A_1202 = arith.index_cast %add3A_1167 : i32 to index
        %get3A_1203 = arith.constant 16 : index
        %get3A_1204 = tpu.vector_load %arg14[%get3A_1202, %get3A_1203] {strides = array<i32>} : memref<512x32xf32, #tpu.memory_space<vmem>>, vector<16xf32>,
        %mul3A_1205 = vector.broadcast %squeeze3A_1188 : f32 to vector<16xf32>
        %mul3A_1206 = arith.mulf %get3A_1204, %mul3A_1205 : vector<16xf32>
        tpu.vector_store_idx %arg16[%add3A_1201], %mul3A_1206 : memref<24576xf32, #tpu.memory_space<vmem>>[vector<16xi32>], vector<16xf32>,
        %add3A_1207 = arith.constant 7 : i32
        %add3A_1208 = arith.addi %mul3A_831, %add3A_1207 : i32
        %slice3A_1209 = vector.extract_strided_slice %mul3A_863 {offsets = [7], sizes = [1], strides = [1]} : vector<16xf32> to vector<1xf32>
        %squeeze3A_1210 = vector.extract %slice3A_1209[0] : f32 from vector<1xf32>
        %mul3A_1211 = vector.broadcast %squeeze3A_1210 : f32 to vector<16xf32>
        %mul3A_1212 = arith.mulf %mul3A_1211, %get3A_3 : vector<16xf32>
        %slice3A_1213 = vector.extract_strided_slice %mul3A_864 {offsets = [7], sizes = [1], strides = [1]} : vector<16xf32> to vector<1xf32>
        %squeeze3A_1214 = vector.extract %slice3A_1213[0] : f32 from vector<1xf32>
        %mul3A_1215 = vector.broadcast %squeeze3A_1214 : f32 to vector<16xf32>
        %mul3A_1216 = arith.mulf %mul3A_1215, %get3A_5 : vector<16xf32>
        %add3A_1217 = arith.addf %mul3A_1212, %mul3A_1216 : vector<16xf32>
        %slice3A_1218 = vector.extract_strided_slice %mul3A_865 {offsets = [7], sizes = [1], strides = [1]} : vector<16xf32> to vector<1xf32>
        %squeeze3A_1219 = vector.extract %slice3A_1218[0] : f32 from vector<1xf32>
        %mul3A_1220 = vector.broadcast %squeeze3A_1219 : f32 to vector<16xf32>
        %mul3A_1221 = arith.mulf %mul3A_1220, %get3A_7 : vector<16xf32>
        %add3A_1222 = arith.addf %add3A_1217, %mul3A_1221 : vector<16xf32>
        %slice3A_1223 = vector.extract_strided_slice %select_n3A_844 {offsets = [7], sizes = [1], strides = [1]} : vector<16xf32> to vector<1xf32>
        %squeeze3A_1224 = vector.extract %slice3A_1223[0] : f32 from vector<1xf32>
        %mul3A_1225 = vector.broadcast %squeeze3A_1224 : f32 to vector<16xf32>
        %mul3A_1226 = arith.mulf %mul3A_1225, %get3A_9 : vector<16xf32>
        %add3A_1227 = arith.addf %add3A_1222, %mul3A_1226 : vector<16xf32>
        %slice3A_1228 = vector.extract_strided_slice %select_n3A_876 {offsets = [7], sizes = [1], strides = [1]} : vector<16xf32> to vector<1xf32>
        %squeeze3A_1229 = vector.extract %slice3A_1228[0] : f32 from vector<1xf32>
        %add3A_1230 = arith.constant 7 : i32
        %add3A_1231 = arith.addi %add3A_921, %add3A_1230 : i32
        %add3A_1232 = vector.broadcast %add3A_1231 : i32 to vector<16xi32>
        %add3A_1233 = arith.addi %add3A_59, %add3A_1232 : vector<16xi32>
        tpu.vector_store_idx %arg16[%add3A_1233], %add3A_1227 : memref<24576xf32, #tpu.memory_space<vmem>>[vector<16xi32>], vector<16xf32>,
        %add3A_1234 = vector.broadcast %add3A_1231 : i32 to vector<16xi32>
        %add3A_1235 = arith.addi %add3A_62, %add3A_1234 : vector<16xi32>
        %get3A_1236 = arith.index_cast %add3A_1208 : i32 to index
        %get3A_1237 = arith.constant 0 : index
        %get3A_1238 = tpu.vector_load %arg14[%get3A_1236, %get3A_1237] {strides = array<i32>} : memref<512x32xf32, #tpu.memory_space<vmem>>, vector<16xf32>,
        %mul3A_1239 = vector.broadcast %squeeze3A_1229 : f32 to vector<16xf32>
        %mul3A_1240 = arith.mulf %get3A_1238, %mul3A_1239 : vector<16xf32>
        tpu.vector_store_idx %arg16[%add3A_1235], %mul3A_1240 : memref<24576xf32, #tpu.memory_space<vmem>>[vector<16xi32>], vector<16xf32>,
        %add3A_1241 = vector.broadcast %add3A_1231 : i32 to vector<16xi32>
        %add3A_1242 = arith.addi %add3A_65, %add3A_1241 : vector<16xi32>
        %get3A_1243 = arith.index_cast %add3A_1208 : i32 to index
        %get3A_1244 = arith.constant 16 : index
        %get3A_1245 = tpu.vector_load %arg14[%get3A_1243, %get3A_1244] {strides = array<i32>} : memref<512x32xf32, #tpu.memory_space<vmem>>, vector<16xf32>,
        %mul3A_1246 = vector.broadcast %squeeze3A_1229 : f32 to vector<16xf32>
        %mul3A_1247 = arith.mulf %get3A_1245, %mul3A_1246 : vector<16xf32>
        tpu.vector_store_idx %arg16[%add3A_1242], %mul3A_1247 : memref<24576xf32, #tpu.memory_space<vmem>>[vector<16xi32>], vector<16xf32>,
        %add3A_1248 = arith.constant 8 : i32
        %add3A_1249 = arith.addi %mul3A_831, %add3A_1248 : i32
        %slice3A_1250 = vector.extract_strided_slice %mul3A_863 {offsets = [8], sizes = [1], strides = [1]} : vector<16xf32> to vector<1xf32>
        %squeeze3A_1251 = vector.extract %slice3A_1250[0] : f32 from vector<1xf32>
        %mul3A_1252 = vector.broadcast %squeeze3A_1251 : f32 to vector<16xf32>
        %mul3A_1253 = arith.mulf %mul3A_1252, %get3A_3 : vector<16xf32>
        %slice3A_1254 = vector.extract_strided_slice %mul3A_864 {offsets = [8], sizes = [1], strides = [1]} : vector<16xf32> to vector<1xf32>
        %squeeze3A_1255 = vector.extract %slice3A_1254[0] : f32 from vector<1xf32>
        %mul3A_1256 = vector.broadcast %squeeze3A_1255 : f32 to vector<16xf32>
        %mul3A_1257 = arith.mulf %mul3A_1256, %get3A_5 : vector<16xf32>
        %add3A_1258 = arith.addf %mul3A_1253, %mul3A_1257 : vector<16xf32>
        %slice3A_1259 = vector.extract_strided_slice %mul3A_865 {offsets = [8], sizes = [1], strides = [1]} : vector<16xf32> to vector<1xf32>
        %squeeze3A_1260 = vector.extract %slice3A_1259[0] : f32 from vector<1xf32>
        %mul3A_1261 = vector.broadcast %squeeze3A_1260 : f32 to vector<16xf32>
        %mul3A_1262 = arith.mulf %mul3A_1261, %get3A_7 : vector<16xf32>
        %add3A_1263 = arith.addf %add3A_1258, %mul3A_1262 : vector<16xf32>
        %slice3A_1264 = vector.extract_strided_slice %select_n3A_844 {offsets = [8], sizes = [1], strides = [1]} : vector<16xf32> to vector<1xf32>
        %squeeze3A_1265 = vector.extract %slice3A_1264[0] : f32 from vector<1xf32>
        %mul3A_1266 = vector.broadcast %squeeze3A_1265 : f32 to vector<16xf32>
        %mul3A_1267 = arith.mulf %mul3A_1266, %get3A_9 : vector<16xf32>
        %add3A_1268 = arith.addf %add3A_1263, %mul3A_1267 : vector<16xf32>
        %slice3A_1269 = vector.extract_strided_slice %select_n3A_876 {offsets = [8], sizes = [1], strides = [1]} : vector<16xf32> to vector<1xf32>
        %squeeze3A_1270 = vector.extract %slice3A_1269[0] : f32 from vector<1xf32>
        %add3A_1271 = arith.constant 8 : i32
        %add3A_1272 = arith.addi %add3A_921, %add3A_1271 : i32
        %add3A_1273 = vector.broadcast %add3A_1272 : i32 to vector<16xi32>
        %add3A_1274 = arith.addi %add3A_59, %add3A_1273 : vector<16xi32>
        tpu.vector_store_idx %arg16[%add3A_1274], %add3A_1268 : memref<24576xf32, #tpu.memory_space<vmem>>[vector<16xi32>], vector<16xf32>,
        %add3A_1275 = vector.broadcast %add3A_1272 : i32 to vector<16xi32>
        %add3A_1276 = arith.addi %add3A_62, %add3A_1275 : vector<16xi32>
        %get3A_1277 = arith.index_cast %add3A_1249 : i32 to index
        %get3A_1278 = arith.constant 0 : index
        %get3A_1279 = tpu.vector_load %arg14[%get3A_1277, %get3A_1278] {strides = array<i32>} : memref<512x32xf32, #tpu.memory_space<vmem>>, vector<16xf32>,
        %mul3A_1280 = vector.broadcast %squeeze3A_1270 : f32 to vector<16xf32>
        %mul3A_1281 = arith.mulf %get3A_1279, %mul3A_1280 : vector<16xf32>
        tpu.vector_store_idx %arg16[%add3A_1276], %mul3A_1281 : memref<24576xf32, #tpu.memory_space<vmem>>[vector<16xi32>], vector<16xf32>,
        %add3A_1282 = vector.broadcast %add3A_1272 : i32 to vector<16xi32>
        %add3A_1283 = arith.addi %add3A_65, %add3A_1282 : vector<16xi32>
        %get3A_1284 = arith.index_cast %add3A_1249 : i32 to index
        %get3A_1285 = arith.constant 16 : index
        %get3A_1286 = tpu.vector_load %arg14[%get3A_1284, %get3A_1285] {strides = array<i32>} : memref<512x32xf32, #tpu.memory_space<vmem>>, vector<16xf32>,
        %mul3A_1287 = vector.broadcast %squeeze3A_1270 : f32 to vector<16xf32>
        %mul3A_1288 = arith.mulf %get3A_1286, %mul3A_1287 : vector<16xf32>
        tpu.vector_store_idx %arg16[%add3A_1283], %mul3A_1288 : memref<24576xf32, #tpu.memory_space<vmem>>[vector<16xi32>], vector<16xf32>,
        %add3A_1289 = arith.constant 9 : i32
        %add3A_1290 = arith.addi %mul3A_831, %add3A_1289 : i32
        %slice3A_1291 = vector.extract_strided_slice %mul3A_863 {offsets = [9], sizes = [1], strides = [1]} : vector<16xf32> to vector<1xf32>
        %squeeze3A_1292 = vector.extract %slice3A_1291[0] : f32 from vector<1xf32>
        %mul3A_1293 = vector.broadcast %squeeze3A_1292 : f32 to vector<16xf32>
        %mul3A_1294 = arith.mulf %mul3A_1293, %get3A_3 : vector<16xf32>
        %slice3A_1295 = vector.extract_strided_slice %mul3A_864 {offsets = [9], sizes = [1], strides = [1]} : vector<16xf32> to vector<1xf32>
        %squeeze3A_1296 = vector.extract %slice3A_1295[0] : f32 from vector<1xf32>
        %mul3A_1297 = vector.broadcast %squeeze3A_1296 : f32 to vector<16xf32>
        %mul3A_1298 = arith.mulf %mul3A_1297, %get3A_5 : vector<16xf32>
        %add3A_1299 = arith.addf %mul3A_1294, %mul3A_1298 : vector<16xf32>
        %slice3A_1300 = vector.extract_strided_slice %mul3A_865 {offsets = [9], sizes = [1], strides = [1]} : vector<16xf32> to vector<1xf32>
        %squeeze3A_1301 = vector.extract %slice3A_1300[0] : f32 from vector<1xf32>
        %mul3A_1302 = vector.broadcast %squeeze3A_1301 : f32 to vector<16xf32>
        %mul3A_1303 = arith.mulf %mul3A_1302, %get3A_7 : vector<16xf32>
        %add3A_1304 = arith.addf %add3A_1299, %mul3A_1303 : vector<16xf32>
        %slice3A_1305 = vector.extract_strided_slice %select_n3A_844 {offsets = [9], sizes = [1], strides = [1]} : vector<16xf32> to vector<1xf32>
        %squeeze3A_1306 = vector.extract %slice3A_1305[0] : f32 from vector<1xf32>
        %mul3A_1307 = vector.broadcast %squeeze3A_1306 : f32 to vector<16xf32>
        %mul3A_1308 = arith.mulf %mul3A_1307, %get3A_9 : vector<16xf32>
        %add3A_1309 = arith.addf %add3A_1304, %mul3A_1308 : vector<16xf32>
        %slice3A_1310 = vector.extract_strided_slice %select_n3A_876 {offsets = [9], sizes = [1], strides = [1]} : vector<16xf32> to vector<1xf32>
        %squeeze3A_1311 = vector.extract %slice3A_1310[0] : f32 from vector<1xf32>
        %add3A_1312 = arith.constant 9 : i32
        %add3A_1313 = arith.addi %add3A_921, %add3A_1312 : i32
        %add3A_1314 = vector.broadcast %add3A_1313 : i32 to vector<16xi32>
        %add3A_1315 = arith.addi %add3A_59, %add3A_1314 : vector<16xi32>
        tpu.vector_store_idx %arg16[%add3A_1315], %add3A_1309 : memref<24576xf32, #tpu.memory_space<vmem>>[vector<16xi32>], vector<16xf32>,
        %add3A_1316 = vector.broadcast %add3A_1313 : i32 to vector<16xi32>
        %add3A_1317 = arith.addi %add3A_62, %add3A_1316 : vector<16xi32>
        %get3A_1318 = arith.index_cast %add3A_1290 : i32 to index
        %get3A_1319 = arith.constant 0 : index
        %get3A_1320 = tpu.vector_load %arg14[%get3A_1318, %get3A_1319] {strides = array<i32>} : memref<512x32xf32, #tpu.memory_space<vmem>>, vector<16xf32>,
        %mul3A_1321 = vector.broadcast %squeeze3A_1311 : f32 to vector<16xf32>
        %mul3A_1322 = arith.mulf %get3A_1320, %mul3A_1321 : vector<16xf32>
        tpu.vector_store_idx %arg16[%add3A_1317], %mul3A_1322 : memref<24576xf32, #tpu.memory_space<vmem>>[vector<16xi32>], vector<16xf32>,
        %add3A_1323 = vector.broadcast %add3A_1313 : i32 to vector<16xi32>
        %add3A_1324 = arith.addi %add3A_65, %add3A_1323 : vector<16xi32>
        %get3A_1325 = arith.index_cast %add3A_1290 : i32 to index
        %get3A_1326 = arith.constant 16 : index
        %get3A_1327 = tpu.vector_load %arg14[%get3A_1325, %get3A_1326] {strides = array<i32>} : memref<512x32xf32, #tpu.memory_space<vmem>>, vector<16xf32>,
        %mul3A_1328 = vector.broadcast %squeeze3A_1311 : f32 to vector<16xf32>
        %mul3A_1329 = arith.mulf %get3A_1327, %mul3A_1328 : vector<16xf32>
        tpu.vector_store_idx %arg16[%add3A_1324], %mul3A_1329 : memref<24576xf32, #tpu.memory_space<vmem>>[vector<16xi32>], vector<16xf32>,
        %add3A_1330 = arith.constant 10 : i32
        %add3A_1331 = arith.addi %mul3A_831, %add3A_1330 : i32
        %slice3A_1332 = vector.extract_strided_slice %mul3A_863 {offsets = [10], sizes = [1], strides = [1]} : vector<16xf32> to vector<1xf32>
        %squeeze3A_1333 = vector.extract %slice3A_1332[0] : f32 from vector<1xf32>
        %mul3A_1334 = vector.broadcast %squeeze3A_1333 : f32 to vector<16xf32>
        %mul3A_1335 = arith.mulf %mul3A_1334, %get3A_3 : vector<16xf32>
        %slice3A_1336 = vector.extract_strided_slice %mul3A_864 {offsets = [10], sizes = [1], strides = [1]} : vector<16xf32> to vector<1xf32>
        %squeeze3A_1337 = vector.extract %slice3A_1336[0] : f32 from vector<1xf32>
        %mul3A_1338 = vector.broadcast %squeeze3A_1337 : f32 to vector<16xf32>
        %mul3A_1339 = arith.mulf %mul3A_1338, %get3A_5 : vector<16xf32>
        %add3A_1340 = arith.addf %mul3A_1335, %mul3A_1339 : vector<16xf32>
        %slice3A_1341 = vector.extract_strided_slice %mul3A_865 {offsets = [10], sizes = [1], strides = [1]} : vector<16xf32> to vector<1xf32>
        %squeeze3A_1342 = vector.extract %slice3A_1341[0] : f32 from vector<1xf32>
        %mul3A_1343 = vector.broadcast %squeeze3A_1342 : f32 to vector<16xf32>
        %mul3A_1344 = arith.mulf %mul3A_1343, %get3A_7 : vector<16xf32>
        %add3A_1345 = arith.addf %add3A_1340, %mul3A_1344 : vector<16xf32>
        %slice3A_1346 = vector.extract_strided_slice %select_n3A_844 {offsets = [10], sizes = [1], strides = [1]} : vector<16xf32> to vector<1xf32>
        %squeeze3A_1347 = vector.extract %slice3A_1346[0] : f32 from vector<1xf32>
        %mul3A_1348 = vector.broadcast %squeeze3A_1347 : f32 to vector<16xf32>
        %mul3A_1349 = arith.mulf %mul3A_1348, %get3A_9 : vector<16xf32>
        %add3A_1350 = arith.addf %add3A_1345, %mul3A_1349 : vector<16xf32>
        %slice3A_1351 = vector.extract_strided_slice %select_n3A_876 {offsets = [10], sizes = [1], strides = [1]} : vector<16xf32> to vector<1xf32>
        %squeeze3A_1352 = vector.extract %slice3A_1351[0] : f32 from vector<1xf32>
        %add3A_1353 = arith.constant 10 : i32
        %add3A_1354 = arith.addi %add3A_921, %add3A_1353 : i32
        %add3A_1355 = vector.broadcast %add3A_1354 : i32 to vector<16xi32>
        %add3A_1356 = arith.addi %add3A_59, %add3A_1355 : vector<16xi32>
        tpu.vector_store_idx %arg16[%add3A_1356], %add3A_1350 : memref<24576xf32, #tpu.memory_space<vmem>>[vector<16xi32>], vector<16xf32>,
        %add3A_1357 = vector.broadcast %add3A_1354 : i32 to vector<16xi32>
        %add3A_1358 = arith.addi %add3A_62, %add3A_1357 : vector<16xi32>
        %get3A_1359 = arith.index_cast %add3A_1331 : i32 to index
        %get3A_1360 = arith.constant 0 : index
        %get3A_1361 = tpu.vector_load %arg14[%get3A_1359, %get3A_1360] {strides = array<i32>} : memref<512x32xf32, #tpu.memory_space<vmem>>, vector<16xf32>,
        %mul3A_1362 = vector.broadcast %squeeze3A_1352 : f32 to vector<16xf32>
        %mul3A_1363 = arith.mulf %get3A_1361, %mul3A_1362 : vector<16xf32>
        tpu.vector_store_idx %arg16[%add3A_1358], %mul3A_1363 : memref<24576xf32, #tpu.memory_space<vmem>>[vector<16xi32>], vector<16xf32>,
        %add3A_1364 = vector.broadcast %add3A_1354 : i32 to vector<16xi32>
        %add3A_1365 = arith.addi %add3A_65, %add3A_1364 : vector<16xi32>
        %get3A_1366 = arith.index_cast %add3A_1331 : i32 to index
        %get3A_1367 = arith.constant 16 : index
        %get3A_1368 = tpu.vector_load %arg14[%get3A_1366, %get3A_1367] {strides = array<i32>} : memref<512x32xf32, #tpu.memory_space<vmem>>, vector<16xf32>,
        %mul3A_1369 = vector.broadcast %squeeze3A_1352 : f32 to vector<16xf32>
        %mul3A_1370 = arith.mulf %get3A_1368, %mul3A_1369 : vector<16xf32>
        tpu.vector_store_idx %arg16[%add3A_1365], %mul3A_1370 : memref<24576xf32, #tpu.memory_space<vmem>>[vector<16xi32>], vector<16xf32>,
        %add3A_1371 = arith.constant 11 : i32
        %add3A_1372 = arith.addi %mul3A_831, %add3A_1371 : i32
        %slice3A_1373 = vector.extract_strided_slice %mul3A_863 {offsets = [11], sizes = [1], strides = [1]} : vector<16xf32> to vector<1xf32>
        %squeeze3A_1374 = vector.extract %slice3A_1373[0] : f32 from vector<1xf32>
        %mul3A_1375 = vector.broadcast %squeeze3A_1374 : f32 to vector<16xf32>
        %mul3A_1376 = arith.mulf %mul3A_1375, %get3A_3 : vector<16xf32>
        %slice3A_1377 = vector.extract_strided_slice %mul3A_864 {offsets = [11], sizes = [1], strides = [1]} : vector<16xf32> to vector<1xf32>
        %squeeze3A_1378 = vector.extract %slice3A_1377[0] : f32 from vector<1xf32>
        %mul3A_1379 = vector.broadcast %squeeze3A_1378 : f32 to vector<16xf32>
        %mul3A_1380 = arith.mulf %mul3A_1379, %get3A_5 : vector<16xf32>
        %add3A_1381 = arith.addf %mul3A_1376, %mul3A_1380 : vector<16xf32>
        %slice3A_1382 = vector.extract_strided_slice %mul3A_865 {offsets = [11], sizes = [1], strides = [1]} : vector<16xf32> to vector<1xf32>
        %squeeze3A_1383 = vector.extract %slice3A_1382[0] : f32 from vector<1xf32>
        %mul3A_1384 = vector.broadcast %squeeze3A_1383 : f32 to vector<16xf32>
        %mul3A_1385 = arith.mulf %mul3A_1384, %get3A_7 : vector<16xf32>
        %add3A_1386 = arith.addf %add3A_1381, %mul3A_1385 : vector<16xf32>
        %slice3A_1387 = vector.extract_strided_slice %select_n3A_844 {offsets = [11], sizes = [1], strides = [1]} : vector<16xf32> to vector<1xf32>
        %squeeze3A_1388 = vector.extract %slice3A_1387[0] : f32 from vector<1xf32>
        %mul3A_1389 = vector.broadcast %squeeze3A_1388 : f32 to vector<16xf32>
        %mul3A_1390 = arith.mulf %mul3A_1389, %get3A_9 : vector<16xf32>
        %add3A_1391 = arith.addf %add3A_1386, %mul3A_1390 : vector<16xf32>
        %slice3A_1392 = vector.extract_strided_slice %select_n3A_876 {offsets = [11], sizes = [1], strides = [1]} : vector<16xf32> to vector<1xf32>
        %squeeze3A_1393 = vector.extract %slice3A_1392[0] : f32 from vector<1xf32>
        %add3A_1394 = arith.constant 11 : i32
        %add3A_1395 = arith.addi %add3A_921, %add3A_1394 : i32
        %add3A_1396 = vector.broadcast %add3A_1395 : i32 to vector<16xi32>
        %add3A_1397 = arith.addi %add3A_59, %add3A_1396 : vector<16xi32>
        tpu.vector_store_idx %arg16[%add3A_1397], %add3A_1391 : memref<24576xf32, #tpu.memory_space<vmem>>[vector<16xi32>], vector<16xf32>,
        %add3A_1398 = vector.broadcast %add3A_1395 : i32 to vector<16xi32>
        %add3A_1399 = arith.addi %add3A_62, %add3A_1398 : vector<16xi32>
        %get3A_1400 = arith.index_cast %add3A_1372 : i32 to index
        %get3A_1401 = arith.constant 0 : index
        %get3A_1402 = tpu.vector_load %arg14[%get3A_1400, %get3A_1401] {strides = array<i32>} : memref<512x32xf32, #tpu.memory_space<vmem>>, vector<16xf32>,
        %mul3A_1403 = vector.broadcast %squeeze3A_1393 : f32 to vector<16xf32>
        %mul3A_1404 = arith.mulf %get3A_1402, %mul3A_1403 : vector<16xf32>
        tpu.vector_store_idx %arg16[%add3A_1399], %mul3A_1404 : memref<24576xf32, #tpu.memory_space<vmem>>[vector<16xi32>], vector<16xf32>,
        %add3A_1405 = vector.broadcast %add3A_1395 : i32 to vector<16xi32>
        %add3A_1406 = arith.addi %add3A_65, %add3A_1405 : vector<16xi32>
        %get3A_1407 = arith.index_cast %add3A_1372 : i32 to index
        %get3A_1408 = arith.constant 16 : index
        %get3A_1409 = tpu.vector_load %arg14[%get3A_1407, %get3A_1408] {strides = array<i32>} : memref<512x32xf32, #tpu.memory_space<vmem>>, vector<16xf32>,
        %mul3A_1410 = vector.broadcast %squeeze3A_1393 : f32 to vector<16xf32>
        %mul3A_1411 = arith.mulf %get3A_1409, %mul3A_1410 : vector<16xf32>
        tpu.vector_store_idx %arg16[%add3A_1406], %mul3A_1411 : memref<24576xf32, #tpu.memory_space<vmem>>[vector<16xi32>], vector<16xf32>,
        %add3A_1412 = arith.constant 12 : i32
        %add3A_1413 = arith.addi %mul3A_831, %add3A_1412 : i32
        %slice3A_1414 = vector.extract_strided_slice %mul3A_863 {offsets = [12], sizes = [1], strides = [1]} : vector<16xf32> to vector<1xf32>
        %squeeze3A_1415 = vector.extract %slice3A_1414[0] : f32 from vector<1xf32>
        %mul3A_1416 = vector.broadcast %squeeze3A_1415 : f32 to vector<16xf32>
        %mul3A_1417 = arith.mulf %mul3A_1416, %get3A_3 : vector<16xf32>
        %slice3A_1418 = vector.extract_strided_slice %mul3A_864 {offsets = [12], sizes = [1], strides = [1]} : vector<16xf32> to vector<1xf32>
        %squeeze3A_1419 = vector.extract %slice3A_1418[0] : f32 from vector<1xf32>
        %mul3A_1420 = vector.broadcast %squeeze3A_1419 : f32 to vector<16xf32>
        %mul3A_1421 = arith.mulf %mul3A_1420, %get3A_5 : vector<16xf32>
        %add3A_1422 = arith.addf %mul3A_1417, %mul3A_1421 : vector<16xf32>
        %slice3A_1423 = vector.extract_strided_slice %mul3A_865 {offsets = [12], sizes = [1], strides = [1]} : vector<16xf32> to vector<1xf32>
        %squeeze3A_1424 = vector.extract %slice3A_1423[0] : f32 from vector<1xf32>
        %mul3A_1425 = vector.broadcast %squeeze3A_1424 : f32 to vector<16xf32>
        %mul3A_1426 = arith.mulf %mul3A_1425, %get3A_7 : vector<16xf32>
        %add3A_1427 = arith.addf %add3A_1422, %mul3A_1426 : vector<16xf32>
        %slice3A_1428 = vector.extract_strided_slice %select_n3A_844 {offsets = [12], sizes = [1], strides = [1]} : vector<16xf32> to vector<1xf32>
        %squeeze3A_1429 = vector.extract %slice3A_1428[0] : f32 from vector<1xf32>
        %mul3A_1430 = vector.broadcast %squeeze3A_1429 : f32 to vector<16xf32>
        %mul3A_1431 = arith.mulf %mul3A_1430, %get3A_9 : vector<16xf32>
        %add3A_1432 = arith.addf %add3A_1427, %mul3A_1431 : vector<16xf32>
        %slice3A_1433 = vector.extract_strided_slice %select_n3A_876 {offsets = [12], sizes = [1], strides = [1]} : vector<16xf32> to vector<1xf32>
        %squeeze3A_1434 = vector.extract %slice3A_1433[0] : f32 from vector<1xf32>
        %add3A_1435 = arith.constant 12 : i32
        %add3A_1436 = arith.addi %add3A_921, %add3A_1435 : i32
        %add3A_1437 = vector.broadcast %add3A_1436 : i32 to vector<16xi32>
        %add3A_1438 = arith.addi %add3A_59, %add3A_1437 : vector<16xi32>
        tpu.vector_store_idx %arg16[%add3A_1438], %add3A_1432 : memref<24576xf32, #tpu.memory_space<vmem>>[vector<16xi32>], vector<16xf32>,
        %add3A_1439 = vector.broadcast %add3A_1436 : i32 to vector<16xi32>
        %add3A_1440 = arith.addi %add3A_62, %add3A_1439 : vector<16xi32>
        %get3A_1441 = arith.index_cast %add3A_1413 : i32 to index
        %get3A_1442 = arith.constant 0 : index
        %get3A_1443 = tpu.vector_load %arg14[%get3A_1441, %get3A_1442] {strides = array<i32>} : memref<512x32xf32, #tpu.memory_space<vmem>>, vector<16xf32>,
        %mul3A_1444 = vector.broadcast %squeeze3A_1434 : f32 to vector<16xf32>
        %mul3A_1445 = arith.mulf %get3A_1443, %mul3A_1444 : vector<16xf32>
        tpu.vector_store_idx %arg16[%add3A_1440], %mul3A_1445 : memref<24576xf32, #tpu.memory_space<vmem>>[vector<16xi32>], vector<16xf32>,
        %add3A_1446 = vector.broadcast %add3A_1436 : i32 to vector<16xi32>
        %add3A_1447 = arith.addi %add3A_65, %add3A_1446 : vector<16xi32>
        %get3A_1448 = arith.index_cast %add3A_1413 : i32 to index
        %get3A_1449 = arith.constant 16 : index
        %get3A_1450 = tpu.vector_load %arg14[%get3A_1448, %get3A_1449] {strides = array<i32>} : memref<512x32xf32, #tpu.memory_space<vmem>>, vector<16xf32>,
        %mul3A_1451 = vector.broadcast %squeeze3A_1434 : f32 to vector<16xf32>
        %mul3A_1452 = arith.mulf %get3A_1450, %mul3A_1451 : vector<16xf32>
        tpu.vector_store_idx %arg16[%add3A_1447], %mul3A_1452 : memref<24576xf32, #tpu.memory_space<vmem>>[vector<16xi32>], vector<16xf32>,
        %add3A_1453 = arith.constant 13 : i32
        %add3A_1454 = arith.addi %mul3A_831, %add3A_1453 : i32
        %slice3A_1455 = vector.extract_strided_slice %mul3A_863 {offsets = [13], sizes = [1], strides = [1]} : vector<16xf32> to vector<1xf32>
        %squeeze3A_1456 = vector.extract %slice3A_1455[0] : f32 from vector<1xf32>
        %mul3A_1457 = vector.broadcast %squeeze3A_1456 : f32 to vector<16xf32>
        %mul3A_1458 = arith.mulf %mul3A_1457, %get3A_3 : vector<16xf32>
        %slice3A_1459 = vector.extract_strided_slice %mul3A_864 {offsets = [13], sizes = [1], strides = [1]} : vector<16xf32> to vector<1xf32>
        %squeeze3A_1460 = vector.extract %slice3A_1459[0] : f32 from vector<1xf32>
        %mul3A_1461 = vector.broadcast %squeeze3A_1460 : f32 to vector<16xf32>
        %mul3A_1462 = arith.mulf %mul3A_1461, %get3A_5 : vector<16xf32>
        %add3A_1463 = arith.addf %mul3A_1458, %mul3A_1462 : vector<16xf32>
        %slice3A_1464 = vector.extract_strided_slice %mul3A_865 {offsets = [13], sizes = [1], strides = [1]} : vector<16xf32> to vector<1xf32>
        %squeeze3A_1465 = vector.extract %slice3A_1464[0] : f32 from vector<1xf32>
        %mul3A_1466 = vector.broadcast %squeeze3A_1465 : f32 to vector<16xf32>
        %mul3A_1467 = arith.mulf %mul3A_1466, %get3A_7 : vector<16xf32>
        %add3A_1468 = arith.addf %add3A_1463, %mul3A_1467 : vector<16xf32>
        %slice3A_1469 = vector.extract_strided_slice %select_n3A_844 {offsets = [13], sizes = [1], strides = [1]} : vector<16xf32> to vector<1xf32>
        %squeeze3A_1470 = vector.extract %slice3A_1469[0] : f32 from vector<1xf32>
        %mul3A_1471 = vector.broadcast %squeeze3A_1470 : f32 to vector<16xf32>
        %mul3A_1472 = arith.mulf %mul3A_1471, %get3A_9 : vector<16xf32>
        %add3A_1473 = arith.addf %add3A_1468, %mul3A_1472 : vector<16xf32>
        %slice3A_1474 = vector.extract_strided_slice %select_n3A_876 {offsets = [13], sizes = [1], strides = [1]} : vector<16xf32> to vector<1xf32>
        %squeeze3A_1475 = vector.extract %slice3A_1474[0] : f32 from vector<1xf32>
        %add3A_1476 = arith.constant 13 : i32
        %add3A_1477 = arith.addi %add3A_921, %add3A_1476 : i32
        %add3A_1478 = vector.broadcast %add3A_1477 : i32 to vector<16xi32>
        %add3A_1479 = arith.addi %add3A_59, %add3A_1478 : vector<16xi32>
        tpu.vector_store_idx %arg16[%add3A_1479], %add3A_1473 : memref<24576xf32, #tpu.memory_space<vmem>>[vector<16xi32>], vector<16xf32>,
        %add3A_1480 = vector.broadcast %add3A_1477 : i32 to vector<16xi32>
        %add3A_1481 = arith.addi %add3A_62, %add3A_1480 : vector<16xi32>
        %get3A_1482 = arith.index_cast %add3A_1454 : i32 to index
        %get3A_1483 = arith.constant 0 : index
        %get3A_1484 = tpu.vector_load %arg14[%get3A_1482, %get3A_1483] {strides = array<i32>} : memref<512x32xf32, #tpu.memory_space<vmem>>, vector<16xf32>,
        %mul3A_1485 = vector.broadcast %squeeze3A_1475 : f32 to vector<16xf32>
        %mul3A_1486 = arith.mulf %get3A_1484, %mul3A_1485 : vector<16xf32>
        tpu.vector_store_idx %arg16[%add3A_1481], %mul3A_1486 : memref<24576xf32, #tpu.memory_space<vmem>>[vector<16xi32>], vector<16xf32>,
        %add3A_1487 = vector.broadcast %add3A_1477 : i32 to vector<16xi32>
        %add3A_1488 = arith.addi %add3A_65, %add3A_1487 : vector<16xi32>
        %get3A_1489 = arith.index_cast %add3A_1454 : i32 to index
        %get3A_1490 = arith.constant 16 : index
        %get3A_1491 = tpu.vector_load %arg14[%get3A_1489, %get3A_1490] {strides = array<i32>} : memref<512x32xf32, #tpu.memory_space<vmem>>, vector<16xf32>,
        %mul3A_1492 = vector.broadcast %squeeze3A_1475 : f32 to vector<16xf32>
        %mul3A_1493 = arith.mulf %get3A_1491, %mul3A_1492 : vector<16xf32>
        tpu.vector_store_idx %arg16[%add3A_1488], %mul3A_1493 : memref<24576xf32, #tpu.memory_space<vmem>>[vector<16xi32>], vector<16xf32>,
        %add3A_1494 = arith.constant 14 : i32
        %add3A_1495 = arith.addi %mul3A_831, %add3A_1494 : i32
        %slice3A_1496 = vector.extract_strided_slice %mul3A_863 {offsets = [14], sizes = [1], strides = [1]} : vector<16xf32> to vector<1xf32>
        %squeeze3A_1497 = vector.extract %slice3A_1496[0] : f32 from vector<1xf32>
        %mul3A_1498 = vector.broadcast %squeeze3A_1497 : f32 to vector<16xf32>
        %mul3A_1499 = arith.mulf %mul3A_1498, %get3A_3 : vector<16xf32>
        %slice3A_1500 = vector.extract_strided_slice %mul3A_864 {offsets = [14], sizes = [1], strides = [1]} : vector<16xf32> to vector<1xf32>
        %squeeze3A_1501 = vector.extract %slice3A_1500[0] : f32 from vector<1xf32>
        %mul3A_1502 = vector.broadcast %squeeze3A_1501 : f32 to vector<16xf32>
        %mul3A_1503 = arith.mulf %mul3A_1502, %get3A_5 : vector<16xf32>
        %add3A_1504 = arith.addf %mul3A_1499, %mul3A_1503 : vector<16xf32>
        %slice3A_1505 = vector.extract_strided_slice %mul3A_865 {offsets = [14], sizes = [1], strides = [1]} : vector<16xf32> to vector<1xf32>
        %squeeze3A_1506 = vector.extract %slice3A_1505[0] : f32 from vector<1xf32>
        %mul3A_1507 = vector.broadcast %squeeze3A_1506 : f32 to vector<16xf32>
        %mul3A_1508 = arith.mulf %mul3A_1507, %get3A_7 : vector<16xf32>
        %add3A_1509 = arith.addf %add3A_1504, %mul3A_1508 : vector<16xf32>
        %slice3A_1510 = vector.extract_strided_slice %select_n3A_844 {offsets = [14], sizes = [1], strides = [1]} : vector<16xf32> to vector<1xf32>
        %squeeze3A_1511 = vector.extract %slice3A_1510[0] : f32 from vector<1xf32>
        %mul3A_1512 = vector.broadcast %squeeze3A_1511 : f32 to vector<16xf32>
        %mul3A_1513 = arith.mulf %mul3A_1512, %get3A_9 : vector<16xf32>
        %add3A_1514 = arith.addf %add3A_1509, %mul3A_1513 : vector<16xf32>
        %slice3A_1515 = vector.extract_strided_slice %select_n3A_876 {offsets = [14], sizes = [1], strides = [1]} : vector<16xf32> to vector<1xf32>
        %squeeze3A_1516 = vector.extract %slice3A_1515[0] : f32 from vector<1xf32>
        %add3A_1517 = arith.constant 14 : i32
        %add3A_1518 = arith.addi %add3A_921, %add3A_1517 : i32
        %add3A_1519 = vector.broadcast %add3A_1518 : i32 to vector<16xi32>
        %add3A_1520 = arith.addi %add3A_59, %add3A_1519 : vector<16xi32>
        tpu.vector_store_idx %arg16[%add3A_1520], %add3A_1514 : memref<24576xf32, #tpu.memory_space<vmem>>[vector<16xi32>], vector<16xf32>,
        %add3A_1521 = vector.broadcast %add3A_1518 : i32 to vector<16xi32>
        %add3A_1522 = arith.addi %add3A_62, %add3A_1521 : vector<16xi32>
        %get3A_1523 = arith.index_cast %add3A_1495 : i32 to index
        %get3A_1524 = arith.constant 0 : index
        %get3A_1525 = tpu.vector_load %arg14[%get3A_1523, %get3A_1524] {strides = array<i32>} : memref<512x32xf32, #tpu.memory_space<vmem>>, vector<16xf32>,
        %mul3A_1526 = vector.broadcast %squeeze3A_1516 : f32 to vector<16xf32>
        %mul3A_1527 = arith.mulf %get3A_1525, %mul3A_1526 : vector<16xf32>
        tpu.vector_store_idx %arg16[%add3A_1522], %mul3A_1527 : memref<24576xf32, #tpu.memory_space<vmem>>[vector<16xi32>], vector<16xf32>,
        %add3A_1528 = vector.broadcast %add3A_1518 : i32 to vector<16xi32>
        %add3A_1529 = arith.addi %add3A_65, %add3A_1528 : vector<16xi32>
        %get3A_1530 = arith.index_cast %add3A_1495 : i32 to index
        %get3A_1531 = arith.constant 16 : index
        %get3A_1532 = tpu.vector_load %arg14[%get3A_1530, %get3A_1531] {strides = array<i32>} : memref<512x32xf32, #tpu.memory_space<vmem>>, vector<16xf32>,
        %mul3A_1533 = vector.broadcast %squeeze3A_1516 : f32 to vector<16xf32>
        %mul3A_1534 = arith.mulf %get3A_1532, %mul3A_1533 : vector<16xf32>
        tpu.vector_store_idx %arg16[%add3A_1529], %mul3A_1534 : memref<24576xf32, #tpu.memory_space<vmem>>[vector<16xi32>], vector<16xf32>,
        %add3A_1535 = arith.constant 15 : i32
        %add3A_1536 = arith.addi %mul3A_831, %add3A_1535 : i32
        %slice3A_1537 = vector.extract_strided_slice %mul3A_863 {offsets = [15], sizes = [1], strides = [1]} : vector<16xf32> to vector<1xf32>
        %squeeze3A_1538 = vector.extract %slice3A_1537[0] : f32 from vector<1xf32>
        %mul3A_1539 = vector.broadcast %squeeze3A_1538 : f32 to vector<16xf32>
        %mul3A_1540 = arith.mulf %mul3A_1539, %get3A_3 : vector<16xf32>
        %slice3A_1541 = vector.extract_strided_slice %mul3A_864 {offsets = [15], sizes = [1], strides = [1]} : vector<16xf32> to vector<1xf32>
        %squeeze3A_1542 = vector.extract %slice3A_1541[0] : f32 from vector<1xf32>
        %mul3A_1543 = vector.broadcast %squeeze3A_1542 : f32 to vector<16xf32>
        %mul3A_1544 = arith.mulf %mul3A_1543, %get3A_5 : vector<16xf32>
        %add3A_1545 = arith.addf %mul3A_1540, %mul3A_1544 : vector<16xf32>
        %slice3A_1546 = vector.extract_strided_slice %mul3A_865 {offsets = [15], sizes = [1], strides = [1]} : vector<16xf32> to vector<1xf32>
        %squeeze3A_1547 = vector.extract %slice3A_1546[0] : f32 from vector<1xf32>
        %mul3A_1548 = vector.broadcast %squeeze3A_1547 : f32 to vector<16xf32>
        %mul3A_1549 = arith.mulf %mul3A_1548, %get3A_7 : vector<16xf32>
        %add3A_1550 = arith.addf %add3A_1545, %mul3A_1549 : vector<16xf32>
        %slice3A_1551 = vector.extract_strided_slice %select_n3A_844 {offsets = [15], sizes = [1], strides = [1]} : vector<16xf32> to vector<1xf32>
        %squeeze3A_1552 = vector.extract %slice3A_1551[0] : f32 from vector<1xf32>
        %mul3A_1553 = vector.broadcast %squeeze3A_1552 : f32 to vector<16xf32>
        %mul3A_1554 = arith.mulf %mul3A_1553, %get3A_9 : vector<16xf32>
        %add3A_1555 = arith.addf %add3A_1550, %mul3A_1554 : vector<16xf32>
        %slice3A_1556 = vector.extract_strided_slice %select_n3A_876 {offsets = [15], sizes = [1], strides = [1]} : vector<16xf32> to vector<1xf32>
        %squeeze3A_1557 = vector.extract %slice3A_1556[0] : f32 from vector<1xf32>
        %add3A_1558 = arith.constant 15 : i32
        %add3A_1559 = arith.addi %add3A_921, %add3A_1558 : i32
        %add3A_1560 = vector.broadcast %add3A_1559 : i32 to vector<16xi32>
        %add3A_1561 = arith.addi %add3A_59, %add3A_1560 : vector<16xi32>
        tpu.vector_store_idx %arg16[%add3A_1561], %add3A_1555 : memref<24576xf32, #tpu.memory_space<vmem>>[vector<16xi32>], vector<16xf32>,
        %add3A_1562 = vector.broadcast %add3A_1559 : i32 to vector<16xi32>
        %add3A_1563 = arith.addi %add3A_62, %add3A_1562 : vector<16xi32>
        %get3A_1564 = arith.index_cast %add3A_1536 : i32 to index
        %get3A_1565 = arith.constant 0 : index
        %get3A_1566 = tpu.vector_load %arg14[%get3A_1564, %get3A_1565] {strides = array<i32>} : memref<512x32xf32, #tpu.memory_space<vmem>>, vector<16xf32>,
        %mul3A_1567 = vector.broadcast %squeeze3A_1557 : f32 to vector<16xf32>
        %mul3A_1568 = arith.mulf %get3A_1566, %mul3A_1567 : vector<16xf32>
        tpu.vector_store_idx %arg16[%add3A_1563], %mul3A_1568 : memref<24576xf32, #tpu.memory_space<vmem>>[vector<16xi32>], vector<16xf32>,
        %add3A_1569 = vector.broadcast %add3A_1559 : i32 to vector<16xi32>
        %add3A_1570 = arith.addi %add3A_65, %add3A_1569 : vector<16xi32>
        %get3A_1571 = arith.index_cast %add3A_1536 : i32 to index
        %get3A_1572 = arith.constant 16 : index
        %get3A_1573 = tpu.vector_load %arg14[%get3A_1571, %get3A_1572] {strides = array<i32>} : memref<512x32xf32, #tpu.memory_space<vmem>>, vector<16xf32>,
        %mul3A_1574 = vector.broadcast %squeeze3A_1557 : f32 to vector<16xf32>
        %mul3A_1575 = arith.mulf %get3A_1573, %mul3A_1574 : vector<16xf32>
        tpu.vector_store_idx %arg16[%add3A_1570], %mul3A_1575 : memref<24576xf32, #tpu.memory_space<vmem>>[vector<16xi32>], vector<16xf32>,
      }
      %scan3A_705 = arith.constant 32 : i32
      %mul3A_706 = arith.constant 512 : i32
      %mul3A_707 = arith.muli %add3A_597, %mul3A_706 : i32
      %add3A_708 = arith.addi %mul3A_2, %mul3A_707 : i32
      %jit3A_709 = arith.constant 4096 : i32
      %div3A_710 = arith.divsi %add3A_708, %jit3A_709 : i32
      %sign3A_711 = arith.constant 0 : i32
      %sign3A_712 = arith.cmpi sgt, %add3A_708, %sign3A_711 : i32
      %sign3A_713 = arith.extui %sign3A_712 : i1 to i32
      %sign3A_714 = arith.constant 0 : i32
      %sign3A_715 = arith.cmpi slt, %add3A_708, %sign3A_714 : i32
      %sign3A_716 = arith.extui %sign3A_715 : i1 to i32
      %sign3A_717 = arith.subi %sign3A_713, %sign3A_716 : i32
      %sign3A_718 = arith.constant 0 : i32
      %sign3A_719 = arith.cmpi sgt, %jit3A_709, %sign3A_718 : i32
      %sign3A_720 = arith.extui %sign3A_719 : i1 to i32
      %sign3A_721 = arith.constant 0 : i32
      %sign3A_722 = arith.cmpi slt, %jit3A_709, %sign3A_721 : i32
      %sign3A_723 = arith.extui %sign3A_722 : i1 to i32
      %sign3A_724 = arith.subi %sign3A_720, %sign3A_723 : i32
      %ne3A_725 = arith.cmpi ne, %sign3A_717, %sign3A_724 : i32
      %rem3A_726 = arith.remsi %add3A_708, %jit3A_709 : i32
      %ne3A_727 = arith.constant 0 : i32
      %ne3A_728 = arith.cmpi ne, %rem3A_726, %ne3A_727 : i32
      %and3A_729 = arith.andi %ne3A_725, %ne3A_728 : i1
      %sub3A_730 = arith.constant 1 : i32
      %sub3A_731 = arith.subi %div3A_710, %sub3A_730 : i32
      %select_n3A_732 = arith.select %and3A_729, %sub3A_731, %div3A_710 : i32
      %jit3A_733 = arith.constant 4096 : i32
      %eq3A_734 = arith.constant 0 : i32
      %eq3A_735 = arith.cmpi eq, %jit3A_733, %eq3A_734 : i32
      %jit3A_736 = arith.constant 1 : i32
      %select_n3A_737 = arith.select %eq3A_735, %jit3A_736, %jit3A_733 : i32
      %rem3A_738 = arith.remsi %add3A_708, %select_n3A_737 : i32
      %ne3A_739 = arith.constant 0 : i32
      %ne3A_740 = arith.cmpi ne, %rem3A_738, %ne3A_739 : i32
      %lt3A_741 = arith.constant 0 : i32
      %lt3A_742 = arith.cmpi slt, %rem3A_738, %lt3A_741 : i32
      %lt3A_743 = arith.constant 0 : i32
      %lt3A_744 = arith.cmpi slt, %select_n3A_737, %lt3A_743 : i32
      %ne3A_745 = arith.xori %lt3A_742, %lt3A_744 : i1
      %and3A_746 = arith.andi %ne3A_745, %ne3A_740 : i1
      %add3A_747 = arith.addi %rem3A_738, %select_n3A_737 : i32
      %select_n3A_748 = arith.select %and3A_746, %add3A_747, %rem3A_738 : i32
      %jit3A_749 = arith.constant 128 : i32
      %div3A_750 = arith.divsi %select_n3A_748, %jit3A_749 : i32
      %sign3A_751 = arith.constant 0 : i32
      %sign3A_752 = arith.cmpi sgt, %select_n3A_748, %sign3A_751 : i32
      %sign3A_753 = arith.extui %sign3A_752 : i1 to i32
      %sign3A_754 = arith.constant 0 : i32
      %sign3A_755 = arith.cmpi slt, %select_n3A_748, %sign3A_754 : i32
      %sign3A_756 = arith.extui %sign3A_755 : i1 to i32
      %sign3A_757 = arith.subi %sign3A_753, %sign3A_756 : i32
      %sign3A_758 = arith.constant 0 : i32
      %sign3A_759 = arith.cmpi sgt, %jit3A_749, %sign3A_758 : i32
      %sign3A_760 = arith.extui %sign3A_759 : i1 to i32
      %sign3A_761 = arith.constant 0 : i32
      %sign3A_762 = arith.cmpi slt, %jit3A_749, %sign3A_761 : i32
      %sign3A_763 = arith.extui %sign3A_762 : i1 to i32
      %sign3A_764 = arith.subi %sign3A_760, %sign3A_763 : i32
      %ne3A_765 = arith.cmpi ne, %sign3A_757, %sign3A_764 : i32
      %rem3A_766 = arith.remsi %select_n3A_748, %jit3A_749 : i32
      %ne3A_767 = arith.constant 0 : i32
      %ne3A_768 = arith.cmpi ne, %rem3A_766, %ne3A_767 : i32
      %and3A_769 = arith.andi %ne3A_765, %ne3A_768 : i1
      %sub3A_770 = arith.constant 1 : i32
      %sub3A_771 = arith.subi %div3A_750, %sub3A_770 : i32
      %select_n3A_772 = arith.select %and3A_769, %sub3A_771, %div3A_750 : i32
      %mul3A_773 = arith.constant 1024 : i32
      %mul3A_774 = arith.muli %select_n3A_772, %mul3A_773 : i32
      %dma_start3A_775 = arith.constant 0 : i32
      %dma_start3A_776 = arith.constant 0 : i32
      %dma_start3A_777 = tpu.memref_slice %arg16[%dma_start3A_776] : memref<24576xf32, #tpu.memory_space<vmem>> -> memref<4096xf32, #tpu.memory_space<vmem>>
      %dma_start3A_778 = tpu.memref_slice %arg8[%select_n3A_732, %dma_start3A_775, %mul3A_774] : memref<200x6x32768xf32, #tpu.memory_space<hbm>> -> memref<1x1x4096xf32, #tpu.memory_space<hbm>>
      %dma_start3A_779 = tpu.memref_squeeze %dma_start3A_778 : memref<1x1x4096xf32, #tpu.memory_space<hbm>> -> memref<4096xf32, #tpu.memory_space<hbm>>
      %dma_start3A_780 = tpu.memref_slice %arg8[%select_n3A_732, %dma_start3A_775, %mul3A_774] : memref<200x6x32768xf32, #tpu.memory_space<hbm>> -> memref<1x1x4096xf32, #tpu.memory_space<hbm>>
      %dma_start3A_781 = tpu.memref_squeeze %dma_start3A_780 : memref<1x1x4096xf32, #tpu.memory_space<hbm>> -> memref<4096xf32, #tpu.memory_space<hbm>>
      %dma_start3A_782 = arith.constant 0 : i32
      %dma_start3A_783 = tpu.memref_slice %arg16[%dma_start3A_782] : memref<24576xf32, #tpu.memory_space<vmem>> -> memref<4096xf32, #tpu.memory_space<vmem>>
      tpu.enqueue_dma source(%dma_start3A_783 : memref<4096xf32, #tpu.memory_space<vmem>>) target(%dma_start3A_781 : memref<4096xf32, #tpu.memory_space<hbm>>) target_semaphore(%arg23 : memref<!tpu.dma_semaphore, #tpu.memory_space<semaphore_mem>>)
      %dma_start3A_784 = arith.constant 1 : i32
      %dma_start3A_785 = arith.constant 4096 : i32
      %dma_start3A_786 = tpu.memref_slice %arg16[%dma_start3A_785] : memref<24576xf32, #tpu.memory_space<vmem>> -> memref<4096xf32, #tpu.memory_space<vmem>>
      %dma_start3A_787 = tpu.memref_slice %arg8[%select_n3A_732, %dma_start3A_784, %mul3A_774] : memref<200x6x32768xf32, #tpu.memory_space<hbm>> -> memref<1x1x4096xf32, #tpu.memory_space<hbm>>
      %dma_start3A_788 = tpu.memref_squeeze %dma_start3A_787 : memref<1x1x4096xf32, #tpu.memory_space<hbm>> -> memref<4096xf32, #tpu.memory_space<hbm>>
      %dma_start3A_789 = tpu.memref_slice %arg8[%select_n3A_732, %dma_start3A_784, %mul3A_774] : memref<200x6x32768xf32, #tpu.memory_space<hbm>> -> memref<1x1x4096xf32, #tpu.memory_space<hbm>>
      %dma_start3A_790 = tpu.memref_squeeze %dma_start3A_789 : memref<1x1x4096xf32, #tpu.memory_space<hbm>> -> memref<4096xf32, #tpu.memory_space<hbm>>
      %dma_start3A_791 = arith.constant 4096 : i32
      %dma_start3A_792 = tpu.memref_slice %arg16[%dma_start3A_791] : memref<24576xf32, #tpu.memory_space<vmem>> -> memref<4096xf32, #tpu.memory_space<vmem>>
      tpu.enqueue_dma source(%dma_start3A_792 : memref<4096xf32, #tpu.memory_space<vmem>>) target(%dma_start3A_790 : memref<4096xf32, #tpu.memory_space<hbm>>) target_semaphore(%arg23 : memref<!tpu.dma_semaphore, #tpu.memory_space<semaphore_mem>>)
      %dma_start3A_793 = arith.constant 2 : i32
      %dma_start3A_794 = arith.constant 8192 : i32
      %dma_start3A_795 = tpu.memref_slice %arg16[%dma_start3A_794] : memref<24576xf32, #tpu.memory_space<vmem>> -> memref<4096xf32, #tpu.memory_space<vmem>>
      %dma_start3A_796 = tpu.memref_slice %arg8[%select_n3A_732, %dma_start3A_793, %mul3A_774] : memref<200x6x32768xf32, #tpu.memory_space<hbm>> -> memref<1x1x4096xf32, #tpu.memory_space<hbm>>
      %dma_start3A_797 = tpu.memref_squeeze %dma_start3A_796 : memref<1x1x4096xf32, #tpu.memory_space<hbm>> -> memref<4096xf32, #tpu.memory_space<hbm>>
      %dma_start3A_798 = tpu.memref_slice %arg8[%select_n3A_732, %dma_start3A_793, %mul3A_774] : memref<200x6x32768xf32, #tpu.memory_space<hbm>> -> memref<1x1x4096xf32, #tpu.memory_space<hbm>>
      %dma_start3A_799 = tpu.memref_squeeze %dma_start3A_798 : memref<1x1x4096xf32, #tpu.memory_space<hbm>> -> memref<4096xf32, #tpu.memory_space<hbm>>
      %dma_start3A_800 = arith.constant 8192 : i32
      %dma_start3A_801 = tpu.memref_slice %arg16[%dma_start3A_800] : memref<24576xf32, #tpu.memory_space<vmem>> -> memref<4096xf32, #tpu.memory_space<vmem>>
      tpu.enqueue_dma source(%dma_start3A_801 : memref<4096xf32, #tpu.memory_space<vmem>>) target(%dma_start3A_799 : memref<4096xf32, #tpu.memory_space<hbm>>) target_semaphore(%arg23 : memref<!tpu.dma_semaphore, #tpu.memory_space<semaphore_mem>>)
      %dma_start3A_802 = arith.constant 3 : i32
      %dma_start3A_803 = arith.constant 12288 : i32
      %dma_start3A_804 = tpu.memref_slice %arg16[%dma_start3A_803] : memref<24576xf32, #tpu.memory_space<vmem>> -> memref<4096xf32, #tpu.memory_space<vmem>>
      %dma_start3A_805 = tpu.memref_slice %arg8[%select_n3A_732, %dma_start3A_802, %mul3A_774] : memref<200x6x32768xf32, #tpu.memory_space<hbm>> -> memref<1x1x4096xf32, #tpu.memory_space<hbm>>
      %dma_start3A_806 = tpu.memref_squeeze %dma_start3A_805 : memref<1x1x4096xf32, #tpu.memory_space<hbm>> -> memref<4096xf32, #tpu.memory_space<hbm>>
      %dma_start3A_807 = tpu.memref_slice %arg8[%select_n3A_732, %dma_start3A_802, %mul3A_774] : memref<200x6x32768xf32, #tpu.memory_space<hbm>> -> memref<1x1x4096xf32, #tpu.memory_space<hbm>>
      %dma_start3A_808 = tpu.memref_squeeze %dma_start3A_807 : memref<1x1x4096xf32, #tpu.memory_space<hbm>> -> memref<4096xf32, #tpu.memory_space<hbm>>
      %dma_start3A_809 = arith.constant 12288 : i32
      %dma_start3A_810 = tpu.memref_slice %arg16[%dma_start3A_809] : memref<24576xf32, #tpu.memory_space<vmem>> -> memref<4096xf32, #tpu.memory_space<vmem>>
      tpu.enqueue_dma source(%dma_start3A_810 : memref<4096xf32, #tpu.memory_space<vmem>>) target(%dma_start3A_808 : memref<4096xf32, #tpu.memory_space<hbm>>) target_semaphore(%arg23 : memref<!tpu.dma_semaphore, #tpu.memory_space<semaphore_mem>>)
      %dma_start3A_811 = arith.constant 4 : i32
      %dma_start3A_812 = arith.constant 16384 : i32
      %dma_start3A_813 = tpu.memref_slice %arg16[%dma_start3A_812] : memref<24576xf32, #tpu.memory_space<vmem>> -> memref<4096xf32, #tpu.memory_space<vmem>>
      %dma_start3A_814 = tpu.memref_slice %arg8[%select_n3A_732, %dma_start3A_811, %mul3A_774] : memref<200x6x32768xf32, #tpu.memory_space<hbm>> -> memref<1x1x4096xf32, #tpu.memory_space<hbm>>
      %dma_start3A_815 = tpu.memref_squeeze %dma_start3A_814 : memref<1x1x4096xf32, #tpu.memory_space<hbm>> -> memref<4096xf32, #tpu.memory_space<hbm>>
      %dma_start3A_816 = tpu.memref_slice %arg8[%select_n3A_732, %dma_start3A_811, %mul3A_774] : memref<200x6x32768xf32, #tpu.memory_space<hbm>> -> memref<1x1x4096xf32, #tpu.memory_space<hbm>>
      %dma_start3A_817 = tpu.memref_squeeze %dma_start3A_816 : memref<1x1x4096xf32, #tpu.memory_space<hbm>> -> memref<4096xf32, #tpu.memory_space<hbm>>
      %dma_start3A_818 = arith.constant 16384 : i32
      %dma_start3A_819 = tpu.memref_slice %arg16[%dma_start3A_818] : memref<24576xf32, #tpu.memory_space<vmem>> -> memref<4096xf32, #tpu.memory_space<vmem>>
      tpu.enqueue_dma source(%dma_start3A_819 : memref<4096xf32, #tpu.memory_space<vmem>>) target(%dma_start3A_817 : memref<4096xf32, #tpu.memory_space<hbm>>) target_semaphore(%arg23 : memref<!tpu.dma_semaphore, #tpu.memory_space<semaphore_mem>>)
      %dma_start3A_820 = arith.constant 5 : i32
      %dma_start3A_821 = arith.constant 20480 : i32
      %dma_start3A_822 = tpu.memref_slice %arg16[%dma_start3A_821] : memref<24576xf32, #tpu.memory_space<vmem>> -> memref<4096xf32, #tpu.memory_space<vmem>>
      %dma_start3A_823 = tpu.memref_slice %arg8[%select_n3A_732, %dma_start3A_820, %mul3A_774] : memref<200x6x32768xf32, #tpu.memory_space<hbm>> -> memref<1x1x4096xf32, #tpu.memory_space<hbm>>
      %dma_start3A_824 = tpu.memref_squeeze %dma_start3A_823 : memref<1x1x4096xf32, #tpu.memory_space<hbm>> -> memref<4096xf32, #tpu.memory_space<hbm>>
      %dma_start3A_825 = tpu.memref_slice %arg8[%select_n3A_732, %dma_start3A_820, %mul3A_774] : memref<200x6x32768xf32, #tpu.memory_space<hbm>> -> memref<1x1x4096xf32, #tpu.memory_space<hbm>>
      %dma_start3A_826 = tpu.memref_squeeze %dma_start3A_825 : memref<1x1x4096xf32, #tpu.memory_space<hbm>> -> memref<4096xf32, #tpu.memory_space<hbm>>
      %dma_start3A_827 = arith.constant 20480 : i32
      %dma_start3A_828 = tpu.memref_slice %arg16[%dma_start3A_827] : memref<24576xf32, #tpu.memory_space<vmem>> -> memref<4096xf32, #tpu.memory_space<vmem>>
      tpu.enqueue_dma source(%dma_start3A_828 : memref<4096xf32, #tpu.memory_space<vmem>>) target(%dma_start3A_826 : memref<4096xf32, #tpu.memory_space<hbm>>) target_semaphore(%arg23 : memref<!tpu.dma_semaphore, #tpu.memory_space<semaphore_mem>>)
    }
    %scan3A_116 = arith.constant 25 : i32
    %add3A_117 = arith.constant 24576 : i32
    %add3A_118 = arith.addi %mul3A_2, %add3A_117 : i32
    %jit3A_119 = arith.constant 4096 : i32
    %div3A_120 = arith.divsi %add3A_118, %jit3A_119 : i32
    %sign3A_121 = arith.constant 0 : i32
    %sign3A_122 = arith.cmpi sgt, %add3A_118, %sign3A_121 : i32
    %sign3A_123 = arith.extui %sign3A_122 : i1 to i32
    %sign3A_124 = arith.constant 0 : i32
    %sign3A_125 = arith.cmpi slt, %add3A_118, %sign3A_124 : i32
    %sign3A_126 = arith.extui %sign3A_125 : i1 to i32
    %sign3A_127 = arith.subi %sign3A_123, %sign3A_126 : i32
    %sign3A_128 = arith.constant 0 : i32
    %sign3A_129 = arith.cmpi sgt, %jit3A_119, %sign3A_128 : i32
    %sign3A_130 = arith.extui %sign3A_129 : i1 to i32
    %sign3A_131 = arith.constant 0 : i32
    %sign3A_132 = arith.cmpi slt, %jit3A_119, %sign3A_131 : i32
    %sign3A_133 = arith.extui %sign3A_132 : i1 to i32
    %sign3A_134 = arith.subi %sign3A_130, %sign3A_133 : i32
    %ne3A_135 = arith.cmpi ne, %sign3A_127, %sign3A_134 : i32
    %rem3A_136 = arith.remsi %add3A_118, %jit3A_119 : i32
    %ne3A_137 = arith.constant 0 : i32
    %ne3A_138 = arith.cmpi ne, %rem3A_136, %ne3A_137 : i32
    %and3A_139 = arith.andi %ne3A_135, %ne3A_138 : i1
    %sub3A_140 = arith.constant 1 : i32
    %sub3A_141 = arith.subi %div3A_120, %sub3A_140 : i32
    %select_n3A_142 = arith.select %and3A_139, %sub3A_141, %div3A_120 : i32
    %jit3A_143 = arith.constant 4096 : i32
    %eq3A_144 = arith.constant 0 : i32
    %eq3A_145 = arith.cmpi eq, %jit3A_143, %eq3A_144 : i32
    %jit3A_146 = arith.constant 1 : i32
    %select_n3A_147 = arith.select %eq3A_145, %jit3A_146, %jit3A_143 : i32
    %rem3A_148 = arith.remsi %add3A_118, %select_n3A_147 : i32
    %ne3A_149 = arith.constant 0 : i32
    %ne3A_150 = arith.cmpi ne, %rem3A_148, %ne3A_149 : i32
    %lt3A_151 = arith.constant 0 : i32
    %lt3A_152 = arith.cmpi slt, %rem3A_148, %lt3A_151 : i32
    %lt3A_153 = arith.constant 0 : i32
    %lt3A_154 = arith.cmpi slt, %select_n3A_147, %lt3A_153 : i32
    %ne3A_155 = arith.xori %lt3A_152, %lt3A_154 : i1
    %and3A_156 = arith.andi %ne3A_155, %ne3A_150 : i1
    %add3A_157 = arith.addi %rem3A_148, %select_n3A_147 : i32
    %select_n3A_158 = arith.select %and3A_156, %add3A_157, %rem3A_148 : i32
    %jit3A_159 = arith.constant 128 : i32
    %div3A_160 = arith.divsi %select_n3A_158, %jit3A_159 : i32
    %sign3A_161 = arith.constant 0 : i32
    %sign3A_162 = arith.cmpi sgt, %select_n3A_158, %sign3A_161 : i32
    %sign3A_163 = arith.extui %sign3A_162 : i1 to i32
    %sign3A_164 = arith.constant 0 : i32
    %sign3A_165 = arith.cmpi slt, %select_n3A_158, %sign3A_164 : i32
    %sign3A_166 = arith.extui %sign3A_165 : i1 to i32
    %sign3A_167 = arith.subi %sign3A_163, %sign3A_166 : i32
    %sign3A_168 = arith.constant 0 : i32
    %sign3A_169 = arith.cmpi sgt, %jit3A_159, %sign3A_168 : i32
    %sign3A_170 = arith.extui %sign3A_169 : i1 to i32
    %sign3A_171 = arith.constant 0 : i32
    %sign3A_172 = arith.cmpi slt, %jit3A_159, %sign3A_171 : i32
    %sign3A_173 = arith.extui %sign3A_172 : i1 to i32
    %sign3A_174 = arith.subi %sign3A_170, %sign3A_173 : i32
    %ne3A_175 = arith.cmpi ne, %sign3A_167, %sign3A_174 : i32
    %rem3A_176 = arith.remsi %select_n3A_158, %jit3A_159 : i32
    %ne3A_177 = arith.constant 0 : i32
    %ne3A_178 = arith.cmpi ne, %rem3A_176, %ne3A_177 : i32
    %and3A_179 = arith.andi %ne3A_175, %ne3A_178 : i1
    %sub3A_180 = arith.constant 1 : i32
    %sub3A_181 = arith.subi %div3A_160, %sub3A_180 : i32
    %select_n3A_182 = arith.select %and3A_179, %sub3A_181, %div3A_160 : i32
    %mul3A_183 = arith.constant 1024 : i32
    %mul3A_184 = arith.muli %select_n3A_182, %mul3A_183 : i32
    %dma_wait3A_185 = arith.constant 0 : i32
    %dma_wait3A_186 = arith.constant 0 : i32
    %dma_wait3A_187 = tpu.memref_slice %arg15[%dma_wait3A_186] : memref<24576xf32, #tpu.memory_space<vmem>> -> memref<4096xf32, #tpu.memory_space<vmem>>
    %dma_wait3A_188 = tpu.memref_slice %arg8[%select_n3A_142, %dma_wait3A_185, %mul3A_184] : memref<200x6x32768xf32, #tpu.memory_space<hbm>> -> memref<1x1x4096xf32, #tpu.memory_space<hbm>>
    %dma_wait3A_189 = tpu.memref_squeeze %dma_wait3A_188 : memref<1x1x4096xf32, #tpu.memory_space<hbm>> -> memref<4096xf32, #tpu.memory_space<hbm>>
    %dma_wait3A_190 = tpu.memref_slice %arg8[%select_n3A_142, %dma_wait3A_185, %mul3A_184] : memref<200x6x32768xf32, #tpu.memory_space<hbm>> -> memref<1x1x4096xf32, #tpu.memory_space<hbm>>
    %dma_wait3A_191 = tpu.memref_squeeze %dma_wait3A_190 : memref<1x1x4096xf32, #tpu.memory_space<hbm>> -> memref<4096xf32, #tpu.memory_space<hbm>>
    %dma_wait3A_192 = arith.constant 0 : i32
    %dma_wait3A_193 = tpu.memref_slice %arg15[%dma_wait3A_192] : memref<24576xf32, #tpu.memory_space<vmem>> -> memref<4096xf32, #tpu.memory_space<vmem>>
    tpu.wait_dma2 semaphore(%arg23 : memref<!tpu.dma_semaphore, #tpu.memory_space<semaphore_mem>>) src(%dma_wait3A_193 : memref<4096xf32, #tpu.memory_space<vmem>>) dst(%dma_wait3A_191 : memref<4096xf32, #tpu.memory_space<hbm>>)
    %dma_wait3A_194 = arith.constant 1 : i32
    %dma_wait3A_195 = arith.constant 4096 : i32
    %dma_wait3A_196 = tpu.memref_slice %arg15[%dma_wait3A_195] : memref<24576xf32, #tpu.memory_space<vmem>> -> memref<4096xf32, #tpu.memory_space<vmem>>
    %dma_wait3A_197 = tpu.memref_slice %arg8[%select_n3A_142, %dma_wait3A_194, %mul3A_184] : memref<200x6x32768xf32, #tpu.memory_space<hbm>> -> memref<1x1x4096xf32, #tpu.memory_space<hbm>>
    %dma_wait3A_198 = tpu.memref_squeeze %dma_wait3A_197 : memref<1x1x4096xf32, #tpu.memory_space<hbm>> -> memref<4096xf32, #tpu.memory_space<hbm>>
    %dma_wait3A_199 = tpu.memref_slice %arg8[%select_n3A_142, %dma_wait3A_194, %mul3A_184] : memref<200x6x32768xf32, #tpu.memory_space<hbm>> -> memref<1x1x4096xf32, #tpu.memory_space<hbm>>
    %dma_wait3A_200 = tpu.memref_squeeze %dma_wait3A_199 : memref<1x1x4096xf32, #tpu.memory_space<hbm>> -> memref<4096xf32, #tpu.memory_space<hbm>>
    %dma_wait3A_201 = arith.constant 4096 : i32
    %dma_wait3A_202 = tpu.memref_slice %arg15[%dma_wait3A_201] : memref<24576xf32, #tpu.memory_space<vmem>> -> memref<4096xf32, #tpu.memory_space<vmem>>
    tpu.wait_dma2 semaphore(%arg23 : memref<!tpu.dma_semaphore, #tpu.memory_space<semaphore_mem>>) src(%dma_wait3A_202 : memref<4096xf32, #tpu.memory_space<vmem>>) dst(%dma_wait3A_200 : memref<4096xf32, #tpu.memory_space<hbm>>)
    %dma_wait3A_203 = arith.constant 2 : i32
    %dma_wait3A_204 = arith.constant 8192 : i32
    %dma_wait3A_205 = tpu.memref_slice %arg15[%dma_wait3A_204] : memref<24576xf32, #tpu.memory_space<vmem>> -> memref<4096xf32, #tpu.memory_space<vmem>>
    %dma_wait3A_206 = tpu.memref_slice %arg8[%select_n3A_142, %dma_wait3A_203, %mul3A_184] : memref<200x6x32768xf32, #tpu.memory_space<hbm>> -> memref<1x1x4096xf32, #tpu.memory_space<hbm>>
    %dma_wait3A_207 = tpu.memref_squeeze %dma_wait3A_206 : memref<1x1x4096xf32, #tpu.memory_space<hbm>> -> memref<4096xf32, #tpu.memory_space<hbm>>
    %dma_wait3A_208 = tpu.memref_slice %arg8[%select_n3A_142, %dma_wait3A_203, %mul3A_184] : memref<200x6x32768xf32, #tpu.memory_space<hbm>> -> memref<1x1x4096xf32, #tpu.memory_space<hbm>>
    %dma_wait3A_209 = tpu.memref_squeeze %dma_wait3A_208 : memref<1x1x4096xf32, #tpu.memory_space<hbm>> -> memref<4096xf32, #tpu.memory_space<hbm>>
    %dma_wait3A_210 = arith.constant 8192 : i32
    %dma_wait3A_211 = tpu.memref_slice %arg15[%dma_wait3A_210] : memref<24576xf32, #tpu.memory_space<vmem>> -> memref<4096xf32, #tpu.memory_space<vmem>>
    tpu.wait_dma2 semaphore(%arg23 : memref<!tpu.dma_semaphore, #tpu.memory_space<semaphore_mem>>) src(%dma_wait3A_211 : memref<4096xf32, #tpu.memory_space<vmem>>) dst(%dma_wait3A_209 : memref<4096xf32, #tpu.memory_space<hbm>>)
    %dma_wait3A_212 = arith.constant 3 : i32
    %dma_wait3A_213 = arith.constant 12288 : i32
    %dma_wait3A_214 = tpu.memref_slice %arg15[%dma_wait3A_213] : memref<24576xf32, #tpu.memory_space<vmem>> -> memref<4096xf32, #tpu.memory_space<vmem>>
    %dma_wait3A_215 = tpu.memref_slice %arg8[%select_n3A_142, %dma_wait3A_212, %mul3A_184] : memref<200x6x32768xf32, #tpu.memory_space<hbm>> -> memref<1x1x4096xf32, #tpu.memory_space<hbm>>
    %dma_wait3A_216 = tpu.memref_squeeze %dma_wait3A_215 : memref<1x1x4096xf32, #tpu.memory_space<hbm>> -> memref<4096xf32, #tpu.memory_space<hbm>>
    %dma_wait3A_217 = tpu.memref_slice %arg8[%select_n3A_142, %dma_wait3A_212, %mul3A_184] : memref<200x6x32768xf32, #tpu.memory_space<hbm>> -> memref<1x1x4096xf32, #tpu.memory_space<hbm>>
    %dma_wait3A_218 = tpu.memref_squeeze %dma_wait3A_217 : memref<1x1x4096xf32, #tpu.memory_space<hbm>> -> memref<4096xf32, #tpu.memory_space<hbm>>
    %dma_wait3A_219 = arith.constant 12288 : i32
    %dma_wait3A_220 = tpu.memref_slice %arg15[%dma_wait3A_219] : memref<24576xf32, #tpu.memory_space<vmem>> -> memref<4096xf32, #tpu.memory_space<vmem>>
    tpu.wait_dma2 semaphore(%arg23 : memref<!tpu.dma_semaphore, #tpu.memory_space<semaphore_mem>>) src(%dma_wait3A_220 : memref<4096xf32, #tpu.memory_space<vmem>>) dst(%dma_wait3A_218 : memref<4096xf32, #tpu.memory_space<hbm>>)
    %dma_wait3A_221 = arith.constant 4 : i32
    %dma_wait3A_222 = arith.constant 16384 : i32
    %dma_wait3A_223 = tpu.memref_slice %arg15[%dma_wait3A_222] : memref<24576xf32, #tpu.memory_space<vmem>> -> memref<4096xf32, #tpu.memory_space<vmem>>
    %dma_wait3A_224 = tpu.memref_slice %arg8[%select_n3A_142, %dma_wait3A_221, %mul3A_184] : memref<200x6x32768xf32, #tpu.memory_space<hbm>> -> memref<1x1x4096xf32, #tpu.memory_space<hbm>>
    %dma_wait3A_225 = tpu.memref_squeeze %dma_wait3A_224 : memref<1x1x4096xf32, #tpu.memory_space<hbm>> -> memref<4096xf32, #tpu.memory_space<hbm>>
    %dma_wait3A_226 = tpu.memref_slice %arg8[%select_n3A_142, %dma_wait3A_221, %mul3A_184] : memref<200x6x32768xf32, #tpu.memory_space<hbm>> -> memref<1x1x4096xf32, #tpu.memory_space<hbm>>
    %dma_wait3A_227 = tpu.memref_squeeze %dma_wait3A_226 : memref<1x1x4096xf32, #tpu.memory_space<hbm>> -> memref<4096xf32, #tpu.memory_space<hbm>>
    %dma_wait3A_228 = arith.constant 16384 : i32
    %dma_wait3A_229 = tpu.memref_slice %arg15[%dma_wait3A_228] : memref<24576xf32, #tpu.memory_space<vmem>> -> memref<4096xf32, #tpu.memory_space<vmem>>
    tpu.wait_dma2 semaphore(%arg23 : memref<!tpu.dma_semaphore, #tpu.memory_space<semaphore_mem>>) src(%dma_wait3A_229 : memref<4096xf32, #tpu.memory_space<vmem>>) dst(%dma_wait3A_227 : memref<4096xf32, #tpu.memory_space<hbm>>)
    %dma_wait3A_230 = arith.constant 5 : i32
    %dma_wait3A_231 = arith.constant 20480 : i32
    %dma_wait3A_232 = tpu.memref_slice %arg15[%dma_wait3A_231] : memref<24576xf32, #tpu.memory_space<vmem>> -> memref<4096xf32, #tpu.memory_space<vmem>>
    %dma_wait3A_233 = tpu.memref_slice %arg8[%select_n3A_142, %dma_wait3A_230, %mul3A_184] : memref<200x6x32768xf32, #tpu.memory_space<hbm>> -> memref<1x1x4096xf32, #tpu.memory_space<hbm>>
    %dma_wait3A_234 = tpu.memref_squeeze %dma_wait3A_233 : memref<1x1x4096xf32, #tpu.memory_space<hbm>> -> memref<4096xf32, #tpu.memory_space<hbm>>
    %dma_wait3A_235 = tpu.memref_slice %arg8[%select_n3A_142, %dma_wait3A_230, %mul3A_184] : memref<200x6x32768xf32, #tpu.memory_space<hbm>> -> memref<1x1x4096xf32, #tpu.memory_space<hbm>>
    %dma_wait3A_236 = tpu.memref_squeeze %dma_wait3A_235 : memref<1x1x4096xf32, #tpu.memory_space<hbm>> -> memref<4096xf32, #tpu.memory_space<hbm>>
    %dma_wait3A_237 = arith.constant 20480 : i32
    %dma_wait3A_238 = tpu.memref_slice %arg15[%dma_wait3A_237] : memref<24576xf32, #tpu.memory_space<vmem>> -> memref<4096xf32, #tpu.memory_space<vmem>>
    tpu.wait_dma2 semaphore(%arg23 : memref<!tpu.dma_semaphore, #tpu.memory_space<semaphore_mem>>) src(%dma_wait3A_238 : memref<4096xf32, #tpu.memory_space<vmem>>) dst(%dma_wait3A_236 : memref<4096xf32, #tpu.memory_space<hbm>>)
    %add3A_239 = arith.constant 25088 : i32
    %add3A_240 = arith.addi %mul3A_2, %add3A_239 : i32
    %jit3A_241 = arith.constant 4096 : i32
    %div3A_242 = arith.divsi %add3A_240, %jit3A_241 : i32
    %sign3A_243 = arith.constant 0 : i32
    %sign3A_244 = arith.cmpi sgt, %add3A_240, %sign3A_243 : i32
    %sign3A_245 = arith.extui %sign3A_244 : i1 to i32
    %sign3A_246 = arith.constant 0 : i32
    %sign3A_247 = arith.cmpi slt, %add3A_240, %sign3A_246 : i32
    %sign3A_248 = arith.extui %sign3A_247 : i1 to i32
    %sign3A_249 = arith.subi %sign3A_245, %sign3A_248 : i32
    %sign3A_250 = arith.constant 0 : i32
    %sign3A_251 = arith.cmpi sgt, %jit3A_241, %sign3A_250 : i32
    %sign3A_252 = arith.extui %sign3A_251 : i1 to i32
    %sign3A_253 = arith.constant 0 : i32
    %sign3A_254 = arith.cmpi slt, %jit3A_241, %sign3A_253 : i32
    %sign3A_255 = arith.extui %sign3A_254 : i1 to i32
    %sign3A_256 = arith.subi %sign3A_252, %sign3A_255 : i32
    %ne3A_257 = arith.cmpi ne, %sign3A_249, %sign3A_256 : i32
    %rem3A_258 = arith.remsi %add3A_240, %jit3A_241 : i32
    %ne3A_259 = arith.constant 0 : i32
    %ne3A_260 = arith.cmpi ne, %rem3A_258, %ne3A_259 : i32
    %and3A_261 = arith.andi %ne3A_257, %ne3A_260 : i1
    %sub3A_262 = arith.constant 1 : i32
    %sub3A_263 = arith.subi %div3A_242, %sub3A_262 : i32
    %select_n3A_264 = arith.select %and3A_261, %sub3A_263, %div3A_242 : i32
    %jit3A_265 = arith.constant 4096 : i32
    %eq3A_266 = arith.constant 0 : i32
    %eq3A_267 = arith.cmpi eq, %jit3A_265, %eq3A_266 : i32
    %jit3A_268 = arith.constant 1 : i32
    %select_n3A_269 = arith.select %eq3A_267, %jit3A_268, %jit3A_265 : i32
    %rem3A_270 = arith.remsi %add3A_240, %select_n3A_269 : i32
    %ne3A_271 = arith.constant 0 : i32
    %ne3A_272 = arith.cmpi ne, %rem3A_270, %ne3A_271 : i32
    %lt3A_273 = arith.constant 0 : i32
    %lt3A_274 = arith.cmpi slt, %rem3A_270, %lt3A_273 : i32
    %lt3A_275 = arith.constant 0 : i32
    %lt3A_276 = arith.cmpi slt, %select_n3A_269, %lt3A_275 : i32
    %ne3A_277 = arith.xori %lt3A_274, %lt3A_276 : i1
    %and3A_278 = arith.andi %ne3A_277, %ne3A_272 : i1
    %add3A_279 = arith.addi %rem3A_270, %select_n3A_269 : i32
    %select_n3A_280 = arith.select %and3A_278, %add3A_279, %rem3A_270 : i32
    %jit3A_281 = arith.constant 128 : i32
    %div3A_282 = arith.divsi %select_n3A_280, %jit3A_281 : i32
    %sign3A_283 = arith.constant 0 : i32
    %sign3A_284 = arith.cmpi sgt, %select_n3A_280, %sign3A_283 : i32
    %sign3A_285 = arith.extui %sign3A_284 : i1 to i32
    %sign3A_286 = arith.constant 0 : i32
    %sign3A_287 = arith.cmpi slt, %select_n3A_280, %sign3A_286 : i32
    %sign3A_288 = arith.extui %sign3A_287 : i1 to i32
    %sign3A_289 = arith.subi %sign3A_285, %sign3A_288 : i32
    %sign3A_290 = arith.constant 0 : i32
    %sign3A_291 = arith.cmpi sgt, %jit3A_281, %sign3A_290 : i32
    %sign3A_292 = arith.extui %sign3A_291 : i1 to i32
    %sign3A_293 = arith.constant 0 : i32
    %sign3A_294 = arith.cmpi slt, %jit3A_281, %sign3A_293 : i32
    %sign3A_295 = arith.extui %sign3A_294 : i1 to i32
    %sign3A_296 = arith.subi %sign3A_292, %sign3A_295 : i32
    %ne3A_297 = arith.cmpi ne, %sign3A_289, %sign3A_296 : i32
    %rem3A_298 = arith.remsi %select_n3A_280, %jit3A_281 : i32
    %ne3A_299 = arith.constant 0 : i32
    %ne3A_300 = arith.cmpi ne, %rem3A_298, %ne3A_299 : i32
    %and3A_301 = arith.andi %ne3A_297, %ne3A_300 : i1
    %sub3A_302 = arith.constant 1 : i32
    %sub3A_303 = arith.subi %div3A_282, %sub3A_302 : i32
    %select_n3A_304 = arith.select %and3A_301, %sub3A_303, %div3A_282 : i32
    %mul3A_305 = arith.constant 1024 : i32
    %mul3A_306 = arith.muli %select_n3A_304, %mul3A_305 : i32
    %dma_wait3A_307 = arith.constant 0 : i32
    %dma_wait3A_308 = arith.constant 0 : i32
    %dma_wait3A_309 = tpu.memref_slice %arg16[%dma_wait3A_308] : memref<24576xf32, #tpu.memory_space<vmem>> -> memref<4096xf32, #tpu.memory_space<vmem>>
    %dma_wait3A_310 = tpu.memref_slice %arg8[%select_n3A_264, %dma_wait3A_307, %mul3A_306] : memref<200x6x32768xf32, #tpu.memory_space<hbm>> -> memref<1x1x4096xf32, #tpu.memory_space<hbm>>
    %dma_wait3A_311 = tpu.memref_squeeze %dma_wait3A_310 : memref<1x1x4096xf32, #tpu.memory_space<hbm>> -> memref<4096xf32, #tpu.memory_space<hbm>>
    %dma_wait3A_312 = tpu.memref_slice %arg8[%select_n3A_264, %dma_wait3A_307, %mul3A_306] : memref<200x6x32768xf32, #tpu.memory_space<hbm>> -> memref<1x1x4096xf32, #tpu.memory_space<hbm>>
    %dma_wait3A_313 = tpu.memref_squeeze %dma_wait3A_312 : memref<1x1x4096xf32, #tpu.memory_space<hbm>> -> memref<4096xf32, #tpu.memory_space<hbm>>
    %dma_wait3A_314 = arith.constant 0 : i32
    %dma_wait3A_315 = tpu.memref_slice %arg16[%dma_wait3A_314] : memref<24576xf32, #tpu.memory_space<vmem>> -> memref<4096xf32, #tpu.memory_space<vmem>>
    tpu.wait_dma2 semaphore(%arg23 : memref<!tpu.dma_semaphore, #tpu.memory_space<semaphore_mem>>) src(%dma_wait3A_315 : memref<4096xf32, #tpu.memory_space<vmem>>) dst(%dma_wait3A_313 : memref<4096xf32, #tpu.memory_space<hbm>>)
    %dma_wait3A_316 = arith.constant 1 : i32
    %dma_wait3A_317 = arith.constant 4096 : i32
    %dma_wait3A_318 = tpu.memref_slice %arg16[%dma_wait3A_317] : memref<24576xf32, #tpu.memory_space<vmem>> -> memref<4096xf32, #tpu.memory_space<vmem>>
    %dma_wait3A_319 = tpu.memref_slice %arg8[%select_n3A_264, %dma_wait3A_316, %mul3A_306] : memref<200x6x32768xf32, #tpu.memory_space<hbm>> -> memref<1x1x4096xf32, #tpu.memory_space<hbm>>
    %dma_wait3A_320 = tpu.memref_squeeze %dma_wait3A_319 : memref<1x1x4096xf32, #tpu.memory_space<hbm>> -> memref<4096xf32, #tpu.memory_space<hbm>>
    %dma_wait3A_321 = tpu.memref_slice %arg8[%select_n3A_264, %dma_wait3A_316, %mul3A_306] : memref<200x6x32768xf32, #tpu.memory_space<hbm>> -> memref<1x1x4096xf32, #tpu.memory_space<hbm>>
    %dma_wait3A_322 = tpu.memref_squeeze %dma_wait3A_321 : memref<1x1x4096xf32, #tpu.memory_space<hbm>> -> memref<4096xf32, #tpu.memory_space<hbm>>
    %dma_wait3A_323 = arith.constant 4096 : i32
    %dma_wait3A_324 = tpu.memref_slice %arg16[%dma_wait3A_323] : memref<24576xf32, #tpu.memory_space<vmem>> -> memref<4096xf32, #tpu.memory_space<vmem>>
    tpu.wait_dma2 semaphore(%arg23 : memref<!tpu.dma_semaphore, #tpu.memory_space<semaphore_mem>>) src(%dma_wait3A_324 : memref<4096xf32, #tpu.memory_space<vmem>>) dst(%dma_wait3A_322 : memref<4096xf32, #tpu.memory_space<hbm>>)
    %dma_wait3A_325 = arith.constant 2 : i32
    %dma_wait3A_326 = arith.constant 8192 : i32
    %dma_wait3A_327 = tpu.memref_slice %arg16[%dma_wait3A_326] : memref<24576xf32, #tpu.memory_space<vmem>> -> memref<4096xf32, #tpu.memory_space<vmem>>
    %dma_wait3A_328 = tpu.memref_slice %arg8[%select_n3A_264, %dma_wait3A_325, %mul3A_306] : memref<200x6x32768xf32, #tpu.memory_space<hbm>> -> memref<1x1x4096xf32, #tpu.memory_space<hbm>>
    %dma_wait3A_329 = tpu.memref_squeeze %dma_wait3A_328 : memref<1x1x4096xf32, #tpu.memory_space<hbm>> -> memref<4096xf32, #tpu.memory_space<hbm>>
    %dma_wait3A_330 = tpu.memref_slice %arg8[%select_n3A_264, %dma_wait3A_325, %mul3A_306] : memref<200x6x32768xf32, #tpu.memory_space<hbm>> -> memref<1x1x4096xf32, #tpu.memory_space<hbm>>
    %dma_wait3A_331 = tpu.memref_squeeze %dma_wait3A_330 : memref<1x1x4096xf32, #tpu.memory_space<hbm>> -> memref<4096xf32, #tpu.memory_space<hbm>>
    %dma_wait3A_332 = arith.constant 8192 : i32
    %dma_wait3A_333 = tpu.memref_slice %arg16[%dma_wait3A_332] : memref<24576xf32, #tpu.memory_space<vmem>> -> memref<4096xf32, #tpu.memory_space<vmem>>
    tpu.wait_dma2 semaphore(%arg23 : memref<!tpu.dma_semaphore, #tpu.memory_space<semaphore_mem>>) src(%dma_wait3A_333 : memref<4096xf32, #tpu.memory_space<vmem>>) dst(%dma_wait3A_331 : memref<4096xf32, #tpu.memory_space<hbm>>)
    %dma_wait3A_334 = arith.constant 3 : i32
    %dma_wait3A_335 = arith.constant 12288 : i32
    %dma_wait3A_336 = tpu.memref_slice %arg16[%dma_wait3A_335] : memref<24576xf32, #tpu.memory_space<vmem>> -> memref<4096xf32, #tpu.memory_space<vmem>>
    %dma_wait3A_337 = tpu.memref_slice %arg8[%select_n3A_264, %dma_wait3A_334, %mul3A_306] : memref<200x6x32768xf32, #tpu.memory_space<hbm>> -> memref<1x1x4096xf32, #tpu.memory_space<hbm>>
    %dma_wait3A_338 = tpu.memref_squeeze %dma_wait3A_337 : memref<1x1x4096xf32, #tpu.memory_space<hbm>> -> memref<4096xf32, #tpu.memory_space<hbm>>
    %dma_wait3A_339 = tpu.memref_slice %arg8[%select_n3A_264, %dma_wait3A_334, %mul3A_306] : memref<200x6x32768xf32, #tpu.memory_space<hbm>> -> memref<1x1x4096xf32, #tpu.memory_space<hbm>>
    %dma_wait3A_340 = tpu.memref_squeeze %dma_wait3A_339 : memref<1x1x4096xf32, #tpu.memory_space<hbm>> -> memref<4096xf32, #tpu.memory_space<hbm>>
    %dma_wait3A_341 = arith.constant 12288 : i32
    %dma_wait3A_342 = tpu.memref_slice %arg16[%dma_wait3A_341] : memref<24576xf32, #tpu.memory_space<vmem>> -> memref<4096xf32, #tpu.memory_space<vmem>>
    tpu.wait_dma2 semaphore(%arg23 : memref<!tpu.dma_semaphore, #tpu.memory_space<semaphore_mem>>) src(%dma_wait3A_342 : memref<4096xf32, #tpu.memory_space<vmem>>) dst(%dma_wait3A_340 : memref<4096xf32, #tpu.memory_space<hbm>>)
    %dma_wait3A_343 = arith.constant 4 : i32
    %dma_wait3A_344 = arith.constant 16384 : i32
    %dma_wait3A_345 = tpu.memref_slice %arg16[%dma_wait3A_344] : memref<24576xf32, #tpu.memory_space<vmem>> -> memref<4096xf32, #tpu.memory_space<vmem>>
    %dma_wait3A_346 = tpu.memref_slice %arg8[%select_n3A_264, %dma_wait3A_343, %mul3A_306] : memref<200x6x32768xf32, #tpu.memory_space<hbm>> -> memref<1x1x4096xf32, #tpu.memory_space<hbm>>
    %dma_wait3A_347 = tpu.memref_squeeze %dma_wait3A_346 : memref<1x1x4096xf32, #tpu.memory_space<hbm>> -> memref<4096xf32, #tpu.memory_space<hbm>>
    %dma_wait3A_348 = tpu.memref_slice %arg8[%select_n3A_264, %dma_wait3A_343, %mul3A_306] : memref<200x6x32768xf32, #tpu.memory_space<hbm>> -> memref<1x1x4096xf32, #tpu.memory_space<hbm>>
    %dma_wait3A_349 = tpu.memref_squeeze %dma_wait3A_348 : memref<1x1x4096xf32, #tpu.memory_space<hbm>> -> memref<4096xf32, #tpu.memory_space<hbm>>
    %dma_wait3A_350 = arith.constant 16384 : i32
    %dma_wait3A_351 = tpu.memref_slice %arg16[%dma_wait3A_350] : memref<24576xf32, #tpu.memory_space<vmem>> -> memref<4096xf32, #tpu.memory_space<vmem>>
    tpu.wait_dma2 semaphore(%arg23 : memref<!tpu.dma_semaphore, #tpu.memory_space<semaphore_mem>>) src(%dma_wait3A_351 : memref<4096xf32, #tpu.memory_space<vmem>>) dst(%dma_wait3A_349 : memref<4096xf32, #tpu.memory_space<hbm>>)
    %dma_wait3A_352 = arith.constant 5 : i32
    %dma_wait3A_353 = arith.constant 20480 : i32
    %dma_wait3A_354 = tpu.memref_slice %arg16[%dma_wait3A_353] : memref<24576xf32, #tpu.memory_space<vmem>> -> memref<4096xf32, #tpu.memory_space<vmem>>
    %dma_wait3A_355 = tpu.memref_slice %arg8[%select_n3A_264, %dma_wait3A_352, %mul3A_306] : memref<200x6x32768xf32, #tpu.memory_space<hbm>> -> memref<1x1x4096xf32, #tpu.memory_space<hbm>>
    %dma_wait3A_356 = tpu.memref_squeeze %dma_wait3A_355 : memref<1x1x4096xf32, #tpu.memory_space<hbm>> -> memref<4096xf32, #tpu.memory_space<hbm>>
    %dma_wait3A_357 = tpu.memref_slice %arg8[%select_n3A_264, %dma_wait3A_352, %mul3A_306] : memref<200x6x32768xf32, #tpu.memory_space<hbm>> -> memref<1x1x4096xf32, #tpu.memory_space<hbm>>
    %dma_wait3A_358 = tpu.memref_squeeze %dma_wait3A_357 : memref<1x1x4096xf32, #tpu.memory_space<hbm>> -> memref<4096xf32, #tpu.memory_space<hbm>>
    %dma_wait3A_359 = arith.constant 20480 : i32
    %dma_wait3A_360 = tpu.memref_slice %arg16[%dma_wait3A_359] : memref<24576xf32, #tpu.memory_space<vmem>> -> memref<4096xf32, #tpu.memory_space<vmem>>
    tpu.wait_dma2 semaphore(%arg23 : memref<!tpu.dma_semaphore, #tpu.memory_space<semaphore_mem>>) src(%dma_wait3A_360 : memref<4096xf32, #tpu.memory_space<vmem>>) dst(%dma_wait3A_358 : memref<4096xf32, #tpu.memory_space<hbm>>)
    return
  }
}

</mosaic_0001>

<sc_bundles>
// kernel: _run.3.cloned.1.call-start
scs
__scs_entry_jumppad:
0x0: {  	(pc) =	sbr.rel $0x88, $3  }
0x1: {  	(tag) =	ssettag $0x0;
	lr =	simm.s32 $0x1  }
0x2: {  	[smem:$0x3F9B] =	sst lr;
	_ =	strace $0xD0000000  }
0x3: {  	_ = 	snop  }
0x4: {  	_ = 	snop  }
0x5: {  	_ = 	snop  }
0x6: {  	_ = 	snop  }
0x7: {  	_ = 	snop  }
__scs_overlays_trampoline_lowered:
0x8: {  	[smem:$0x3FAA] =	sst s0  }
0x9: {  	[smem:$0x3FAB] =	sst s1  }
0xa: {  	[smem:$0x3FAC] =	sst s2  }
0xb: {  	[smem:$0x3FAD] =	sst s3  }
0xc: {  	[smem:$0x3FAE] =	sst s4  }
0xd: {  	[smem:$0x3FAF] =	sst s5  }
0xe: {  	[smem:$0x3FB0] =	sst s6  }
0xf: {  	[smem:$0x3FB1] =	sst s7  }
0x10: {  	[smem:$0x3FB2] =	sst s8  }
0x11: {  	[smem:$0x3FB3] =	sst s9;
	s0 =	simm.s32 @!p0 $0x0  }
0x12: {  	s1 =	sld [smem:$0x3F99];
	s0 =	simm.s32 @p0 $0x1  }
0x13: {  	[smem:$0x3FB4] =	sst s0;
	s0 =	simm.s32 @!p1 $0x0  }
0x14: {  	s2 =	sld [smem:$0x3F98];
	s0 =	simm.s32 @p1 $0x1  }
0x15: {  	[smem:$0x3FB5] =	sst s0;
	s0 =	simm.s32 @!p2 $0x0  }
0x16: {  	s3 =	sld [smem:$0x3FDB];
	s0 =	simm.s32 @p2 $0x1  }
0x17: {  	s4 =	simm.s32 $0x1BF5;
	[smem:$0x3FB7] =	sst s0  }
0x18: {  	s0 =	sld [smem:$0x3F9A];
	_ =	swait.ge [sflag:s4], $0x0  }
0x19: {  	s7 =	sld [smem:$0x3F9B]  }
0x1a: {  	s8 =	sadd.s32 $0xFFFFE003, lr  }
0x1b: {  	s9 =	sadd.s32 $0xFFFFFEF7, lr;
	s5 =	simm.s32 $0xFFFFFFFF;
	p2 =	slt.u32 s8, $0xFFFFF086  }
0x1c: {  	p1 =	slt.u32 s9, $0xF7A;
	s5 =	simm.s32 @!p2 $0x0  }
0x1d: {  	s5 =	simm.s32 @p1 $0x1;
	p0 =	seq.s32 s7, s2  }
0x1e: {  	s7 =	smul.u32 @!p0 $0xF7A, s2;
	p2 =	seq.s32 @!p0 s5, $0x0  }
0x1f: {  	s9 =	smul.u32 $0xF7A, s1;
	s8 =	simm.s32 @!p0 $0x1BF5;
	p2 =	por !p2, p0  }
0x20: {  	[sflag:s8] =	ssyncset.s32 @!p0 $0xFFFFF086;
	s6 =	sadd.s32 @!p0 s3, s7;
	s7 =	simm.s32 @!p0 $0x108  }
0x21: {  	s3 =	sadd.s32 s3, s9;
	s6 =	sadd.s32 @!p0 $0x88, s6;
	s7 =	simm.s32 @p2 $0x1082  }
0x22: {  	[simem:s7], [sflag:s8] =	dma.local @!p0 [hbm:s6], $0xF7A  }
0x23: {  	s9 =	sor.u32 $0xD0000000, s2;
	s6 =	simm.s32 $0x108;
	_ =	swait.ge @!p0 [sflag:s8], $0x0  }
0x24: {  	s3 =	sadd.s32 $0x88, s3;
	s6 =	simm.s32 @!p1 $0x1082;
	[sflag:s4] =	ssyncset.s32 $0xFFFFF086  }
0x25: {  	[simem:s6], [sflag:s4] =	dma.local [hbm:s3], $0xF7A  }
0x26: {  	[smem:$0x3F9B] =	sst s1;
	(tag) =	ssettag s2;
	_ =	strace s9  }
0x27: {  	s1 =	sld [smem:$0x3FAB]  }
0x28: {  	s2 =	sld [smem:$0x3FAC]  }
0x29: {  	s4 =	sld [smem:$0x3FAE]  }
0x2a: {  	p0 =	seq.s32 s5, $0x0;
	s5 =	sld [smem:$0x3FAF]  }
0x2b: {  	s6 =	sld [smem:$0x3FB0]  }
0x2c: {  	s7 =	sld [smem:$0x3FB1]  }
0x2d: {  	s3 =	simm.s32 $0x108;
	s8 =	sld [smem:$0x3FB2]  }
0x2e: {  	s3 =	simm.s32 @!p0 $0x1082;
	s9 =	sld [smem:$0x3FB3]  }
0x2f: {  	lr =	sadd.s32 s0, s3;
	s0 =	sld [smem:$0x3FAA]  }
0x30: {  	s3 =	sld [smem:$0x3FAD]  }
0x31: {  	[smem:$0x3FB6] =	sst s10  }
0x32: {  	s10 =	sld [smem:$0x3FB4];
	_ =	sdelay $0x3  }
0x33: {  	p0 =	seq.s32 s10, $0x1;
	s10 =	sld [smem:$0x3FB6];
	_ =	sdelay $0x3  }
0x34: {  	[smem:$0x3FB6] =	sst s10  }
0x35: {  	s10 =	sld [smem:$0x3FB5];
	_ =	sdelay $0x3  }
0x36: {  	p1 =	seq.s32 s10, $0x1;
	s10 =	sld [smem:$0x3FB6];
	_ =	sdelay $0x3  }
0x37: {  	[smem:$0x3FB6] =	sst s10  }
0x38: {  	s10 =	sld [smem:$0x3FB7]  }
0x39: {  	_ = 	snop;
	(pc) =	sbr.ind lr, $3  }
0x3a: {  	_ = 	snop  }
0x3b: {  	_ = 	snop  }
0x3c: {  	p2 =	seq.s32 s10, $0x1;
	s10 =	sld [smem:$0x3FB6]  }
0x3d: {  	_ =	shalt  }
0x3e: {  	_ =	shalt  }
0x3f: {  	_ =	shalt  }
0x40: {  	_ =	shalt  }
0x41: {  	_ =	shalt  }
0x42: {  	_ =	shalt  }
0x43: {  	_ =	shalt  }
0x44: {  	_ =	shalt  }
0x45: {  	_ =	shalt  }
0x46: {  	_ =	shalt  }
0x47: {  	_ =	shalt  }
0x48: {  	_ =	shalt  }
0x49: {  	_ =	shalt  }
0x4a: {  	_ =	shalt  }
0x4b: {  	_ =	shalt  }
0x4c: {  	_ =	shalt  }
0x4d: {  	_ =	shalt  }
0x4e: {  	_ =	shalt  }
0x4f: {  	_ =	shalt  }
0x50: {  	_ =	shalt  }
0x51: {  	_ =	shalt  }
0x52: {  	_ =	shalt  }
0x53: {  	_ =	shalt  }
0x54: {  	_ =	shalt  }
0x55: {  	_ =	shalt  }
0x56: {  	_ =	shalt  }
0x57: {  	_ =	shalt  }
0x58: {  	_ =	shalt  }
0x59: {  	_ =	shalt  }
0x5a: {  	_ =	shalt  }
0x5b: {  	_ =	shalt  }
0x5c: {  	_ =	shalt  }
0x5d: {  	_ =	shalt  }
0x5e: {  	_ =	shalt  }
0x5f: {  	_ =	shalt  }
0x60: {  	_ =	shalt  }
0x61: {  	_ =	shalt  }
0x62: {  	_ =	shalt  }
0x63: {  	_ =	shalt  }
0x64: {  	_ =	shalt  }
0x65: {  	_ =	shalt  }
0x66: {  	_ =	shalt  }
0x67: {  	_ =	shalt  }
0x68: {  	_ =	shalt  }
0x69: {  	_ =	shalt  }
0x6a: {  	_ =	shalt  }
0x6b: {  	_ =	shalt  }
0x6c: {  	_ =	shalt  }
0x6d: {  	_ =	shalt  }
0x6e: {  	_ =	shalt  }
0x6f: {  	_ =	shalt  }
0x70: {  	_ =	shalt  }
0x71: {  	_ =	shalt  }
0x72: {  	_ =	shalt  }
0x73: {  	_ =	shalt  }
0x74: {  	_ =	shalt  }
0x75: {  	_ =	shalt  }
0x76: {  	_ =	shalt  }
0x77: {  	_ =	shalt  }
0x78: {  	_ =	shalt  }
0x79: {  	_ =	shalt  }
0x7a: {  	_ =	shalt  }
0x7b: {  	_ =	shalt  }
0x7c: {  	_ =	shalt  }
0x7d: {  	_ =	shalt  }
0x7e: {  	_ =	shalt  }
0x7f: {  	_ =	shalt  }
0x80: {  	_ =	shalt  }
0x81: {  	_ =	shalt  }
0x82: {  	_ =	shalt  }
0x83: {  	_ =	shalt  }
0x84: {  	_ =	shalt  }
0x85: {  	_ =	shalt  }
0x86: {  	_ =	shalt  }
0x87: {  	_ =	shalt  }
.Lfunc_end0:
.L_simem_size_0:
called_computation.1_lowered:
.L_overlay_start_0:
0x88: {  	s2 =	sld [smem:$0x3FD9]  }
0x89: {  	s3 =	sld [smem:$0x3FFE];
	_ =	sdelay $0x1  }
0x8a: {  	s1 =	srdreg.scid  }
0x8b: {  	s0 =	sand.u32 $0x1, s1  }
0x8c: {  	s17 =	sshll.u32 s0, $0xA;
	s2 =	sadd.s32 s3, s2  }
0x8d: {  	s2 =	sadd.s32 s2, s17  }
0x8e: {  	[smem:$0x3FC2] =	sst s2  }
0x8f: {  	_ = 	snop  }
0x90: {  	s2 =	sld [smem:$0x3FC9]  }
0x91: {  	s18 =	sld [smem:$0x3FC8]  }
0x92: {  	s4 =	sld [smem:$0x3FC7]  }
0x93: {  	s5 =	sld [smem:$0x3FC5]  }
0x94: {  	s6 =	sld [smem:$0x3FC4]  }
0x95: {  	s7 =	sld [smem:$0x3FD0];
	(tm) =	ssettm $0x1  }
0x96: {  	s8 =	sld [smem:$0x3FFB];
	_ =	sdelay $0x3  }
0x97: {  	_ =	strace s8  }
0x98: {  	s8 =	sld [smem:$0x3FFC];
	_ =	sdelay $0x3  }
0x99: {  	_ =	strace s8  }
0x9a: {  	s8 =	sld [smem:$0x3FFD];
	_ =	sdelay $0x3  }
0x9b: {  	_ =	strace s8  }
0x9c: {  	_ =	strace $0x8FFFFFFF  }
0x9d: {  	s19 =	sld [smem:$0x3FDB];
	_ =	sdelay $0x1  }
0x9e: {  	s9 =	simm.s32 $_scs_section_size  }
0x9f: {  	s10 =	simm.s32 $_size__tile_overlayer_lowered;
	s11 =	simm.s32 $_tile_overlayer_lowered  }
0xa0: {  	s22 =	simm.s32 $0x1BFF;
	s21 =	sshll.u32 s11, $0x1;
	s8 =	sadd.s32 s9, s19  }
0xa1: {  	s12 =	simm.s32 $0x0;
	s20 =	sshll.u32 s10, $0x1;
	s10 =	sadd.s32 s21, s8  }
0xa2: {  	[timem:s12], [sflag:s22] =	dma.local [hbm:s10], s20  }
0xa3: {  	_ =	swait.ge [sflag:s22], s20  }
0xa4: {  	s9 =	ssub.s32 $0x0, s20;
	[sflag:s22] =	ssyncset.done $0x0  }
0xa5: {  	[sflag:s22] =	ssyncadd.s32 s9;
	_ =	sdelay $0x1  }
0xa6: {  	s23 =	simm.s32 $0x1B8B  }
0xa7: {  	_ =	swait.ge [sflag:s23], $0x1  }
0xa8: {  	[sflag:s23] =	ssyncset.done $0x0  }
0xa9: {  	s25 =	simm.s32 $0x1B8E;
	s24 =	sld [smem:$0x3FFE];
	[sflag:s23] =	ssyncadd.s32 $0xFFFFFFFF  }
0xaa: {  	s26 =	simm.s32 $execute0_lowered;
	[smem:$0x3FD2] =	sst s25  }
0xab: {  	s10 =	sshll.u32 s26, $0x1;
	_ =	strace $0x80000046;
	[dreg:$0x1] =	wrdreg $0xFFFFFFFF  }
0xac: {  	s28 =	simm.s32 $_size_execute0_lowered;
	s8 =	sadd.s32 s8, s10;
	[dreg:$0x0] =	wrdreg $0x0  }
0xad: {  	s10 =	sshll.u32 s28, $0x1;
	[dreg:$0x2] =	wrdreg s8  }
0xae: {  	[dreg:$0x3] =	wrdreg s10  }
0xaf: {  	[dreg:$0x4] =	wrdreg $0xC0  }
0xb0: {  	_ =	task [dreg:s12], $0x5FFFF  }
0xb1: {  	[dreg:$0x1] =	wrdreg $0xFFFFFFFF  }
0xb2: {  	[dreg:$0x0] =	wrdreg $0x60  }
0xb3: {  	[dreg:$0x2] =	wrdreg s2  }
0xb4: {  	[dreg:$0x3] =	wrdreg s18  }
0xb5: {  	[dreg:$0x4] =	wrdreg s4  }
0xb6: {  	[dreg:$0x5] =	wrdreg s24  }
0xb7: {  	[dreg:$0x6] =	wrdreg s5  }
0xb8: {  	[dreg:$0x7] =	wrdreg s6  }
0xb9: {  	[dreg:$0x8] =	wrdreg s7  }
0xba: {  	[dreg:$0x9] =	wrdreg $0x9  }
0xbb: {  	_ =	task.clear_ibuf [dreg:s12], $0xAFFFF;
	_ =	strace $0x90000046  }
0xbc: {  	s29 =	simm.s32 $0x9;
	_ =	strace $0x80000048  }
0xbd: {  	_ =	swait.ge [sflag:s29], $0x1  }
0xbe: {  	[sflag:s29] =	ssyncadd.s32 $0xFFFFFFFF  }
0xbf: {  	_ =	strace $0x90000048  }
0xc0: {  	_ =	sfence  }
0xc1: {  	s30 =	sld [smem:$0x0];
	_ =	sdelay $0x2  }
0xc2: {  	s31 =	sshll.u32 s1, $0xD;
	s1 =	sshrl.u32 s1, $0x2  }
0xc3: {  	s3 =	sand.u32 $0x4000, s31;
	s1 =	sadd.s32 s1, s30  }
0xc4: {  	s0 =	sor.u32 s3, s0;
	s1 =	sshll.u32 s1, $0x11  }
0xc5: {  	s0 =	sor.u32 s1, s0  }
0xc6: {  	s0 =	sadd.s32 $0x8F2B, s0  }
0xc7: {  	[sflag:s0] =	ssyncadd.remote.s32 $0x1  }
0xc8: {  	_ =	sfence.sel $0xFFFF  }
0xc9: {  	[dreg:$0x0] =	wrdreg $0xFFFFFFFF;
	(pc) =	sbr.abs _section_cstart, $3  }
0xca: {  	[dreg:$0x1] =	wrdreg $0xFFFFFFFF  }
0xcb: {  	_ =	task.clear_ibuf [dreg:s12], $0x2FFFF;
	_ =	strace $0x9FFFFFFF  }
0xcc: {  	(tm) =	ssettm $0x7FFFFFFF  }
0xcd: {  	_ =	shalt  }
tec
execute0_lowered:
.L_overlay_start_1:
0x0: {  	(tag) =	ssettag $0x1  }
0x1: {  	v0 =	vimm.s32 $0x1380;
	vm6 =	vcmask $0x300  }
0x2: {  	s5 =	rddreg [dreg:$0x0];
	vm5 =	vcmask $0x704;
	v0 =	vsel vm6, $0x0, v0  }
0x3: {  	s6 =	rddreg [dreg:$0x1];
	vm4 =	vcmask $0xB08;
	v0 =	vsel vm5, $0x80, v0  }
0x4: {  	s0 =	rddreg [dreg:$0x3];
	s8 =	simm.s32 $0x0;
	vm0 =	vcmask $0xF0C;
	v1 =	vimm.f32 $3.650000000e+02;
	v0 =	vsel vm4, $0x100, v0  }
0x5: {  	vm1 =	vcmask $0x1310;
	vm2 =	vcmask $0x1714;
	[smem:$0x7FF] =	sst s8;
	v0 =	vsel vm0, $0x180, v0  }
0x6: {  	s7 =	rddreg [dreg:$0x6];
	vm3 =	vcmask $0x1B18;
	vm7 =	vcmask $0x1F1C;
	_ =	strace $0x80000047;
	v0 =	vsel vm1, $0x200, v0  }
0x7: {  	(erf) = vrcp.f32 v1;
	v1 =	vimm.f32 $3.000000000e+01;
	v2 =	vsel vm2, $0x280, v0  }
0x8: {  	(erf) = vrcp.f32 v1;
	v1 =	vsel vm3, $0x300, v2;
	v2 =	vimm.s32 $0x3380  }
0x9: {  	v3 =	vimm.s32 $0x5380;
	vm9 =	vcmask $0x2320;
	v2 =	vsel vm6, $0x2000, v2  }
0xa: {  	vm10 =	vcmask $0x2724;
	v3 =	vsel vm6, $0x4000, v3;
	v2 =	vsel vm5, $0x2080, v2  }
0xb: {  	s1 =	srdreg.scid;
	s4 =	stileid.u32;
	vm11 =	vcmask $0x2B28;
	v3 =	vsel vm5, $0x4080, v3;
	v2 =	vsel vm4, $0x2100, v2  }
0xc: {  	vm12 =	vcmask $0x2F2C;
	s1 =	sand.u32 $0x1, s1;
	s2 =	sshll.u32 s4, $0x1;
	v3 =	vsel vm4, $0x4100, v3;
	v2 =	vsel vm0, $0x2180, v2  }
0xd: {  	vm13 =	vcmask $0x3330;
	s4 =	smul.u32 $0xC800, s4;
	s2 =	sor.u32 s1, s2;
	v3 =	vsel vm0, $0x4180, v3;
	v2 =	vsel vm1, $0x2200, v2  }
0xe: {  	s10 =	sadd.s32 $0xF42C00, s0;
	s28 =	sadd.s32 $0x1000, s7;
	s9 =	smul.u32 $0x6400, s2;
	v3 =	vsel vm1, $0x4200, v3;
	v2 =	vsel vm2, $0x2280, v2  }
0xf: {  	s23 =	ssub.s32 $0x2, s1;
	s1 =	smul.u32 $0x6400, s1;
	[dreg:$0xd] =	wrdreg s28;
	v3 =	vsel vm2, $0x4280, v3;
	v1 =	vsel vm7, $0x380, v1;
	v2 =	vsel vm3, $0x2300, v2  }
0x10: {  	s24 =	sshrl.u32 s23, $0x1;
	s26 =	sor.u32 $0x200, s9;
	[dreg:$0x8] =	wrdreg s9;
	v3 =	vsel vm3, $0x4300, v3;
	v1 =	vsel vm9, $0x1000, v1;
	v2 =	vsel vm7, $0x2380, v2  }
0x11: {  	s0 =	ssub.s32 s23, s24;
	s29 =	sadd.s32 $0x600, s9;
	[dreg:$0xc] =	wrdreg s26;
	v3 =	vsel vm7, $0x4380, v3;
	v1 =	vsel vm10, $0x1080, v1;
	v2 =	vsel vm9, $0x3000, v2  }
0x12: {  	s1 =	sadd.s32 s1, s4;
	s0 =	smax.u32 s0, $0x1;
	[dreg:$0xe] =	wrdreg s29;
	v3 =	vsel vm9, $0x5000, v3;
	v1 =	vsel vm11, $0x1100, v1;
	v2 =	vsel vm10, $0x3080, v2  }
0x13: {  	s3 =	sshrl.u32 s9, $0x3;
	s30 =	sshrl.u32 s1, $0xA;
	[dreg:$0xf] =	wrdreg s0;
	v3 =	vsel vm10, $0x5080, v3;
	v1 =	vsel vm12, $0x1180, v1;
	v2 =	vsel vm11, $0x3100, v2  }
0x14: {  	s25 =	sadd.s32 s6, s3;
	s3 =	sadd.s32 s5, s3;
	[dreg:$0x10] =	wrdreg s30;
	v3 =	vsel vm11, $0x5100, v3;
	v1 =	vsel vm13, $0x1200, v1;
	v2 =	vsel vm12, $0x3180, v2  }
0x15: {  	vm14 =	vcmask $0x3734;
	s31 =	sor.u32 $0x200, s1;
	[dreg:$0xa] =	wrdreg s3;
	v3 =	vsel vm12, $0x5180, v3;
	v2 =	vsel vm13, $0x3200, v2  }
0x16: {  	s19 =	simm.s32 $0xE800;
	vm15 =	vcmask $0x3B38;
	v0 =	vimm.f32 $0.0e+00;
	s0 =	sshrl.u32 s31, $0x9;
	[dreg:$0x9] =	wrdreg s25;
	v3 =	vsel vm13, $0x5200, v3  }
0x17: {  	s4 =	simm.s32 $0x2;
	s2 =	sadd.s32 $0x40, s25;
	[dreg:$0x11] =	wrdreg s0;
	v4 =	vsel vm14, $0x1280, v1;
	v6 =	vsel vm14, $0x5280, v3;
	v1 =	vpop (erf);
	v5 =	vsel vm14, $0x3280, v2  }
0x18: {  	s1 =	simm.s32 $0x8800;
	s3 =	simm.s32 $0x0;
	[dreg:$0xb] =	wrdreg s2;
	v3 =	vsel vm15, $0x1300, v4;
	v4 =	vsel vm15, $0x3300, v5;
	v5 =	vsel vm15, $0x5300, v6;
	v2 =	vpop (erf)  }
.LBB2_1:
0x19: {  	[dreg:$0x12] =	wrdreg s3  }
0x1a: {  	s0 =	rddreg [dreg:$0x4];
	s2 =	simm.s32 $0x14800;
	s9 =	simm.s32 $0x5  }
0x1b: {  	[tilespmem:s2], [sflag:$0x5] =	stream.linear.gather [hbm4b:s0+s8], $0x30, $0x38;
	[tilespmem:$0x15840] =	vst v63  }
0x1c: {  	_ =	swait.ge [sflag:s9], $0x30  }
0x1d: {  	[sflag:s9] =	ssyncset.done $0x0  }
0x1e: {  	[sflag:s9] =	ssyncadd.s32 $0xFFFFFFD0  }
0x1f: {  	s12 =	simm.s32 $0x14830;
	s11 =	rddreg [dreg:$0x5]  }
0x20: {  	[tilespmem:s12], [sflag:$0x5] =	stream.linear.gather [hbm4b:s11+s8], $0x10, $0x38;
	[tilespmem:$0x15840] =	vst v63  }
0x21: {  	_ =	swait.ge [sflag:s9], $0x10  }
0x22: {  	[sflag:s9] =	ssyncset.done $0x0  }
0x23: {  	[sflag:s9] =	ssyncadd.s32 $0xFFFFFFF0  }
0x24: {  	s14 =	simm.s32 $0x14840;
	s13 =	rddreg [dreg:$0x2]  }
0x25: {  	[tilespmem:s14], [sflag:$0x5] =	stream.linear.gather [hbm4b:s13+s8], $0x1000, $0x38;
	[tilespmem:$0x15840] =	vst v63  }
0x26: {  	_ =	swait.ge [sflag:s9], $0x1000  }
0x27: {  	[sflag:s9] =	ssyncset.done $0x0  }
0x28: {  	[sflag:s9] =	ssyncadd.s32 $0xFFFFF000  }
0x29: {  	v6 =	vld [tilespmem:$0x14800]  }
0x2a: {  	v7 =	vld [tilespmem:$0x14810]  }
0x2b: {  	s16 =	simm.s32 $0x1;
	s15 =	rddreg [dreg:$0x9];
	v8 =	vld [tilespmem:$0x14820]  }
0x2c: {  	v9 =	vld [tilespmem:$0x14830];
	[tilespmem:s8], [sflag:$0x1] =	stream.linear.gather [hbm4b:s15+s8], $0x200, $0x38  }
0x2d: {  	_ =	swait.ge [sflag:s16], $0x200  }
0x2e: {  	[sflag:s16] =	ssyncset.done $0x0  }
0x2f: {  	s17 =	simm.s32 $0x80;
	s18 =	simm.s32 $0x800;
	[sflag:s16] =	ssyncadd.s32 $0xFFFFFE00  }
0x30: {  	[tilespmem:s18], [sflag:$0x2] =	stream.indirect.gather [hbm4b:s10+s17], $0x20, s8, s17, $0xb8;
	[tilespmem:$0x15840] =	vst v63  }
0x31: {  	s20 =	simm.s32 $0x1800  }
0x32: {  	[tilespmem:s20], [sflag:$0x2] =	stream.indirect.gather [hbm4b:s10+s17], $0x20, s17, s17, $0xb8;
	[tilespmem:$0x15840] =	vst v63  }
0x33: {  	s21 =	simm.s32 $0x100;
	s22 =	simm.s32 $0x2800;
	s25 =	rddreg [dreg:$0xa]  }
0x34: {  	[tilespmem:s22], [sflag:$0x2] =	stream.indirect.gather [hbm4b:s10+s17], $0x20, s21, s17, $0xb8;
	[tilespmem:$0x15840] =	vst v63  }
0x35: {  	s23 =	simm.s32 $0x180;
	s24 =	simm.s32 $0x3800;
	s28 =	rddreg [dreg:$0xb]  }
0x36: {  	[tilespmem:s24], [sflag:$0x2] =	stream.indirect.gather [hbm4b:s10+s17], $0x20, s23, s17, $0xb8;
	[tilespmem:$0x15840] =	vst v63  }
0x37: {  	s26 =	simm.s32 $0x400;
	s6 =	rddreg [dreg:$0x11]  }
0x38: {  	[tilespmem:s26], [sflag:$0x3] =	stream.linear.gather [hbm4b:s25+s8], $0x200, $0x38;
	[tilespmem:$0x15840] =	vst v63  }
0x39: {  	s31 =	simm.s32 $0x200;
	s30 =	simm.s32 $0x0;
	s29 =	rddreg [dreg:$0x10]  }
0x3a: {  	[tilespmem:s31], [sflag:$0x1] =	stream.linear.gather [hbm4b:s28+s8], $0x200, $0x38;
	[tilespmem:$0x15840] =	vst v63  }
.LBB2_2:
0x3b: {  	p0 =	seq.s32 s30, $0x0  }
0x3c: {  	s0 =	simm.s32 @!p0 $0x4  }
0x3d: {  	_ =	swait.ge @!p0 [sflag:s0], $0x1000  }
0x3e: {  	[sflag:s0] =	ssyncset.done @!p0 $0x0  }
0x3f: {  	[sflag:s0] =	ssyncadd.s32 @!p0 $0xFFFFF000  }
0x40: {  	_ =	swait.ge @!p0 [sflag:s0], $0x1000  }
0x41: {  	[sflag:s0] =	ssyncset.done @!p0 $0x0  }
0x42: {  	[sflag:s0] =	ssyncadd.s32 @!p0 $0xFFFFF000  }
0x43: {  	_ =	swait.ge @!p0 [sflag:s0], $0x1000  }
0x44: {  	[sflag:s0] =	ssyncset.done @!p0 $0x0  }
0x45: {  	[sflag:s0] =	ssyncadd.s32 @!p0 $0xFFFFF000  }
0x46: {  	_ =	swait.ge @!p0 [sflag:s0], $0x1000  }
0x47: {  	[sflag:s0] =	ssyncset.done @!p0 $0x0  }
0x48: {  	[sflag:s0] =	ssyncadd.s32 @!p0 $0xFFFFF000  }
0x49: {  	_ =	swait.ge @!p0 [sflag:s0], $0x1000  }
0x4a: {  	[sflag:s0] =	ssyncset.done @!p0 $0x0  }
0x4b: {  	[sflag:s0] =	ssyncadd.s32 @!p0 $0xFFFFF000  }
0x4c: {  	_ =	swait.ge @!p0 [sflag:s0], $0x1000  }
0x4d: {  	[sflag:s0] =	ssyncset.done @!p0 $0x0  }
0x4e: {  	[sflag:s0] =	ssyncadd.s32 @!p0 $0xFFFFF000  }
0x4f: {  	_ =	swait.ge [sflag:s4], $0x1000  }
0x50: {  	[sflag:s4] =	ssyncset.done $0x0  }
0x51: {  	[sflag:s4] =	ssyncadd.s32 $0xFFFFF000  }
0x52: {  	_ =	swait.ge [sflag:s4], $0x1000  }
0x53: {  	[sflag:s4] =	ssyncset.done $0x0  }
0x54: {  	[sflag:s4] =	ssyncadd.s32 $0xFFFFF000  }
0x55: {  	_ =	swait.ge [sflag:s4], $0x1000  }
0x56: {  	[sflag:s4] =	ssyncset.done $0x0  }
0x57: {  	[sflag:s4] =	ssyncadd.s32 $0xFFFFF000  }
0x58: {  	_ =	swait.ge [sflag:s4], $0x1000  }
0x59: {  	[sflag:s4] =	ssyncset.done $0x0  }
0x5a: {  	s14 =	simm.s32 $0x3;
	[sflag:s4] =	ssyncadd.s32 $0xFFFFF000  }
0x5b: {  	_ =	swait.ge [sflag:s14], $0x200  }
0x5c: {  	[sflag:s14] =	ssyncset.done $0x0  }
0x5d: {  	s15 =	simm.s32 $0x1;
	[sflag:s14] =	ssyncadd.s32 $0xFFFFFE00  }
0x5e: {  	s16 =	simm.s32 $0x80;
	s2 =	simm.s32 $0x200;
	_ =	swait.ge [sflag:s15], $0x200  }
0x5f: {  	s3 =	simm.s32 $0x4800;
	s17 =	simm.s32 $0x280;
	[sflag:s15] =	ssyncset.done $0x0  }
0x60: {  	s12 =	sshll.u32 s30, $0xA;
	s24 =	rddreg [dreg:$0xc];
	[sflag:s15] =	ssyncadd.s32 $0xFFFFFE00  }
0x61: {  	[tilespmem:s3], [sflag:$0x2] =	stream.indirect.gather [hbm4b:s10+s16], $0x20, s2, s16, $0xb8;
	[tilespmem:$0x15840] =	vst v63  }
0x62: {  	s18 =	simm.s32 $0x5800;
	s20 =	simm.s32 $0x300;
	s0 =	sadd.s32 s12, s24  }
0x63: {  	[tilespmem:s18], [sflag:$0x2] =	stream.indirect.gather [hbm4b:s10+s16], $0x20, s17, s16, $0xb8;
	[tilespmem:$0x15840] =	vst v63  }
0x64: {  	s21 =	simm.s32 $0x6800;
	s22 =	simm.s32 $0x380;
	[dreg:$0x14] =	wrdreg s0  }
0x65: {  	[tilespmem:s21], [sflag:$0x2] =	stream.indirect.gather [hbm4b:s10+s16], $0x20, s20, s16, $0xb8;
	[tilespmem:$0x15840] =	vst v63  }
0x66: {  	s23 =	simm.s32 $0x7800;
	s0 =	sshrl.u32 s0, $0x3;
	s26 =	rddreg [dreg:$0x0]  }
0x67: {  	[tilespmem:s23], [sflag:$0x2] =	stream.indirect.gather [hbm4b:s10+s16], $0x20, s22, s16, $0xb8;
	[tilespmem:$0x15840] =	vst v63  }
0x68: {  	s25 =	sshll.u32 s30, $0x1;
	s28 =	simm.s32 $0x600;
	s0 =	sadd.s32 s26, s0  }
0x69: {  	[tilespmem:s28], [sflag:$0x3] =	stream.linear.gather [hbm4b:s0+s8], $0x200, $0x38;
	[tilespmem:$0x15840] =	vst v63  }
0x6a: {  	p1 =	seq.s32 s30, $0x18;
	s0 =	sadd.s32 $0x2, s25  }
0x6b: {  	s3 =	rddreg [dreg:$0x8];
	s0 =	sshll.u32 @!p1 s0, $0x9  }
0x6c: {  	s0 =	sadd.s32 @!p1 s3, s0  }
0x6d: {  	s17 =	simm.s32 $0x400;
	s2 =	sshrl.u32 @!p1 s0, $0x3;
	s0 =	rddreg [dreg:$0x1]  }
0x6e: {  	[dreg:$0x15] =	wrdreg s2;
	s0 =	sadd.s32 @!p1 s0, s2;
	s2 =	simm.s32 @!p1 $0x0  }
0x6f: {  	[tilespmem:s2], [sflag:$0x1] =	stream.linear.gather @!p1 [hbm4b:s0+s2], $0x200, $0x38;
	[tilespmem:$0x15840] =	vst v63  }
0x70: {  	v10 =	vld [tilespmem:s17+$0x0];
	_ =	sdelay $0x4  }
0x71: {  	v11 =	vmul.f32 v10, v1;
	_ =	sdelay $0x1  }
0x72: {  	v11 =	vtrunc.f32 v11  }
0x73: {  	v11 =	vcvt.f32.s32 v11;
	_ =	sdelay $0x1  }
0x74: {  	v12 =	vcvt.s32.f32 v11;
	_ =	sdelay $0x1  }
0x75: {  	v11 =	vmul.f32 $-3.650000000e+02, v12;
	_ =	sdelay $0x1  }
0x76: {  	s2 =	sand.u32 $0x3, s29;
	v14 =	vadd.f32 v11, v10  }
0x77: {  	s0 =	sshll.u32 s2, $0xA  }
0x78: {  	s18 =	sadd.s32 $0x14840, s0;
	v10 =	vmul.f32 v14, v2  }
0x79: {  	v11 =	vld [tilespmem:s18+$0x0]  }
0x7a: {  	v10 =	vtrunc.f32 v10  }
0x7b: {  	s2 =	sadd.s32 s3, s12;
	v13 =	vcvt.f32.s32 v10  }
0x7c: {  	s3 =	sshrl.u32 s2, $0xC  }
0x7d: {  	v10 =	vmov s3;
	v13 =	vcvt.s32.f32 v13  }
0x7e: {  	vm0 =	vlt.s32 v10, v11  }
0x7f: {  	v11 =	vsel vm0, $0x3F800000, v0;
	v15 =	vmul.f32 $-3.000000000e+01, v13  }
0x80: {  	v12 =	vmul.f32 v12, v11  }
0x81: {  	v13 =	vmul.f32 v13, v11;
	v14 =	vadd.f32 v15, v14  }
0x82: {  	v15 =	vbroadcast v12, $0x0  }
0x83: {  	v16 =	vbroadcast v13, $0x0;
	v14 =	vmul.f32 v14, v11  }
0x84: {  	v15 =	vmul.f32 v15, v6  }
0x85: {  	s21 =	simm.s32 $0x0;
	v16 =	vmul.f32 v16, v7;
	v17 =	vbroadcast v14, $0x0  }
0x86: {  	s5 =	sand.u32 $0xC00, s21;
	s7 =	sand.u32 $0x70, s21  }
0x87: {  	s0 =	sor.u32 s7, s5;
	v18 =	vbroadcast v11, $0x0;
	v15 =	vadd.f32 v16, v15;
	v17 =	vmul.f32 v17, v8  }
0x88: {  	v62 =	vor.u32 s0, v3  }
0x89: {  	v19 =	vld [tilespmem:s21+$0x0];
	v18 =	vmul.f32 v18, v9;
	v15 =	vadd.f32 v17, v15;
	_ =	sdelay $0x1  }
0x8a: {  	v15 =	vadd.f32 v15, v18;
	_ =	sdelay $0x1  }
0x8b: {  	s20 =	simm.s32 $0x900;
	[tilespmem:v62+s1+$0x0] =	vst.idx.msk $0xffff, v15  }
0x8c: {  	vm1 =	vne.s32 v19, $0x0;
	v16 =	vld [tilespmem:s20+$0xFFFFFF00]  }
0x8d: {  	vm0 =	vmand vm1, vm0  }
0x8e: {  	v63 =	vor.u32 s0, v4;
	v15 =	vsel vm0, $0x3F800000, v0  }
0x8f: {  	v24 =	vbroadcast v15, $0x0;
	_ =	sdelay $0x1  }
0x90: {  	v25 =	vbroadcast v12, $0x1;
	v16 =	vmul.f32 v24, v16  }
0x91: {  	v20 =	vbroadcast v13, $0x1  }
0x92: {  	v27 =	vmul.f32 v25, v6;
	[tilespmem:v63+s1+$0x0] =	vst.idx.msk $0xffff, v16  }
0x93: {  	v26 =	vmul.f32 v20, v7;
	v21 =	vbroadcast v14, $0x1;
	v28 =	vld [tilespmem:s20+$0xFFFFFF10]  }
0x94: {  	v29 =	vor.u32 s0, v5  }
0x95: {  	[dreg:$0x16] =	wrdreg s3;
	s3 =	sor.u32 $0x1, s0;
	v22 =	vbroadcast v11, $0x1;
	v21 =	vmul.f32 v21, v8;
	v16 =	vadd.f32 v26, v27  }
0x96: {  	v30 =	vor.u32 s3, v3  }
0x97: {  	v22 =	vmul.f32 v22, v9;
	v16 =	vadd.f32 v21, v16  }
0x98: {  	v18 =	vmul.f32 v24, v28  }
0x99: {  	v16 =	vadd.f32 v16, v22  }
0x9a: {  	[tilespmem:v29+s1+$0x0] =	vst.idx.msk $0xffff, v18  }
0x9b: {  	[tilespmem:v30+s1+$0x0] =	vst.idx.msk $0xffff, v16  }
0x9c: {  	v16 =	vld [tilespmem:s20+$0xFFFFFF20];
	_ =	sdelay $0x1  }
0x9d: {  	v31 =	vor.u32 s3, v4  }
0x9e: {  	v32 =	vbroadcast v15, $0x1;
	_ =	sdelay $0x1  }
0x9f: {  	v34 =	vbroadcast v12, $0x2;
	v16 =	vmul.f32 v16, v32  }
0xa0: {  	v33 =	vbroadcast v13, $0x2  }
0xa1: {  	v36 =	vmul.f32 v34, v6;
	[tilespmem:v31+s1+$0x0] =	vst.idx.msk $0xffff, v16  }
0xa2: {  	v19 =	vmul.f32 v33, v7;
	v35 =	vbroadcast v14, $0x2;
	v37 =	vld [tilespmem:s20+$0xFFFFFF30]  }
0xa3: {  	v38 =	vor.u32 s3, v5  }
0xa4: {  	s8 =	sor.u32 $0x2, s0;
	v39 =	vbroadcast v11, $0x2;
	v17 =	vadd.f32 v19, v36;
	v16 =	vmul.f32 v35, v8  }
0xa5: {  	v40 =	vor.u32 s8, v3  }
0xa6: {  	v22 =	vmul.f32 v39, v9;
	v16 =	vadd.f32 v16, v17  }
0xa7: {  	v41 =	vmul.f32 v37, v32  }
0xa8: {  	v16 =	vadd.f32 v16, v22  }
0xa9: {  	[tilespmem:v38+s1+$0x0] =	vst.idx.msk $0xffff, v41  }
0xaa: {  	[tilespmem:v40+s1+$0x0] =	vst.idx.msk $0xffff, v16  }
0xab: {  	v16 =	vld [tilespmem:s20+$0xFFFFFF40];
	_ =	sdelay $0x1  }
0xac: {  	v42 =	vor.u32 s8, v4  }
0xad: {  	v43 =	vbroadcast v15, $0x2;
	_ =	sdelay $0x1  }
0xae: {  	v44 =	vbroadcast v12, $0x3;
	v16 =	vmul.f32 v16, v43  }
0xaf: {  	v45 =	vbroadcast v13, $0x3  }
0xb0: {  	v47 =	vmul.f32 v44, v6;
	[tilespmem:v42+s1+$0x0] =	vst.idx.msk $0xffff, v16  }
0xb1: {  	v48 =	vmul.f32 v45, v7;
	v46 =	vbroadcast v14, $0x3;
	v49 =	vld [tilespmem:s20+$0xFFFFFF50]  }
0xb2: {  	v50 =	vor.u32 s8, v5  }
0xb3: {  	s9 =	sor.u32 $0x3, s0;
	v51 =	vbroadcast v11, $0x3;
	v52 =	vmul.f32 v46, v8;
	v16 =	vadd.f32 v48, v47  }
0xb4: {  	v53 =	vor.u32 s9, v3  }
0xb5: {  	v22 =	vmul.f32 v51, v9;
	v16 =	vadd.f32 v52, v16  }
0xb6: {  	v54 =	vmul.f32 v49, v43  }
0xb7: {  	v16 =	vadd.f32 v16, v22  }
0xb8: {  	[tilespmem:v50+s1+$0x0] =	vst.idx.msk $0xffff, v54  }
0xb9: {  	[tilespmem:v53+s1+$0x0] =	vst.idx.msk $0xffff, v16  }
0xba: {  	v16 =	vld [tilespmem:s20+$0xFFFFFF60];
	_ =	sdelay $0x1  }
0xbb: {  	v55 =	vor.u32 s9, v4  }
0xbc: {  	v56 =	vbroadcast v15, $0x3;
	_ =	sdelay $0x1  }
0xbd: {  	v58 =	vbroadcast v12, $0x4;
	v16 =	vmul.f32 v16, v56  }
0xbe: {  	v57 =	vbroadcast v13, $0x4  }
0xbf: {  	v60 =	vmul.f32 v58, v6;
	[tilespmem:v55+s1+$0x0] =	vst.idx.msk $0xffff, v16  }
0xc0: {  	v61 =	vmul.f32 v57, v7;
	v59 =	vbroadcast v14, $0x4;
	v62 =	vld [tilespmem:s20+$0xFFFFFF70]  }
0xc1: {  	v25 =	vbroadcast v11, $0x4  }
0xc2: {  	s5 =	sor.u32 $0x4, s0;
	v63 =	vmul.f32 v59, v8;
	v24 =	vor.u32 s9, v5;
	v16 =	vadd.f32 v61, v60  }
0xc3: {  	v26 =	vor.u32 s5, v3  }
0xc4: {  	v22 =	vmul.f32 v25, v9;
	v16 =	vadd.f32 v63, v16  }
0xc5: {  	v18 =	vmul.f32 v62, v56  }
0xc6: {  	v16 =	vadd.f32 v16, v22  }
0xc7: {  	[tilespmem:v24+s1+$0x0] =	vst.idx.msk $0xffff, v18  }
0xc8: {  	[tilespmem:v26+s1+$0x0] =	vst.idx.msk $0xffff, v16  }
0xc9: {  	v16 =	vld [tilespmem:s20+$0xFFFFFF80];
	_ =	sdelay $0x1  }
0xca: {  	v27 =	vor.u32 s5, v4  }
0xcb: {  	v28 =	vbroadcast v15, $0x4;
	_ =	sdelay $0x1  }
0xcc: {  	v30 =	vbroadcast v12, $0x5;
	v16 =	vmul.f32 v16, v28  }
0xcd: {  	v29 =	vbroadcast v13, $0x5  }
0xce: {  	v33 =	vmul.f32 v30, v6;
	[tilespmem:v27+s1+$0x0] =	vst.idx.msk $0xffff, v16  }
0xcf: {  	v31 =	vbroadcast v14, $0x5;
	v32 =	vmul.f32 v29, v7;
	v34 =	vld [tilespmem:s20+$0xFFFFFF90]  }
0xd0: {  	v36 =	vbroadcast v11, $0x5  }
0xd1: {  	s11 =	sor.u32 $0x5, s0;
	v35 =	vmul.f32 v31, v8;
	v37 =	vor.u32 s5, v5;
	v16 =	vadd.f32 v32, v33  }
0xd2: {  	v38 =	vor.u32 s11, v3  }
0xd3: {  	v21 =	vmul.f32 v36, v9;
	v16 =	vadd.f32 v35, v16  }
0xd4: {  	v18 =	vmul.f32 v34, v28  }
0xd5: {  	v16 =	vadd.f32 v16, v21  }
0xd6: {  	[tilespmem:v37+s1+$0x0] =	vst.idx.msk $0xffff, v18  }
0xd7: {  	[tilespmem:v38+s1+$0x0] =	vst.idx.msk $0xffff, v16  }
0xd8: {  	v16 =	vld [tilespmem:s20+$0xFFFFFFA0];
	_ =	sdelay $0x1  }
0xd9: {  	v39 =	vor.u32 s11, v4  }
0xda: {  	v40 =	vbroadcast v15, $0x5;
	_ =	sdelay $0x1  }
0xdb: {  	v41 =	vbroadcast v12, $0x6;
	v16 =	vmul.f32 v16, v40  }
0xdc: {  	v42 =	vbroadcast v13, $0x6  }
0xdd: {  	v45 =	vmul.f32 v41, v6;
	[tilespmem:v39+s1+$0x0] =	vst.idx.msk $0xffff, v16  }
0xde: {  	v44 =	vmul.f32 v42, v7;
	v43 =	vbroadcast v14, $0x6;
	v46 =	vld [tilespmem:s20+$0xFFFFFFB0]  }
0xdf: {  	v48 =	vor.u32 s11, v5  }
0xe0: {  	s13 =	sor.u32 $0x6, s0;
	v49 =	vbroadcast v11, $0x6;
	v47 =	vmul.f32 v43, v8;
	v16 =	vadd.f32 v44, v45  }
0xe1: {  	v50 =	vor.u32 s13, v3  }
0xe2: {  	v22 =	vmul.f32 v49, v9;
	v16 =	vadd.f32 v47, v16  }
0xe3: {  	v18 =	vmul.f32 v46, v40  }
0xe4: {  	v16 =	vadd.f32 v16, v22  }
0xe5: {  	[tilespmem:v48+s1+$0x0] =	vst.idx.msk $0xffff, v18  }
0xe6: {  	[tilespmem:v50+s1+$0x0] =	vst.idx.msk $0xffff, v16  }
0xe7: {  	v16 =	vld [tilespmem:s20+$0xFFFFFFC0];
	_ =	sdelay $0x1  }
0xe8: {  	v51 =	vor.u32 s13, v4  }
0xe9: {  	v52 =	vbroadcast v15, $0x6;
	_ =	sdelay $0x1  }
0xea: {  	v54 =	vbroadcast v12, $0x7;
	v16 =	vmul.f32 v16, v52  }
0xeb: {  	v53 =	vbroadcast v13, $0x7  }
0xec: {  	v57 =	vmul.f32 v54, v6;
	[tilespmem:v51+s1+$0x0] =	vst.idx.msk $0xffff, v16  }
0xed: {  	v55 =	vbroadcast v14, $0x7;
	v56 =	vmul.f32 v53, v7;
	v58 =	vld [tilespmem:s20+$0xFFFFFFD0]  }
0xee: {  	v60 =	vbroadcast v11, $0x7  }
0xef: {  	s14 =	sor.u32 $0x7, s0;
	v61 =	vor.u32 s13, v5;
	v59 =	vmul.f32 v55, v8;
	v16 =	vadd.f32 v56, v57  }
0xf0: {  	v62 =	vor.u32 s14, v3  }
0xf1: {  	v21 =	vmul.f32 v60, v9;
	v16 =	vadd.f32 v59, v16  }
0xf2: {  	v18 =	vmul.f32 v58, v52  }
0xf3: {  	v16 =	vadd.f32 v16, v21  }
0xf4: {  	[tilespmem:v61+s1+$0x0] =	vst.idx.msk $0xffff, v18  }
0xf5: {  	[tilespmem:v62+s1+$0x0] =	vst.idx.msk $0xffff, v16  }
0xf6: {  	v16 =	vld [tilespmem:s20+$0xFFFFFFE0];
	_ =	sdelay $0x1  }
0xf7: {  	v63 =	vor.u32 s14, v4  }
0xf8: {  	v24 =	vbroadcast v15, $0x7;
	_ =	sdelay $0x1  }
0xf9: {  	v25 =	vbroadcast v13, $0x8;
	v16 =	vmul.f32 v16, v24  }
0xfa: {  	v26 =	vbroadcast v12, $0x8  }
0xfb: {  	v29 =	vmul.f32 v25, v7;
	[tilespmem:v63+s1+$0x0] =	vst.idx.msk $0xffff, v16  }
0xfc: {  	v27 =	vbroadcast v14, $0x8;
	v28 =	vmul.f32 v26, v6;
	v30 =	vld [tilespmem:s20+$0xFFFFFFF0]  }
0xfd: {  	v31 =	vor.u32 s14, v5  }
0xfe: {  	s15 =	sor.u32 $0x8, s0;
	v32 =	vbroadcast v11, $0x8;
	v21 =	vmul.f32 v27, v8;
	v16 =	vadd.f32 v29, v28  }
0xff: {  	v33 =	vor.u32 s15, v3  }
0x100: {  	v17 =	vmul.f32 v32, v9;
	v16 =	vadd.f32 v21, v16  }
0x101: {  	v18 =	vmul.f32 v30, v24  }
0x102: {  	v16 =	vadd.f32 v16, v17  }
0x103: {  	[tilespmem:v31+s1+$0x0] =	vst.idx.msk $0xffff, v18  }
0x104: {  	[tilespmem:v33+s1+$0x0] =	vst.idx.msk $0xffff, v16  }
0x105: {  	v16 =	vld [tilespmem:s20+$0x0];
	_ =	sdelay $0x1  }
0x106: {  	v34 =	vor.u32 s15, v4  }
0x107: {  	v35 =	vbroadcast v15, $0x8;
	_ =	sdelay $0x1  }
0x108: {  	v16 =	vmul.f32 v16, v35  }
0x109: {  	v36 =	vbroadcast v13, $0x9;
	v37 =	vbroadcast v12, $0x9  }
0x10a: {  	v38 =	vbroadcast v14, $0x9;
	[tilespmem:v34+s1+$0x0] =	vst.idx.msk $0xffff, v16  }
0x10b: {  	v39 =	vmul.f32 v36, v7;
	v40 =	vmul.f32 v37, v6;
	v41 =	vld [tilespmem:s20+$0x10]  }
0x10c: {  	v43 =	vbroadcast v11, $0x9  }
0x10d: {  	s16 =	sor.u32 $0x9, s0;
	v42 =	vmul.f32 v38, v8;
	v44 =	vor.u32 s15, v5;
	v16 =	vadd.f32 v39, v40  }
0x10e: {  	v45 =	vor.u32 s16, v3  }
0x10f: {  	v46 =	vmul.f32 v43, v9;
	v16 =	vadd.f32 v42, v16  }
0x110: {  	v18 =	vmul.f32 v41, v35  }
0x111: {  	v16 =	vadd.f32 v16, v46  }
0x112: {  	[tilespmem:v44+s1+$0x0] =	vst.idx.msk $0xffff, v18  }
0x113: {  	[tilespmem:v45+s1+$0x0] =	vst.idx.msk $0xffff, v16  }
0x114: {  	v16 =	vld [tilespmem:s20+$0x20];
	_ =	sdelay $0x1  }
0x115: {  	v47 =	vor.u32 s16, v4  }
0x116: {  	v48 =	vbroadcast v15, $0x9;
	_ =	sdelay $0x1  }
0x117: {  	v50 =	vbroadcast v12, $0xA;
	v16 =	vmul.f32 v16, v48  }
0x118: {  	v49 =	vbroadcast v13, $0xA  }
0x119: {  	v53 =	vmul.f32 v50, v6;
	[tilespmem:v47+s1+$0x0] =	vst.idx.msk $0xffff, v16  }
0x11a: {  	v51 =	vbroadcast v14, $0xA;
	v52 =	vmul.f32 v49, v7;
	v54 =	vld [tilespmem:s20+$0x30]  }
0x11b: {  	v56 =	vbroadcast v11, $0xA  }
0x11c: {  	s22 =	sor.u32 $0xA, s0;
	v57 =	vor.u32 s16, v5;
	v55 =	vmul.f32 v51, v8;
	v16 =	vadd.f32 v52, v53  }
0x11d: {  	v58 =	vor.u32 s22, v3  }
0x11e: {  	v21 =	vmul.f32 v56, v9;
	v16 =	vadd.f32 v55, v16  }
0x11f: {  	v18 =	vmul.f32 v54, v48  }
0x120: {  	v16 =	vadd.f32 v16, v21  }
0x121: {  	[tilespmem:v57+s1+$0x0] =	vst.idx.msk $0xffff, v18  }
0x122: {  	[tilespmem:v58+s1+$0x0] =	vst.idx.msk $0xffff, v16  }
0x123: {  	v16 =	vld [tilespmem:s20+$0x40];
	_ =	sdelay $0x1  }
0x124: {  	v59 =	vor.u32 s22, v4  }
0x125: {  	v60 =	vbroadcast v15, $0xA;
	_ =	sdelay $0x1  }
0x126: {  	v61 =	vbroadcast v12, $0xB;
	v16 =	vmul.f32 v16, v60  }
0x127: {  	v62 =	vbroadcast v13, $0xB  }
0x128: {  	v19 =	vmul.f32 v61, v6;
	[tilespmem:v59+s1+$0x0] =	vst.idx.msk $0xffff, v16  }
0x129: {  	v63 =	vmul.f32 v62, v7;
	v24 =	vbroadcast v14, $0xB;
	v25 =	vld [tilespmem:s20+$0x50]  }
0x12a: {  	v26 =	vbroadcast v11, $0xB  }
0x12b: {  	s23 =	sor.u32 $0xB, s0;
	v27 =	vor.u32 s22, v5;
	v17 =	vmul.f32 v24, v8;
	v16 =	vadd.f32 v63, v19  }
0x12c: {  	v28 =	vor.u32 s23, v3  }
0x12d: {  	v29 =	vmul.f32 v26, v9;
	v16 =	vadd.f32 v17, v16  }
0x12e: {  	v18 =	vmul.f32 v25, v60  }
0x12f: {  	v16 =	vadd.f32 v16, v29  }
0x130: {  	[tilespmem:v27+s1+$0x0] =	vst.idx.msk $0xffff, v18  }
0x131: {  	[tilespmem:v28+s1+$0x0] =	vst.idx.msk $0xffff, v16  }
0x132: {  	v16 =	vld [tilespmem:s20+$0x60];
	_ =	sdelay $0x1  }
0x133: {  	v30 =	vor.u32 s23, v4  }
0x134: {  	v31 =	vbroadcast v15, $0xB;
	_ =	sdelay $0x1  }
0x135: {  	v33 =	vbroadcast v13, $0xC;
	v16 =	vmul.f32 v16, v31  }
0x136: {  	v32 =	vbroadcast v12, $0xC  }
0x137: {  	v20 =	vmul.f32 v33, v7;
	[tilespmem:v30+s1+$0x0] =	vst.idx.msk $0xffff, v16  }
0x138: {  	v34 =	vbroadcast v14, $0xC;
	v19 =	vmul.f32 v32, v6;
	v17 =	vld [tilespmem:s20+$0x70]  }
0x139: {  	v36 =	vbroadcast v11, $0xC  }
0x13a: {  	s24 =	sor.u32 $0xC, s0;
	v35 =	vor.u32 s23, v5;
	v19 =	vadd.f32 v20, v19;
	v16 =	vmul.f32 v34, v8  }
0x13b: {  	v37 =	vor.u32 s24, v3  }
0x13c: {  	v38 =	vmul.f32 v36, v9;
	v16 =	vadd.f32 v16, v19  }
0x13d: {  	v17 =	vmul.f32 v17, v31  }
0x13e: {  	v16 =	vadd.f32 v16, v38  }
0x13f: {  	[tilespmem:v35+s1+$0x0] =	vst.idx.msk $0xffff, v17  }
0x140: {  	[tilespmem:v37+s1+$0x0] =	vst.idx.msk $0xffff, v16  }
0x141: {  	v16 =	vld [tilespmem:s20+$0x80];
	_ =	sdelay $0x1  }
0x142: {  	v39 =	vor.u32 s24, v4  }
0x143: {  	v40 =	vbroadcast v15, $0xC;
	_ =	sdelay $0x1  }
0x144: {  	v42 =	vbroadcast v13, $0xD;
	v16 =	vmul.f32 v16, v40  }
0x145: {  	v41 =	vbroadcast v12, $0xD  }
0x146: {  	v43 =	vmul.f32 v42, v7;
	[tilespmem:v39+s1+$0x0] =	vst.idx.msk $0xffff, v16  }
0x147: {  	v44 =	vbroadcast v14, $0xD;
	v19 =	vmul.f32 v41, v6;
	v45 =	vld [tilespmem:s20+$0x90]  }
0x148: {  	v46 =	vbroadcast v11, $0xD  }
0x149: {  	s25 =	sor.u32 $0xD, s0;
	v47 =	vor.u32 s24, v5;
	v17 =	vmul.f32 v44, v8;
	v16 =	vadd.f32 v43, v19  }
0x14a: {  	v48 =	vor.u32 s25, v3  }
0x14b: {  	v49 =	vmul.f32 v46, v9;
	v16 =	vadd.f32 v17, v16  }
0x14c: {  	v18 =	vmul.f32 v45, v40  }
0x14d: {  	v16 =	vadd.f32 v16, v49  }
0x14e: {  	[tilespmem:v47+s1+$0x0] =	vst.idx.msk $0xffff, v18  }
0x14f: {  	[tilespmem:v48+s1+$0x0] =	vst.idx.msk $0xffff, v16  }
0x150: {  	v16 =	vld [tilespmem:s20+$0xA0];
	_ =	sdelay $0x1  }
0x151: {  	v50 =	vor.u32 s25, v4  }
0x152: {  	v51 =	vbroadcast v15, $0xD;
	_ =	sdelay $0x1  }
0x153: {  	v16 =	vmul.f32 v16, v51  }
0x154: {  	v52 =	vbroadcast v12, $0xE;
	v53 =	vbroadcast v13, $0xE  }
0x155: {  	v55 =	vbroadcast v14, $0xE;
	[tilespmem:v50+s1+$0x0] =	vst.idx.msk $0xffff, v16  }
0x156: {  	v54 =	vmul.f32 v53, v7;
	v19 =	vmul.f32 v52, v6;
	v56 =	vld [tilespmem:s20+$0xB0]  }
0x157: {  	v57 =	vbroadcast v11, $0xE  }
0x158: {  	s26 =	sor.u32 $0xE, s0;
	v58 =	vor.u32 s25, v5;
	v17 =	vmul.f32 v55, v8;
	v16 =	vadd.f32 v54, v19  }
0x159: {  	v59 =	vor.u32 s26, v3  }
0x15a: {  	v60 =	vmul.f32 v57, v9;
	v16 =	vadd.f32 v17, v16  }
0x15b: {  	v18 =	vmul.f32 v56, v51  }
0x15c: {  	v16 =	vadd.f32 v16, v60  }
0x15d: {  	[tilespmem:v58+s1+$0x0] =	vst.idx.msk $0xffff, v18  }
0x15e: {  	[tilespmem:v59+s1+$0x0] =	vst.idx.msk $0xffff, v16  }
0x15f: {  	v16 =	vld [tilespmem:s20+$0xC0];
	_ =	sdelay $0x1  }
0x160: {  	v61 =	vor.u32 s26, v4  }
0x161: {  	v62 =	vbroadcast v15, $0xE;
	_ =	sdelay $0x1  }
0x162: {  	v16 =	vmul.f32 v16, v62  }
0x163: {  	v12 =	vbroadcast v12, $0xF;
	v13 =	vbroadcast v13, $0xF  }
0x164: {  	v14 =	vbroadcast v14, $0xF;
	[tilespmem:v61+s1+$0x0] =	vst.idx.msk $0xffff, v16  }
0x165: {  	v13 =	vmul.f32 v13, v7;
	v12 =	vmul.f32 v12, v6;
	v16 =	vld [tilespmem:s20+$0xD0]  }
0x166: {  	v14 =	vmul.f32 v14, v8  }
0x167: {  	s0 =	sor.u32 $0xF, s0;
	v12 =	vadd.f32 v13, v12;
	v13 =	vor.u32 s26, v5;
	v11 =	vbroadcast v11, $0xF  }
0x168: {  	v63 =	vor.u32 s0, v3  }
0x169: {  	v12 =	vadd.f32 v14, v12;
	v11 =	vmul.f32 v11, v9  }
0x16a: {  	v14 =	vmul.f32 v16, v62  }
0x16b: {  	v11 =	vadd.f32 v12, v11  }
0x16c: {  	[tilespmem:v13+s1+$0x0] =	vst.idx.msk $0xffff, v14  }
0x16d: {  	[tilespmem:v63+s1+$0x0] =	vst.idx.msk $0xffff, v11  }
0x16e: {  	v13 =	vld [tilespmem:s20+$0xE0];
	_ =	sdelay $0x1  }
0x16f: {  	v12 =	vor.u32 s0, v4  }
0x170: {  	s28 =	sand.u32 $0x7, s6;
	v11 =	vbroadcast v15, $0xF  }
0x171: {  	[dreg:$0x13] =	wrdreg s6;
	s2 =	sand.u32 $0xC00, s2;
	s3 =	sshll.u32 s28, $0x9  }
0x172: {  	[dreg:$0x17] =	wrdreg s2;
	s31 =	sadd.s32 $0x14840, s3;
	v13 =	vmul.f32 v13, v11  }
0x173: {  	s3 =	simm.s32 $0x10;
	s23 =	simm.s32 $0x80;
	s26 =	simm.s32 $0xB00  }
.LBB2_3:
0x174: {  	[tilespmem:v12+s1+$0x0] =	vst.idx.msk $0xffff, v13;
	s21 =	sadd.s32 $0x10, s21;
	s18 =	sadd.s32 $0x10, s18;
	s17 =	sadd.s32 $0x10, s17  }
0x175: {  	p2 =	sne.s32 s23, $0xF80;
	s2 =	smov.u32 s23;
	s23 =	sadd.s32 $0x80, s23;
	v12 =	vld [tilespmem:s20+$0xF0]  }
0x176: {  	s20 =	smov.u32 s26  }
0x177: {  	v13 =	vor.u32 s0, v5;
	_ =	sdelay $0x2  }
0x178: {  	v11 =	vmul.f32 v12, v11;
	_ =	sdelay $0x1  }
0x179: {  	[tilespmem:v13+s1+$0x0] =	vst.idx.msk $0xffff, v11  }
0x17a: {  	v14 =	vld [tilespmem:s17+$0x0]  }
0x17b: {  	v11 =	vld [tilespmem:s18+$0x0];
	_ =	sdelay $0x3  }
0x17c: {  	v12 =	vmul.f32 v14, v1  }
0x17d: {  	vm0 =	vlt.s32 v10, v11  }
0x17e: {  	v15 =	vsel vm0, $0x3F800000, v0;
	v11 =	vtrunc.f32 v12  }
0x17f: {  	v11 =	vcvt.f32.s32 v11;
	v16 =	vbroadcast v15, $0xB  }
0x180: {  	v21 =	vbroadcast v15, $0x0;
	v12 =	vbroadcast v15, $0xE  }
0x181: {  	v13 =	vbroadcast v15, $0xD;
	v17 =	vcvt.s32.f32 v11  }
0x182: {  	v11 =	vbroadcast v15, $0xF  }
0x183: {  	v18 =	vmul.f32 $-3.650000000e+02, v17;
	v17 =	vmul.f32 v17, v15;
	_ =	sdelay $0x1  }
0x184: {  	v14 =	vadd.f32 v18, v14;
	v37 =	vbroadcast v17, $0x3;
	v20 =	vbroadcast v17, $0xC  }
0x185: {  	v22 =	vbroadcast v17, $0x1;
	v19 =	vbroadcast v17, $0xE  }
0x186: {  	v26 =	vbroadcast v17, $0x6;
	v23 =	vmul.f32 v14, v2  }
0x187: {  	v24 =	vbroadcast v17, $0xB;
	v18 =	vbroadcast v17, $0xF  }
0x188: {  	v25 =	vbroadcast v17, $0xD;
	v23 =	vtrunc.f32 v23  }
0x189: {  	v24 =	vmul.f32 v24, v6;
	v23 =	vcvt.f32.s32 v23  }
0x18a: {  	v25 =	vmul.f32 v25, v6  }
0x18b: {  	v27 =	vbroadcast v17, $0x0;
	v23 =	vcvt.s32.f32 v23;
	_ =	sdelay $0x1  }
0x18c: {  	v27 =	vmul.f32 v27, v6;
	v41 =	vmul.f32 v23, v15  }
0x18d: {  	v19 =	vmul.f32 v19, v6;
	v23 =	vmul.f32 $-3.000000000e+01, v23  }
0x18e: {  	v28 =	vbroadcast v41, $0x2;
	v29 =	vbroadcast v41, $0xD  }
0x18f: {  	s0 =	sand.u32 $0xC00, s2;
	s2 =	sand.u32 $0x70, s21;
	v46 =	vmul.f32 v20, v6;
	v14 =	vadd.f32 v23, v14;
	v23 =	vbroadcast v41, $0xC  }
0x190: {  	s28 =	sor.u32 s2, s0;
	v45 =	vmul.f32 v28, v7;
	v28 =	vbroadcast v41, $0xB  }
0x191: {  	v30 =	vor.u32 s28, v3;
	s22 =	sor.u32 $0x1, s28;
	s11 =	sor.u32 $0x2, s28;
	s8 =	sor.u32 $0x3, s28;
	v20 =	vmul.f32 v14, v15;
	v14 =	vbroadcast v41, $0x0  }
0x192: {  	s13 =	sor.u32 $0x4, s28;
	s7 =	sor.u32 $0x5, s28;
	s5 =	sor.u32 $0x6, s28;
	v21 =	vmul.f32 v21, v9;
	v29 =	vmul.f32 v29, v7;
	v31 =	vld [tilespmem:s3+$0x0]  }
0x193: {  	s25 =	sor.u32 $0x7, s28;
	s15 =	sor.u32 $0x8, s28;
	s9 =	sor.u32 $0x9, s28;
	v47 =	vmul.f32 v23, v7;
	v32 =	vbroadcast v20, $0x0  }
0x194: {  	s24 =	sor.u32 $0xA, s28;
	s16 =	sor.u32 $0xB, s28;
	s14 =	sor.u32 $0xC, s28;
	v23 =	vbroadcast v41, $0x1;
	v33 =	vbroadcast v20, $0x4;
	v48 =	vadd.f32 v29, v25  }
0x195: {  	s6 =	sor.u32 $0xD, s28;
	s2 =	sor.u32 $0xE, s28;
	s0 =	sor.u32 $0xF, s28;
	v14 =	vmul.f32 v14, v7;
	v44 =	vbroadcast v20, $0x3  }
0x196: {  	v25 =	vbroadcast v20, $0x1;
	v29 =	vbroadcast v20, $0x5  }
0x197: {  	v43 =	vbroadcast v41, $0x4;
	vm1 =	vne.s32 v31, $0x0;
	v31 =	vmul.f32 v32, v8  }
0x198: {  	v27 =	vadd.f32 v14, v27;
	v42 =	vmul.f32 v33, v8;
	vm0 =	vmand vm1, vm0  }
0x199: {  	v49 =	vor.u32 s28, v4;
	v50 =	vbroadcast v41, $0xE;
	v14 =	vsel vm0, $0x3F800000, v0  }
0x19a: {  	v38 =	vmul.f32 v29, v8;
	v27 =	vadd.f32 v31, v27;
	v51 =	vbroadcast v14, $0x0  }
0x19b: {  	v39 =	vbroadcast v15, $0x5;
	v29 =	vbroadcast v41, $0x5  }
0x19c: {  	v31 =	vbroadcast v20, $0x6;
	v21 =	vadd.f32 v27, v21;
	v27 =	vbroadcast v41, $0x6  }
0x19d: {  	v40 =	vmul.f32 v29, v7;
	v29 =	vbroadcast v20, $0x7  }
0x19e: {  	v35 =	vmul.f32 v31, v8;
	v36 =	vmul.f32 v27, v7;
	[tilespmem:v30+s1+$0x0] =	vst.idx.msk $0xffff, v21  }
0x19f: {  	v23 =	vmul.f32 v23, v7;
	v32 =	vmul.f32 v29, v8;
	v21 =	vld [tilespmem:s26+$0xFFFFFF00]  }
0x1a0: {  	v33 =	vbroadcast v41, $0x7;
	v30 =	vbroadcast v20, $0x8  }
0x1a1: {  	v52 =	vor.u32 s28, v5;
	v31 =	vbroadcast v41, $0x8;
	v27 =	vbroadcast v15, $0x1  }
0x1a2: {  	v53 =	vor.u32 s22, v3;
	v22 =	vmul.f32 v22, v6;
	v28 =	vmul.f32 v28, v7  }
0x1a3: {  	v25 =	vmul.f32 v25, v8;
	v29 =	vmul.f32 v27, v9  }
0x1a4: {  	v34 =	vbroadcast v15, $0x7;
	v22 =	vadd.f32 v23, v22;
	v21 =	vmul.f32 v51, v21  }
0x1a5: {  	v23 =	vbroadcast v41, $0x9;
	v54 =	vadd.f32 v28, v24;
	v27 =	vbroadcast v20, $0x9  }
0x1a6: {  	v24 =	vbroadcast v20, $0xA;
	[tilespmem:v49+s1+$0x0] =	vst.idx.msk $0xffff, v21;
	v21 =	vadd.f32 v25, v22;
	v22 =	vbroadcast v41, $0xA  }
0x1a7: {  	v27 =	vmul.f32 v27, v8;
	v49 =	vbroadcast v20, $0xB;
	v25 =	vld [tilespmem:s26+$0xFFFFFF10]  }
0x1a8: {  	v21 =	vadd.f32 v21, v29;
	v29 =	vmul.f32 v23, v7;
	v23 =	vmul.f32 v24, v8  }
0x1a9: {  	v28 =	vbroadcast v15, $0x9;
	v24 =	vmul.f32 v22, v7  }
0x1aa: {  	v55 =	vor.u32 s22, v4;
	v56 =	vbroadcast v20, $0xC;
	v22 =	vbroadcast v15, $0xA  }
0x1ab: {  	v57 =	vbroadcast v14, $0x1;
	v49 =	vmul.f32 v49, v8  }
0x1ac: {  	v51 =	vmul.f32 v51, v25;
	v25 =	vmul.f32 v22, v9  }
0x1ad: {  	v46 =	vadd.f32 v47, v46;
	v47 =	vmul.f32 v56, v8;
	v56 =	vbroadcast v20, $0xD  }
0x1ae: {  	v22 =	vadd.f32 v49, v54;
	v49 =	vmul.f32 v50, v7;
	v50 =	vbroadcast v20, $0xE;
	[tilespmem:v52+s1+$0x0] =	vst.idx.msk $0xffff, v51  }
0x1af: {  	v51 =	vbroadcast v20, $0x2;
	[tilespmem:v53+s1+$0x0] =	vst.idx.msk $0xffff, v21;
	v21 =	vadd.f32 v47, v46;
	v46 =	vmul.f32 v56, v8  }
0x1b0: {  	v19 =	vadd.f32 v49, v19;
	v49 =	vmul.f32 v50, v8;
	v50 =	vbroadcast v20, $0xF;
	v47 =	vld [tilespmem:s26+$0xFFFFFF20]  }
0x1b1: {  	v52 =	vbroadcast v17, $0x2;
	v20 =	vadd.f32 v46, v48;
	v46 =	vbroadcast v41, $0xF  }
0x1b2: {  	v53 =	vbroadcast v15, $0x2;
	v50 =	vmul.f32 v50, v8;
	v48 =	vor.u32 s22, v5  }
0x1b3: {  	v54 =	vor.u32 s11, v3;
	v52 =	vmul.f32 v52, v6;
	v46 =	vmul.f32 v46, v7  }
0x1b4: {  	v18 =	vmul.f32 v18, v6;
	v19 =	vadd.f32 v49, v19;
	v53 =	vmul.f32 v53, v9  }
0x1b5: {  	v49 =	vmul.f32 v51, v8;
	v45 =	vadd.f32 v45, v52;
	v47 =	vmul.f32 v47, v57  }
0x1b6: {  	v18 =	vadd.f32 v46, v18  }
0x1b7: {  	v45 =	vadd.f32 v49, v45;
	[tilespmem:v55+s1+$0x0] =	vst.idx.msk $0xffff, v47  }
0x1b8: {  	v18 =	vadd.f32 v50, v18;
	v46 =	vld [tilespmem:s26+$0xFFFFFF30]  }
0x1b9: {  	v45 =	vadd.f32 v45, v53;
	_ =	sdelay $0x1  }
0x1ba: {  	v47 =	vor.u32 s11, v4  }
0x1bb: {  	v49 =	vbroadcast v14, $0x2  }
0x1bc: {  	v46 =	vmul.f32 v46, v57;
	_ =	sdelay $0x1  }
0x1bd: {  	[tilespmem:v48+s1+$0x0] =	vst.idx.msk $0xffff, v46  }
0x1be: {  	[tilespmem:v54+s1+$0x0] =	vst.idx.msk $0xffff, v45  }
0x1bf: {  	v45 =	vld [tilespmem:s26+$0xFFFFFF40]  }
0x1c0: {  	v41 =	vbroadcast v41, $0x3  }
0x1c1: {  	v46 =	vor.u32 s11, v5;
	v48 =	vbroadcast v15, $0x3  }
0x1c2: {  	v37 =	vmul.f32 v37, v6;
	v41 =	vmul.f32 v41, v7;
	v50 =	vor.u32 s8, v3  }
0x1c3: {  	v48 =	vmul.f32 v48, v9  }
0x1c4: {  	v37 =	vadd.f32 v41, v37;
	v41 =	vmul.f32 v44, v8;
	v45 =	vmul.f32 v45, v49;
	_ =	sdelay $0x1  }
0x1c5: {  	v37 =	vadd.f32 v41, v37;
	[tilespmem:v47+s1+$0x0] =	vst.idx.msk $0xffff, v45  }
0x1c6: {  	v41 =	vld [tilespmem:s26+$0xFFFFFF50]  }
0x1c7: {  	v37 =	vadd.f32 v37, v48;
	_ =	sdelay $0x1  }
0x1c8: {  	v44 =	vor.u32 s8, v4  }
0x1c9: {  	v45 =	vbroadcast v14, $0x3  }
0x1ca: {  	v41 =	vmul.f32 v41, v49;
	_ =	sdelay $0x1  }
0x1cb: {  	[tilespmem:v46+s1+$0x0] =	vst.idx.msk $0xffff, v41  }
0x1cc: {  	[tilespmem:v50+s1+$0x0] =	vst.idx.msk $0xffff, v37  }
0x1cd: {  	v37 =	vld [tilespmem:s26+$0xFFFFFF60]  }
0x1ce: {  	v41 =	vbroadcast v17, $0x4  }
0x1cf: {  	v47 =	vbroadcast v15, $0x4;
	v46 =	vor.u32 s8, v5  }
0x1d0: {  	v43 =	vmul.f32 v43, v7;
	v48 =	vor.u32 s13, v3;
	v41 =	vmul.f32 v41, v6  }
0x1d1: {  	v47 =	vmul.f32 v47, v9  }
0x1d2: {  	v41 =	vadd.f32 v43, v41;
	v37 =	vmul.f32 v37, v45;
	_ =	sdelay $0x1  }
0x1d3: {  	[tilespmem:v44+s1+$0x0] =	vst.idx.msk $0xffff, v37;
	v37 =	vadd.f32 v42, v41  }
0x1d4: {  	v41 =	vld [tilespmem:s26+$0xFFFFFF70]  }
0x1d5: {  	v37 =	vadd.f32 v37, v47;
	_ =	sdelay $0x1  }
0x1d6: {  	v42 =	vor.u32 s13, v4  }
0x1d7: {  	v43 =	vbroadcast v14, $0x4  }
0x1d8: {  	v41 =	vmul.f32 v41, v45;
	_ =	sdelay $0x1  }
0x1d9: {  	[tilespmem:v46+s1+$0x0] =	vst.idx.msk $0xffff, v41  }
0x1da: {  	[tilespmem:v48+s1+$0x0] =	vst.idx.msk $0xffff, v37  }
0x1db: {  	v37 =	vld [tilespmem:s26+$0xFFFFFF80]  }
0x1dc: {  	v41 =	vbroadcast v17, $0x5  }
0x1dd: {  	v44 =	vor.u32 s13, v5  }
0x1de: {  	v45 =	vor.u32 s7, v3;
	v41 =	vmul.f32 v41, v6  }
0x1df: {  	v39 =	vmul.f32 v39, v9  }
0x1e0: {  	v40 =	vadd.f32 v40, v41;
	v37 =	vmul.f32 v37, v43;
	_ =	sdelay $0x1  }
0x1e1: {  	[tilespmem:v42+s1+$0x0] =	vst.idx.msk $0xffff, v37;
	v37 =	vadd.f32 v38, v40  }
0x1e2: {  	v38 =	vld [tilespmem:s26+$0xFFFFFF90]  }
0x1e3: {  	v37 =	vadd.f32 v37, v39;
	_ =	sdelay $0x1  }
0x1e4: {  	v39 =	vor.u32 s7, v4  }
0x1e5: {  	v40 =	vbroadcast v14, $0x5  }
0x1e6: {  	v38 =	vmul.f32 v38, v43;
	_ =	sdelay $0x1  }
0x1e7: {  	[tilespmem:v44+s1+$0x0] =	vst.idx.msk $0xffff, v38  }
0x1e8: {  	[tilespmem:v45+s1+$0x0] =	vst.idx.msk $0xffff, v37  }
0x1e9: {  	v37 =	vld [tilespmem:s26+$0xFFFFFFA0];
	_ =	sdelay $0x1  }
0x1ea: {  	v41 =	vbroadcast v15, $0x6;
	v38 =	vor.u32 s7, v5  }
0x1eb: {  	v26 =	vmul.f32 v26, v6;
	v42 =	vor.u32 s5, v3  }
0x1ec: {  	v41 =	vmul.f32 v41, v9  }
0x1ed: {  	v26 =	vadd.f32 v36, v26;
	v37 =	vmul.f32 v37, v40;
	_ =	sdelay $0x1  }
0x1ee: {  	v26 =	vadd.f32 v35, v26;
	[tilespmem:v39+s1+$0x0] =	vst.idx.msk $0xffff, v37  }
0x1ef: {  	v35 =	vld [tilespmem:s26+$0xFFFFFFB0]  }
0x1f0: {  	v26 =	vadd.f32 v26, v41;
	_ =	sdelay $0x1  }
0x1f1: {  	v36 =	vor.u32 s5, v4  }
0x1f2: {  	v37 =	vbroadcast v14, $0x6  }
0x1f3: {  	v35 =	vmul.f32 v35, v40;
	_ =	sdelay $0x1  }
0x1f4: {  	[tilespmem:v38+s1+$0x0] =	vst.idx.msk $0xffff, v35  }
0x1f5: {  	[tilespmem:v42+s1+$0x0] =	vst.idx.msk $0xffff, v26  }
0x1f6: {  	v26 =	vld [tilespmem:s26+$0xFFFFFFC0]  }
0x1f7: {  	v35 =	vbroadcast v17, $0x7  }
0x1f8: {  	v33 =	vmul.f32 v33, v7;
	v38 =	vor.u32 s5, v5  }
0x1f9: {  	v39 =	vor.u32 s25, v3;
	v35 =	vmul.f32 v35, v6  }
0x1fa: {  	v34 =	vmul.f32 v34, v9  }
0x1fb: {  	v33 =	vadd.f32 v33, v35;
	v26 =	vmul.f32 v26, v37;
	_ =	sdelay $0x1  }
0x1fc: {  	[tilespmem:v36+s1+$0x0] =	vst.idx.msk $0xffff, v26;
	v26 =	vadd.f32 v32, v33  }
0x1fd: {  	v32 =	vld [tilespmem:s26+$0xFFFFFFD0]  }
0x1fe: {  	v26 =	vadd.f32 v26, v34;
	_ =	sdelay $0x1  }
0x1ff: {  	v33 =	vor.u32 s25, v4  }
0x200: {  	v34 =	vbroadcast v14, $0x7  }
0x201: {  	v32 =	vmul.f32 v32, v37;
	_ =	sdelay $0x1  }
0x202: {  	[tilespmem:v38+s1+$0x0] =	vst.idx.msk $0xffff, v32  }
0x203: {  	[tilespmem:v39+s1+$0x0] =	vst.idx.msk $0xffff, v26  }
0x204: {  	v32 =	vbroadcast v17, $0x8;
	v26 =	vld [tilespmem:s26+$0xFFFFFFE0];
	_ =	sdelay $0x1  }
0x205: {  	v31 =	vmul.f32 v31, v7;
	v35 =	vor.u32 s25, v5;
	v32 =	vmul.f32 v32, v6  }
0x206: {  	v30 =	vmul.f32 v30, v8;
	v36 =	vor.u32 s15, v3  }
0x207: {  	v31 =	vadd.f32 v31, v32;
	v32 =	vbroadcast v15, $0x8  }
0x208: {  	v26 =	vmul.f32 v26, v34  }
0x209: {  	v30 =	vadd.f32 v30, v31;
	v31 =	vmul.f32 v32, v9  }
0x20a: {  	[tilespmem:v33+s1+$0x0] =	vst.idx.msk $0xffff, v26  }
0x20b: {  	v30 =	vadd.f32 v30, v31;
	v26 =	vld [tilespmem:s26+$0xFFFFFFF0];
	_ =	sdelay $0x2  }
0x20c: {  	v31 =	vor.u32 s15, v4  }
0x20d: {  	v32 =	vbroadcast v14, $0x8  }
0x20e: {  	v26 =	vmul.f32 v26, v34;
	_ =	sdelay $0x1  }
0x20f: {  	[tilespmem:v35+s1+$0x0] =	vst.idx.msk $0xffff, v26  }
0x210: {  	[tilespmem:v36+s1+$0x0] =	vst.idx.msk $0xffff, v30  }
0x211: {  	v30 =	vbroadcast v17, $0x9;
	v26 =	vld [tilespmem:s26+$0x0];
	_ =	sdelay $0x1  }
0x212: {  	v33 =	vor.u32 s15, v5;
	v30 =	vmul.f32 v30, v6  }
0x213: {  	v34 =	vor.u32 s9, v3  }
0x214: {  	v29 =	vadd.f32 v29, v30  }
0x215: {  	v26 =	vmul.f32 v26, v32  }
0x216: {  	v28 =	vmul.f32 v28, v9;
	v27 =	vadd.f32 v27, v29  }
0x217: {  	[tilespmem:v31+s1+$0x0] =	vst.idx.msk $0xffff, v26  }
0x218: {  	v27 =	vadd.f32 v27, v28;
	v26 =	vld [tilespmem:s26+$0x10];
	_ =	sdelay $0x3  }
0x219: {  	v28 =	vbroadcast v14, $0x9  }
0x21a: {  	v29 =	vor.u32 s9, v4;
	v26 =	vmul.f32 v26, v32;
	_ =	sdelay $0x1  }
0x21b: {  	[tilespmem:v33+s1+$0x0] =	vst.idx.msk $0xffff, v26  }
0x21c: {  	[tilespmem:v34+s1+$0x0] =	vst.idx.msk $0xffff, v27  }
0x21d: {  	v26 =	vld [tilespmem:s26+$0x20]  }
0x21e: {  	v17 =	vbroadcast v17, $0xA;
	_ =	sdelay $0x1  }
0x21f: {  	v17 =	vmul.f32 v17, v6  }
0x220: {  	v27 =	vor.u32 s9, v5  }
0x221: {  	v17 =	vadd.f32 v24, v17;
	v24 =	vor.u32 s24, v3;
	v26 =	vmul.f32 v26, v28;
	_ =	sdelay $0x1  }
0x222: {  	v17 =	vadd.f32 v23, v17;
	[tilespmem:v29+s1+$0x0] =	vst.idx.msk $0xffff, v26  }
0x223: {  	v23 =	vld [tilespmem:s26+$0x30]  }
0x224: {  	v17 =	vadd.f32 v17, v25;
	_ =	sdelay $0x3  }
0x225: {  	v25 =	vor.u32 s24, v4;
	v23 =	vmul.f32 v23, v28  }
0x226: {  	v26 =	vbroadcast v14, $0xA  }
0x227: {  	[tilespmem:v27+s1+$0x0] =	vst.idx.msk $0xffff, v23  }
0x228: {  	[tilespmem:v24+s1+$0x0] =	vst.idx.msk $0xffff, v17  }
0x229: {  	v17 =	vld [tilespmem:s26+$0x40];
	_ =	sdelay $0x3  }
0x22a: {  	v23 =	vor.u32 s24, v5  }
0x22b: {  	v24 =	vor.u32 s16, v3;
	v17 =	vmul.f32 v17, v26;
	_ =	sdelay $0x1  }
0x22c: {  	[tilespmem:v25+s1+$0x0] =	vst.idx.msk $0xffff, v17  }
0x22d: {  	v17 =	vld [tilespmem:s26+$0x50];
	_ =	sdelay $0x1  }
0x22e: {  	v16 =	vmul.f32 v16, v9;
	_ =	sdelay $0x1  }
0x22f: {  	v16 =	vadd.f32 v22, v16  }
0x230: {  	v17 =	vmul.f32 v17, v26  }
0x231: {  	v22 =	vbroadcast v14, $0xB  }
0x232: {  	[tilespmem:v23+s1+$0x0] =	vst.idx.msk $0xffff, v17  }
0x233: {  	[tilespmem:v24+s1+$0x0] =	vst.idx.msk $0xffff, v16;
	v16 =	vor.u32 s16, v4  }
0x234: {  	v17 =	vld [tilespmem:s26+$0x60];
	_ =	sdelay $0x4  }
0x235: {  	v17 =	vmul.f32 v17, v22;
	_ =	sdelay $0x1  }
0x236: {  	[tilespmem:v16+s1+$0x0] =	vst.idx.msk $0xffff, v17;
	v16 =	vor.u32 s16, v5  }
0x237: {  	v15 =	vbroadcast v15, $0xC;
	v17 =	vld [tilespmem:s26+$0x70]  }
0x238: {  	v23 =	vor.u32 s14, v3  }
0x239: {  	v15 =	vmul.f32 v15, v9;
	_ =	sdelay $0x1  }
0x23a: {  	v15 =	vadd.f32 v21, v15  }
0x23b: {  	v17 =	vmul.f32 v17, v22;
	_ =	sdelay $0x1  }
0x23c: {  	[tilespmem:v16+s1+$0x0] =	vst.idx.msk $0xffff, v17  }
0x23d: {  	[tilespmem:v23+s1+$0x0] =	vst.idx.msk $0xffff, v15  }
0x23e: {  	v15 =	vor.u32 s14, v4;
	v16 =	vld [tilespmem:s26+$0x80]  }
0x23f: {  	v17 =	vbroadcast v14, $0xC;
	_ =	sdelay $0x3  }
0x240: {  	v16 =	vmul.f32 v16, v17;
	_ =	sdelay $0x1  }
0x241: {  	[tilespmem:v15+s1+$0x0] =	vst.idx.msk $0xffff, v16  }
0x242: {  	v15 =	vld [tilespmem:s26+$0x90]  }
0x243: {  	v16 =	vor.u32 s14, v5  }
0x244: {  	v21 =	vor.u32 s6, v3  }
0x245: {  	v13 =	vmul.f32 v13, v9;
	_ =	sdelay $0x1  }
0x246: {  	v13 =	vadd.f32 v20, v13;
	v15 =	vmul.f32 v15, v17;
	_ =	sdelay $0x1  }
0x247: {  	[tilespmem:v16+s1+$0x0] =	vst.idx.msk $0xffff, v15  }
0x248: {  	[tilespmem:v21+s1+$0x0] =	vst.idx.msk $0xffff, v13  }
0x249: {  	v13 =	vld [tilespmem:s26+$0xA0]  }
0x24a: {  	v15 =	vor.u32 s6, v4  }
0x24b: {  	v16 =	vbroadcast v14, $0xD;
	_ =	sdelay $0x2  }
0x24c: {  	v13 =	vmul.f32 v13, v16;
	_ =	sdelay $0x1  }
0x24d: {  	[tilespmem:v15+s1+$0x0] =	vst.idx.msk $0xffff, v13  }
0x24e: {  	v13 =	vld [tilespmem:s26+$0xB0]  }
0x24f: {  	v15 =	vor.u32 s6, v5  }
0x250: {  	v17 =	vor.u32 s2, v3;
	_ =	sdelay $0x1  }
0x251: {  	v12 =	vmul.f32 v12, v9  }
0x252: {  	v13 =	vmul.f32 v13, v16  }
0x253: {  	v12 =	vadd.f32 v19, v12  }
0x254: {  	[tilespmem:v15+s1+$0x0] =	vst.idx.msk $0xffff, v13  }
0x255: {  	[tilespmem:v17+s1+$0x0] =	vst.idx.msk $0xffff, v12  }
0x256: {  	v12 =	vld [tilespmem:s26+$0xC0]  }
0x257: {  	v13 =	vor.u32 s2, v4  }
0x258: {  	v15 =	vbroadcast v14, $0xE;
	_ =	sdelay $0x2  }
0x259: {  	v12 =	vmul.f32 v12, v15;
	_ =	sdelay $0x1  }
0x25a: {  	[tilespmem:v13+s1+$0x0] =	vst.idx.msk $0xffff, v12  }
0x25b: {  	v12 =	vld [tilespmem:s26+$0xD0];
	_ =	sdelay $0x1  }
0x25c: {  	v13 =	vor.u32 s2, v5  }
0x25d: {  	v16 =	vor.u32 s0, v3  }
0x25e: {  	v11 =	vmul.f32 v11, v9  }
0x25f: {  	v12 =	vmul.f32 v12, v15  }
0x260: {  	v11 =	vadd.f32 v18, v11  }
0x261: {  	[tilespmem:v13+s1+$0x0] =	vst.idx.msk $0xffff, v12  }
0x262: {  	[tilespmem:v16+s1+$0x0] =	vst.idx.msk $0xffff, v11  }
0x263: {  	v13 =	vld [tilespmem:s26+$0xE0];
	_ =	sdelay $0x1  }
.Ltmp0:
0x264: {  	v12 =	vor.u32 s0, v4;
	(pc) =	sbr.rel @p2 .LBB2_3-.Ltmp0, $3  }
0x265: {  	v11 =	vbroadcast v14, $0xF;
	_ =	sdelay $0x1  }
0x266: {  	v13 =	vmul.f32 v13, v11  }
0x267: {  	s3 =	sadd.s32 $0x10, s3;
	s26 =	sadd.s32 $0x200, s26  }
0x268: {  	_ =	sdelay $0x3  }
0x269: {  	[tilespmem:v12+s1+$0x0] =	vst.idx.msk $0xffff, v13  }
0x26a: {  	v10 =	vld [tilespmem:s20+$0xF0];
	_ =	sdelay $0x1  }
0x26b: {  	v12 =	vor.u32 s0, v5;
	s16 =	rddreg [dreg:$0x16]  }
0x26c: {  	s2 =	rddreg [dreg:$0x17];
	s0 =	smul.u32 $0x30000, s16  }
0x26d: {  	s2 =	sshll.u32 s2, $0x3  }
0x26e: {  	s0 =	sor.u32 s2, s0;
	v10 =	vmul.f32 v10, v11  }
0x26f: {  	s17 =	rddreg [dreg:$0x6];
	s0 =	sshrl.u32 s0, $0x3  }
0x270: {  	s3 =	simm.s32 $0x0;
	s5 =	rddreg [dreg:$0xd];
	s2 =	sadd.s32 s17, s0;
	[tilespmem:v12+s1+$0x0] =	vst.idx.msk $0xffff, v10  }
0x271: {  	[hbm4b:s2+s3] =	stream.linear.scatter [tilespmem:s1], [sflag:$0x4], $0x1000, $0x38;
	[tilespmem:$0x15840] =	vst v63  }
0x272: {  	s18 =	simm.s32 $0x9800;
	s0 =	sadd.s32 s0, s5  }
0x273: {  	[hbm4b:s0+s3] =	stream.linear.scatter [tilespmem:s18], [sflag:$0x4], $0x1000, $0x38;
	[tilespmem:$0x15840] =	vst v63  }
0x274: {  	s21 =	simm.s32 $0xA800;
	s20 =	sadd.s32 $0x2000, s2  }
0x275: {  	[hbm4b:s20+s3] =	stream.linear.scatter [tilespmem:s21], [sflag:$0x4], $0x1000, $0x38;
	[tilespmem:$0x15840] =	vst v63  }
0x276: {  	s23 =	simm.s32 $0xB800;
	s22 =	sadd.s32 $0x3000, s2  }
0x277: {  	[hbm4b:s22+s3] =	stream.linear.scatter [tilespmem:s23], [sflag:$0x4], $0x1000, $0x38;
	[tilespmem:$0x15840] =	vst v63  }
0x278: {  	s25 =	simm.s32 $0xC800;
	s24 =	sadd.s32 $0x4000, s2  }
0x279: {  	[hbm4b:s24+s3] =	stream.linear.scatter [tilespmem:s25], [sflag:$0x4], $0x1000, $0x38;
	[tilespmem:$0x15840] =	vst v63  }
0x27a: {  	s28 =	simm.s32 $0xD800;
	s26 =	sadd.s32 $0x5000, s2;
	s0 =	simm.s32 @!p0 $0x4  }
0x27b: {  	[hbm4b:s26+s3] =	stream.linear.scatter [tilespmem:s28], [sflag:$0x4], $0x1000, $0x38;
	[tilespmem:$0x15840] =	vst v63  }
0x27c: {  	_ =	swait.ge @!p0 [sflag:s0], $0x1000  }
0x27d: {  	[sflag:s0] =	ssyncset.done @!p0 $0x0  }
0x27e: {  	[sflag:s0] =	ssyncadd.s32 @!p0 $0xFFFFF000  }
0x27f: {  	_ =	swait.ge @!p0 [sflag:s0], $0x1000  }
0x280: {  	[sflag:s0] =	ssyncset.done @!p0 $0x0  }
0x281: {  	[sflag:s0] =	ssyncadd.s32 @!p0 $0xFFFFF000  }
0x282: {  	_ =	swait.ge @!p0 [sflag:s0], $0x1000  }
0x283: {  	[sflag:s0] =	ssyncset.done @!p0 $0x0  }
0x284: {  	[sflag:s0] =	ssyncadd.s32 @!p0 $0xFFFFF000  }
0x285: {  	_ =	swait.ge @!p0 [sflag:s0], $0x1000  }
0x286: {  	[sflag:s0] =	ssyncset.done @!p0 $0x0  }
0x287: {  	[sflag:s0] =	ssyncadd.s32 @!p0 $0xFFFFF000  }
0x288: {  	_ =	swait.ge @!p0 [sflag:s0], $0x1000  }
0x289: {  	[sflag:s0] =	ssyncset.done @!p0 $0x0  }
0x28a: {  	[sflag:s0] =	ssyncadd.s32 @!p0 $0xFFFFF000  }
0x28b: {  	_ =	swait.ge @!p0 [sflag:s0], $0x1000  }
0x28c: {  	[sflag:s0] =	ssyncset.done @!p0 $0x0  }
0x28d: {  	[sflag:s0] =	ssyncadd.s32 @!p0 $0xFFFFF000  }
0x28e: {  	_ =	swait.ge [sflag:s4], $0x1000  }
0x28f: {  	[sflag:s4] =	ssyncset.done $0x0  }
0x290: {  	[sflag:s4] =	ssyncadd.s32 $0xFFFFF000  }
0x291: {  	_ =	swait.ge [sflag:s4], $0x1000  }
0x292: {  	[sflag:s4] =	ssyncset.done $0x0  }
0x293: {  	[sflag:s4] =	ssyncadd.s32 $0xFFFFF000  }
0x294: {  	_ =	swait.ge [sflag:s4], $0x1000  }
0x295: {  	[sflag:s4] =	ssyncset.done $0x0  }
0x296: {  	[sflag:s4] =	ssyncadd.s32 $0xFFFFF000  }
0x297: {  	_ =	swait.ge [sflag:s4], $0x1000  }
0x298: {  	[sflag:s4] =	ssyncset.done $0x0  }
0x299: {  	s2 =	simm.s32 $0x3;
	[sflag:s4] =	ssyncadd.s32 $0xFFFFF000  }
0x29a: {  	_ =	swait.ge [sflag:s2], $0x200  }
0x29b: {  	[sflag:s2] =	ssyncset.done $0x0  }
0x29c: {  	s0 =	simm.s32 @!p1 $0x1;
	[sflag:s2] =	ssyncadd.s32 $0xFFFFFE00  }
0x29d: {  	_ =	swait.ge @!p1 [sflag:s0], $0x200  }
0x29e: {  	s3 =	simm.s32 @!p1 $0x800;
	[sflag:s0] =	ssyncset.done @!p1 $0x0  }
0x29f: {  	s2 =	simm.s32 @!p1 $0x0;
	[sflag:s0] =	ssyncadd.s32 @!p1 $0xFFFFFE00;
	s0 =	simm.s32 @!p1 $0x80  }
0x2a0: {  	[tilespmem:s3], [sflag:$0x2] =	stream.indirect.gather @!p1 [hbm4b:s10+s0], $0x20, s2, s0, $0xb8;
	[tilespmem:$0x15840] =	vst v63  }
0x2a1: {  	s3 =	simm.s32 @!p1 $0x1800  }
0x2a2: {  	[tilespmem:s3], [sflag:$0x2] =	stream.indirect.gather @!p1 [hbm4b:s10+s0], $0x20, s0, s0, $0xb8;
	[tilespmem:$0x15840] =	vst v63  }
0x2a3: {  	s5 =	simm.s32 @!p1 $0x2800;
	s3 =	simm.s32 @!p1 $0x100  }
0x2a4: {  	[tilespmem:s5], [sflag:$0x2] =	stream.indirect.gather @!p1 [hbm4b:s10+s0], $0x20, s3, s0, $0xb8;
	[tilespmem:$0x15840] =	vst v63  }
0x2a5: {  	s3 =	simm.s32 @!p1 $0x180;
	s5 =	simm.s32 @!p1 $0x3800  }
0x2a6: {  	[tilespmem:s5], [sflag:$0x2] =	stream.indirect.gather @!p1 [hbm4b:s10+s0], $0x20, s3, s0, $0xb8;
	[tilespmem:$0x15840] =	vst v63  }
0x2a7: {  	s0 =	rddreg [dreg:$0x0]  }
0x2a8: {  	s3 =	rddreg [dreg:$0x15]  }
0x2a9: {  	s0 =	sadd.s32 @!p1 s0, s3;
	s3 =	simm.s32 @!p1 $0x400  }
0x2aa: {  	[tilespmem:s3], [sflag:$0x3] =	stream.linear.gather @!p1 [hbm4b:s0+s2], $0x200, $0x38;
	[tilespmem:$0x15840] =	vst v63  }
0x2ab: {  	s0 =	rddreg [dreg:$0xe]  }
0x2ac: {  	s0 =	sadd.s32 @!p1 s12, s0  }
0x2ad: {  	s3 =	rddreg [dreg:$0x1];
	s0 =	sshrl.u32 @!p1 s0, $0x3  }
0x2ae: {  	s12 =	simm.s32 $0x600;
	s0 =	sadd.s32 @!p1 s3, s0;
	s3 =	simm.s32 @!p1 $0x200  }
0x2af: {  	[tilespmem:s3], [sflag:$0x1] =	stream.linear.gather @!p1 [hbm4b:s0+s2], $0x200, $0x38;
	[tilespmem:$0x15840] =	vst v63  }
0x2b0: {  	v10 =	vld [tilespmem:s12+$0x0];
	_ =	sdelay $0x4  }
0x2b1: {  	v11 =	vmul.f32 v10, v1;
	_ =	sdelay $0x1  }
0x2b2: {  	v11 =	vtrunc.f32 v11  }
0x2b3: {  	v11 =	vcvt.f32.s32 v11;
	_ =	sdelay $0x1  }
0x2b4: {  	v12 =	vcvt.s32.f32 v11;
	_ =	sdelay $0x1  }
0x2b5: {  	v11 =	vmul.f32 $-3.650000000e+02, v12;
	_ =	sdelay $0x1  }
0x2b6: {  	v14 =	vadd.f32 v11, v10;
	_ =	sdelay $0x1  }
0x2b7: {  	v10 =	vmul.f32 v14, v2  }
0x2b8: {  	v11 =	vld [tilespmem:s31+$0x0]  }
0x2b9: {  	v10 =	vtrunc.f32 v10  }
0x2ba: {  	s5 =	rddreg [dreg:$0x14];
	v13 =	vcvt.f32.s32 v10  }
0x2bb: {  	s11 =	sshrl.u32 s5, $0xC  }
0x2bc: {  	v10 =	vmov s11;
	v13 =	vcvt.s32.f32 v13  }
0x2bd: {  	vm0 =	vlt.s32 v10, v11  }
0x2be: {  	v11 =	vsel vm0, $0x3F800000, v0;
	v15 =	vmul.f32 $-3.000000000e+01, v13  }
0x2bf: {  	v12 =	vmul.f32 v12, v11  }
0x2c0: {  	v13 =	vmul.f32 v13, v11;
	v14 =	vadd.f32 v15, v14  }
0x2c1: {  	v15 =	vbroadcast v12, $0x0  }
0x2c2: {  	v16 =	vbroadcast v13, $0x0;
	v14 =	vmul.f32 v14, v11  }
0x2c3: {  	v15 =	vmul.f32 v15, v6  }
0x2c4: {  	s13 =	simm.s32 $0x0;
	v16 =	vmul.f32 v16, v7;
	v17 =	vbroadcast v14, $0x0  }
0x2c5: {  	s6 =	sand.u32 $0x70, s13;
	s3 =	sand.u32 $0xC00, s13  }
0x2c6: {  	s0 =	sor.u32 s6, s3;
	v18 =	vbroadcast v11, $0x0;
	v15 =	vadd.f32 v16, v15;
	v17 =	vmul.f32 v17, v8  }
0x2c7: {  	s7 =	simm.s32 $0x200;
	v62 =	vor.u32 s0, v3  }
0x2c8: {  	v19 =	vld [tilespmem:s7+$0x0];
	v18 =	vmul.f32 v18, v9;
	v15 =	vadd.f32 v17, v15;
	_ =	sdelay $0x1  }
0x2c9: {  	v15 =	vadd.f32 v15, v18;
	_ =	sdelay $0x1  }
0x2ca: {  	s17 =	simm.s32 $0x4900;
	[tilespmem:v62+s19+$0x0] =	vst.idx.msk $0xffff, v15  }
0x2cb: {  	vm1 =	vne.s32 v19, $0x0;
	v16 =	vld [tilespmem:s17+$0xFFFFFF00]  }
0x2cc: {  	vm0 =	vmand vm1, vm0  }
0x2cd: {  	v63 =	vor.u32 s0, v4;
	v15 =	vsel vm0, $0x3F800000, v0  }
0x2ce: {  	v24 =	vbroadcast v15, $0x0;
	_ =	sdelay $0x1  }
0x2cf: {  	v25 =	vbroadcast v12, $0x1;
	v16 =	vmul.f32 v24, v16  }
0x2d0: {  	v20 =	vbroadcast v13, $0x1  }
0x2d1: {  	v27 =	vmul.f32 v25, v6;
	[tilespmem:v63+s19+$0x0] =	vst.idx.msk $0xffff, v16  }
0x2d2: {  	v26 =	vmul.f32 v20, v7;
	v21 =	vbroadcast v14, $0x1;
	v28 =	vld [tilespmem:s17+$0xFFFFFF10]  }
0x2d3: {  	v29 =	vor.u32 s0, v5  }
0x2d4: {  	s8 =	sor.u32 $0x1, s0;
	v22 =	vbroadcast v11, $0x1;
	v21 =	vmul.f32 v21, v8;
	v16 =	vadd.f32 v26, v27  }
0x2d5: {  	v30 =	vor.u32 s8, v3  }
0x2d6: {  	v22 =	vmul.f32 v22, v9;
	v16 =	vadd.f32 v21, v16  }
0x2d7: {  	v18 =	vmul.f32 v24, v28  }
0x2d8: {  	v16 =	vadd.f32 v16, v22  }
0x2d9: {  	[tilespmem:v29+s19+$0x0] =	vst.idx.msk $0xffff, v18  }
0x2da: {  	[tilespmem:v30+s19+$0x0] =	vst.idx.msk $0xffff, v16  }
0x2db: {  	v16 =	vld [tilespmem:s17+$0xFFFFFF20];
	_ =	sdelay $0x1  }
0x2dc: {  	v31 =	vor.u32 s8, v4  }
0x2dd: {  	v32 =	vbroadcast v15, $0x1;
	_ =	sdelay $0x1  }
0x2de: {  	v34 =	vbroadcast v12, $0x2;
	v16 =	vmul.f32 v16, v32  }
0x2df: {  	v33 =	vbroadcast v13, $0x2  }
0x2e0: {  	v36 =	vmul.f32 v34, v6;
	[tilespmem:v31+s19+$0x0] =	vst.idx.msk $0xffff, v16  }
0x2e1: {  	v19 =	vmul.f32 v33, v7;
	v35 =	vbroadcast v14, $0x2;
	v37 =	vld [tilespmem:s17+$0xFFFFFF30]  }
0x2e2: {  	v38 =	vor.u32 s8, v5  }
0x2e3: {  	s9 =	sor.u32 $0x2, s0;
	v39 =	vbroadcast v11, $0x2;
	v17 =	vadd.f32 v19, v36;
	v16 =	vmul.f32 v35, v8  }
0x2e4: {  	v40 =	vor.u32 s9, v3  }
0x2e5: {  	v22 =	vmul.f32 v39, v9;
	v16 =	vadd.f32 v16, v17  }
0x2e6: {  	v41 =	vmul.f32 v37, v32  }
0x2e7: {  	v16 =	vadd.f32 v16, v22  }
0x2e8: {  	[tilespmem:v38+s19+$0x0] =	vst.idx.msk $0xffff, v41  }
0x2e9: {  	[tilespmem:v40+s19+$0x0] =	vst.idx.msk $0xffff, v16  }
0x2ea: {  	v16 =	vld [tilespmem:s17+$0xFFFFFF40];
	_ =	sdelay $0x1  }
0x2eb: {  	v42 =	vor.u32 s9, v4  }
0x2ec: {  	v43 =	vbroadcast v15, $0x2;
	_ =	sdelay $0x1  }
0x2ed: {  	v44 =	vbroadcast v12, $0x3;
	v16 =	vmul.f32 v16, v43  }
0x2ee: {  	v45 =	vbroadcast v13, $0x3  }
0x2ef: {  	v47 =	vmul.f32 v44, v6;
	[tilespmem:v42+s19+$0x0] =	vst.idx.msk $0xffff, v16  }
0x2f0: {  	v48 =	vmul.f32 v45, v7;
	v46 =	vbroadcast v14, $0x3;
	v49 =	vld [tilespmem:s17+$0xFFFFFF50]  }
0x2f1: {  	v50 =	vor.u32 s9, v5  }
0x2f2: {  	s14 =	sor.u32 $0x3, s0;
	v51 =	vbroadcast v11, $0x3;
	v52 =	vmul.f32 v46, v8;
	v16 =	vadd.f32 v48, v47  }
0x2f3: {  	v53 =	vor.u32 s14, v3  }
0x2f4: {  	v22 =	vmul.f32 v51, v9;
	v16 =	vadd.f32 v52, v16  }
0x2f5: {  	v54 =	vmul.f32 v49, v43  }
0x2f6: {  	v16 =	vadd.f32 v16, v22  }
0x2f7: {  	[tilespmem:v50+s19+$0x0] =	vst.idx.msk $0xffff, v54  }
0x2f8: {  	[tilespmem:v53+s19+$0x0] =	vst.idx.msk $0xffff, v16  }
0x2f9: {  	v16 =	vld [tilespmem:s17+$0xFFFFFF60];
	_ =	sdelay $0x1  }
0x2fa: {  	v55 =	vor.u32 s14, v4  }
0x2fb: {  	v56 =	vbroadcast v15, $0x3;
	_ =	sdelay $0x1  }
0x2fc: {  	v58 =	vbroadcast v12, $0x4;
	v16 =	vmul.f32 v16, v56  }
0x2fd: {  	v57 =	vbroadcast v13, $0x4  }
0x2fe: {  	v60 =	vmul.f32 v58, v6;
	[tilespmem:v55+s19+$0x0] =	vst.idx.msk $0xffff, v16  }
0x2ff: {  	v61 =	vmul.f32 v57, v7;
	v59 =	vbroadcast v14, $0x4;
	v62 =	vld [tilespmem:s17+$0xFFFFFF70]  }
0x300: {  	v25 =	vbroadcast v11, $0x4  }
0x301: {  	s15 =	sor.u32 $0x4, s0;
	v63 =	vmul.f32 v59, v8;
	v24 =	vor.u32 s14, v5;
	v16 =	vadd.f32 v61, v60  }
0x302: {  	v26 =	vor.u32 s15, v3  }
0x303: {  	v22 =	vmul.f32 v25, v9;
	v16 =	vadd.f32 v63, v16  }
0x304: {  	v18 =	vmul.f32 v62, v56  }
0x305: {  	v16 =	vadd.f32 v16, v22  }
0x306: {  	[tilespmem:v24+s19+$0x0] =	vst.idx.msk $0xffff, v18  }
0x307: {  	[tilespmem:v26+s19+$0x0] =	vst.idx.msk $0xffff, v16  }
0x308: {  	v16 =	vld [tilespmem:s17+$0xFFFFFF80];
	_ =	sdelay $0x1  }
0x309: {  	v27 =	vor.u32 s15, v4  }
0x30a: {  	v28 =	vbroadcast v15, $0x4;
	_ =	sdelay $0x1  }
0x30b: {  	v30 =	vbroadcast v12, $0x5;
	v16 =	vmul.f32 v16, v28  }
0x30c: {  	v29 =	vbroadcast v13, $0x5  }
0x30d: {  	v33 =	vmul.f32 v30, v6;
	[tilespmem:v27+s19+$0x0] =	vst.idx.msk $0xffff, v16  }
0x30e: {  	v31 =	vbroadcast v14, $0x5;
	v32 =	vmul.f32 v29, v7;
	v34 =	vld [tilespmem:s17+$0xFFFFFF90]  }
0x30f: {  	v36 =	vbroadcast v11, $0x5  }
0x310: {  	s16 =	sor.u32 $0x5, s0;
	v35 =	vmul.f32 v31, v8;
	v37 =	vor.u32 s15, v5;
	v16 =	vadd.f32 v32, v33  }
0x311: {  	v38 =	vor.u32 s16, v3  }
0x312: {  	v21 =	vmul.f32 v36, v9;
	v16 =	vadd.f32 v35, v16  }
0x313: {  	v18 =	vmul.f32 v34, v28  }
0x314: {  	v16 =	vadd.f32 v16, v21  }
0x315: {  	[tilespmem:v37+s19+$0x0] =	vst.idx.msk $0xffff, v18  }
0x316: {  	[tilespmem:v38+s19+$0x0] =	vst.idx.msk $0xffff, v16  }
0x317: {  	v16 =	vld [tilespmem:s17+$0xFFFFFFA0];
	_ =	sdelay $0x1  }
0x318: {  	v39 =	vor.u32 s16, v4  }
0x319: {  	v40 =	vbroadcast v15, $0x5;
	_ =	sdelay $0x1  }
0x31a: {  	v41 =	vbroadcast v12, $0x6;
	v16 =	vmul.f32 v16, v40  }
0x31b: {  	v42 =	vbroadcast v13, $0x6  }
0x31c: {  	v45 =	vmul.f32 v41, v6;
	[tilespmem:v39+s19+$0x0] =	vst.idx.msk $0xffff, v16  }
0x31d: {  	v44 =	vmul.f32 v42, v7;
	v43 =	vbroadcast v14, $0x6;
	v46 =	vld [tilespmem:s17+$0xFFFFFFB0]  }
0x31e: {  	v48 =	vor.u32 s16, v5  }
0x31f: {  	s18 =	sor.u32 $0x6, s0;
	v49 =	vbroadcast v11, $0x6;
	v47 =	vmul.f32 v43, v8;
	v16 =	vadd.f32 v44, v45  }
0x320: {  	v50 =	vor.u32 s18, v3  }
0x321: {  	v22 =	vmul.f32 v49, v9;
	v16 =	vadd.f32 v47, v16  }
0x322: {  	v18 =	vmul.f32 v46, v40  }
0x323: {  	v16 =	vadd.f32 v16, v22  }
0x324: {  	[tilespmem:v48+s19+$0x0] =	vst.idx.msk $0xffff, v18  }
0x325: {  	[tilespmem:v50+s19+$0x0] =	vst.idx.msk $0xffff, v16  }
0x326: {  	v16 =	vld [tilespmem:s17+$0xFFFFFFC0];
	_ =	sdelay $0x1  }
0x327: {  	v51 =	vor.u32 s18, v4  }
0x328: {  	v52 =	vbroadcast v15, $0x6;
	_ =	sdelay $0x1  }
0x329: {  	v54 =	vbroadcast v12, $0x7;
	v16 =	vmul.f32 v16, v52  }
0x32a: {  	v53 =	vbroadcast v13, $0x7  }
0x32b: {  	v57 =	vmul.f32 v54, v6;
	[tilespmem:v51+s19+$0x0] =	vst.idx.msk $0xffff, v16  }
0x32c: {  	v55 =	vbroadcast v14, $0x7;
	v56 =	vmul.f32 v53, v7;
	v58 =	vld [tilespmem:s17+$0xFFFFFFD0]  }
0x32d: {  	v60 =	vbroadcast v11, $0x7  }
0x32e: {  	s20 =	sor.u32 $0x7, s0;
	v61 =	vor.u32 s18, v5;
	v59 =	vmul.f32 v55, v8;
	v16 =	vadd.f32 v56, v57  }
0x32f: {  	v62 =	vor.u32 s20, v3  }
0x330: {  	v21 =	vmul.f32 v60, v9;
	v16 =	vadd.f32 v59, v16  }
0x331: {  	v18 =	vmul.f32 v58, v52  }
0x332: {  	v16 =	vadd.f32 v16, v21  }
0x333: {  	[tilespmem:v61+s19+$0x0] =	vst.idx.msk $0xffff, v18  }
0x334: {  	[tilespmem:v62+s19+$0x0] =	vst.idx.msk $0xffff, v16  }
0x335: {  	v16 =	vld [tilespmem:s17+$0xFFFFFFE0];
	_ =	sdelay $0x1  }
0x336: {  	v63 =	vor.u32 s20, v4  }
0x337: {  	v24 =	vbroadcast v15, $0x7;
	_ =	sdelay $0x1  }
0x338: {  	v25 =	vbroadcast v13, $0x8;
	v16 =	vmul.f32 v16, v24  }
0x339: {  	v26 =	vbroadcast v12, $0x8  }
0x33a: {  	v29 =	vmul.f32 v25, v7;
	[tilespmem:v63+s19+$0x0] =	vst.idx.msk $0xffff, v16  }
0x33b: {  	v27 =	vbroadcast v14, $0x8;
	v28 =	vmul.f32 v26, v6;
	v30 =	vld [tilespmem:s17+$0xFFFFFFF0]  }
0x33c: {  	v31 =	vor.u32 s20, v5  }
0x33d: {  	s21 =	sor.u32 $0x8, s0;
	v32 =	vbroadcast v11, $0x8;
	v21 =	vmul.f32 v27, v8;
	v16 =	vadd.f32 v29, v28  }
0x33e: {  	v33 =	vor.u32 s21, v3  }
0x33f: {  	v17 =	vmul.f32 v32, v9;
	v16 =	vadd.f32 v21, v16  }
0x340: {  	v18 =	vmul.f32 v30, v24  }
0x341: {  	v16 =	vadd.f32 v16, v17  }
0x342: {  	[tilespmem:v31+s19+$0x0] =	vst.idx.msk $0xffff, v18  }
0x343: {  	[tilespmem:v33+s19+$0x0] =	vst.idx.msk $0xffff, v16  }
0x344: {  	v16 =	vld [tilespmem:s17+$0x0];
	_ =	sdelay $0x1  }
0x345: {  	v34 =	vor.u32 s21, v4  }
0x346: {  	v35 =	vbroadcast v15, $0x8;
	_ =	sdelay $0x1  }
0x347: {  	v16 =	vmul.f32 v16, v35  }
0x348: {  	v36 =	vbroadcast v13, $0x9;
	v37 =	vbroadcast v12, $0x9  }
0x349: {  	v38 =	vbroadcast v14, $0x9;
	[tilespmem:v34+s19+$0x0] =	vst.idx.msk $0xffff, v16  }
0x34a: {  	v39 =	vmul.f32 v36, v7;
	v40 =	vmul.f32 v37, v6;
	v41 =	vld [tilespmem:s17+$0x10]  }
0x34b: {  	v43 =	vbroadcast v11, $0x9  }
0x34c: {  	s22 =	sor.u32 $0x9, s0;
	v42 =	vmul.f32 v38, v8;
	v44 =	vor.u32 s21, v5;
	v16 =	vadd.f32 v39, v40  }
0x34d: {  	v45 =	vor.u32 s22, v3  }
0x34e: {  	v46 =	vmul.f32 v43, v9;
	v16 =	vadd.f32 v42, v16  }
0x34f: {  	v18 =	vmul.f32 v41, v35  }
0x350: {  	v16 =	vadd.f32 v16, v46  }
0x351: {  	[tilespmem:v44+s19+$0x0] =	vst.idx.msk $0xffff, v18  }
0x352: {  	[tilespmem:v45+s19+$0x0] =	vst.idx.msk $0xffff, v16  }
0x353: {  	v16 =	vld [tilespmem:s17+$0x20];
	_ =	sdelay $0x1  }
0x354: {  	v47 =	vor.u32 s22, v4  }
0x355: {  	v48 =	vbroadcast v15, $0x9;
	_ =	sdelay $0x1  }
0x356: {  	v50 =	vbroadcast v12, $0xA;
	v16 =	vmul.f32 v16, v48  }
0x357: {  	v49 =	vbroadcast v13, $0xA  }
0x358: {  	v53 =	vmul.f32 v50, v6;
	[tilespmem:v47+s19+$0x0] =	vst.idx.msk $0xffff, v16  }
0x359: {  	v51 =	vbroadcast v14, $0xA;
	v52 =	vmul.f32 v49, v7;
	v54 =	vld [tilespmem:s17+$0x30]  }
0x35a: {  	v56 =	vbroadcast v11, $0xA  }
0x35b: {  	s23 =	sor.u32 $0xA, s0;
	v57 =	vor.u32 s22, v5;
	v55 =	vmul.f32 v51, v8;
	v16 =	vadd.f32 v52, v53  }
0x35c: {  	v58 =	vor.u32 s23, v3  }
0x35d: {  	v21 =	vmul.f32 v56, v9;
	v16 =	vadd.f32 v55, v16  }
0x35e: {  	v18 =	vmul.f32 v54, v48  }
0x35f: {  	v16 =	vadd.f32 v16, v21  }
0x360: {  	[tilespmem:v57+s19+$0x0] =	vst.idx.msk $0xffff, v18  }
0x361: {  	[tilespmem:v58+s19+$0x0] =	vst.idx.msk $0xffff, v16  }
0x362: {  	v16 =	vld [tilespmem:s17+$0x40];
	_ =	sdelay $0x1  }
0x363: {  	v59 =	vor.u32 s23, v4  }
0x364: {  	v60 =	vbroadcast v15, $0xA;
	_ =	sdelay $0x1  }
0x365: {  	v61 =	vbroadcast v12, $0xB;
	v16 =	vmul.f32 v16, v60  }
0x366: {  	v62 =	vbroadcast v13, $0xB  }
0x367: {  	v19 =	vmul.f32 v61, v6;
	[tilespmem:v59+s19+$0x0] =	vst.idx.msk $0xffff, v16  }
0x368: {  	v63 =	vmul.f32 v62, v7;
	v24 =	vbroadcast v14, $0xB;
	v25 =	vld [tilespmem:s17+$0x50]  }
0x369: {  	v26 =	vbroadcast v11, $0xB  }
0x36a: {  	s24 =	sor.u32 $0xB, s0;
	v27 =	vor.u32 s23, v5;
	v17 =	vmul.f32 v24, v8;
	v16 =	vadd.f32 v63, v19  }
0x36b: {  	v28 =	vor.u32 s24, v3  }
0x36c: {  	v29 =	vmul.f32 v26, v9;
	v16 =	vadd.f32 v17, v16  }
0x36d: {  	v18 =	vmul.f32 v25, v60  }
0x36e: {  	v16 =	vadd.f32 v16, v29  }
0x36f: {  	[tilespmem:v27+s19+$0x0] =	vst.idx.msk $0xffff, v18  }
0x370: {  	[tilespmem:v28+s19+$0x0] =	vst.idx.msk $0xffff, v16  }
0x371: {  	v16 =	vld [tilespmem:s17+$0x60];
	_ =	sdelay $0x1  }
0x372: {  	v30 =	vor.u32 s24, v4  }
0x373: {  	v31 =	vbroadcast v15, $0xB;
	_ =	sdelay $0x1  }
0x374: {  	v33 =	vbroadcast v13, $0xC;
	v16 =	vmul.f32 v16, v31  }
0x375: {  	v32 =	vbroadcast v12, $0xC  }
0x376: {  	v20 =	vmul.f32 v33, v7;
	[tilespmem:v30+s19+$0x0] =	vst.idx.msk $0xffff, v16  }
0x377: {  	v34 =	vbroadcast v14, $0xC;
	v19 =	vmul.f32 v32, v6;
	v17 =	vld [tilespmem:s17+$0x70]  }
0x378: {  	v36 =	vbroadcast v11, $0xC  }
0x379: {  	s25 =	sor.u32 $0xC, s0;
	v35 =	vor.u32 s24, v5;
	v19 =	vadd.f32 v20, v19;
	v16 =	vmul.f32 v34, v8  }
0x37a: {  	v37 =	vor.u32 s25, v3  }
0x37b: {  	v38 =	vmul.f32 v36, v9;
	v16 =	vadd.f32 v16, v19  }
0x37c: {  	v17 =	vmul.f32 v17, v31  }
0x37d: {  	v16 =	vadd.f32 v16, v38  }
0x37e: {  	[tilespmem:v35+s19+$0x0] =	vst.idx.msk $0xffff, v17  }
0x37f: {  	[tilespmem:v37+s19+$0x0] =	vst.idx.msk $0xffff, v16  }
0x380: {  	v16 =	vld [tilespmem:s17+$0x80];
	_ =	sdelay $0x1  }
0x381: {  	v39 =	vor.u32 s25, v4  }
0x382: {  	v40 =	vbroadcast v15, $0xC;
	_ =	sdelay $0x1  }
0x383: {  	v42 =	vbroadcast v13, $0xD;
	v16 =	vmul.f32 v16, v40  }
0x384: {  	v41 =	vbroadcast v12, $0xD  }
0x385: {  	v43 =	vmul.f32 v42, v7;
	[tilespmem:v39+s19+$0x0] =	vst.idx.msk $0xffff, v16  }
0x386: {  	v44 =	vbroadcast v14, $0xD;
	v19 =	vmul.f32 v41, v6;
	v45 =	vld [tilespmem:s17+$0x90]  }
0x387: {  	v46 =	vbroadcast v11, $0xD  }
0x388: {  	s26 =	sor.u32 $0xD, s0;
	v47 =	vor.u32 s25, v5;
	v17 =	vmul.f32 v44, v8;
	v16 =	vadd.f32 v43, v19  }
0x389: {  	v48 =	vor.u32 s26, v3  }
0x38a: {  	v49 =	vmul.f32 v46, v9;
	v16 =	vadd.f32 v17, v16  }
0x38b: {  	v18 =	vmul.f32 v45, v40  }
0x38c: {  	v16 =	vadd.f32 v16, v49  }
0x38d: {  	[tilespmem:v47+s19+$0x0] =	vst.idx.msk $0xffff, v18  }
0x38e: {  	[tilespmem:v48+s19+$0x0] =	vst.idx.msk $0xffff, v16  }
0x38f: {  	v16 =	vld [tilespmem:s17+$0xA0];
	_ =	sdelay $0x1  }
0x390: {  	v50 =	vor.u32 s26, v4  }
0x391: {  	v51 =	vbroadcast v15, $0xD;
	_ =	sdelay $0x1  }
0x392: {  	v16 =	vmul.f32 v16, v51  }
0x393: {  	v52 =	vbroadcast v12, $0xE;
	v53 =	vbroadcast v13, $0xE  }
0x394: {  	v55 =	vbroadcast v14, $0xE;
	[tilespmem:v50+s19+$0x0] =	vst.idx.msk $0xffff, v16  }
0x395: {  	v54 =	vmul.f32 v53, v7;
	v19 =	vmul.f32 v52, v6;
	v56 =	vld [tilespmem:s17+$0xB0]  }
0x396: {  	v57 =	vbroadcast v11, $0xE  }
0x397: {  	s28 =	sor.u32 $0xE, s0;
	v58 =	vor.u32 s26, v5;
	v17 =	vmul.f32 v55, v8;
	v16 =	vadd.f32 v54, v19  }
0x398: {  	v59 =	vor.u32 s28, v3  }
0x399: {  	v60 =	vmul.f32 v57, v9;
	v16 =	vadd.f32 v17, v16  }
0x39a: {  	v18 =	vmul.f32 v56, v51  }
0x39b: {  	v16 =	vadd.f32 v16, v60  }
0x39c: {  	[tilespmem:v58+s19+$0x0] =	vst.idx.msk $0xffff, v18  }
0x39d: {  	[tilespmem:v59+s19+$0x0] =	vst.idx.msk $0xffff, v16  }
0x39e: {  	v16 =	vld [tilespmem:s17+$0xC0];
	_ =	sdelay $0x1  }
0x39f: {  	v61 =	vor.u32 s28, v4  }
0x3a0: {  	v62 =	vbroadcast v15, $0xE;
	_ =	sdelay $0x1  }
0x3a1: {  	v16 =	vmul.f32 v16, v62  }
0x3a2: {  	v12 =	vbroadcast v12, $0xF;
	v13 =	vbroadcast v13, $0xF  }
0x3a3: {  	v14 =	vbroadcast v14, $0xF;
	[tilespmem:v61+s19+$0x0] =	vst.idx.msk $0xffff, v16  }
0x3a4: {  	v13 =	vmul.f32 v13, v7;
	v12 =	vmul.f32 v12, v6;
	v16 =	vld [tilespmem:s17+$0xD0]  }
0x3a5: {  	v14 =	vmul.f32 v14, v8  }
0x3a6: {  	s0 =	sor.u32 $0xF, s0;
	v12 =	vadd.f32 v13, v12;
	v13 =	vor.u32 s28, v5;
	v11 =	vbroadcast v11, $0xF  }
0x3a7: {  	v63 =	vor.u32 s0, v3  }
0x3a8: {  	v12 =	vadd.f32 v14, v12;
	v11 =	vmul.f32 v11, v9  }
0x3a9: {  	v14 =	vmul.f32 v16, v62  }
0x3aa: {  	v11 =	vadd.f32 v12, v11  }
0x3ab: {  	[tilespmem:v13+s19+$0x0] =	vst.idx.msk $0xffff, v14  }
0x3ac: {  	[tilespmem:v63+s19+$0x0] =	vst.idx.msk $0xffff, v11  }
0x3ad: {  	v13 =	vld [tilespmem:s17+$0xE0];
	_ =	sdelay $0x1  }
0x3ae: {  	v12 =	vor.u32 s0, v4  }
0x3af: {  	v11 =	vbroadcast v15, $0xF;
	_ =	sdelay $0x1  }
0x3b0: {  	s7 =	sand.u32 $0xE00, s5;
	v13 =	vmul.f32 v13, v11  }
0x3b1: {  	s3 =	simm.s32 $0x210;
	s18 =	simm.s32 $0x80;
	s20 =	simm.s32 $0x4B00  }
.LBB2_5:
0x3b2: {  	[tilespmem:v12+s19+$0x0] =	vst.idx.msk $0xffff, v13;
	s13 =	sadd.s32 $0x10, s13;
	s31 =	sadd.s32 $0x10, s31;
	s12 =	sadd.s32 $0x10, s12  }
0x3b3: {  	p0 =	sne.s32 s18, $0xF80;
	s2 =	smov.u32 s18;
	s18 =	sadd.s32 $0x80, s18;
	v12 =	vld [tilespmem:s17+$0xF0]  }
0x3b4: {  	s17 =	smov.u32 s20  }
0x3b5: {  	v13 =	vor.u32 s0, v5;
	_ =	sdelay $0x2  }
0x3b6: {  	v11 =	vmul.f32 v12, v11;
	_ =	sdelay $0x1  }
0x3b7: {  	[tilespmem:v13+s19+$0x0] =	vst.idx.msk $0xffff, v11  }
0x3b8: {  	v14 =	vld [tilespmem:s12+$0x0]  }
0x3b9: {  	v11 =	vld [tilespmem:s31+$0x0];
	_ =	sdelay $0x3  }
0x3ba: {  	v12 =	vmul.f32 v14, v1  }
0x3bb: {  	vm0 =	vlt.s32 v10, v11  }
0x3bc: {  	v15 =	vsel vm0, $0x3F800000, v0;
	v11 =	vtrunc.f32 v12  }
0x3bd: {  	v11 =	vcvt.f32.s32 v11;
	v16 =	vbroadcast v15, $0xB  }
0x3be: {  	v21 =	vbroadcast v15, $0x0;
	v12 =	vbroadcast v15, $0xE  }
0x3bf: {  	v13 =	vbroadcast v15, $0xD;
	v17 =	vcvt.s32.f32 v11  }
0x3c0: {  	v11 =	vbroadcast v15, $0xF  }
0x3c1: {  	v18 =	vmul.f32 $-3.650000000e+02, v17;
	v17 =	vmul.f32 v17, v15;
	_ =	sdelay $0x1  }
0x3c2: {  	v14 =	vadd.f32 v18, v14;
	v37 =	vbroadcast v17, $0x3;
	v20 =	vbroadcast v17, $0xC  }
0x3c3: {  	v22 =	vbroadcast v17, $0x1;
	v19 =	vbroadcast v17, $0xE  }
0x3c4: {  	v26 =	vbroadcast v17, $0x6;
	v23 =	vmul.f32 v14, v2  }
0x3c5: {  	v24 =	vbroadcast v17, $0xB;
	v18 =	vbroadcast v17, $0xF  }
0x3c6: {  	v25 =	vbroadcast v17, $0xD;
	v23 =	vtrunc.f32 v23  }
0x3c7: {  	v24 =	vmul.f32 v24, v6;
	v23 =	vcvt.f32.s32 v23  }
0x3c8: {  	v25 =	vmul.f32 v25, v6  }
0x3c9: {  	v27 =	vbroadcast v17, $0x0;
	v23 =	vcvt.s32.f32 v23;
	_ =	sdelay $0x1  }
0x3ca: {  	v27 =	vmul.f32 v27, v6;
	v41 =	vmul.f32 v23, v15  }
0x3cb: {  	v19 =	vmul.f32 v19, v6;
	v23 =	vmul.f32 $-3.000000000e+01, v23  }
0x3cc: {  	v28 =	vbroadcast v41, $0x2;
	v29 =	vbroadcast v41, $0xD  }
0x3cd: {  	s0 =	sand.u32 $0xC00, s2;
	s2 =	sand.u32 $0x70, s13;
	v46 =	vmul.f32 v20, v6;
	v14 =	vadd.f32 v23, v14;
	v23 =	vbroadcast v41, $0xC  }
0x3ce: {  	s28 =	sor.u32 s2, s0;
	v45 =	vmul.f32 v28, v7;
	v28 =	vbroadcast v41, $0xB  }
0x3cf: {  	v30 =	vor.u32 s28, v3;
	s26 =	sor.u32 $0x1, s28;
	s25 =	sor.u32 $0x2, s28;
	s8 =	sor.u32 $0x3, s28;
	v20 =	vmul.f32 v14, v15;
	v14 =	vbroadcast v41, $0x0  }
0x3d0: {  	s24 =	sor.u32 $0x4, s28;
	s23 =	sor.u32 $0x5, s28;
	s5 =	sor.u32 $0x6, s28;
	v21 =	vmul.f32 v21, v9;
	v29 =	vmul.f32 v29, v7;
	v31 =	vld [tilespmem:s3+$0x0]  }
0x3d1: {  	s22 =	sor.u32 $0x7, s28;
	s15 =	sor.u32 $0x8, s28;
	s9 =	sor.u32 $0x9, s28;
	v47 =	vmul.f32 v23, v7;
	v32 =	vbroadcast v20, $0x0  }
0x3d2: {  	s21 =	sor.u32 $0xA, s28;
	s16 =	sor.u32 $0xB, s28;
	s14 =	sor.u32 $0xC, s28;
	v23 =	vbroadcast v41, $0x1;
	v33 =	vbroadcast v20, $0x4;
	v48 =	vadd.f32 v29, v25  }
0x3d3: {  	s6 =	sor.u32 $0xD, s28;
	s2 =	sor.u32 $0xE, s28;
	s0 =	sor.u32 $0xF, s28;
	v14 =	vmul.f32 v14, v7;
	v44 =	vbroadcast v20, $0x3  }
0x3d4: {  	v25 =	vbroadcast v20, $0x1;
	v29 =	vbroadcast v20, $0x5  }
0x3d5: {  	v43 =	vbroadcast v41, $0x4;
	vm1 =	vne.s32 v31, $0x0;
	v31 =	vmul.f32 v32, v8  }
0x3d6: {  	v27 =	vadd.f32 v14, v27;
	v42 =	vmul.f32 v33, v8;
	vm0 =	vmand vm1, vm0  }
0x3d7: {  	v49 =	vor.u32 s28, v4;
	v50 =	vbroadcast v41, $0xE;
	v14 =	vsel vm0, $0x3F800000, v0  }
0x3d8: {  	v38 =	vmul.f32 v29, v8;
	v27 =	vadd.f32 v31, v27;
	v51 =	vbroadcast v14, $0x0  }
0x3d9: {  	v39 =	vbroadcast v15, $0x5;
	v29 =	vbroadcast v41, $0x5  }
0x3da: {  	v31 =	vbroadcast v20, $0x6;
	v21 =	vadd.f32 v27, v21;
	v27 =	vbroadcast v41, $0x6  }
0x3db: {  	v40 =	vmul.f32 v29, v7;
	v29 =	vbroadcast v20, $0x7  }
0x3dc: {  	v35 =	vmul.f32 v31, v8;
	v36 =	vmul.f32 v27, v7;
	[tilespmem:v30+s19+$0x0] =	vst.idx.msk $0xffff, v21  }
0x3dd: {  	v23 =	vmul.f32 v23, v7;
	v32 =	vmul.f32 v29, v8;
	v21 =	vld [tilespmem:s20+$0xFFFFFF00]  }
0x3de: {  	v33 =	vbroadcast v41, $0x7;
	v30 =	vbroadcast v20, $0x8  }
0x3df: {  	v52 =	vor.u32 s28, v5;
	v31 =	vbroadcast v41, $0x8;
	v27 =	vbroadcast v15, $0x1  }
0x3e0: {  	v53 =	vor.u32 s26, v3;
	v22 =	vmul.f32 v22, v6;
	v28 =	vmul.f32 v28, v7  }
0x3e1: {  	v25 =	vmul.f32 v25, v8;
	v29 =	vmul.f32 v27, v9  }
0x3e2: {  	v34 =	vbroadcast v15, $0x7;
	v22 =	vadd.f32 v23, v22;
	v21 =	vmul.f32 v51, v21  }
0x3e3: {  	v23 =	vbroadcast v41, $0x9;
	v54 =	vadd.f32 v28, v24;
	v27 =	vbroadcast v20, $0x9  }
0x3e4: {  	v24 =	vbroadcast v20, $0xA;
	[tilespmem:v49+s19+$0x0] =	vst.idx.msk $0xffff, v21;
	v21 =	vadd.f32 v25, v22;
	v22 =	vbroadcast v41, $0xA  }
0x3e5: {  	v27 =	vmul.f32 v27, v8;
	v49 =	vbroadcast v20, $0xB;
	v25 =	vld [tilespmem:s20+$0xFFFFFF10]  }
0x3e6: {  	v21 =	vadd.f32 v21, v29;
	v29 =	vmul.f32 v23, v7;
	v23 =	vmul.f32 v24, v8  }
0x3e7: {  	v28 =	vbroadcast v15, $0x9;
	v24 =	vmul.f32 v22, v7  }
0x3e8: {  	v55 =	vor.u32 s26, v4;
	v56 =	vbroadcast v20, $0xC;
	v22 =	vbroadcast v15, $0xA  }
0x3e9: {  	v57 =	vbroadcast v14, $0x1;
	v49 =	vmul.f32 v49, v8  }
0x3ea: {  	v51 =	vmul.f32 v51, v25;
	v25 =	vmul.f32 v22, v9  }
0x3eb: {  	v46 =	vadd.f32 v47, v46;
	v47 =	vmul.f32 v56, v8;
	v56 =	vbroadcast v20, $0xD  }
0x3ec: {  	v22 =	vadd.f32 v49, v54;
	v49 =	vmul.f32 v50, v7;
	v50 =	vbroadcast v20, $0xE;
	[tilespmem:v52+s19+$0x0] =	vst.idx.msk $0xffff, v51  }
0x3ed: {  	v51 =	vbroadcast v20, $0x2;
	[tilespmem:v53+s19+$0x0] =	vst.idx.msk $0xffff, v21;
	v21 =	vadd.f32 v47, v46;
	v46 =	vmul.f32 v56, v8  }
0x3ee: {  	v19 =	vadd.f32 v49, v19;
	v49 =	vmul.f32 v50, v8;
	v50 =	vbroadcast v20, $0xF;
	v47 =	vld [tilespmem:s20+$0xFFFFFF20]  }
0x3ef: {  	v52 =	vbroadcast v17, $0x2;
	v20 =	vadd.f32 v46, v48;
	v46 =	vbroadcast v41, $0xF  }
0x3f0: {  	v53 =	vbroadcast v15, $0x2;
	v50 =	vmul.f32 v50, v8;
	v48 =	vor.u32 s26, v5  }
0x3f1: {  	v54 =	vor.u32 s25, v3;
	v52 =	vmul.f32 v52, v6;
	v46 =	vmul.f32 v46, v7  }
0x3f2: {  	v18 =	vmul.f32 v18, v6;
	v19 =	vadd.f32 v49, v19;
	v53 =	vmul.f32 v53, v9  }
0x3f3: {  	v49 =	vmul.f32 v51, v8;
	v45 =	vadd.f32 v45, v52;
	v47 =	vmul.f32 v47, v57  }
0x3f4: {  	v18 =	vadd.f32 v46, v18  }
0x3f5: {  	v45 =	vadd.f32 v49, v45;
	[tilespmem:v55+s19+$0x0] =	vst.idx.msk $0xffff, v47  }
0x3f6: {  	v18 =	vadd.f32 v50, v18;
	v46 =	vld [tilespmem:s20+$0xFFFFFF30]  }
0x3f7: {  	v45 =	vadd.f32 v45, v53;
	_ =	sdelay $0x1  }
0x3f8: {  	v47 =	vor.u32 s25, v4  }
0x3f9: {  	v49 =	vbroadcast v14, $0x2  }
0x3fa: {  	v46 =	vmul.f32 v46, v57;
	_ =	sdelay $0x1  }
0x3fb: {  	[tilespmem:v48+s19+$0x0] =	vst.idx.msk $0xffff, v46  }
0x3fc: {  	[tilespmem:v54+s19+$0x0] =	vst.idx.msk $0xffff, v45  }
0x3fd: {  	v45 =	vld [tilespmem:s20+$0xFFFFFF40]  }
0x3fe: {  	v41 =	vbroadcast v41, $0x3  }
0x3ff: {  	v46 =	vor.u32 s25, v5;
	v48 =	vbroadcast v15, $0x3  }
0x400: {  	v37 =	vmul.f32 v37, v6;
	v41 =	vmul.f32 v41, v7;
	v50 =	vor.u32 s8, v3  }
0x401: {  	v48 =	vmul.f32 v48, v9  }
0x402: {  	v37 =	vadd.f32 v41, v37;
	v41 =	vmul.f32 v44, v8;
	v45 =	vmul.f32 v45, v49;
	_ =	sdelay $0x1  }
0x403: {  	v37 =	vadd.f32 v41, v37;
	[tilespmem:v47+s19+$0x0] =	vst.idx.msk $0xffff, v45  }
0x404: {  	v41 =	vld [tilespmem:s20+$0xFFFFFF50]  }
0x405: {  	v37 =	vadd.f32 v37, v48;
	_ =	sdelay $0x1  }
0x406: {  	v44 =	vor.u32 s8, v4  }
0x407: {  	v45 =	vbroadcast v14, $0x3  }
0x408: {  	v41 =	vmul.f32 v41, v49;
	_ =	sdelay $0x1  }
0x409: {  	[tilespmem:v46+s19+$0x0] =	vst.idx.msk $0xffff, v41  }
0x40a: {  	[tilespmem:v50+s19+$0x0] =	vst.idx.msk $0xffff, v37  }
0x40b: {  	v37 =	vld [tilespmem:s20+$0xFFFFFF60]  }
0x40c: {  	v41 =	vbroadcast v17, $0x4  }
0x40d: {  	v47 =	vbroadcast v15, $0x4;
	v46 =	vor.u32 s8, v5  }
0x40e: {  	v43 =	vmul.f32 v43, v7;
	v48 =	vor.u32 s24, v3;
	v41 =	vmul.f32 v41, v6  }
0x40f: {  	v47 =	vmul.f32 v47, v9  }
0x410: {  	v41 =	vadd.f32 v43, v41;
	v37 =	vmul.f32 v37, v45;
	_ =	sdelay $0x1  }
0x411: {  	[tilespmem:v44+s19+$0x0] =	vst.idx.msk $0xffff, v37;
	v37 =	vadd.f32 v42, v41  }
0x412: {  	v41 =	vld [tilespmem:s20+$0xFFFFFF70]  }
0x413: {  	v37 =	vadd.f32 v37, v47;
	_ =	sdelay $0x1  }
0x414: {  	v42 =	vor.u32 s24, v4  }
0x415: {  	v43 =	vbroadcast v14, $0x4  }
0x416: {  	v41 =	vmul.f32 v41, v45;
	_ =	sdelay $0x1  }
0x417: {  	[tilespmem:v46+s19+$0x0] =	vst.idx.msk $0xffff, v41  }
0x418: {  	[tilespmem:v48+s19+$0x0] =	vst.idx.msk $0xffff, v37  }
0x419: {  	v37 =	vld [tilespmem:s20+$0xFFFFFF80]  }
0x41a: {  	v41 =	vbroadcast v17, $0x5  }
0x41b: {  	v44 =	vor.u32 s24, v5  }
0x41c: {  	v45 =	vor.u32 s23, v3;
	v41 =	vmul.f32 v41, v6  }
0x41d: {  	v39 =	vmul.f32 v39, v9  }
0x41e: {  	v40 =	vadd.f32 v40, v41;
	v37 =	vmul.f32 v37, v43;
	_ =	sdelay $0x1  }
0x41f: {  	[tilespmem:v42+s19+$0x0] =	vst.idx.msk $0xffff, v37;
	v37 =	vadd.f32 v38, v40  }
0x420: {  	v38 =	vld [tilespmem:s20+$0xFFFFFF90]  }
0x421: {  	v37 =	vadd.f32 v37, v39;
	_ =	sdelay $0x1  }
0x422: {  	v39 =	vor.u32 s23, v4  }
0x423: {  	v40 =	vbroadcast v14, $0x5  }
0x424: {  	v38 =	vmul.f32 v38, v43;
	_ =	sdelay $0x1  }
0x425: {  	[tilespmem:v44+s19+$0x0] =	vst.idx.msk $0xffff, v38  }
0x426: {  	[tilespmem:v45+s19+$0x0] =	vst.idx.msk $0xffff, v37  }
0x427: {  	v37 =	vld [tilespmem:s20+$0xFFFFFFA0];
	_ =	sdelay $0x1  }
0x428: {  	v41 =	vbroadcast v15, $0x6;
	v38 =	vor.u32 s23, v5  }
0x429: {  	v26 =	vmul.f32 v26, v6;
	v42 =	vor.u32 s5, v3  }
0x42a: {  	v41 =	vmul.f32 v41, v9  }
0x42b: {  	v26 =	vadd.f32 v36, v26;
	v37 =	vmul.f32 v37, v40;
	_ =	sdelay $0x1  }
0x42c: {  	v26 =	vadd.f32 v35, v26;
	[tilespmem:v39+s19+$0x0] =	vst.idx.msk $0xffff, v37  }
0x42d: {  	v35 =	vld [tilespmem:s20+$0xFFFFFFB0]  }
0x42e: {  	v26 =	vadd.f32 v26, v41;
	_ =	sdelay $0x1  }
0x42f: {  	v36 =	vor.u32 s5, v4  }
0x430: {  	v37 =	vbroadcast v14, $0x6  }
0x431: {  	v35 =	vmul.f32 v35, v40;
	_ =	sdelay $0x1  }
0x432: {  	[tilespmem:v38+s19+$0x0] =	vst.idx.msk $0xffff, v35  }
0x433: {  	[tilespmem:v42+s19+$0x0] =	vst.idx.msk $0xffff, v26  }
0x434: {  	v26 =	vld [tilespmem:s20+$0xFFFFFFC0]  }
0x435: {  	v35 =	vbroadcast v17, $0x7  }
0x436: {  	v33 =	vmul.f32 v33, v7;
	v38 =	vor.u32 s5, v5  }
0x437: {  	v39 =	vor.u32 s22, v3;
	v35 =	vmul.f32 v35, v6  }
0x438: {  	v34 =	vmul.f32 v34, v9  }
0x439: {  	v33 =	vadd.f32 v33, v35;
	v26 =	vmul.f32 v26, v37;
	_ =	sdelay $0x1  }
0x43a: {  	[tilespmem:v36+s19+$0x0] =	vst.idx.msk $0xffff, v26;
	v26 =	vadd.f32 v32, v33  }
0x43b: {  	v32 =	vld [tilespmem:s20+$0xFFFFFFD0]  }
0x43c: {  	v26 =	vadd.f32 v26, v34;
	_ =	sdelay $0x1  }
0x43d: {  	v33 =	vor.u32 s22, v4  }
0x43e: {  	v34 =	vbroadcast v14, $0x7  }
0x43f: {  	v32 =	vmul.f32 v32, v37;
	_ =	sdelay $0x1  }
0x440: {  	[tilespmem:v38+s19+$0x0] =	vst.idx.msk $0xffff, v32  }
0x441: {  	[tilespmem:v39+s19+$0x0] =	vst.idx.msk $0xffff, v26  }
0x442: {  	v32 =	vbroadcast v17, $0x8;
	v26 =	vld [tilespmem:s20+$0xFFFFFFE0];
	_ =	sdelay $0x1  }
0x443: {  	v31 =	vmul.f32 v31, v7;
	v35 =	vor.u32 s22, v5;
	v32 =	vmul.f32 v32, v6  }
0x444: {  	v30 =	vmul.f32 v30, v8;
	v36 =	vor.u32 s15, v3  }
0x445: {  	v31 =	vadd.f32 v31, v32;
	v32 =	vbroadcast v15, $0x8  }
0x446: {  	v26 =	vmul.f32 v26, v34  }
0x447: {  	v30 =	vadd.f32 v30, v31;
	v31 =	vmul.f32 v32, v9  }
0x448: {  	[tilespmem:v33+s19+$0x0] =	vst.idx.msk $0xffff, v26  }
0x449: {  	v30 =	vadd.f32 v30, v31;
	v26 =	vld [tilespmem:s20+$0xFFFFFFF0];
	_ =	sdelay $0x2  }
0x44a: {  	v31 =	vor.u32 s15, v4  }
0x44b: {  	v32 =	vbroadcast v14, $0x8  }
0x44c: {  	v26 =	vmul.f32 v26, v34;
	_ =	sdelay $0x1  }
0x44d: {  	[tilespmem:v35+s19+$0x0] =	vst.idx.msk $0xffff, v26  }
0x44e: {  	[tilespmem:v36+s19+$0x0] =	vst.idx.msk $0xffff, v30  }
0x44f: {  	v30 =	vbroadcast v17, $0x9;
	v26 =	vld [tilespmem:s20+$0x0];
	_ =	sdelay $0x1  }
0x450: {  	v33 =	vor.u32 s15, v5;
	v30 =	vmul.f32 v30, v6  }
0x451: {  	v34 =	vor.u32 s9, v3  }
0x452: {  	v29 =	vadd.f32 v29, v30  }
0x453: {  	v26 =	vmul.f32 v26, v32  }
0x454: {  	v28 =	vmul.f32 v28, v9;
	v27 =	vadd.f32 v27, v29  }
0x455: {  	[tilespmem:v31+s19+$0x0] =	vst.idx.msk $0xffff, v26  }
0x456: {  	v27 =	vadd.f32 v27, v28;
	v26 =	vld [tilespmem:s20+$0x10];
	_ =	sdelay $0x3  }
0x457: {  	v28 =	vbroadcast v14, $0x9  }
0x458: {  	v29 =	vor.u32 s9, v4;
	v26 =	vmul.f32 v26, v32;
	_ =	sdelay $0x1  }
0x459: {  	[tilespmem:v33+s19+$0x0] =	vst.idx.msk $0xffff, v26  }
0x45a: {  	[tilespmem:v34+s19+$0x0] =	vst.idx.msk $0xffff, v27  }
0x45b: {  	v26 =	vld [tilespmem:s20+$0x20]  }
0x45c: {  	v17 =	vbroadcast v17, $0xA;
	_ =	sdelay $0x1  }
0x45d: {  	v17 =	vmul.f32 v17, v6  }
0x45e: {  	v27 =	vor.u32 s9, v5  }
0x45f: {  	v17 =	vadd.f32 v24, v17;
	v24 =	vor.u32 s21, v3;
	v26 =	vmul.f32 v26, v28;
	_ =	sdelay $0x1  }
0x460: {  	v17 =	vadd.f32 v23, v17;
	[tilespmem:v29+s19+$0x0] =	vst.idx.msk $0xffff, v26  }
0x461: {  	v23 =	vld [tilespmem:s20+$0x30]  }
0x462: {  	v17 =	vadd.f32 v17, v25;
	_ =	sdelay $0x3  }
0x463: {  	v25 =	vor.u32 s21, v4;
	v23 =	vmul.f32 v23, v28  }
0x464: {  	v26 =	vbroadcast v14, $0xA  }
0x465: {  	[tilespmem:v27+s19+$0x0] =	vst.idx.msk $0xffff, v23  }
0x466: {  	[tilespmem:v24+s19+$0x0] =	vst.idx.msk $0xffff, v17  }
0x467: {  	v17 =	vld [tilespmem:s20+$0x40];
	_ =	sdelay $0x3  }
0x468: {  	v23 =	vor.u32 s21, v5  }
0x469: {  	v24 =	vor.u32 s16, v3;
	v17 =	vmul.f32 v17, v26;
	_ =	sdelay $0x1  }
0x46a: {  	[tilespmem:v25+s19+$0x0] =	vst.idx.msk $0xffff, v17  }
0x46b: {  	v17 =	vld [tilespmem:s20+$0x50];
	_ =	sdelay $0x1  }
0x46c: {  	v16 =	vmul.f32 v16, v9;
	_ =	sdelay $0x1  }
0x46d: {  	v16 =	vadd.f32 v22, v16  }
0x46e: {  	v17 =	vmul.f32 v17, v26  }
0x46f: {  	v22 =	vbroadcast v14, $0xB  }
0x470: {  	[tilespmem:v23+s19+$0x0] =	vst.idx.msk $0xffff, v17  }
0x471: {  	[tilespmem:v24+s19+$0x0] =	vst.idx.msk $0xffff, v16;
	v16 =	vor.u32 s16, v4  }
0x472: {  	v17 =	vld [tilespmem:s20+$0x60];
	_ =	sdelay $0x4  }
0x473: {  	v17 =	vmul.f32 v17, v22;
	_ =	sdelay $0x1  }
0x474: {  	[tilespmem:v16+s19+$0x0] =	vst.idx.msk $0xffff, v17;
	v16 =	vor.u32 s16, v5  }
0x475: {  	v15 =	vbroadcast v15, $0xC;
	v17 =	vld [tilespmem:s20+$0x70]  }
0x476: {  	v23 =	vor.u32 s14, v3  }
0x477: {  	v15 =	vmul.f32 v15, v9;
	_ =	sdelay $0x1  }
0x478: {  	v15 =	vadd.f32 v21, v15  }
0x479: {  	v17 =	vmul.f32 v17, v22;
	_ =	sdelay $0x1  }
0x47a: {  	[tilespmem:v16+s19+$0x0] =	vst.idx.msk $0xffff, v17  }
0x47b: {  	[tilespmem:v23+s19+$0x0] =	vst.idx.msk $0xffff, v15  }
0x47c: {  	v15 =	vor.u32 s14, v4;
	v16 =	vld [tilespmem:s20+$0x80]  }
0x47d: {  	v17 =	vbroadcast v14, $0xC;
	_ =	sdelay $0x3  }
0x47e: {  	v16 =	vmul.f32 v16, v17;
	_ =	sdelay $0x1  }
0x47f: {  	[tilespmem:v15+s19+$0x0] =	vst.idx.msk $0xffff, v16  }
0x480: {  	v15 =	vld [tilespmem:s20+$0x90]  }
0x481: {  	v16 =	vor.u32 s14, v5  }
0x482: {  	v21 =	vor.u32 s6, v3  }
0x483: {  	v13 =	vmul.f32 v13, v9;
	_ =	sdelay $0x1  }
0x484: {  	v13 =	vadd.f32 v20, v13;
	v15 =	vmul.f32 v15, v17;
	_ =	sdelay $0x1  }
0x485: {  	[tilespmem:v16+s19+$0x0] =	vst.idx.msk $0xffff, v15  }
0x486: {  	[tilespmem:v21+s19+$0x0] =	vst.idx.msk $0xffff, v13  }
0x487: {  	v13 =	vld [tilespmem:s20+$0xA0]  }
0x488: {  	v15 =	vor.u32 s6, v4  }
0x489: {  	v16 =	vbroadcast v14, $0xD;
	_ =	sdelay $0x2  }
0x48a: {  	v13 =	vmul.f32 v13, v16;
	_ =	sdelay $0x1  }
0x48b: {  	[tilespmem:v15+s19+$0x0] =	vst.idx.msk $0xffff, v13  }
0x48c: {  	v13 =	vld [tilespmem:s20+$0xB0]  }
0x48d: {  	v15 =	vor.u32 s6, v5  }
0x48e: {  	v17 =	vor.u32 s2, v3;
	_ =	sdelay $0x1  }
0x48f: {  	v12 =	vmul.f32 v12, v9  }
0x490: {  	v13 =	vmul.f32 v13, v16  }
0x491: {  	v12 =	vadd.f32 v19, v12  }
0x492: {  	[tilespmem:v15+s19+$0x0] =	vst.idx.msk $0xffff, v13  }
0x493: {  	[tilespmem:v17+s19+$0x0] =	vst.idx.msk $0xffff, v12  }
0x494: {  	v12 =	vld [tilespmem:s20+$0xC0]  }
0x495: {  	v13 =	vor.u32 s2, v4  }
0x496: {  	v15 =	vbroadcast v14, $0xE;
	_ =	sdelay $0x2  }
0x497: {  	v12 =	vmul.f32 v12, v15;
	_ =	sdelay $0x1  }
0x498: {  	[tilespmem:v13+s19+$0x0] =	vst.idx.msk $0xffff, v12  }
0x499: {  	v12 =	vld [tilespmem:s20+$0xD0];
	_ =	sdelay $0x1  }
0x49a: {  	v13 =	vor.u32 s2, v5  }
0x49b: {  	v16 =	vor.u32 s0, v3  }
0x49c: {  	v11 =	vmul.f32 v11, v9  }
0x49d: {  	v12 =	vmul.f32 v12, v15  }
0x49e: {  	v11 =	vadd.f32 v18, v11  }
0x49f: {  	[tilespmem:v13+s19+$0x0] =	vst.idx.msk $0xffff, v12  }
0x4a0: {  	[tilespmem:v16+s19+$0x0] =	vst.idx.msk $0xffff, v11  }
0x4a1: {  	v13 =	vld [tilespmem:s20+$0xE0];
	_ =	sdelay $0x1  }
.Ltmp1:
0x4a2: {  	v12 =	vor.u32 s0, v4;
	(pc) =	sbr.rel @p0 .LBB2_5-.Ltmp1, $3  }
0x4a3: {  	v11 =	vbroadcast v14, $0xF;
	_ =	sdelay $0x1  }
0x4a4: {  	v13 =	vmul.f32 v13, v11  }
0x4a5: {  	s3 =	sadd.s32 $0x10, s3;
	s20 =	sadd.s32 $0x200, s20  }
0x4a6: {  	_ =	sdelay $0x3  }
0x4a7: {  	[tilespmem:v12+s19+$0x0] =	vst.idx.msk $0xffff, v13  }
0x4a8: {  	v10 =	vld [tilespmem:s17+$0xF0];
	_ =	sdelay $0x1  }
0x4a9: {  	v63 =	vor.u32 s0, v5  }
0x4aa: {  	s17 =	smul.u32 $0x30000, s11  }
0x4ab: {  	s2 =	sshll.u32 s7, $0x3  }
0x4ac: {  	s0 =	sor.u32 s2, s17;
	v10 =	vmul.f32 v10, v11  }
0x4ad: {  	s18 =	rddreg [dreg:$0x6];
	s0 =	sshrl.u32 s0, $0x3  }
0x4ae: {  	s8 =	simm.s32 $0x0;
	s3 =	rddreg [dreg:$0xd];
	s2 =	sadd.s32 s18, s0;
	[tilespmem:v63+s19+$0x0] =	vst.idx.msk $0xffff, v10  }
0x4af: {  	[hbm4b:s2+s8] =	stream.linear.scatter [tilespmem:s19], [sflag:$0x4], $0x1000, $0x38;
	[tilespmem:$0x15840] =	vst v63  }
0x4b0: {  	s20 =	simm.s32 $0xF800;
	s0 =	sadd.s32 s0, s3  }
0x4b1: {  	[hbm4b:s0+s8] =	stream.linear.scatter [tilespmem:s20], [sflag:$0x4], $0x1000, $0x38;
	[tilespmem:$0x15840] =	vst v63  }
0x4b2: {  	s22 =	simm.s32 $0x10800;
	s30 =	sadd.s32 $0x1, s30;
	s21 =	sadd.s32 $0x2000, s2  }
0x4b3: {  	[hbm4b:s21+s8] =	stream.linear.scatter [tilespmem:s22], [sflag:$0x4], $0x1000, $0x38;
	[tilespmem:$0x15840] =	vst v63  }
0x4b4: {  	s24 =	simm.s32 $0x11800;
	p0 =	sne.s32 s30, $0x19;
	s23 =	sadd.s32 $0x3000, s2  }
0x4b5: {  	[hbm4b:s23+s8] =	stream.linear.scatter [tilespmem:s24], [sflag:$0x4], $0x1000, $0x38;
	[tilespmem:$0x15840] =	vst v63  }
.Ltmp2:
0x4b6: {  	s26 =	simm.s32 $0x12800;
	(pc) =	sbr.rel @p0 .LBB2_2-.Ltmp2, $4  }
0x4b7: {  	s31 =	simm.s32 $0x13800;
	s6 =	rddreg [dreg:$0x13];
	s25 =	sadd.s32 $0x4000, s2  }
0x4b8: {  	[hbm4b:s25+s8] =	stream.linear.scatter [tilespmem:s26], [sflag:$0x4], $0x1000, $0x38;
	[tilespmem:$0x15840] =	vst v63  }
0x4b9: {  	s29 =	sadd.s32 $0x1, s29;
	s6 =	sadd.s32 $0x2, s6;
	s28 =	sadd.s32 $0x5000, s2  }
0x4ba: {  	[hbm4b:s28+s8] =	stream.linear.scatter [tilespmem:s31], [sflag:$0x4], $0x1000, $0x38;
	[tilespmem:$0x15840] =	vst v63  }
0x4bb: {  	s2 =	simm.s32 $0x4  }
0x4bc: {  	_ =	swait.ge [sflag:s2], $0x1000  }
0x4bd: {  	[sflag:s2] =	ssyncset.done $0x0  }
0x4be: {  	[sflag:s2] =	ssyncadd.s32 $0xFFFFF000  }
0x4bf: {  	_ =	swait.ge [sflag:s2], $0x1000  }
0x4c0: {  	[sflag:s2] =	ssyncset.done $0x0  }
0x4c1: {  	[sflag:s2] =	ssyncadd.s32 $0xFFFFF000  }
0x4c2: {  	_ =	swait.ge [sflag:s2], $0x1000  }
0x4c3: {  	[sflag:s2] =	ssyncset.done $0x0  }
0x4c4: {  	[sflag:s2] =	ssyncadd.s32 $0xFFFFF000  }
0x4c5: {  	_ =	swait.ge [sflag:s2], $0x1000  }
0x4c6: {  	[sflag:s2] =	ssyncset.done $0x0  }
0x4c7: {  	[sflag:s2] =	ssyncadd.s32 $0xFFFFF000  }
0x4c8: {  	_ =	swait.ge [sflag:s2], $0x1000  }
0x4c9: {  	[sflag:s2] =	ssyncset.done $0x0  }
0x4ca: {  	[sflag:s2] =	ssyncadd.s32 $0xFFFFF000  }
0x4cb: {  	_ =	swait.ge [sflag:s2], $0x1000  }
0x4cc: {  	[sflag:s2] =	ssyncset.done $0x0  }
0x4cd: {  	[sflag:s2] =	ssyncadd.s32 $0xFFFFF000  }
0x4ce: {  	_ =	swait.ge [sflag:s2], $0x1000  }
0x4cf: {  	[sflag:s2] =	ssyncset.done $0x0  }
0x4d0: {  	[sflag:s2] =	ssyncadd.s32 $0xFFFFF000  }
0x4d1: {  	_ =	swait.ge [sflag:s2], $0x1000  }
0x4d2: {  	[sflag:s2] =	ssyncset.done $0x0  }
0x4d3: {  	[sflag:s2] =	ssyncadd.s32 $0xFFFFF000  }
0x4d4: {  	_ =	swait.ge [sflag:s2], $0x1000  }
0x4d5: {  	[sflag:s2] =	ssyncset.done $0x0  }
0x4d6: {  	[sflag:s2] =	ssyncadd.s32 $0xFFFFF000  }
0x4d7: {  	_ =	swait.ge [sflag:s2], $0x1000  }
0x4d8: {  	[sflag:s2] =	ssyncset.done $0x0  }
0x4d9: {  	[sflag:s2] =	ssyncadd.s32 $0xFFFFF000  }
0x4da: {  	_ =	swait.ge [sflag:s2], $0x1000  }
0x4db: {  	[sflag:s2] =	ssyncset.done $0x0  }
0x4dc: {  	[sflag:s2] =	ssyncadd.s32 $0xFFFFF000  }
0x4dd: {  	_ =	swait.ge [sflag:s2], $0x1000  }
0x4de: {  	s3 =	rddreg [dreg:$0x12]  }
0x4df: {  	s0 =	rddreg [dreg:$0xf];
	s3 =	sadd.s32 $0x1, s3  }
0x4e0: {  	p0 =	sne.s32 s3, s0  }
.Ltmp3:
0x4e1: {  	_ = 	snop;
	(pc) =	sbr.rel @p0 .LBB2_1-.Ltmp3, $3  }
0x4e2: {  	_ =	sdelay $0x1  }
0x4e3: {  	[sflag:s2] =	ssyncset.done $0x0  }
0x4e4: {  	[sflag:s2] =	ssyncadd.s32 $0xFFFFF000  }
0x4e5: {  	_ =	sfence.sel $0x180000  }
0x4e6: {  	[bflag:$0x0] =	sbarrier.arrive $0xFFFF  }
0x4e7: {  	_ =	strace $0x90000047  }
0x4e8: {  	s0 =	stileid.u32;
	[bflag:$0x2] =	sbarrier.arrive $0xFFFF  }
0x4e9: {  	p0 =	sne.s32 s0, $0x0;
	s0 =	rddreg [dreg:$0x7]  }
0x4ea: {  	s0 =	sadd.s32 @!p0 $0x100000, s0  }
0x4eb: {  	[sflag:s0] =	ssyncadd.tile.s32 @!p0 $0x1;
	_ =	shalt  }
.Lfunc_end2:
_tile_overlayer_lowered:
.L_overlay_start_2:
0x4ec: {  	(tag) =	ssettag $0x2  }
0x4ed: {  	s0 =	rddreg [dreg:$0x0];
	s2 =	stileid.u32  }
0x4ee: {  	s1 =	rddreg [dreg:$0x1];
	p0 =	sne.s32 s2, $0x0  }
0x4ef: {  	s3 =	rddreg [dreg:$0x2];
	[bflag:$0x3] =	sbarrier.arrive $0xFFFF;
	s2 =	simm.s32 @!p0 $0x1C05  }
0x4f0: {  	[timem:s3], [sflag:s2] =	dma.local @!p0 [hbm:s0], s1  }
0x4f1: {  	s0 =	simm.s32 @!p0 $0x5  }
0x4f2: {  	_ =	swait.ge @!p0 [sflag:s0], s1  }
0x4f3: {  	s1 =	ssub.s32 @!p0 $0x0, s1;
	[sflag:s0] =	ssyncset.done @!p0 $0x0  }
0x4f4: {  	[sflag:s0] =	ssyncadd.s32 @!p0 s1  }
0x4f5: {  	[bflag:$0x3] =	sbarrier.arrive $0xFFFF  }
0x4f6: {  	_ =	shalt  }

// kernel: sparse-core-data-format-call.cloned.1.call-start
scs
called_computation_lowered:
.L_overlay_start_0:
0x0: {  	s2 =	sld [smem:$0x3FD9]  }
0x1: {  	s3 =	sld [smem:$0x3FFE];
	_ =	sdelay $0x1  }
0x2: {  	s1 =	srdreg.scid  }
0x3: {  	s0 =	sand.u32 $0x1, s1  }
0x4: {  	s18 =	sshll.u32 s0, $0xA;
	s2 =	sadd.s32 s3, s2  }
0x5: {  	s2 =	sadd.s32 s2, s18  }
0x6: {  	[smem:$0x3FC2] =	sst s2  }
0x7: {  	_ = 	snop  }
0x8: {  	s2 =	sld [smem:$0x3FD0];
	(tm) =	ssettm $0x1  }
0x9: {  	s19 =	sld [smem:$0x3FFB];
	_ =	sdelay $0x3  }
0xa: {  	_ =	strace s19  }
0xb: {  	s3 =	sld [smem:$0x3FFC];
	_ =	sdelay $0x3  }
0xc: {  	_ =	strace s3  }
0xd: {  	s3 =	sld [smem:$0x3FFD];
	_ =	sdelay $0x3  }
0xe: {  	_ =	strace s3  }
0xf: {  	_ =	strace $0x8FFFFFFF  }
0x10: {  	s20 =	sld [smem:$0x3FDB];
	_ =	sdelay $0x1  }
0x11: {  	s4 =	simm.s32 $_scs_section_size  }
0x12: {  	s5 =	simm.s32 $_size__tile_overlayer_lowered;
	s6 =	simm.s32 $_tile_overlayer_lowered  }
0x13: {  	s23 =	simm.s32 $0x1BFF;
	s22 =	sshll.u32 s6, $0x1;
	s3 =	sadd.s32 s4, s20  }
0x14: {  	s7 =	simm.s32 $0x0;
	s21 =	sshll.u32 s5, $0x1;
	s5 =	sadd.s32 s22, s3  }
0x15: {  	[timem:s7], [sflag:s23] =	dma.local [hbm:s5], s21  }
0x16: {  	_ =	swait.ge [sflag:s23], s21  }
0x17: {  	s4 =	ssub.s32 $0x0, s21;
	[sflag:s23] =	ssyncset.done $0x0  }
0x18: {  	[sflag:s23] =	ssyncadd.s32 s4;
	_ =	sdelay $0x1  }
0x19: {  	s24 =	simm.s32 $0x1B8B  }
0x1a: {  	_ =	swait.ge [sflag:s24], $0x1  }
0x1b: {  	[sflag:s24] =	ssyncset.done $0x0  }
0x1c: {  	s26 =	simm.s32 $0x1B8E;
	s25 =	sld [smem:$0x3FFE];
	[sflag:s24] =	ssyncadd.s32 $0xFFFFFFFF  }
0x1d: {  	s27 =	simm.s32 $execute0_lowered;
	[smem:$0x3FD2] =	sst s26  }
0x1e: {  	s5 =	sshll.u32 s27, $0x1;
	_ =	strace $0x80000049;
	[dreg:$0x1] =	wrdreg $0xFFFFFFFF  }
0x1f: {  	s28 =	simm.s32 $_size_execute0_lowered;
	s3 =	sadd.s32 s3, s5;
	[dreg:$0x0] =	wrdreg $0x0  }
0x20: {  	s5 =	sshll.u32 s28, $0x1;
	[dreg:$0x2] =	wrdreg s3  }
0x21: {  	[dreg:$0x3] =	wrdreg s5  }
0x22: {  	[dreg:$0x4] =	wrdreg $0xC0  }
0x23: {  	_ =	task [dreg:s7], $0x5FFFF  }
0x24: {  	[dreg:$0x1] =	wrdreg $0xFFFFFFFF  }
0x25: {  	[dreg:$0x0] =	wrdreg $0x60  }
0x26: {  	[dreg:$0x2] =	wrdreg s25  }
0x27: {  	[dreg:$0x3] =	wrdreg s2  }
0x28: {  	[dreg:$0x4] =	wrdreg $0x9  }
0x29: {  	_ =	task.clear_ibuf [dreg:s7], $0x5FFFF;
	_ =	strace $0x90000049  }
0x2a: {  	s29 =	simm.s32 $0x9;
	_ =	strace $0x8000004B  }
0x2b: {  	_ =	swait.ge [sflag:s29], $0x1  }
0x2c: {  	[sflag:s29] =	ssyncadd.s32 $0xFFFFFFFF  }
0x2d: {  	_ =	strace $0x9000004B  }
0x2e: {  	_ =	sfence  }
0x2f: {  	s30 =	sld [smem:$0x0];
	_ =	sdelay $0x2  }
0x30: {  	s31 =	sshll.u32 s1, $0xD;
	s1 =	sshrl.u32 s1, $0x2  }
0x31: {  	s3 =	sand.u32 $0x4000, s31;
	s1 =	sadd.s32 s1, s30  }
0x32: {  	s0 =	sor.u32 s3, s0;
	s1 =	sshll.u32 s1, $0x11  }
0x33: {  	s0 =	sor.u32 s1, s0  }
0x34: {  	s0 =	sadd.s32 $0x8F2B, s0  }
0x35: {  	[sflag:s0] =	ssyncadd.remote.s32 $0x1  }
0x36: {  	_ =	sfence.sel $0xFFFF  }
0x37: {  	[dreg:$0x0] =	wrdreg $0xFFFFFFFF;
	(pc) =	sbr.abs _section_cstart, $3  }
0x38: {  	[dreg:$0x1] =	wrdreg $0xFFFFFFFF  }
0x39: {  	_ =	task.clear_ibuf [dreg:s7], $0x2FFFF;
	_ =	strace $0x9FFFFFFF  }
0x3a: {  	(tm) =	ssettm $0x7FFFFFFF  }
0x3b: {  	_ =	shalt  }
tec
execute0_lowered:
.L_overlay_start_1:
0x0: {  	(tag) =	ssettag $0x1  }
0x1: {  	s3 =	stileid.u32  }
0x2: {  	s0 =	srdreg.scid;
	s28 =	rddreg [dreg:$0x0];
	_ =	strace $0x8000004A  }
0x3: {  	s29 =	simm.s32 $0x1;
	s1 =	sshll.u32 s3, $0x6;
	s0 =	sshll.u32 s0, $0xA  }
0x4: {  	s31 =	simm.s32 $0x2;
	s17 =	simm.s32 $0x0;
	s0 =	sor.u32 s1, s0  }
0x5: {  	s19 =	simm.s32 $0x0;
	s18 =	simm.s32 $0x0;
	s5 =	sand.u32 $0x780, s0  }
0x6: {  	s10 =	simm.s32 $0x0;
	s11 =	simm.s32 $0x0;
	s0 =	ssub.s32 $0x8000, s5  }
0x7: {  	s13 =	simm.s32 $0x0;
	s6 =	sadd.s32 $0x800, s28;
	s2 =	sand.u32 $0x780, s0  }
0x8: {  	s30 =	sshll.u32 s3, $0x7;
	p0 =	sne.s32 s2, $0x0;
	s2 =	simm.s32 $0x1  }
0x9: {  	s8 =	sand.u32 $0x80, s30;
	s0 =	sshrl.u32 s0, $0xB;
	s2 =	simm.s32 @!p0 $0x0  }
.Ltmp0:
0xa: {  	[dreg:$0x4] =	wrdreg s6;
	s0 =	sadd.s32 s2, s0;
	(pc) =	sbr.rel .LBB1_1-.Ltmp0, $4  }
0xb: {  	s14 =	simm.s32 $0x0;
	[dreg:$0x6] =	wrdreg s8;
	s7 =	smul.u32 $0x6, s0  }
0xc: {  	s16 =	simm.s32 $0x0;
	[sflag:s29] =	ssyncpa.u1 $0x0;
	[dreg:$0x3] =	wrdreg s5  }
0xd: {  	[sflag:s31] =	ssyncpa.u1 $0x0;
	s9 =	sor.u32 $0x1, s7;
	[dreg:$0x5] =	wrdreg s7  }
0xe: {  	s15 =	smov.u32 s8;
	s12 =	smov.u32 s5;
	[dreg:$0x7] =	wrdreg s9  }
.LBB1_14:
0xf: {  	p0 =	sgt.s32 s11, $0x5;
	s0 =	smov.u32 s11;
	s1 =	sshll.u32 s13, $0xF  }
0x10: {  	s2 =	sshll.u32 s10, $0x3;
	s4 =	sshll.u32 s13, $0x7;
	s5 =	sand.u32 $0x78, s10  }
0x11: {  	s25 =	smul.u32 $0xC8000, s11;
	s26 =	rddreg [dreg:$0x1];
	s27 =	sand.u32 $0x7, s10  }
0x12: {  	s29 =	sor.u32 $0x8000, s23;
	s31 =	simm.s32 $0x40000;
	s0 =	simm.s32 @!p0 $0x5  }
0x13: {  	s6 =	rddreg [dreg:$0x4];
	s1 =	sand.u32 $0xFFFC0000, s1;
	s0 =	sadd.s32 s22, s0  }
0x14: {  	s7 =	rddreg [dreg:$0x5];
	s1 =	sadd.s32 s1, s2;
	s3 =	sadd.s32 $0xFFFFFFFB, s0  }
0x15: {  	s1 =	sshrl.u32 s1, $0xF;
	s0 =	ssub.s32 $0x6, s0;
	p0 =	sgt.s32 s3, $0x0  }
0x16: {  	s4 =	sand.u32 $0x380, s4;
	s24 =	smulhi.u32 $0x147AE15, s1;
	s0 =	simm.s32 @p0 $0x0  }
0x17: {  	s2 =	sand.u32 $0x7C00, s2;
	s4 =	sor.u32 s4, s5;
	s0 =	smul.u32 s20, s0  }
0x18: {  	s8 =	rddreg [dreg:$0x6];
	s2 =	sor.u32 s2, s4;
	s3 =	smul.u32 $0xC8, s24  }
0x19: {  	s9 =	rddreg [dreg:$0x7];
	s28 =	sshll.u32 s27, $0x12;
	s2 =	sshrl.u32 s2, $0x3  }
0x1a: {  	s0 =	smul.u32 s21, s0;
	s1 =	ssub.s32 s1, s3;
	s3 =	sadd.s32 s26, s25  }
0x1b: {  	s30 =	sor.u32 $0x400, s28;
	s1 =	sshll.u32 s1, $0xC;
	s2 =	sadd.s32 s2, s3  }
0x1c: {  	s5 =	rddreg [dreg:$0x3];
	s0 =	sand.u32 $0x3FFFFFFF, s0;
	s1 =	sadd.s32 s1, s2  }
0x1d: {  	[hbm4b:s1+s30] =	stream.strided.scatter [tilespmem:s29], [sflag:$0x2], s0, s31, s30, $0x38;
	[tilespmem:$0x10000] =	vst v63  }
.LBB1_15:
0x1e: {  	p0 =	slt.u32 s16, $0x2  }
0x1f: {  	p1 =	sgt.s32 @!p0 s19, $0x5  }
0x20: {  	s0 =	smov.u32 s19;
	s1 =	sshra.s32 @!p0 s19, $0x1F;
	p1 =	por !p1, p0  }
0x21: {  	s1 =	sand.u32 @!p0 s1, s19;
	s0 =	simm.s32 @p1 $0x5;
	p1 =	sgt.s32 @!p0 s18, $0x48  }
0x22: {  	s2 =	smov.u32 s18;
	s0 =	ssub.s32 @!p0 s0, s1;
	p1 =	por !p1, p0  }
0x23: {  	s3 =	sshra.s32 @!p0 s18, $0x1F;
	s1 =	sadd.s32 @!p0 $0xFFFFFFFB, s0;
	s2 =	simm.s32 @p1 $0x48  }
0x24: {  	p1 =	sgt.s32 @!p0 s17, $0x7F80;
	p2 =	sgt.s32 @!p0 s1, $0x0;
	s1 =	sand.u32 @!p0 s3, s18  }
0x25: {  	s0 =	ssub.s32 @!p0 $0x6, s0;
	p1 =	por !p1, p0;
	s1 =	ssub.s32 @!p0 s2, s1  }
0x26: {  	s3 =	smov.u32 s17;
	p2 =	por !p2, p0;
	s2 =	sadd.s32 @!p0 $0xFFFFFFB8, s1  }
0x27: {  	s3 =	simm.s32 @p1 $0x7F80;
	p1 =	sgt.s32 @!p0 s2, $0x7F;
	s2 =	sshra.s32 @!p0 s17, $0x1F  }
0x28: {  	s1 =	ssub.s32 @!p0 $0xC8, s1;
	p1 =	por !p1, p0;
	s2 =	sand.u32 @!p0 s2, s17  }
0x29: {  	s0 =	simm.s32 @!p2 $0x0;
	s1 =	simm.s32 @!p1 $0x0;
	s2 =	ssub.s32 @!p0 s3, s2  }
0x2a: {  	s0 =	smul.u32 @!p0 s1, s0;
	s1 =	sadd.s32 @!p0 $0xFFFF8080, s2  }
0x2b: {  	p1 =	sgt.s32 @!p0 s1, $0x7F;
	s1 =	ssub.s32 @!p0 $0x8000, s2;
	s2 =	sadd.s32 $0x800, s12  }
0x2c: {  	s3 =	simm.s32 $0x1;
	p1 =	por !p1, p0;
	p2 =	sgt.s32 s2, $0x7FFF  }
0x2d: {  	s1 =	simm.s32 @!p1 $0x0;
	s3 =	simm.s32 @!p2 $0x0  }
0x2e: {  	s0 =	smul.u32 @!p0 s1, s0;
	s1 =	sadd.s32 s3, s14  }
0x2f: {  	s4 =	smov.u32 s15;
	s3 =	sadd.s32 $0x100, s15;
	p1 =	sgt.s32 s1, $0x5  }
0x30: {  	s19 =	smov.u32 s11;
	s4 =	smov.u32 @p1 s3  }
0x31: {  	s11 =	smov.u32 s14;
	s1 =	simm.s32 @p1 $0x0;
	p1 =	sgt.s32 s4, $0xC7  }
0x32: {  	s18 =	smov.u32 s13;
	s4 =	smov.u32 @p1 s8;
	p1 =	sne.s32 s16, s9  }
.Ltmp1:
0x33: {  	s13 =	smov.u32 s15;
	s17 =	smov.u32 s10;
	(pc) =	sbr.rel @!p1 .LBB1_16-.Ltmp1, $4  }
0x34: {  	s2 =	smov.u32 @p2 s5;
	s0 =	sand.u32 @!p0 $0x3FFFFFFF, s0;
	s3 =	simm.s32 @!p0 $0x2  }
0x35: {  	s10 =	smov.u32 s12;
	s12 =	smov.u32 s2;
	_ =	swait.ge @!p0 [sflag:s3], s0  }
0x36: {  	s0 =	ssub.s32 @!p0 $0x0, s0;
	s14 =	smov.u32 s1;
	[sflag:s3] =	ssyncset.done @!p0 $0x0  }
0x37: {  	s16 =	sadd.s32 $0x1, s16;
	[sflag:s3] =	ssyncadd.s32 @!p0 s0;
	s15 =	smov.u32 s4  }
.LBB1_1:
0x38: {  	p0 =	sge.u32 s16, s7  }
0x39: {  	s2 =	smov.u32 s15;
	s31 =	sadd.s32 $0xFFFFFFFF, s16;
	s0 =	sand.u32 @!p0 $0x78, s12  }
0x3a: {  	p1 =	sgt.s32 @!p0 s15, $0x48;
	s1 =	sshll.u32 @!p0 s14, $0x7;
	s3 =	sshra.s32 @!p0 s15, $0x1F  }
0x3b: {  	p1 =	por !p1, p0;
	s1 =	sand.u32 @!p0 $0x380, s1;
	s3 =	sand.u32 @!p0 s3, s15  }
0x3c: {  	s2 =	simm.s32 @p1 $0x48;
	s0 =	sor.u32 @!p0 s1, s0;
	p1 =	sgt.s32 @!p0 s14, $0x7  }
0x3d: {  	s1 =	ssub.s32 @!p0 s2, s3;
	p1 =	por !p1, p0;
	s3 =	smov.u32 s14  }
0x3e: {  	s4 =	sshra.s32 @!p0 s14, $0x1F;
	s2 =	sadd.s32 @!p0 $0xFFFFFFB8, s1;
	s3 =	simm.s32 @p1 $0x7  }
0x3f: {  	p1 =	sgt.s32 @!p0 s12, $0x7F80;
	p2 =	sgt.s32 @!p0 s2, $0x7F;
	s2 =	sand.u32 @!p0 s4, s14  }
0x40: {  	s1 =	ssub.s32 @!p0 $0xC8, s1;
	p1 =	por !p1, p0;
	s2 =	ssub.s32 @!p0 s3, s2  }
0x41: {  	s4 =	smov.u32 s12;
	p2 =	por !p2, p0;
	s3 =	sadd.s32 @!p0 $0xFFFFFFF9, s2  }
0x42: {  	s4 =	simm.s32 @p1 $0x7F80;
	p1 =	sgt.s32 @!p0 s3, $0x0;
	s3 =	sshra.s32 @!p0 s12, $0x1F  }
0x43: {  	s2 =	ssub.s32 @!p0 $0x8, s2;
	p1 =	por !p1, p0;
	s3 =	sand.u32 @!p0 s3, s12  }
0x44: {  	s1 =	simm.s32 @!p2 $0x0;
	s2 =	simm.s32 @!p1 $0x0;
	s3 =	ssub.s32 @!p0 s4, s3  }
0x45: {  	s4 =	sxor.u32 @!p0 $0xFFFFFFFF, s16;
	s1 =	smul.u32 @!p0 s1, s2;
	s2 =	sadd.s32 @!p0 $0xFFFF8080, s3  }
0x46: {  	s4 =	sshll.u32 @!p0 s4, $0xE;
	p1 =	sgt.s32 @!p0 s2, $0x7F;
	s2 =	sshll.u32 @!p0 s12, $0x3  }
0x47: {  	s3 =	ssub.s32 @!p0 $0x8000, s3;
	s2 =	sand.u32 @!p0 $0x7C00, s2;
	p1 =	por !p1, p0  }
0x48: {  	s0 =	sor.u32 @!p0 s2, s0;
	s3 =	simm.s32 @!p1 $0x0;
	s2 =	sshll.u32 @!p0 s15, $0xF  }
0x49: {  	s1 =	smul.u32 @!p0 s3, s1;
	s3 =	sand.u32 @!p0 $0x7000, s12;
	s2 =	sadd.s32 @!p0 s6, s2  }
0x4a: {  	s4 =	sand.u32 @!p0 $0x4000, s4;
	s2 =	sadd.s32 @!p0 s3, s2;
	s3 =	sand.u32 @!p0 $0x7, s12  }
0x4b: {  	s0 =	sshrl.u32 @!p0 s0, $0x3;
	s1 =	sand.u32 @!p0 $0x3FFFFFFF, s1;
	s3 =	sshll.u32 @!p0 s3, $0x12  }
0x4c: {  	s0 =	sadd.s32 @!p0 s0, s2;
	s2 =	sor.u32 @!p0 $0x80, s3;
	s3 =	simm.s32 @!p0 $0x40000  }
0x4d: {  	[tilespmem:s4], [sflag:$0x1] =	stream.strided.gather @!p0 [hbm4b:s0+s2], s1, s3, s2, $0x38;
	[tilespmem:$0x10000] =	vst v63  }
0x4e: {  	p0 =	sge.u32 s31, s7  }
.Ltmp2:
0x4f: {  	_ = 	snop;
	(pc) =	sbr.rel @p0 .LBB1_15-.Ltmp2, $1  }
0x50: {  	_ =	sdelay $0x3  }
0x51: {  	p0 =	sgt.s32 s13, $0x48;
	s0 =	smov.u32 s13  }
0x52: {  	s1 =	sshra.s32 s13, $0x1F;
	s23 =	ssub.s32 $0x0, s11;
	s2 =	sshra.s32 s11, $0x1F  }
0x53: {  	p1 =	sgt.s32 s10, $0x7F80;
	s3 =	smov.u32 s10;
	s4 =	sshra.s32 s10, $0x1F  }
0x54: {  	s5 =	smov.u32 s11;
	s0 =	simm.s32 @!p0 $0x48;
	s1 =	sand.u32 s1, s13  }
0x55: {  	s3 =	simm.s32 @!p1 $0x7F80;
	p1 =	sgt.s32 s11, $0x7;
	s4 =	sand.u32 s4, s10  }
0x56: {  	s22 =	sand.u32 s23, s2;
	s2 =	sadd.s32 $0x80, s13;
	s0 =	ssub.s32 s0, s1  }
0x57: {  	s5 =	simm.s32 @!p1 $0x7;
	s24 =	ssub.s32 s3, s4;
	s3 =	sadd.s32 $0x1, s11  }
0x58: {  	s1 =	sadd.s32 $0xFFFFFFB8, s0;
	s20 =	ssub.s32 $0xC8, s0;
	s25 =	sadd.s32 s22, s5  }
0x59: {  	s26 =	sadd.s32 $0xFFFF8080, s24;
	p0 =	sgt.s32 s1, $0x7F;
	s27 =	sadd.s32 $0xFFFFFFF9, s25  }
0x5a: {  	s0 =	ssub.s32 $0x8, s25;
	s20 =	simm.s32 @p0 $0x0;
	p0 =	sgt.s32 s27, $0x0  }
0x5b: {  	s21 =	ssub.s32 $0x8000, s24;
	s0 =	simm.s32 @p0 $0x0;
	p0 =	slt.s32 s2, $0xC8  }
0x5c: {  	p1 =	sgt.s32 s26, $0x7F;
	s2 =	simm.s32 @!p0 $0xC8;
	p0 =	slt.s32 s3, $0x6  }
0x5d: {  	s21 =	simm.s32 @p1 $0x0;
	s24 =	ssub.s32 s2, s13;
	s3 =	simm.s32 @!p0 $0x6  }
0x5e: {  	s28 =	smul.u32 s20, s21;
	s25 =	ssub.s32 s3, s11;
	p0 =	slt.s32 s24, $0x1  }
0x5f: {  	p1 =	slt.s32 @!p0 s25, $0x1  }
0x60: {  	s0 =	smul.u32 s0, s28;
	p1 =	por p0, p1  }
.Ltmp3:
0x61: {  	_ = 	snop;
	(pc) =	sbr.rel @p1 .LBB1_14-.Ltmp3, $4  }
0x62: {  	s30 =	simm.s32 $0x1;
	s0 =	sand.u32 $0x3FFFFFFF, s0  }
0x63: {  	_ =	swait.ge [sflag:s30], s0  }
0x64: {  	s31 =	sshll.u32 s16, $0xE;
	s29 =	ssub.s32 $0x0, s0;
	[sflag:s30] =	ssyncset.done $0x0  }
0x65: {  	s23 =	sand.u32 $0x4000, s31;
	[sflag:s30] =	ssyncadd.s32 s29  }
0x66: {  	s0 =	sadd.s32 $0x80, s10  }
0x67: {  	p1 =	slt.s32 s0, $0x8000  }
.Ltmp4:
0x68: {  	s0 =	simm.s32 @!p1 $0x8000;
	(pc) =	sbr.rel .LBB1_4-.Ltmp4, $4  }
0x69: {  	s28 =	sor.u32 @!p0 $0x8000, s23;
	s0 =	ssub.s32 s0, s10  }
0x6a: {  	s30 =	simm.s32 $0x0;
	s7 =	simm.s32 $0x400;
	s0 =	sadd.s32 $0xF, s0  }
0x6b: {  	s26 =	sand.u32 $0xFFFFFFF0, s0;
	s27 =	sand.u32 @!p0 $0xFFFFFF00, s0;
	s1 =	sshll.u32 s0, $0x3  }
0x6c: {  	p0 =	slt.s32 s0, $0x100;
	s29 =	sand.u32 $0xFFFFF800, s1;
	p1 =	sge.s32 s27, s26  }
.LBB1_13:
0x6d: {  	s30 =	sadd.s32 $0x1, s30  }
0x6e: {  	p2 =	sne.s32 s30, s24  }
.Ltmp5:
0x6f: {  	_ = 	snop;
	(pc) =	sbr.rel @!p2 .LBB1_14-.Ltmp5, $2  }
0x70: {  	_ =	sdelay $0x2  }
0x71: {  	s7 =	sadd.s32 $0x80, s7  }
.LBB1_4:
.Ltmp6:
0x72: {  	(pc) =	sbr.rel .LBB1_5-.Ltmp6, $4  }
0x73: {  	_ = 	snop  }
0x74: {  	s1 =	sshll.u32 s30, $0x7  }
0x75: {  	s2 =	sand.u32 $0x380, s1  }
0x76: {  	s9 =	simm.s32 $0x0;
	s0 =	sadd.s32 s1, s23;
	s3 =	sadd.s32 s2, s28  }
.LBB1_12:
0x77: {  	s9 =	sadd.s32 $0x1, s9  }
0x78: {  	p2 =	sne.s32 s9, s25  }
.Ltmp7:
0x79: {  	_ = 	snop;
	(pc) =	sbr.rel @!p2 .LBB1_13-.Ltmp7, $1  }
0x7a: {  	_ =	sdelay $0x3  }
.LBB1_5:
.Ltmp8:
0x7b: {  	(pc) =	sbr.rel @p0 .LBB1_9-.Ltmp8, $2  }
0x7c: {  	_ =	sdelay $0x2  }
0x7d: {  	s5 =	sshll.u32 s9, $0x10  }
0x7e: {  	s2 =	sshll.u32 s9, $0x7  }
0x7f: {  	s4 =	sshra.s32 s5, $0x2;
	s2 =	sand.u32 $0x380, s2  }
0x80: {  	s8 =	sadd.s32 s4, s3;
	s4 =	sadd.s32 s2, s0  }
0x81: {  	v0 =	vmov s8;
	v6 =	vld [tilespmem:s4+$0x70]  }
0x82: {  	v7 =	vld [tilespmem:s4+$0x0]  }
0x83: {  	v8 =	vld [tilespmem:s4+$0x10]  }
0x84: {  	v1 =	vld [tilespmem:s4+$0x20]  }
0x85: {  	s6 =	sadd.s32 $0xFFFFFC00, s7;
	s8 =	sand.u32 $0x3C00, s7;
	v2 =	vld [tilespmem:s4+$0x30]  }
0x86: {  	s2 =	sand.u32 $0x3C00, s6;
	v3 =	vld [tilespmem:s4+$0x40];
	[tilespmem:v0+s8+$0x70 ss:$0x1] =	vst.idx.msk $0xffff, v6  }
0x87: {  	v5 =	vld [tilespmem:s4+$0x50];
	[tilespmem:v0+s2+$0x0 ss:$0x1] =	vst.idx.msk $0xffff, v7  }
0x88: {  	v4 =	vld [tilespmem:s4+$0x60];
	[tilespmem:v0+s2+$0x10 ss:$0x1] =	vst.idx.msk $0xffff, v8  }
0x89: {  	[tilespmem:v0+s2+$0x20 ss:$0x1] =	vst.idx.msk $0xffff, v1  }
0x8a: {  	[tilespmem:v0+s2+$0x30 ss:$0x1] =	vst.idx.msk $0xffff, v2  }
0x8b: {  	p2 =	sgt.s32 s27, $0x100;
	[tilespmem:v0+s2+$0x40 ss:$0x1] =	vst.idx.msk $0xffff, v3  }
.Ltmp9:
0x8c: {  	[tilespmem:v0+s2+$0x50 ss:$0x1] =	vst.idx.msk $0xffff, v5;
	(pc) =	sbr.rel @!p2 .LBB1_8-.Ltmp9, $4  }
0x8d: {  	[tilespmem:v0+s2+$0x60 ss:$0x1] =	vst.idx.msk $0xffff, v4  }
0x8e: {  	[tilespmem:v0+s2+$0x70 ss:$0x1] =	vst.idx.msk $0xffff, v6  }
0x8f: {  	[tilespmem:v0+s8+$0x0 ss:$0x1] =	vst.idx.msk $0xffff, v7  }
0x90: {  	s31 =	smov.u32 s7;
	s2 =	simm.s32 $0x100;
	[tilespmem:v0+s8+$0x10 ss:$0x1] =	vst.idx.msk $0xffff, v8  }
.LBB1_7:
0x91: {  	v6 =	vld [tilespmem:s4+$0x70];
	s2 =	sadd.s32 $0x100, s2;
	[tilespmem:v0+s8+$0x20 ss:$0x1] =	vst.idx.msk $0xffff, v1  }
0x92: {  	v7 =	vld [tilespmem:s4+$0x0];
	p2 =	slt.s32 s2, s27;
	[tilespmem:v0+s8+$0x30 ss:$0x1] =	vst.idx.msk $0xffff, v2  }
0x93: {  	v8 =	vld [tilespmem:s4+$0x10];
	[tilespmem:v0+s8+$0x40 ss:$0x1] =	vst.idx.msk $0xffff, v3  }
0x94: {  	s31 =	sadd.s32 $0x800, s31;
	v1 =	vld [tilespmem:s4+$0x20];
	[tilespmem:v0+s8+$0x50 ss:$0x1] =	vst.idx.msk $0xffff, v5  }
0x95: {  	s6 =	sadd.s32 $0xFFFFFC00, s31;
	v2 =	vld [tilespmem:s4+$0x30];
	[tilespmem:v0+s8+$0x60 ss:$0x1] =	vst.idx.msk $0xffff, v4;
	s8 =	sand.u32 $0x3C00, s31  }
0x96: {  	s6 =	sand.u32 $0x3C00, s6;
	v3 =	vld [tilespmem:s4+$0x40];
	[tilespmem:v0+s8+$0x70 ss:$0x1] =	vst.idx.msk $0xffff, v6  }
0x97: {  	[tilespmem:v0+s6+$0x0 ss:$0x1] =	vst.idx.msk $0xffff, v7;
	v5 =	vld [tilespmem:s4+$0x50]  }
0x98: {  	[tilespmem:v0+s6+$0x10 ss:$0x1] =	vst.idx.msk $0xffff, v8;
	v4 =	vld [tilespmem:s4+$0x60]  }
0x99: {  	[tilespmem:v0+s6+$0x20 ss:$0x1] =	vst.idx.msk $0xffff, v1  }
0x9a: {  	[tilespmem:v0+s6+$0x30 ss:$0x1] =	vst.idx.msk $0xffff, v2  }
0x9b: {  	[tilespmem:v0+s6+$0x40 ss:$0x1] =	vst.idx.msk $0xffff, v3  }
.Ltmp10:
0x9c: {  	[tilespmem:v0+s6+$0x50 ss:$0x1] =	vst.idx.msk $0xffff, v5;
	(pc) =	sbr.rel @p2 .LBB1_7-.Ltmp10, $4  }
0x9d: {  	[tilespmem:v0+s6+$0x60 ss:$0x1] =	vst.idx.msk $0xffff, v4  }
0x9e: {  	[tilespmem:v0+s6+$0x70 ss:$0x1] =	vst.idx.msk $0xffff, v6  }
0x9f: {  	[tilespmem:v0+s8+$0x0 ss:$0x1] =	vst.idx.msk $0xffff, v7  }
0xa0: {  	[tilespmem:v0+s8+$0x10 ss:$0x1] =	vst.idx.msk $0xffff, v8  }
.LBB1_8:
0xa1: {  	_ =	sdelay $0x3  }
0xa2: {  	[tilespmem:v0+s8+$0x20 ss:$0x1] =	vst.idx.msk $0xffff, v1  }
0xa3: {  	[tilespmem:v0+s8+$0x30 ss:$0x1] =	vst.idx.msk $0xffff, v2  }
0xa4: {  	[tilespmem:v0+s8+$0x40 ss:$0x1] =	vst.idx.msk $0xffff, v3  }
0xa5: {  	[tilespmem:v0+s8+$0x50 ss:$0x1] =	vst.idx.msk $0xffff, v5  }
0xa6: {  	[tilespmem:v0+s8+$0x60 ss:$0x1] =	vst.idx.msk $0xffff, v4  }
.LBB1_9:
.Ltmp11:
0xa7: {  	(pc) =	sbr.rel @p1 .LBB1_12-.Ltmp11, $1  }
0xa8: {  	_ =	sdelay $0x3  }
0xa9: {  	s2 =	sand.u32 $0x7, s9  }
0xaa: {  	s2 =	sadd.s32 s30, s2  }
0xab: {  	s2 =	sshll.u32 s2, $0x9  }
0xac: {  	s2 =	sshra.s32 s2, $0x2  }
0xad: {  	s4 =	sadd.s32 s2, s23  }
0xae: {  	v0 =	vmov s4;
	_ =	sdelay $0x1  }
0xaf: {  	s31 =	sshra.s32 s5, $0x2  }
0xb0: {  	s5 =	smov.u32 s27;
	s2 =	sadd.s32 s31, s3;
	s4 =	smov.u32 s29  }
.LBB1_11:
0xb1: {  	s6 =	sand.u32 $0x70, s5;
	s5 =	sadd.s32 $0x10, s5  }
0xb2: {  	s8 =	sand.u32 $0x3C00, s4;
	v1 =	vld.idx.msk [tilespmem:v0+s6+$0x0 ss:$0x1], $0xffff;
	p2 =	slt.s32 s5, s26  }
.Ltmp12:
0xb3: {  	s8 =	sadd.s32 s1, s8;
	(pc) =	sbr.rel @p2 .LBB1_11-.Ltmp12, $4  }
0xb4: {  	s8 =	sand.u32 $0x3C00, s8  }
0xb5: {  	s8 =	sadd.s32 s8, s2  }
0xb6: {  	s6 =	sadd.s32 s6, s8  }
0xb7: {  	s4 =	sadd.s32 $0x80, s4;
	[tilespmem:s6+$0x0] =	vst v1  }
.Ltmp13:
0xb8: {  	_ = 	snop;
	(pc) =	sbr.rel .LBB1_12-.Ltmp13, $1  }
0xb9: {  	_ =	sdelay $0x3  }
.LBB1_16:
0xba: {  	_ =	sfence.sel $0x180000  }
0xbb: {  	s0 =	simm.s32 $0x1;
	[bflag:$0x0] =	sbarrier.arrive $0xFFFF  }
0xbc: {  	s30 =	simm.s32 $0x2;
	[sflag:s0] =	ssyncpa.u1 $0x1  }
0xbd: {  	[sflag:s30] =	ssyncpa.u1 $0x1  }
0xbe: {  	_ =	strace $0x9000004A  }
0xbf: {  	s31 =	stileid.u32;
	[bflag:$0x2] =	sbarrier.arrive $0xFFFF  }
0xc0: {  	p0 =	sne.s32 s31, $0x0;
	s0 =	rddreg [dreg:$0x2]  }
0xc1: {  	s0 =	sadd.s32 @!p0 $0x100000, s0  }
0xc2: {  	[sflag:s0] =	ssyncadd.tile.s32 @!p0 $0x1;
	_ =	shalt  }
.Lfunc_end1:
_tile_overlayer_lowered:
.L_overlay_start_2:
0xc3: {  	(tag) =	ssettag $0x2  }
0xc4: {  	s0 =	rddreg [dreg:$0x0];
	s2 =	stileid.u32  }
0xc5: {  	s1 =	rddreg [dreg:$0x1];
	p0 =	sne.s32 s2, $0x0  }
0xc6: {  	s3 =	rddreg [dreg:$0x2];
	[bflag:$0x3] =	sbarrier.arrive $0xFFFF;
	s2 =	simm.s32 @!p0 $0x1C01  }
0xc7: {  	[timem:s3], [sflag:s2] =	dma.local @!p0 [hbm:s0], s1  }
0xc8: {  	s0 =	simm.s32 @!p0 $0x1  }
0xc9: {  	_ =	swait.ge @!p0 [sflag:s0], s1  }
0xca: {  	s1 =	ssub.s32 @!p0 $0x0, s1;
	[sflag:s0] =	ssyncset.done @!p0 $0x0  }
0xcb: {  	[sflag:s0] =	ssyncadd.s32 @!p0 s1  }
0xcc: {  	[bflag:$0x3] =	sbarrier.arrive $0xFFFF  }
0xcd: {  	_ =	shalt  }

</sc_bundles>
